<compile_context>
chip_gen: v7x
topology: tpu7x:2x2x1
jax: 0.10.2.dev20260603
libtpu: 0.0.44.dev20260713+nightly
codegen_flags: <defaults>
</compile_context>

<pallas_src>
import dataclasses
import functools

import jax
import jax.numpy as jnp
from jax import lax
from jax.experimental import pallas as pl
from jax.experimental.pallas import tpu as pltpu
from jax.experimental.pallas import tpu_sc as plsc

_N = 10000
_D = 256
_E = 160000
_EP = 163840
_RR = _EP // 128
_NP = 10240
_TRASH = 10016
_NC = 2
_NS = 16
_BR = 1000
_NB = _N // _BR

_mesh = plsc.VectorSubcoreMesh(core_axis_name="c", subcore_axis_name="s")

_sc_params = pltpu.CompilerParams()
if "needs_layout_passes" in pltpu.CompilerParams.__dataclass_fields__:
    _sc_params = dataclasses.replace(_sc_params, needs_layout_passes=False)


def _deg_body(dst_hbm, degp_hbm, part, dbuf, stage, red, outbuf):
    c = lax.axis_index("c")
    s = lax.axis_index("s")
    zeros16 = jnp.zeros((16,), jnp.float32)
    ones16 = jnp.ones((16,), jnp.float32)

    @pl.loop(0, _NP, step=16)
    def _(i):
        part[pl.ds(i, 16)] = zeros16

    w = c * _NS + s
    per_w = _EP // (_NC * _NS)
    pltpu.sync_copy(dst_hbm.at[pl.ds(w * per_w, per_w)], dbuf)

    @pl.loop(0, per_w // 16)
    def _(i):
        idx16 = dbuf[pl.ds(i * 16, 16)]
        plsc.addupdate_scatter(part, [idx16], ones16)

    pltpu.sync_copy(part, stage.at[s])
    plsc.subcore_barrier()
    nps = _NP // _NS
    pltpu.sync_copy(stage.at[:, pl.ds(s * nps, nps)], red)

    @pl.loop(0, nps, step=16)
    def _(i):
        acc = red[0, pl.ds(i, 16)]
        for k in range(1, _NS):
            acc = acc + red[k, pl.ds(i, 16)]
        outbuf[pl.ds(i, 16)] = acc

    pltpu.sync_copy(outbuf, degp_hbm.at[pl.ds(c * _NP + s * nps, nps)])


_deg_call = pl.kernel(
    _deg_body,
    out_type=jax.ShapeDtypeStruct((_NC * _NP,), jnp.float32),
    mesh=_mesh,
    scratch_types=[
        pltpu.VMEM((_NP,), jnp.float32),
        pltpu.VMEM((_EP // (_NC * _NS),), jnp.int32),
        pltpu.VMEM_SHARED((_NS, _NP), jnp.float32),
        pltpu.VMEM((_NS, _NP // _NS), jnp.float32),
        pltpu.VMEM((_NP // _NS,), jnp.float32),
    ],
    compiler_params=_sc_params,
)


_K = 2
_IC = 40


def _agg_body(h_hbm, src_hbm, dst_hbm, out_hbm, acc, sbuf, dbuf, gbufs,
              gsem, ssem):
    c = lax.axis_index("c")
    s = lax.axis_index("s")
    nps = _NP // _NS
    rows_per_s = _RR // _NS

    for k in range(5):
        rows = pl.ds(s * nps + k * 128, 128)
        pltpu.sync_copy(h_hbm.at[c].at[rows], gbufs.at[0])
        pltpu.sync_copy(gbufs.at[0], acc.at[rows])
    plsc.subcore_barrier()

    def gather_start(r, k):
        pltpu.async_copy(h_hbm.at[c].at[sbuf.at[r]], gbufs.at[k], gsem.at[k])

    def gather_wait(r, k):
        pltpu.make_async_copy(
            h_hbm.at[c].at[sbuf.at[r]], gbufs.at[k], gsem.at[k]).wait()

    def scat_start(r, k):
        pltpu.async_copy(gbufs.at[k], acc.at[dbuf.at[r]], ssem.at[k],
                         add=True)

    def scat_wait(r, k):
        pltpu.make_async_copy(
            gbufs.at[k], acc.at[dbuf.at[r]], ssem.at[k]).wait()

    for ci in range(rows_per_s // _IC):
        rows = pl.ds(s * rows_per_s + ci * _IC, _IC)
        pltpu.sync_copy(src_hbm.at[rows], sbuf)
        pltpu.sync_copy(dst_hbm.at[rows], dbuf)

        for k in range(_K):
            gather_start(k, k)

        ng = _IC // _K

        @pl.loop(0, ng - 1)
        def _(g):
            base = g * _K
            for k in range(_K):
                gather_wait(base + k, k)
                scat_start(base + k, k)
            for k in range(_K):
                scat_wait(base + k, k)
                gather_start(base + _K + k, k)

        last = (ng - 1) * _K
        for k in range(_K):
            gather_wait(last + k, k)
            scat_start(last + k, k)
        for k in range(_K):
            scat_wait(last + k, k)

    plsc.subcore_barrier()
    for k in range(5):
        rows = pl.ds(s * nps + k * 128, 128)
        pltpu.sync_copy(acc.at[rows], gbufs.at[0])
        pltpu.sync_copy(gbufs.at[0], out_hbm.at[c].at[rows])


_agg_call = pl.kernel(
    _agg_body,
    out_type=jax.ShapeDtypeStruct((_NC, _NP, 128), jnp.float32),
    mesh=_mesh,
    scratch_types=[
        pltpu.VMEM_SHARED((_NP, 128), jnp.float32),
        pltpu.VMEM((_IC, 128), jnp.int32),
        pltpu.VMEM((_IC, 128), jnp.int32),
        pltpu.VMEM((_K, 128, 128), jnp.float32),
        pltpu.SemaphoreType.DMA((_K,)),
        pltpu.SemaphoreType.DMA((_K,)),
    ],
)


def _dis_body(degp_ref, out_ref):
    deg = degp_ref[0] + degp_ref[1] + 1.0
    out_ref[...] = lax.rsqrt(deg)[:_N, None]


def _dis(degp):
    return pl.pallas_call(
        _dis_body,
        grid=(1,),
        in_specs=[pl.BlockSpec((_NC, _NP), lambda r: (0, 0))],
        out_specs=pl.BlockSpec((_N, 1), lambda r: (0, 0)),
        out_shape=jax.ShapeDtypeStruct((_N, 1), jnp.float32),
    )(degp)


def _mm_scale_body(x_ref, w_ref, dis_ref, out_ref):
    h = jnp.dot(x_ref[...], w_ref[...], preferred_element_type=jnp.float32)
    h = h * dis_ref[...]
    out_ref[0] = h[:, :128]
    out_ref[1] = h[:, 128:]


def _mm_scale(x, w, dis):
    return pl.pallas_call(
        _mm_scale_body,
        grid=(_NB,),
        in_specs=[
            pl.BlockSpec((_BR, _D), lambda r: (r, 0)),
            pl.BlockSpec((_D, _D), lambda r: (0, 0)),
            pl.BlockSpec((_BR, 1), lambda r: (r, 0)),
        ],
        out_specs=pl.BlockSpec((_NC, _BR, 128), lambda r: (0, r, 0)),
        out_shape=jax.ShapeDtypeStruct((_NC, _NP, 128), jnp.float32),
    )(x, w, dis)


def _bn_mm_body(agg_ref, dis_ref, b1_ref, g_ref, be_ref, w2_ref, out_ref,
                stats):
    p = pl.program_id(0)
    r = pl.program_id(1)
    y = jnp.concatenate([agg_ref[0], agg_ref[1]], axis=1) * dis_ref[...]
    y = y + b1_ref[...]

    @pl.when(jnp.logical_and(p == 0, r == 0))
    def _():
        stats[...] = jnp.zeros_like(stats)

    @pl.when(p == 0)
    def _():
        stats[0, :] += jnp.sum(y, axis=0)
        stats[1, :] += jnp.sum(y * y, axis=0)

    @pl.when(p == 1)
    def _():
        mean = stats[0, :] / _N
        var = stats[1, :] / _N - mean * mean
        inv = lax.rsqrt(var + 1e-5)
        yn = g_ref[...] * (y - mean) * inv + be_ref[...]
        h = jnp.maximum(yn, 0.0)
        h2 = jnp.dot(h, w2_ref[...], preferred_element_type=jnp.float32)
        h2 = h2 * dis_ref[...]
        out_ref[0] = h2[:, :128]
        out_ref[1] = h2[:, 128:]


def _bn_mm(agg, dis, b1, g, be, w2):
    return pl.pallas_call(
        _bn_mm_body,
        grid=(2, _NB),
        in_specs=[
            pl.BlockSpec((_NC, _BR, 128), lambda p, r: (0, r, 0)),
            pl.BlockSpec((_BR, 1), lambda p, r: (r, 0)),
            pl.BlockSpec((_D,), lambda p, r: (0,)),
            pl.BlockSpec((_D,), lambda p, r: (0,)),
            pl.BlockSpec((_D,), lambda p, r: (0,)),
            pl.BlockSpec((_D, _D), lambda p, r: (0, 0)),
        ],
        out_specs=pl.BlockSpec((_NC, _BR, 128), lambda p, r: (0, r, 0)),
        out_shape=jax.ShapeDtypeStruct((_NC, _NP, 128), jnp.float32),
        scratch_shapes=[pltpu.VMEM((2, _D), jnp.float32)],
    )(agg, dis, b1, g, be, w2)


def _final_body(agg_ref, dis_ref, b2_ref, x_ref, wsk_ref, bsk_ref, out_ref):
    y = jnp.concatenate([agg_ref[0], agg_ref[1]], axis=1) * dis_ref[...]
    y = jnp.maximum(y + b2_ref[...], 0.0)
    skip = jnp.dot(x_ref[...], wsk_ref[...],
                   preferred_element_type=jnp.float32) + bsk_ref[...]
    out_ref[...] = jnp.maximum(y + skip, 0.0)


def _final(agg, dis, b2, x, wsk, bsk):
    return pl.pallas_call(
        _final_body,
        grid=(_NB,),
        in_specs=[
            pl.BlockSpec((_NC, _BR, 128), lambda r: (0, r, 0)),
            pl.BlockSpec((_BR, 1), lambda r: (r, 0)),
            pl.BlockSpec((_D,), lambda r: (0,)),
            pl.BlockSpec((_BR, _D), lambda r: (r, 0)),
            pl.BlockSpec((_D, _D), lambda r: (0, 0)),
            pl.BlockSpec((_D,), lambda r: (0,)),
        ],
        out_specs=pl.BlockSpec((_BR, _D), lambda r: (r, 0)),
        out_shape=jax.ShapeDtypeStruct((_N, _D), jnp.float32),
    )(agg, dis, b2, x, wsk, bsk)


def kernel(x, edge_index, W1, b1, W2, b2, bn_gamma, bn_beta, W_skip, b_skip):
    src = edge_index[0]
    dst = edge_index[1]
    pad = _EP - _E
    src2d = jnp.concatenate(
        [src, jnp.zeros((pad,), jnp.int32)]).reshape(_RR, 128)
    dst2d = jnp.concatenate(
        [dst, jnp.full((pad,), _TRASH, jnp.int32)]).reshape(_RR, 128)

    degp = _deg_call(dst2d.reshape(_EP)).reshape(_NC, _NP)
    dis = _dis(degp)
    h1p = _mm_scale(x, W1, dis)
    agg1 = _agg_call(h1p, src2d, dst2d)
    h2p = _bn_mm(agg1, dis, b1, bn_gamma, bn_beta, W2)
    agg2 = _agg_call(h2p, src2d, dst2d)
    return _final(agg2, dis, b2, x, W_skip, b_skip)

# --- scband reference (transcript-rebuilt; emitter-appended) ---
"""Pipeline reference for scband-gae-encoder-73538430042437 (READ-ONLY COPY).

The authoritative reference and input builder live on the scoring server;
editing this copy changes nothing except your own understanding.
"""

import jax, jax.numpy as jnp
import numpy as np

N = 10000
E = 160000
D = 256


def setup_inputs(seed: int = 0) -> dict:
    key = jax.random.key(seed)
    ks = jax.random.split(key, 10)
    x = jax.random.normal(ks[0], (N, D), dtype=jnp.float32)
    edge_index = jax.random.randint(ks[1], (2, E), 0, N, dtype=jnp.int32)
    W1 = jax.random.uniform(ks[2], (D, D), dtype=jnp.float32)
    b1 = jnp.zeros((D,), dtype=jnp.float32)
    W2 = jax.random.uniform(ks[3], (D, D), dtype=jnp.float32)
    b2 = jnp.zeros((D,), dtype=jnp.float32)
    bn_gamma = jnp.ones((D,), dtype=jnp.float32)
    bn_beta = jnp.zeros((D,), dtype=jnp.float32)
    W_skip = jax.random.uniform(ks[4], (D, D), dtype=jnp.float32)
    b_skip = jnp.zeros((D,), dtype=jnp.float32)
    return {"x": x, "edge_index": edge_index, "W1": W1, "b1": b1, "W2": W2, "b2": b2,
            "bn_gamma": bn_gamma, "bn_beta": bn_beta, "W_skip": W_skip, "b_skip": b_skip}


def _gcn_layer(h_in, W, b, src, dst, deg_inv_sqrt, n_nodes):
    # PyG GCNConv: x @ W, then normalized scatter-add aggregation, then + bias
    h = h_in @ W
    norm = deg_inv_sqrt[src] * deg_inv_sqrt[dst]
    msg = h[src] * norm[:, None]
    out = jnp.zeros((n_nodes, h.shape[1]), dtype=h.dtype).at[dst].add(msg)
    return out + b


def _batch_norm(h, gamma, beta, eps=1e-5):
    mean = jnp.mean(h, axis=0, keepdims=True)
    var = jnp.var(h, axis=0, keepdims=True)
    return gamma * (h - mean) / jnp.sqrt(var + eps) + beta


def reference(x, edge_index, W1, b1, W2, b2, bn_gamma, bn_beta, W_skip, b_skip):
    n_nodes = x.shape[0]
    loops = jnp.arange(n_nodes, dtype=edge_index.dtype)
    src = jnp.concatenate([edge_index[0], loops])
    dst = jnp.concatenate([edge_index[1], loops])
    deg = jnp.zeros((n_nodes,), dtype=jnp.float32).at[dst].add(1.0)
    deg_inv_sqrt = 1.0 / jnp.sqrt(deg)

    skip_input = x
    # layer 0: conv -> batchnorm (i < last) -> relu -> dropout (identity in eval)
    h = _gcn_layer(x, W1, b1, src, dst, deg_inv_sqrt, n_nodes)
    h = _batch_norm(h, bn_gamma, bn_beta)
    h = jax.nn.relu(h)
    # layer 1 (last): conv -> relu -> dropout (identity in eval)
    h = _gcn_layer(h, W2, b2, src, dst, deg_inv_sqrt, n_nodes)
    h = jax.nn.relu(h)
    # skip connection
    skip_out = skip_input @ W_skip + b_skip
    out = jax.nn.relu(h + skip_out)
    return out

if __name__ == "__main__":
    import jax
    _d = setup_inputs()
    print(jax.jit(kernel)(*tuple(_d.values())))

</pallas_src>

<mosaic_0001>
#map = affine_map<(d0, d1) -> (0, 0, 0)>
#map1 = affine_map<(d0, d1) -> (0, 0)>
module attributes {stable_mosaic.version = 14 : i64} {
  func.func @_agg_body(%arg0: i32, %arg1: i32, %arg2: memref<2x10240x128xf32, #tpu.memory_space<hbm>>, %arg3: memref<1280x128xi32, #tpu.memory_space<hbm>>, %arg4: memref<1280x128xi32, #tpu.memory_space<hbm>>, %arg5: memref<2x10240x128xf32, #tpu.memory_space<hbm>>, %arg6: memref<10240x128xf32, #tpu.memory_space<vmem_shared>>, %arg7: memref<40x128xi32, #tpu.memory_space<vmem>>, %arg8: memref<40x128xi32, #tpu.memory_space<vmem>>, %arg9: memref<2x128x128xf32, #tpu.memory_space<vmem>>, %arg10: memref<2x!tpu.dma_semaphore, #tpu.memory_space<semaphore_mem>>, %arg11: memref<2x!tpu.dma_semaphore, #tpu.memory_space<semaphore_mem>>) attributes {dimension_semantics = [#tpu.dimension_semantics<core_parallel>, #tpu.dimension_semantics<subcore_parallel>], iteration_bounds = array<i64: 2, 16>, scalar_prefetch = 0 : i64, scratch_operands = 6 : i64, tpu.core_type = #tpu.core_type<sc_vector_subcore>, window_params = [{transform_indices = #map}, {transform_indices = #map1}, {transform_indices = #map1}, {transform_indices = #map}]} {
    %mul3A = arith.constant 640 : i32
    %mul3A_0 = arith.muli %arg1, %mul3A : i32
    %add3A = arith.constant 0 : i32
    %add3A_1 = arith.addi %mul3A_0, %add3A : i32
    %run_scoped3A = arith.constant 0 : i32
    "tpu.region"() ({
      %run_scoped3A_345 = tpu.sem_alloc : memref<!tpu.dma_semaphore, #tpu.memory_space<semaphore_mem>>
      %dma_start3A_346 = arith.constant 0 : i32
      %dma_start3A_347 = arith.constant 0 : i32
      %dma_start3A_348 = tpu.memref_slice %arg9[%run_scoped3A, %dma_start3A_346, %dma_start3A_347] : memref<2x128x128xf32, #tpu.memory_space<vmem>> -> memref<1x128x128xf32, #tpu.memory_space<vmem>>
      %dma_start3A_349 = tpu.memref_squeeze %dma_start3A_348 : memref<1x128x128xf32, #tpu.memory_space<vmem>> -> memref<128x128xf32, #tpu.memory_space<vmem>>
      %dma_start3A_350 = arith.constant 0 : i32
      %dma_start3A_351 = arith.constant 0 : i32
      %dma_start3A_352 = tpu.memref_slice %arg2[%arg0, %dma_start3A_350, %dma_start3A_351] : memref<2x10240x128xf32, #tpu.memory_space<hbm>> -> memref<1x10240x128xf32, #tpu.memory_space<hbm>>
      %dma_start3A_353 = tpu.memref_squeeze %dma_start3A_352 : memref<1x10240x128xf32, #tpu.memory_space<hbm>> -> memref<10240x128xf32, #tpu.memory_space<hbm>>
      %dma_start3A_354 = arith.constant 0 : i32
      %dma_start3A_355 = tpu.memref_slice %dma_start3A_353[%add3A_1, %dma_start3A_354] : memref<10240x128xf32, #tpu.memory_space<hbm>> -> memref<128x128xf32, #tpu.memory_space<hbm>>
      %dma_start3A_356 = arith.constant 0 : i32
      %dma_start3A_357 = arith.constant 0 : i32
      %dma_start3A_358 = tpu.memref_slice %arg9[%run_scoped3A, %dma_start3A_356, %dma_start3A_357] : memref<2x128x128xf32, #tpu.memory_space<vmem>> -> memref<1x128x128xf32, #tpu.memory_space<vmem>>
      %dma_start3A_359 = tpu.memref_squeeze %dma_start3A_358 : memref<1x128x128xf32, #tpu.memory_space<vmem>> -> memref<128x128xf32, #tpu.memory_space<vmem>>
      %dma_start3A_360 = arith.constant 0 : i32
      %dma_start3A_361 = arith.constant 0 : i32
      %dma_start3A_362 = tpu.memref_slice %arg2[%arg0, %dma_start3A_360, %dma_start3A_361] : memref<2x10240x128xf32, #tpu.memory_space<hbm>> -> memref<1x10240x128xf32, #tpu.memory_space<hbm>>
      %dma_start3A_363 = tpu.memref_squeeze %dma_start3A_362 : memref<1x10240x128xf32, #tpu.memory_space<hbm>> -> memref<10240x128xf32, #tpu.memory_space<hbm>>
      %dma_start3A_364 = arith.constant 0 : i32
      %dma_start3A_365 = tpu.memref_slice %dma_start3A_363[%add3A_1, %dma_start3A_364] : memref<10240x128xf32, #tpu.memory_space<hbm>> -> memref<128x128xf32, #tpu.memory_space<hbm>>
      tpu.enqueue_dma source(%dma_start3A_365 : memref<128x128xf32, #tpu.memory_space<hbm>>) target(%dma_start3A_359 : memref<128x128xf32, #tpu.memory_space<vmem>>) target_semaphore(%run_scoped3A_345 : memref<!tpu.dma_semaphore, #tpu.memory_space<semaphore_mem>>)
      %dma_wait3A_366 = arith.constant 0 : i32
      %dma_wait3A_367 = arith.constant 0 : i32
      %dma_wait3A_368 = tpu.memref_slice %arg9[%run_scoped3A, %dma_wait3A_366, %dma_wait3A_367] : memref<2x128x128xf32, #tpu.memory_space<vmem>> -> memref<1x128x128xf32, #tpu.memory_space<vmem>>
      %dma_wait3A_369 = tpu.memref_squeeze %dma_wait3A_368 : memref<1x128x128xf32, #tpu.memory_space<vmem>> -> memref<128x128xf32, #tpu.memory_space<vmem>>
      %dma_wait3A_370 = arith.constant 0 : i32
      %dma_wait3A_371 = arith.constant 0 : i32
      %dma_wait3A_372 = tpu.memref_slice %arg2[%arg0, %dma_wait3A_370, %dma_wait3A_371] : memref<2x10240x128xf32, #tpu.memory_space<hbm>> -> memref<1x10240x128xf32, #tpu.memory_space<hbm>>
      %dma_wait3A_373 = tpu.memref_squeeze %dma_wait3A_372 : memref<1x10240x128xf32, #tpu.memory_space<hbm>> -> memref<10240x128xf32, #tpu.memory_space<hbm>>
      %dma_wait3A_374 = arith.constant 0 : i32
      %dma_wait3A_375 = tpu.memref_slice %dma_wait3A_373[%add3A_1, %dma_wait3A_374] : memref<10240x128xf32, #tpu.memory_space<hbm>> -> memref<128x128xf32, #tpu.memory_space<hbm>>
      %dma_wait3A_376 = arith.constant 0 : i32
      %dma_wait3A_377 = arith.constant 0 : i32
      %dma_wait3A_378 = tpu.memref_slice %arg9[%run_scoped3A, %dma_wait3A_376, %dma_wait3A_377] : memref<2x128x128xf32, #tpu.memory_space<vmem>> -> memref<1x128x128xf32, #tpu.memory_space<vmem>>
      %dma_wait3A_379 = tpu.memref_squeeze %dma_wait3A_378 : memref<1x128x128xf32, #tpu.memory_space<vmem>> -> memref<128x128xf32, #tpu.memory_space<vmem>>
      %dma_wait3A_380 = arith.constant 0 : i32
      %dma_wait3A_381 = arith.constant 0 : i32
      %dma_wait3A_382 = tpu.memref_slice %arg2[%arg0, %dma_wait3A_380, %dma_wait3A_381] : memref<2x10240x128xf32, #tpu.memory_space<hbm>> -> memref<1x10240x128xf32, #tpu.memory_space<hbm>>
      %dma_wait3A_383 = tpu.memref_squeeze %dma_wait3A_382 : memref<1x10240x128xf32, #tpu.memory_space<hbm>> -> memref<10240x128xf32, #tpu.memory_space<hbm>>
      %dma_wait3A_384 = arith.constant 0 : i32
      %dma_wait3A_385 = tpu.memref_slice %dma_wait3A_383[%add3A_1, %dma_wait3A_384] : memref<10240x128xf32, #tpu.memory_space<hbm>> -> memref<128x128xf32, #tpu.memory_space<hbm>>
      tpu.wait_dma2 semaphore(%run_scoped3A_345 : memref<!tpu.dma_semaphore, #tpu.memory_space<semaphore_mem>>) src(%dma_wait3A_385 : memref<128x128xf32, #tpu.memory_space<hbm>>) dst(%dma_wait3A_379 : memref<128x128xf32, #tpu.memory_space<vmem>>)
      tpu.yield
    }) : () -> ()
    %run_scoped3A_2 = arith.constant 0 : i32
    "tpu.region"() ({
      %run_scoped3A_345 = tpu.sem_alloc : memref<!tpu.dma_semaphore, #tpu.memory_space<semaphore_mem>>
      %dma_start3A_346 = arith.constant 0 : i32
      %dma_start3A_347 = arith.constant 0 : i32
      %dma_start3A_348 = tpu.memref_slice %arg9[%run_scoped3A_2, %dma_start3A_346, %dma_start3A_347] : memref<2x128x128xf32, #tpu.memory_space<vmem>> -> memref<1x128x128xf32, #tpu.memory_space<vmem>>
      %dma_start3A_349 = tpu.memref_squeeze %dma_start3A_348 : memref<1x128x128xf32, #tpu.memory_space<vmem>> -> memref<128x128xf32, #tpu.memory_space<vmem>>
      %dma_start3A_350 = arith.constant 0 : i32
      %dma_start3A_351 = tpu.memref_slice %arg6[%add3A_1, %dma_start3A_350] : memref<10240x128xf32, #tpu.memory_space<vmem_shared>> -> memref<128x128xf32, #tpu.memory_space<vmem_shared>>
      %dma_start3A_352 = arith.constant 0 : i32
      %dma_start3A_353 = tpu.memref_slice %arg6[%add3A_1, %dma_start3A_352] : memref<10240x128xf32, #tpu.memory_space<vmem_shared>> -> memref<128x128xf32, #tpu.memory_space<vmem_shared>>
      %dma_start3A_354 = arith.constant 0 : i32
      %dma_start3A_355 = arith.constant 0 : i32
      %dma_start3A_356 = tpu.memref_slice %arg9[%run_scoped3A_2, %dma_start3A_354, %dma_start3A_355] : memref<2x128x128xf32, #tpu.memory_space<vmem>> -> memref<1x128x128xf32, #tpu.memory_space<vmem>>
      %dma_start3A_357 = tpu.memref_squeeze %dma_start3A_356 : memref<1x128x128xf32, #tpu.memory_space<vmem>> -> memref<128x128xf32, #tpu.memory_space<vmem>>
      tpu.enqueue_dma source(%dma_start3A_357 : memref<128x128xf32, #tpu.memory_space<vmem>>) target(%dma_start3A_353 : memref<128x128xf32, #tpu.memory_space<vmem_shared>>) target_semaphore(%run_scoped3A_345 : memref<!tpu.dma_semaphore, #tpu.memory_space<semaphore_mem>>)
      %dma_wait3A_358 = arith.constant 0 : i32
      %dma_wait3A_359 = arith.constant 0 : i32
      %dma_wait3A_360 = tpu.memref_slice %arg9[%run_scoped3A_2, %dma_wait3A_358, %dma_wait3A_359] : memref<2x128x128xf32, #tpu.memory_space<vmem>> -> memref<1x128x128xf32, #tpu.memory_space<vmem>>
      %dma_wait3A_361 = tpu.memref_squeeze %dma_wait3A_360 : memref<1x128x128xf32, #tpu.memory_space<vmem>> -> memref<128x128xf32, #tpu.memory_space<vmem>>
      %dma_wait3A_362 = arith.constant 0 : i32
      %dma_wait3A_363 = tpu.memref_slice %arg6[%add3A_1, %dma_wait3A_362] : memref<10240x128xf32, #tpu.memory_space<vmem_shared>> -> memref<128x128xf32, #tpu.memory_space<vmem_shared>>
      %dma_wait3A_364 = arith.constant 0 : i32
      %dma_wait3A_365 = tpu.memref_slice %arg6[%add3A_1, %dma_wait3A_364] : memref<10240x128xf32, #tpu.memory_space<vmem_shared>> -> memref<128x128xf32, #tpu.memory_space<vmem_shared>>
      %dma_wait3A_366 = arith.constant 0 : i32
      %dma_wait3A_367 = arith.constant 0 : i32
      %dma_wait3A_368 = tpu.memref_slice %arg9[%run_scoped3A_2, %dma_wait3A_366, %dma_wait3A_367] : memref<2x128x128xf32, #tpu.memory_space<vmem>> -> memref<1x128x128xf32, #tpu.memory_space<vmem>>
      %dma_wait3A_369 = tpu.memref_squeeze %dma_wait3A_368 : memref<1x128x128xf32, #tpu.memory_space<vmem>> -> memref<128x128xf32, #tpu.memory_space<vmem>>
      tpu.wait_dma2 semaphore(%run_scoped3A_345 : memref<!tpu.dma_semaphore, #tpu.memory_space<semaphore_mem>>) src(%dma_wait3A_369 : memref<128x128xf32, #tpu.memory_space<vmem>>) dst(%dma_wait3A_365 : memref<128x128xf32, #tpu.memory_space<vmem_shared>>)
      tpu.yield
    }) : () -> ()
    %mul3A_3 = arith.constant 640 : i32
    %mul3A_4 = arith.muli %arg1, %mul3A_3 : i32
    %add3A_5 = arith.constant 128 : i32
    %add3A_6 = arith.addi %mul3A_4, %add3A_5 : i32
    %run_scoped3A_7 = arith.constant 0 : i32
    "tpu.region"() ({
      %run_scoped3A_345 = tpu.sem_alloc : memref<!tpu.dma_semaphore, #tpu.memory_space<semaphore_mem>>
      %dma_start3A_346 = arith.constant 0 : i32
      %dma_start3A_347 = arith.constant 0 : i32
      %dma_start3A_348 = tpu.memref_slice %arg9[%run_scoped3A_7, %dma_start3A_346, %dma_start3A_347] : memref<2x128x128xf32, #tpu.memory_space<vmem>> -> memref<1x128x128xf32, #tpu.memory_space<vmem>>
      %dma_start3A_349 = tpu.memref_squeeze %dma_start3A_348 : memref<1x128x128xf32, #tpu.memory_space<vmem>> -> memref<128x128xf32, #tpu.memory_space<vmem>>
      %dma_start3A_350 = arith.constant 0 : i32
      %dma_start3A_351 = arith.constant 0 : i32
      %dma_start3A_352 = tpu.memref_slice %arg2[%arg0, %dma_start3A_350, %dma_start3A_351] : memref<2x10240x128xf32, #tpu.memory_space<hbm>> -> memref<1x10240x128xf32, #tpu.memory_space<hbm>>
      %dma_start3A_353 = tpu.memref_squeeze %dma_start3A_352 : memref<1x10240x128xf32, #tpu.memory_space<hbm>> -> memref<10240x128xf32, #tpu.memory_space<hbm>>
      %dma_start3A_354 = arith.constant 0 : i32
      %dma_start3A_355 = tpu.memref_slice %dma_start3A_353[%add3A_6, %dma_start3A_354] : memref<10240x128xf32, #tpu.memory_space<hbm>> -> memref<128x128xf32, #tpu.memory_space<hbm>>
      %dma_start3A_356 = arith.constant 0 : i32
      %dma_start3A_357 = arith.constant 0 : i32
      %dma_start3A_358 = tpu.memref_slice %arg9[%run_scoped3A_7, %dma_start3A_356, %dma_start3A_357] : memref<2x128x128xf32, #tpu.memory_space<vmem>> -> memref<1x128x128xf32, #tpu.memory_space<vmem>>
      %dma_start3A_359 = tpu.memref_squeeze %dma_start3A_358 : memref<1x128x128xf32, #tpu.memory_space<vmem>> -> memref<128x128xf32, #tpu.memory_space<vmem>>
      %dma_start3A_360 = arith.constant 0 : i32
      %dma_start3A_361 = arith.constant 0 : i32
      %dma_start3A_362 = tpu.memref_slice %arg2[%arg0, %dma_start3A_360, %dma_start3A_361] : memref<2x10240x128xf32, #tpu.memory_space<hbm>> -> memref<1x10240x128xf32, #tpu.memory_space<hbm>>
      %dma_start3A_363 = tpu.memref_squeeze %dma_start3A_362 : memref<1x10240x128xf32, #tpu.memory_space<hbm>> -> memref<10240x128xf32, #tpu.memory_space<hbm>>
      %dma_start3A_364 = arith.constant 0 : i32
      %dma_start3A_365 = tpu.memref_slice %dma_start3A_363[%add3A_6, %dma_start3A_364] : memref<10240x128xf32, #tpu.memory_space<hbm>> -> memref<128x128xf32, #tpu.memory_space<hbm>>
      tpu.enqueue_dma source(%dma_start3A_365 : memref<128x128xf32, #tpu.memory_space<hbm>>) target(%dma_start3A_359 : memref<128x128xf32, #tpu.memory_space<vmem>>) target_semaphore(%run_scoped3A_345 : memref<!tpu.dma_semaphore, #tpu.memory_space<semaphore_mem>>)
      %dma_wait3A_366 = arith.constant 0 : i32
      %dma_wait3A_367 = arith.constant 0 : i32
      %dma_wait3A_368 = tpu.memref_slice %arg9[%run_scoped3A_7, %dma_wait3A_366, %dma_wait3A_367] : memref<2x128x128xf32, #tpu.memory_space<vmem>> -> memref<1x128x128xf32, #tpu.memory_space<vmem>>
      %dma_wait3A_369 = tpu.memref_squeeze %dma_wait3A_368 : memref<1x128x128xf32, #tpu.memory_space<vmem>> -> memref<128x128xf32, #tpu.memory_space<vmem>>
      %dma_wait3A_370 = arith.constant 0 : i32
      %dma_wait3A_371 = arith.constant 0 : i32
      %dma_wait3A_372 = tpu.memref_slice %arg2[%arg0, %dma_wait3A_370, %dma_wait3A_371] : memref<2x10240x128xf32, #tpu.memory_space<hbm>> -> memref<1x10240x128xf32, #tpu.memory_space<hbm>>
      %dma_wait3A_373 = tpu.memref_squeeze %dma_wait3A_372 : memref<1x10240x128xf32, #tpu.memory_space<hbm>> -> memref<10240x128xf32, #tpu.memory_space<hbm>>
      %dma_wait3A_374 = arith.constant 0 : i32
      %dma_wait3A_375 = tpu.memref_slice %dma_wait3A_373[%add3A_6, %dma_wait3A_374] : memref<10240x128xf32, #tpu.memory_space<hbm>> -> memref<128x128xf32, #tpu.memory_space<hbm>>
      %dma_wait3A_376 = arith.constant 0 : i32
      %dma_wait3A_377 = arith.constant 0 : i32
      %dma_wait3A_378 = tpu.memref_slice %arg9[%run_scoped3A_7, %dma_wait3A_376, %dma_wait3A_377] : memref<2x128x128xf32, #tpu.memory_space<vmem>> -> memref<1x128x128xf32, #tpu.memory_space<vmem>>
      %dma_wait3A_379 = tpu.memref_squeeze %dma_wait3A_378 : memref<1x128x128xf32, #tpu.memory_space<vmem>> -> memref<128x128xf32, #tpu.memory_space<vmem>>
      %dma_wait3A_380 = arith.constant 0 : i32
      %dma_wait3A_381 = arith.constant 0 : i32
      %dma_wait3A_382 = tpu.memref_slice %arg2[%arg0, %dma_wait3A_380, %dma_wait3A_381] : memref<2x10240x128xf32, #tpu.memory_space<hbm>> -> memref<1x10240x128xf32, #tpu.memory_space<hbm>>
      %dma_wait3A_383 = tpu.memref_squeeze %dma_wait3A_382 : memref<1x10240x128xf32, #tpu.memory_space<hbm>> -> memref<10240x128xf32, #tpu.memory_space<hbm>>
      %dma_wait3A_384 = arith.constant 0 : i32
      %dma_wait3A_385 = tpu.memref_slice %dma_wait3A_383[%add3A_6, %dma_wait3A_384] : memref<10240x128xf32, #tpu.memory_space<hbm>> -> memref<128x128xf32, #tpu.memory_space<hbm>>
      tpu.wait_dma2 semaphore(%run_scoped3A_345 : memref<!tpu.dma_semaphore, #tpu.memory_space<semaphore_mem>>) src(%dma_wait3A_385 : memref<128x128xf32, #tpu.memory_space<hbm>>) dst(%dma_wait3A_379 : memref<128x128xf32, #tpu.memory_space<vmem>>)
      tpu.yield
    }) : () -> ()
    %run_scoped3A_8 = arith.constant 0 : i32
    "tpu.region"() ({
      %run_scoped3A_345 = tpu.sem_alloc : memref<!tpu.dma_semaphore, #tpu.memory_space<semaphore_mem>>
      %dma_start3A_346 = arith.constant 0 : i32
      %dma_start3A_347 = arith.constant 0 : i32
      %dma_start3A_348 = tpu.memref_slice %arg9[%run_scoped3A_8, %dma_start3A_346, %dma_start3A_347] : memref<2x128x128xf32, #tpu.memory_space<vmem>> -> memref<1x128x128xf32, #tpu.memory_space<vmem>>
      %dma_start3A_349 = tpu.memref_squeeze %dma_start3A_348 : memref<1x128x128xf32, #tpu.memory_space<vmem>> -> memref<128x128xf32, #tpu.memory_space<vmem>>
      %dma_start3A_350 = arith.constant 0 : i32
      %dma_start3A_351 = tpu.memref_slice %arg6[%add3A_6, %dma_start3A_350] : memref<10240x128xf32, #tpu.memory_space<vmem_shared>> -> memref<128x128xf32, #tpu.memory_space<vmem_shared>>
      %dma_start3A_352 = arith.constant 0 : i32
      %dma_start3A_353 = tpu.memref_slice %arg6[%add3A_6, %dma_start3A_352] : memref<10240x128xf32, #tpu.memory_space<vmem_shared>> -> memref<128x128xf32, #tpu.memory_space<vmem_shared>>
      %dma_start3A_354 = arith.constant 0 : i32
      %dma_start3A_355 = arith.constant 0 : i32
      %dma_start3A_356 = tpu.memref_slice %arg9[%run_scoped3A_8, %dma_start3A_354, %dma_start3A_355] : memref<2x128x128xf32, #tpu.memory_space<vmem>> -> memref<1x128x128xf32, #tpu.memory_space<vmem>>
      %dma_start3A_357 = tpu.memref_squeeze %dma_start3A_356 : memref<1x128x128xf32, #tpu.memory_space<vmem>> -> memref<128x128xf32, #tpu.memory_space<vmem>>
      tpu.enqueue_dma source(%dma_start3A_357 : memref<128x128xf32, #tpu.memory_space<vmem>>) target(%dma_start3A_353 : memref<128x128xf32, #tpu.memory_space<vmem_shared>>) target_semaphore(%run_scoped3A_345 : memref<!tpu.dma_semaphore, #tpu.memory_space<semaphore_mem>>)
      %dma_wait3A_358 = arith.constant 0 : i32
      %dma_wait3A_359 = arith.constant 0 : i32
      %dma_wait3A_360 = tpu.memref_slice %arg9[%run_scoped3A_8, %dma_wait3A_358, %dma_wait3A_359] : memref<2x128x128xf32, #tpu.memory_space<vmem>> -> memref<1x128x128xf32, #tpu.memory_space<vmem>>
      %dma_wait3A_361 = tpu.memref_squeeze %dma_wait3A_360 : memref<1x128x128xf32, #tpu.memory_space<vmem>> -> memref<128x128xf32, #tpu.memory_space<vmem>>
      %dma_wait3A_362 = arith.constant 0 : i32
      %dma_wait3A_363 = tpu.memref_slice %arg6[%add3A_6, %dma_wait3A_362] : memref<10240x128xf32, #tpu.memory_space<vmem_shared>> -> memref<128x128xf32, #tpu.memory_space<vmem_shared>>
      %dma_wait3A_364 = arith.constant 0 : i32
      %dma_wait3A_365 = tpu.memref_slice %arg6[%add3A_6, %dma_wait3A_364] : memref<10240x128xf32, #tpu.memory_space<vmem_shared>> -> memref<128x128xf32, #tpu.memory_space<vmem_shared>>
      %dma_wait3A_366 = arith.constant 0 : i32
      %dma_wait3A_367 = arith.constant 0 : i32
      %dma_wait3A_368 = tpu.memref_slice %arg9[%run_scoped3A_8, %dma_wait3A_366, %dma_wait3A_367] : memref<2x128x128xf32, #tpu.memory_space<vmem>> -> memref<1x128x128xf32, #tpu.memory_space<vmem>>
      %dma_wait3A_369 = tpu.memref_squeeze %dma_wait3A_368 : memref<1x128x128xf32, #tpu.memory_space<vmem>> -> memref<128x128xf32, #tpu.memory_space<vmem>>
      tpu.wait_dma2 semaphore(%run_scoped3A_345 : memref<!tpu.dma_semaphore, #tpu.memory_space<semaphore_mem>>) src(%dma_wait3A_369 : memref<128x128xf32, #tpu.memory_space<vmem>>) dst(%dma_wait3A_365 : memref<128x128xf32, #tpu.memory_space<vmem_shared>>)
      tpu.yield
    }) : () -> ()
    %mul3A_9 = arith.constant 640 : i32
    %mul3A_10 = arith.muli %arg1, %mul3A_9 : i32
    %add3A_11 = arith.constant 256 : i32
    %add3A_12 = arith.addi %mul3A_10, %add3A_11 : i32
    %run_scoped3A_13 = arith.constant 0 : i32
    "tpu.region"() ({
      %run_scoped3A_345 = tpu.sem_alloc : memref<!tpu.dma_semaphore, #tpu.memory_space<semaphore_mem>>
      %dma_start3A_346 = arith.constant 0 : i32
      %dma_start3A_347 = arith.constant 0 : i32
      %dma_start3A_348 = tpu.memref_slice %arg9[%run_scoped3A_13, %dma_start3A_346, %dma_start3A_347] : memref<2x128x128xf32, #tpu.memory_space<vmem>> -> memref<1x128x128xf32, #tpu.memory_space<vmem>>
      %dma_start3A_349 = tpu.memref_squeeze %dma_start3A_348 : memref<1x128x128xf32, #tpu.memory_space<vmem>> -> memref<128x128xf32, #tpu.memory_space<vmem>>
      %dma_start3A_350 = arith.constant 0 : i32
      %dma_start3A_351 = arith.constant 0 : i32
      %dma_start3A_352 = tpu.memref_slice %arg2[%arg0, %dma_start3A_350, %dma_start3A_351] : memref<2x10240x128xf32, #tpu.memory_space<hbm>> -> memref<1x10240x128xf32, #tpu.memory_space<hbm>>
      %dma_start3A_353 = tpu.memref_squeeze %dma_start3A_352 : memref<1x10240x128xf32, #tpu.memory_space<hbm>> -> memref<10240x128xf32, #tpu.memory_space<hbm>>
      %dma_start3A_354 = arith.constant 0 : i32
      %dma_start3A_355 = tpu.memref_slice %dma_start3A_353[%add3A_12, %dma_start3A_354] : memref<10240x128xf32, #tpu.memory_space<hbm>> -> memref<128x128xf32, #tpu.memory_space<hbm>>
      %dma_start3A_356 = arith.constant 0 : i32
      %dma_start3A_357 = arith.constant 0 : i32
      %dma_start3A_358 = tpu.memref_slice %arg9[%run_scoped3A_13, %dma_start3A_356, %dma_start3A_357] : memref<2x128x128xf32, #tpu.memory_space<vmem>> -> memref<1x128x128xf32, #tpu.memory_space<vmem>>
      %dma_start3A_359 = tpu.memref_squeeze %dma_start3A_358 : memref<1x128x128xf32, #tpu.memory_space<vmem>> -> memref<128x128xf32, #tpu.memory_space<vmem>>
      %dma_start3A_360 = arith.constant 0 : i32
      %dma_start3A_361 = arith.constant 0 : i32
      %dma_start3A_362 = tpu.memref_slice %arg2[%arg0, %dma_start3A_360, %dma_start3A_361] : memref<2x10240x128xf32, #tpu.memory_space<hbm>> -> memref<1x10240x128xf32, #tpu.memory_space<hbm>>
      %dma_start3A_363 = tpu.memref_squeeze %dma_start3A_362 : memref<1x10240x128xf32, #tpu.memory_space<hbm>> -> memref<10240x128xf32, #tpu.memory_space<hbm>>
      %dma_start3A_364 = arith.constant 0 : i32
      %dma_start3A_365 = tpu.memref_slice %dma_start3A_363[%add3A_12, %dma_start3A_364] : memref<10240x128xf32, #tpu.memory_space<hbm>> -> memref<128x128xf32, #tpu.memory_space<hbm>>
      tpu.enqueue_dma source(%dma_start3A_365 : memref<128x128xf32, #tpu.memory_space<hbm>>) target(%dma_start3A_359 : memref<128x128xf32, #tpu.memory_space<vmem>>) target_semaphore(%run_scoped3A_345 : memref<!tpu.dma_semaphore, #tpu.memory_space<semaphore_mem>>)
      %dma_wait3A_366 = arith.constant 0 : i32
      %dma_wait3A_367 = arith.constant 0 : i32
      %dma_wait3A_368 = tpu.memref_slice %arg9[%run_scoped3A_13, %dma_wait3A_366, %dma_wait3A_367] : memref<2x128x128xf32, #tpu.memory_space<vmem>> -> memref<1x128x128xf32, #tpu.memory_space<vmem>>
      %dma_wait3A_369 = tpu.memref_squeeze %dma_wait3A_368 : memref<1x128x128xf32, #tpu.memory_space<vmem>> -> memref<128x128xf32, #tpu.memory_space<vmem>>
      %dma_wait3A_370 = arith.constant 0 : i32
      %dma_wait3A_371 = arith.constant 0 : i32
      %dma_wait3A_372 = tpu.memref_slice %arg2[%arg0, %dma_wait3A_370, %dma_wait3A_371] : memref<2x10240x128xf32, #tpu.memory_space<hbm>> -> memref<1x10240x128xf32, #tpu.memory_space<hbm>>
      %dma_wait3A_373 = tpu.memref_squeeze %dma_wait3A_372 : memref<1x10240x128xf32, #tpu.memory_space<hbm>> -> memref<10240x128xf32, #tpu.memory_space<hbm>>
      %dma_wait3A_374 = arith.constant 0 : i32
      %dma_wait3A_375 = tpu.memref_slice %dma_wait3A_373[%add3A_12, %dma_wait3A_374] : memref<10240x128xf32, #tpu.memory_space<hbm>> -> memref<128x128xf32, #tpu.memory_space<hbm>>
      %dma_wait3A_376 = arith.constant 0 : i32
      %dma_wait3A_377 = arith.constant 0 : i32
      %dma_wait3A_378 = tpu.memref_slice %arg9[%run_scoped3A_13, %dma_wait3A_376, %dma_wait3A_377] : memref<2x128x128xf32, #tpu.memory_space<vmem>> -> memref<1x128x128xf32, #tpu.memory_space<vmem>>
      %dma_wait3A_379 = tpu.memref_squeeze %dma_wait3A_378 : memref<1x128x128xf32, #tpu.memory_space<vmem>> -> memref<128x128xf32, #tpu.memory_space<vmem>>
      %dma_wait3A_380 = arith.constant 0 : i32
      %dma_wait3A_381 = arith.constant 0 : i32
      %dma_wait3A_382 = tpu.memref_slice %arg2[%arg0, %dma_wait3A_380, %dma_wait3A_381] : memref<2x10240x128xf32, #tpu.memory_space<hbm>> -> memref<1x10240x128xf32, #tpu.memory_space<hbm>>
      %dma_wait3A_383 = tpu.memref_squeeze %dma_wait3A_382 : memref<1x10240x128xf32, #tpu.memory_space<hbm>> -> memref<10240x128xf32, #tpu.memory_space<hbm>>
      %dma_wait3A_384 = arith.constant 0 : i32
      %dma_wait3A_385 = tpu.memref_slice %dma_wait3A_383[%add3A_12, %dma_wait3A_384] : memref<10240x128xf32, #tpu.memory_space<hbm>> -> memref<128x128xf32, #tpu.memory_space<hbm>>
      tpu.wait_dma2 semaphore(%run_scoped3A_345 : memref<!tpu.dma_semaphore, #tpu.memory_space<semaphore_mem>>) src(%dma_wait3A_385 : memref<128x128xf32, #tpu.memory_space<hbm>>) dst(%dma_wait3A_379 : memref<128x128xf32, #tpu.memory_space<vmem>>)
      tpu.yield
    }) : () -> ()
    %run_scoped3A_14 = arith.constant 0 : i32
    "tpu.region"() ({
      %run_scoped3A_345 = tpu.sem_alloc : memref<!tpu.dma_semaphore, #tpu.memory_space<semaphore_mem>>
      %dma_start3A_346 = arith.constant 0 : i32
      %dma_start3A_347 = arith.constant 0 : i32
      %dma_start3A_348 = tpu.memref_slice %arg9[%run_scoped3A_14, %dma_start3A_346, %dma_start3A_347] : memref<2x128x128xf32, #tpu.memory_space<vmem>> -> memref<1x128x128xf32, #tpu.memory_space<vmem>>
      %dma_start3A_349 = tpu.memref_squeeze %dma_start3A_348 : memref<1x128x128xf32, #tpu.memory_space<vmem>> -> memref<128x128xf32, #tpu.memory_space<vmem>>
      %dma_start3A_350 = arith.constant 0 : i32
      %dma_start3A_351 = tpu.memref_slice %arg6[%add3A_12, %dma_start3A_350] : memref<10240x128xf32, #tpu.memory_space<vmem_shared>> -> memref<128x128xf32, #tpu.memory_space<vmem_shared>>
      %dma_start3A_352 = arith.constant 0 : i32
      %dma_start3A_353 = tpu.memref_slice %arg6[%add3A_12, %dma_start3A_352] : memref<10240x128xf32, #tpu.memory_space<vmem_shared>> -> memref<128x128xf32, #tpu.memory_space<vmem_shared>>
      %dma_start3A_354 = arith.constant 0 : i32
      %dma_start3A_355 = arith.constant 0 : i32
      %dma_start3A_356 = tpu.memref_slice %arg9[%run_scoped3A_14, %dma_start3A_354, %dma_start3A_355] : memref<2x128x128xf32, #tpu.memory_space<vmem>> -> memref<1x128x128xf32, #tpu.memory_space<vmem>>
      %dma_start3A_357 = tpu.memref_squeeze %dma_start3A_356 : memref<1x128x128xf32, #tpu.memory_space<vmem>> -> memref<128x128xf32, #tpu.memory_space<vmem>>
      tpu.enqueue_dma source(%dma_start3A_357 : memref<128x128xf32, #tpu.memory_space<vmem>>) target(%dma_start3A_353 : memref<128x128xf32, #tpu.memory_space<vmem_shared>>) target_semaphore(%run_scoped3A_345 : memref<!tpu.dma_semaphore, #tpu.memory_space<semaphore_mem>>)
      %dma_wait3A_358 = arith.constant 0 : i32
      %dma_wait3A_359 = arith.constant 0 : i32
      %dma_wait3A_360 = tpu.memref_slice %arg9[%run_scoped3A_14, %dma_wait3A_358, %dma_wait3A_359] : memref<2x128x128xf32, #tpu.memory_space<vmem>> -> memref<1x128x128xf32, #tpu.memory_space<vmem>>
      %dma_wait3A_361 = tpu.memref_squeeze %dma_wait3A_360 : memref<1x128x128xf32, #tpu.memory_space<vmem>> -> memref<128x128xf32, #tpu.memory_space<vmem>>
      %dma_wait3A_362 = arith.constant 0 : i32
      %dma_wait3A_363 = tpu.memref_slice %arg6[%add3A_12, %dma_wait3A_362] : memref<10240x128xf32, #tpu.memory_space<vmem_shared>> -> memref<128x128xf32, #tpu.memory_space<vmem_shared>>
      %dma_wait3A_364 = arith.constant 0 : i32
      %dma_wait3A_365 = tpu.memref_slice %arg6[%add3A_12, %dma_wait3A_364] : memref<10240x128xf32, #tpu.memory_space<vmem_shared>> -> memref<128x128xf32, #tpu.memory_space<vmem_shared>>
      %dma_wait3A_366 = arith.constant 0 : i32
      %dma_wait3A_367 = arith.constant 0 : i32
      %dma_wait3A_368 = tpu.memref_slice %arg9[%run_scoped3A_14, %dma_wait3A_366, %dma_wait3A_367] : memref<2x128x128xf32, #tpu.memory_space<vmem>> -> memref<1x128x128xf32, #tpu.memory_space<vmem>>
      %dma_wait3A_369 = tpu.memref_squeeze %dma_wait3A_368 : memref<1x128x128xf32, #tpu.memory_space<vmem>> -> memref<128x128xf32, #tpu.memory_space<vmem>>
      tpu.wait_dma2 semaphore(%run_scoped3A_345 : memref<!tpu.dma_semaphore, #tpu.memory_space<semaphore_mem>>) src(%dma_wait3A_369 : memref<128x128xf32, #tpu.memory_space<vmem>>) dst(%dma_wait3A_365 : memref<128x128xf32, #tpu.memory_space<vmem_shared>>)
      tpu.yield
    }) : () -> ()
    %mul3A_15 = arith.constant 640 : i32
    %mul3A_16 = arith.muli %arg1, %mul3A_15 : i32
    %add3A_17 = arith.constant 384 : i32
    %add3A_18 = arith.addi %mul3A_16, %add3A_17 : i32
    %run_scoped3A_19 = arith.constant 0 : i32
    "tpu.region"() ({
      %run_scoped3A_345 = tpu.sem_alloc : memref<!tpu.dma_semaphore, #tpu.memory_space<semaphore_mem>>
      %dma_start3A_346 = arith.constant 0 : i32
      %dma_start3A_347 = arith.constant 0 : i32
      %dma_start3A_348 = tpu.memref_slice %arg9[%run_scoped3A_19, %dma_start3A_346, %dma_start3A_347] : memref<2x128x128xf32, #tpu.memory_space<vmem>> -> memref<1x128x128xf32, #tpu.memory_space<vmem>>
      %dma_start3A_349 = tpu.memref_squeeze %dma_start3A_348 : memref<1x128x128xf32, #tpu.memory_space<vmem>> -> memref<128x128xf32, #tpu.memory_space<vmem>>
      %dma_start3A_350 = arith.constant 0 : i32
      %dma_start3A_351 = arith.constant 0 : i32
      %dma_start3A_352 = tpu.memref_slice %arg2[%arg0, %dma_start3A_350, %dma_start3A_351] : memref<2x10240x128xf32, #tpu.memory_space<hbm>> -> memref<1x10240x128xf32, #tpu.memory_space<hbm>>
      %dma_start3A_353 = tpu.memref_squeeze %dma_start3A_352 : memref<1x10240x128xf32, #tpu.memory_space<hbm>> -> memref<10240x128xf32, #tpu.memory_space<hbm>>
      %dma_start3A_354 = arith.constant 0 : i32
      %dma_start3A_355 = tpu.memref_slice %dma_start3A_353[%add3A_18, %dma_start3A_354] : memref<10240x128xf32, #tpu.memory_space<hbm>> -> memref<128x128xf32, #tpu.memory_space<hbm>>
      %dma_start3A_356 = arith.constant 0 : i32
      %dma_start3A_357 = arith.constant 0 : i32
      %dma_start3A_358 = tpu.memref_slice %arg9[%run_scoped3A_19, %dma_start3A_356, %dma_start3A_357] : memref<2x128x128xf32, #tpu.memory_space<vmem>> -> memref<1x128x128xf32, #tpu.memory_space<vmem>>
      %dma_start3A_359 = tpu.memref_squeeze %dma_start3A_358 : memref<1x128x128xf32, #tpu.memory_space<vmem>> -> memref<128x128xf32, #tpu.memory_space<vmem>>
      %dma_start3A_360 = arith.constant 0 : i32
      %dma_start3A_361 = arith.constant 0 : i32
      %dma_start3A_362 = tpu.memref_slice %arg2[%arg0, %dma_start3A_360, %dma_start3A_361] : memref<2x10240x128xf32, #tpu.memory_space<hbm>> -> memref<1x10240x128xf32, #tpu.memory_space<hbm>>
      %dma_start3A_363 = tpu.memref_squeeze %dma_start3A_362 : memref<1x10240x128xf32, #tpu.memory_space<hbm>> -> memref<10240x128xf32, #tpu.memory_space<hbm>>
      %dma_start3A_364 = arith.constant 0 : i32
      %dma_start3A_365 = tpu.memref_slice %dma_start3A_363[%add3A_18, %dma_start3A_364] : memref<10240x128xf32, #tpu.memory_space<hbm>> -> memref<128x128xf32, #tpu.memory_space<hbm>>
      tpu.enqueue_dma source(%dma_start3A_365 : memref<128x128xf32, #tpu.memory_space<hbm>>) target(%dma_start3A_359 : memref<128x128xf32, #tpu.memory_space<vmem>>) target_semaphore(%run_scoped3A_345 : memref<!tpu.dma_semaphore, #tpu.memory_space<semaphore_mem>>)
      %dma_wait3A_366 = arith.constant 0 : i32
      %dma_wait3A_367 = arith.constant 0 : i32
      %dma_wait3A_368 = tpu.memref_slice %arg9[%run_scoped3A_19, %dma_wait3A_366, %dma_wait3A_367] : memref<2x128x128xf32, #tpu.memory_space<vmem>> -> memref<1x128x128xf32, #tpu.memory_space<vmem>>
      %dma_wait3A_369 = tpu.memref_squeeze %dma_wait3A_368 : memref<1x128x128xf32, #tpu.memory_space<vmem>> -> memref<128x128xf32, #tpu.memory_space<vmem>>
      %dma_wait3A_370 = arith.constant 0 : i32
      %dma_wait3A_371 = arith.constant 0 : i32
      %dma_wait3A_372 = tpu.memref_slice %arg2[%arg0, %dma_wait3A_370, %dma_wait3A_371] : memref<2x10240x128xf32, #tpu.memory_space<hbm>> -> memref<1x10240x128xf32, #tpu.memory_space<hbm>>
      %dma_wait3A_373 = tpu.memref_squeeze %dma_wait3A_372 : memref<1x10240x128xf32, #tpu.memory_space<hbm>> -> memref<10240x128xf32, #tpu.memory_space<hbm>>
      %dma_wait3A_374 = arith.constant 0 : i32
      %dma_wait3A_375 = tpu.memref_slice %dma_wait3A_373[%add3A_18, %dma_wait3A_374] : memref<10240x128xf32, #tpu.memory_space<hbm>> -> memref<128x128xf32, #tpu.memory_space<hbm>>
      %dma_wait3A_376 = arith.constant 0 : i32
      %dma_wait3A_377 = arith.constant 0 : i32
      %dma_wait3A_378 = tpu.memref_slice %arg9[%run_scoped3A_19, %dma_wait3A_376, %dma_wait3A_377] : memref<2x128x128xf32, #tpu.memory_space<vmem>> -> memref<1x128x128xf32, #tpu.memory_space<vmem>>
      %dma_wait3A_379 = tpu.memref_squeeze %dma_wait3A_378 : memref<1x128x128xf32, #tpu.memory_space<vmem>> -> memref<128x128xf32, #tpu.memory_space<vmem>>
      %dma_wait3A_380 = arith.constant 0 : i32
      %dma_wait3A_381 = arith.constant 0 : i32
      %dma_wait3A_382 = tpu.memref_slice %arg2[%arg0, %dma_wait3A_380, %dma_wait3A_381] : memref<2x10240x128xf32, #tpu.memory_space<hbm>> -> memref<1x10240x128xf32, #tpu.memory_space<hbm>>
      %dma_wait3A_383 = tpu.memref_squeeze %dma_wait3A_382 : memref<1x10240x128xf32, #tpu.memory_space<hbm>> -> memref<10240x128xf32, #tpu.memory_space<hbm>>
      %dma_wait3A_384 = arith.constant 0 : i32
      %dma_wait3A_385 = tpu.memref_slice %dma_wait3A_383[%add3A_18, %dma_wait3A_384] : memref<10240x128xf32, #tpu.memory_space<hbm>> -> memref<128x128xf32, #tpu.memory_space<hbm>>
      tpu.wait_dma2 semaphore(%run_scoped3A_345 : memref<!tpu.dma_semaphore, #tpu.memory_space<semaphore_mem>>) src(%dma_wait3A_385 : memref<128x128xf32, #tpu.memory_space<hbm>>) dst(%dma_wait3A_379 : memref<128x128xf32, #tpu.memory_space<vmem>>)
      tpu.yield
    }) : () -> ()
    %run_scoped3A_20 = arith.constant 0 : i32
    "tpu.region"() ({
      %run_scoped3A_345 = tpu.sem_alloc : memref<!tpu.dma_semaphore, #tpu.memory_space<semaphore_mem>>
      %dma_start3A_346 = arith.constant 0 : i32
      %dma_start3A_347 = arith.constant 0 : i32
      %dma_start3A_348 = tpu.memref_slice %arg9[%run_scoped3A_20, %dma_start3A_346, %dma_start3A_347] : memref<2x128x128xf32, #tpu.memory_space<vmem>> -> memref<1x128x128xf32, #tpu.memory_space<vmem>>
      %dma_start3A_349 = tpu.memref_squeeze %dma_start3A_348 : memref<1x128x128xf32, #tpu.memory_space<vmem>> -> memref<128x128xf32, #tpu.memory_space<vmem>>
      %dma_start3A_350 = arith.constant 0 : i32
      %dma_start3A_351 = tpu.memref_slice %arg6[%add3A_18, %dma_start3A_350] : memref<10240x128xf32, #tpu.memory_space<vmem_shared>> -> memref<128x128xf32, #tpu.memory_space<vmem_shared>>
      %dma_start3A_352 = arith.constant 0 : i32
      %dma_start3A_353 = tpu.memref_slice %arg6[%add3A_18, %dma_start3A_352] : memref<10240x128xf32, #tpu.memory_space<vmem_shared>> -> memref<128x128xf32, #tpu.memory_space<vmem_shared>>
      %dma_start3A_354 = arith.constant 0 : i32
      %dma_start3A_355 = arith.constant 0 : i32
      %dma_start3A_356 = tpu.memref_slice %arg9[%run_scoped3A_20, %dma_start3A_354, %dma_start3A_355] : memref<2x128x128xf32, #tpu.memory_space<vmem>> -> memref<1x128x128xf32, #tpu.memory_space<vmem>>
      %dma_start3A_357 = tpu.memref_squeeze %dma_start3A_356 : memref<1x128x128xf32, #tpu.memory_space<vmem>> -> memref<128x128xf32, #tpu.memory_space<vmem>>
      tpu.enqueue_dma source(%dma_start3A_357 : memref<128x128xf32, #tpu.memory_space<vmem>>) target(%dma_start3A_353 : memref<128x128xf32, #tpu.memory_space<vmem_shared>>) target_semaphore(%run_scoped3A_345 : memref<!tpu.dma_semaphore, #tpu.memory_space<semaphore_mem>>)
      %dma_wait3A_358 = arith.constant 0 : i32
      %dma_wait3A_359 = arith.constant 0 : i32
      %dma_wait3A_360 = tpu.memref_slice %arg9[%run_scoped3A_20, %dma_wait3A_358, %dma_wait3A_359] : memref<2x128x128xf32, #tpu.memory_space<vmem>> -> memref<1x128x128xf32, #tpu.memory_space<vmem>>
      %dma_wait3A_361 = tpu.memref_squeeze %dma_wait3A_360 : memref<1x128x128xf32, #tpu.memory_space<vmem>> -> memref<128x128xf32, #tpu.memory_space<vmem>>
      %dma_wait3A_362 = arith.constant 0 : i32
      %dma_wait3A_363 = tpu.memref_slice %arg6[%add3A_18, %dma_wait3A_362] : memref<10240x128xf32, #tpu.memory_space<vmem_shared>> -> memref<128x128xf32, #tpu.memory_space<vmem_shared>>
      %dma_wait3A_364 = arith.constant 0 : i32
      %dma_wait3A_365 = tpu.memref_slice %arg6[%add3A_18, %dma_wait3A_364] : memref<10240x128xf32, #tpu.memory_space<vmem_shared>> -> memref<128x128xf32, #tpu.memory_space<vmem_shared>>
      %dma_wait3A_366 = arith.constant 0 : i32
      %dma_wait3A_367 = arith.constant 0 : i32
      %dma_wait3A_368 = tpu.memref_slice %arg9[%run_scoped3A_20, %dma_wait3A_366, %dma_wait3A_367] : memref<2x128x128xf32, #tpu.memory_space<vmem>> -> memref<1x128x128xf32, #tpu.memory_space<vmem>>
      %dma_wait3A_369 = tpu.memref_squeeze %dma_wait3A_368 : memref<1x128x128xf32, #tpu.memory_space<vmem>> -> memref<128x128xf32, #tpu.memory_space<vmem>>
      tpu.wait_dma2 semaphore(%run_scoped3A_345 : memref<!tpu.dma_semaphore, #tpu.memory_space<semaphore_mem>>) src(%dma_wait3A_369 : memref<128x128xf32, #tpu.memory_space<vmem>>) dst(%dma_wait3A_365 : memref<128x128xf32, #tpu.memory_space<vmem_shared>>)
      tpu.yield
    }) : () -> ()
    %mul3A_21 = arith.constant 640 : i32
    %mul3A_22 = arith.muli %arg1, %mul3A_21 : i32
    %add3A_23 = arith.constant 512 : i32
    %add3A_24 = arith.addi %mul3A_22, %add3A_23 : i32
    %run_scoped3A_25 = arith.constant 0 : i32
    "tpu.region"() ({
      %run_scoped3A_345 = tpu.sem_alloc : memref<!tpu.dma_semaphore, #tpu.memory_space<semaphore_mem>>
      %dma_start3A_346 = arith.constant 0 : i32
      %dma_start3A_347 = arith.constant 0 : i32
      %dma_start3A_348 = tpu.memref_slice %arg9[%run_scoped3A_25, %dma_start3A_346, %dma_start3A_347] : memref<2x128x128xf32, #tpu.memory_space<vmem>> -> memref<1x128x128xf32, #tpu.memory_space<vmem>>
      %dma_start3A_349 = tpu.memref_squeeze %dma_start3A_348 : memref<1x128x128xf32, #tpu.memory_space<vmem>> -> memref<128x128xf32, #tpu.memory_space<vmem>>
      %dma_start3A_350 = arith.constant 0 : i32
      %dma_start3A_351 = arith.constant 0 : i32
      %dma_start3A_352 = tpu.memref_slice %arg2[%arg0, %dma_start3A_350, %dma_start3A_351] : memref<2x10240x128xf32, #tpu.memory_space<hbm>> -> memref<1x10240x128xf32, #tpu.memory_space<hbm>>
      %dma_start3A_353 = tpu.memref_squeeze %dma_start3A_352 : memref<1x10240x128xf32, #tpu.memory_space<hbm>> -> memref<10240x128xf32, #tpu.memory_space<hbm>>
      %dma_start3A_354 = arith.constant 0 : i32
      %dma_start3A_355 = tpu.memref_slice %dma_start3A_353[%add3A_24, %dma_start3A_354] : memref<10240x128xf32, #tpu.memory_space<hbm>> -> memref<128x128xf32, #tpu.memory_space<hbm>>
      %dma_start3A_356 = arith.constant 0 : i32
      %dma_start3A_357 = arith.constant 0 : i32
      %dma_start3A_358 = tpu.memref_slice %arg9[%run_scoped3A_25, %dma_start3A_356, %dma_start3A_357] : memref<2x128x128xf32, #tpu.memory_space<vmem>> -> memref<1x128x128xf32, #tpu.memory_space<vmem>>
      %dma_start3A_359 = tpu.memref_squeeze %dma_start3A_358 : memref<1x128x128xf32, #tpu.memory_space<vmem>> -> memref<128x128xf32, #tpu.memory_space<vmem>>
      %dma_start3A_360 = arith.constant 0 : i32
      %dma_start3A_361 = arith.constant 0 : i32
      %dma_start3A_362 = tpu.memref_slice %arg2[%arg0, %dma_start3A_360, %dma_start3A_361] : memref<2x10240x128xf32, #tpu.memory_space<hbm>> -> memref<1x10240x128xf32, #tpu.memory_space<hbm>>
      %dma_start3A_363 = tpu.memref_squeeze %dma_start3A_362 : memref<1x10240x128xf32, #tpu.memory_space<hbm>> -> memref<10240x128xf32, #tpu.memory_space<hbm>>
      %dma_start3A_364 = arith.constant 0 : i32
      %dma_start3A_365 = tpu.memref_slice %dma_start3A_363[%add3A_24, %dma_start3A_364] : memref<10240x128xf32, #tpu.memory_space<hbm>> -> memref<128x128xf32, #tpu.memory_space<hbm>>
      tpu.enqueue_dma source(%dma_start3A_365 : memref<128x128xf32, #tpu.memory_space<hbm>>) target(%dma_start3A_359 : memref<128x128xf32, #tpu.memory_space<vmem>>) target_semaphore(%run_scoped3A_345 : memref<!tpu.dma_semaphore, #tpu.memory_space<semaphore_mem>>)
      %dma_wait3A_366 = arith.constant 0 : i32
      %dma_wait3A_367 = arith.constant 0 : i32
      %dma_wait3A_368 = tpu.memref_slice %arg9[%run_scoped3A_25, %dma_wait3A_366, %dma_wait3A_367] : memref<2x128x128xf32, #tpu.memory_space<vmem>> -> memref<1x128x128xf32, #tpu.memory_space<vmem>>
      %dma_wait3A_369 = tpu.memref_squeeze %dma_wait3A_368 : memref<1x128x128xf32, #tpu.memory_space<vmem>> -> memref<128x128xf32, #tpu.memory_space<vmem>>
      %dma_wait3A_370 = arith.constant 0 : i32
      %dma_wait3A_371 = arith.constant 0 : i32
      %dma_wait3A_372 = tpu.memref_slice %arg2[%arg0, %dma_wait3A_370, %dma_wait3A_371] : memref<2x10240x128xf32, #tpu.memory_space<hbm>> -> memref<1x10240x128xf32, #tpu.memory_space<hbm>>
      %dma_wait3A_373 = tpu.memref_squeeze %dma_wait3A_372 : memref<1x10240x128xf32, #tpu.memory_space<hbm>> -> memref<10240x128xf32, #tpu.memory_space<hbm>>
      %dma_wait3A_374 = arith.constant 0 : i32
      %dma_wait3A_375 = tpu.memref_slice %dma_wait3A_373[%add3A_24, %dma_wait3A_374] : memref<10240x128xf32, #tpu.memory_space<hbm>> -> memref<128x128xf32, #tpu.memory_space<hbm>>
      %dma_wait3A_376 = arith.constant 0 : i32
      %dma_wait3A_377 = arith.constant 0 : i32
      %dma_wait3A_378 = tpu.memref_slice %arg9[%run_scoped3A_25, %dma_wait3A_376, %dma_wait3A_377] : memref<2x128x128xf32, #tpu.memory_space<vmem>> -> memref<1x128x128xf32, #tpu.memory_space<vmem>>
      %dma_wait3A_379 = tpu.memref_squeeze %dma_wait3A_378 : memref<1x128x128xf32, #tpu.memory_space<vmem>> -> memref<128x128xf32, #tpu.memory_space<vmem>>
      %dma_wait3A_380 = arith.constant 0 : i32
      %dma_wait3A_381 = arith.constant 0 : i32
      %dma_wait3A_382 = tpu.memref_slice %arg2[%arg0, %dma_wait3A_380, %dma_wait3A_381] : memref<2x10240x128xf32, #tpu.memory_space<hbm>> -> memref<1x10240x128xf32, #tpu.memory_space<hbm>>
      %dma_wait3A_383 = tpu.memref_squeeze %dma_wait3A_382 : memref<1x10240x128xf32, #tpu.memory_space<hbm>> -> memref<10240x128xf32, #tpu.memory_space<hbm>>
      %dma_wait3A_384 = arith.constant 0 : i32
      %dma_wait3A_385 = tpu.memref_slice %dma_wait3A_383[%add3A_24, %dma_wait3A_384] : memref<10240x128xf32, #tpu.memory_space<hbm>> -> memref<128x128xf32, #tpu.memory_space<hbm>>
      tpu.wait_dma2 semaphore(%run_scoped3A_345 : memref<!tpu.dma_semaphore, #tpu.memory_space<semaphore_mem>>) src(%dma_wait3A_385 : memref<128x128xf32, #tpu.memory_space<hbm>>) dst(%dma_wait3A_379 : memref<128x128xf32, #tpu.memory_space<vmem>>)
      tpu.yield
    }) : () -> ()
    %run_scoped3A_26 = arith.constant 0 : i32
    "tpu.region"() ({
      %run_scoped3A_345 = tpu.sem_alloc : memref<!tpu.dma_semaphore, #tpu.memory_space<semaphore_mem>>
      %dma_start3A_346 = arith.constant 0 : i32
      %dma_start3A_347 = arith.constant 0 : i32
      %dma_start3A_348 = tpu.memref_slice %arg9[%run_scoped3A_26, %dma_start3A_346, %dma_start3A_347] : memref<2x128x128xf32, #tpu.memory_space<vmem>> -> memref<1x128x128xf32, #tpu.memory_space<vmem>>
      %dma_start3A_349 = tpu.memref_squeeze %dma_start3A_348 : memref<1x128x128xf32, #tpu.memory_space<vmem>> -> memref<128x128xf32, #tpu.memory_space<vmem>>
      %dma_start3A_350 = arith.constant 0 : i32
      %dma_start3A_351 = tpu.memref_slice %arg6[%add3A_24, %dma_start3A_350] : memref<10240x128xf32, #tpu.memory_space<vmem_shared>> -> memref<128x128xf32, #tpu.memory_space<vmem_shared>>
      %dma_start3A_352 = arith.constant 0 : i32
      %dma_start3A_353 = tpu.memref_slice %arg6[%add3A_24, %dma_start3A_352] : memref<10240x128xf32, #tpu.memory_space<vmem_shared>> -> memref<128x128xf32, #tpu.memory_space<vmem_shared>>
      %dma_start3A_354 = arith.constant 0 : i32
      %dma_start3A_355 = arith.constant 0 : i32
      %dma_start3A_356 = tpu.memref_slice %arg9[%run_scoped3A_26, %dma_start3A_354, %dma_start3A_355] : memref<2x128x128xf32, #tpu.memory_space<vmem>> -> memref<1x128x128xf32, #tpu.memory_space<vmem>>
      %dma_start3A_357 = tpu.memref_squeeze %dma_start3A_356 : memref<1x128x128xf32, #tpu.memory_space<vmem>> -> memref<128x128xf32, #tpu.memory_space<vmem>>
      tpu.enqueue_dma source(%dma_start3A_357 : memref<128x128xf32, #tpu.memory_space<vmem>>) target(%dma_start3A_353 : memref<128x128xf32, #tpu.memory_space<vmem_shared>>) target_semaphore(%run_scoped3A_345 : memref<!tpu.dma_semaphore, #tpu.memory_space<semaphore_mem>>)
      %dma_wait3A_358 = arith.constant 0 : i32
      %dma_wait3A_359 = arith.constant 0 : i32
      %dma_wait3A_360 = tpu.memref_slice %arg9[%run_scoped3A_26, %dma_wait3A_358, %dma_wait3A_359] : memref<2x128x128xf32, #tpu.memory_space<vmem>> -> memref<1x128x128xf32, #tpu.memory_space<vmem>>
      %dma_wait3A_361 = tpu.memref_squeeze %dma_wait3A_360 : memref<1x128x128xf32, #tpu.memory_space<vmem>> -> memref<128x128xf32, #tpu.memory_space<vmem>>
      %dma_wait3A_362 = arith.constant 0 : i32
      %dma_wait3A_363 = tpu.memref_slice %arg6[%add3A_24, %dma_wait3A_362] : memref<10240x128xf32, #tpu.memory_space<vmem_shared>> -> memref<128x128xf32, #tpu.memory_space<vmem_shared>>
      %dma_wait3A_364 = arith.constant 0 : i32
      %dma_wait3A_365 = tpu.memref_slice %arg6[%add3A_24, %dma_wait3A_364] : memref<10240x128xf32, #tpu.memory_space<vmem_shared>> -> memref<128x128xf32, #tpu.memory_space<vmem_shared>>
      %dma_wait3A_366 = arith.constant 0 : i32
      %dma_wait3A_367 = arith.constant 0 : i32
      %dma_wait3A_368 = tpu.memref_slice %arg9[%run_scoped3A_26, %dma_wait3A_366, %dma_wait3A_367] : memref<2x128x128xf32, #tpu.memory_space<vmem>> -> memref<1x128x128xf32, #tpu.memory_space<vmem>>
      %dma_wait3A_369 = tpu.memref_squeeze %dma_wait3A_368 : memref<1x128x128xf32, #tpu.memory_space<vmem>> -> memref<128x128xf32, #tpu.memory_space<vmem>>
      tpu.wait_dma2 semaphore(%run_scoped3A_345 : memref<!tpu.dma_semaphore, #tpu.memory_space<semaphore_mem>>) src(%dma_wait3A_369 : memref<128x128xf32, #tpu.memory_space<vmem>>) dst(%dma_wait3A_365 : memref<128x128xf32, #tpu.memory_space<vmem_shared>>)
      tpu.yield
    }) : () -> ()
    %barrier3A = arith.constant 0 : index
    tpu.barrier barrier_id(%barrier3A)
    %mul3A_27 = arith.constant 80 : i32
    %mul3A_28 = arith.muli %arg1, %mul3A_27 : i32
    %add3A_29 = arith.constant 0 : i32
    %add3A_30 = arith.addi %mul3A_28, %add3A_29 : i32
    "tpu.region"() ({
      %run_scoped3A_345 = tpu.sem_alloc : memref<!tpu.dma_semaphore, #tpu.memory_space<semaphore_mem>>
      %dma_start3A_346 = arith.constant 0 : i32
      %dma_start3A_347 = tpu.memref_slice %arg3[%add3A_30, %dma_start3A_346] : memref<1280x128xi32, #tpu.memory_space<hbm>> -> memref<40x128xi32, #tpu.memory_space<hbm>>
      %dma_start3A_348 = arith.constant 0 : i32
      %dma_start3A_349 = tpu.memref_slice %arg3[%add3A_30, %dma_start3A_348] : memref<1280x128xi32, #tpu.memory_space<hbm>> -> memref<40x128xi32, #tpu.memory_space<hbm>>
      tpu.enqueue_dma source(%dma_start3A_349 : memref<40x128xi32, #tpu.memory_space<hbm>>) target(%arg7 : memref<40x128xi32, #tpu.memory_space<vmem>>) target_semaphore(%run_scoped3A_345 : memref<!tpu.dma_semaphore, #tpu.memory_space<semaphore_mem>>)
      %dma_wait3A_350 = arith.constant 0 : i32
      %dma_wait3A_351 = tpu.memref_slice %arg3[%add3A_30, %dma_wait3A_350] : memref<1280x128xi32, #tpu.memory_space<hbm>> -> memref<40x128xi32, #tpu.memory_space<hbm>>
      %dma_wait3A_352 = arith.constant 0 : i32
      %dma_wait3A_353 = tpu.memref_slice %arg3[%add3A_30, %dma_wait3A_352] : memref<1280x128xi32, #tpu.memory_space<hbm>> -> memref<40x128xi32, #tpu.memory_space<hbm>>
      tpu.wait_dma2 semaphore(%run_scoped3A_345 : memref<!tpu.dma_semaphore, #tpu.memory_space<semaphore_mem>>) src(%dma_wait3A_353 : memref<40x128xi32, #tpu.memory_space<hbm>>) dst(%arg7 : memref<40x128xi32, #tpu.memory_space<vmem>>)
      tpu.yield
    }) : () -> ()
    "tpu.region"() ({
      %run_scoped3A_345 = tpu.sem_alloc : memref<!tpu.dma_semaphore, #tpu.memory_space<semaphore_mem>>
      %dma_start3A_346 = arith.constant 0 : i32
      %dma_start3A_347 = tpu.memref_slice %arg4[%add3A_30, %dma_start3A_346] : memref<1280x128xi32, #tpu.memory_space<hbm>> -> memref<40x128xi32, #tpu.memory_space<hbm>>
      %dma_start3A_348 = arith.constant 0 : i32
      %dma_start3A_349 = tpu.memref_slice %arg4[%add3A_30, %dma_start3A_348] : memref<1280x128xi32, #tpu.memory_space<hbm>> -> memref<40x128xi32, #tpu.memory_space<hbm>>
      tpu.enqueue_dma source(%dma_start3A_349 : memref<40x128xi32, #tpu.memory_space<hbm>>) target(%arg8 : memref<40x128xi32, #tpu.memory_space<vmem>>) target_semaphore(%run_scoped3A_345 : memref<!tpu.dma_semaphore, #tpu.memory_space<semaphore_mem>>)
      %dma_wait3A_350 = arith.constant 0 : i32
      %dma_wait3A_351 = tpu.memref_slice %arg4[%add3A_30, %dma_wait3A_350] : memref<1280x128xi32, #tpu.memory_space<hbm>> -> memref<40x128xi32, #tpu.memory_space<hbm>>
      %dma_wait3A_352 = arith.constant 0 : i32
      %dma_wait3A_353 = tpu.memref_slice %arg4[%add3A_30, %dma_wait3A_352] : memref<1280x128xi32, #tpu.memory_space<hbm>> -> memref<40x128xi32, #tpu.memory_space<hbm>>
      tpu.wait_dma2 semaphore(%run_scoped3A_345 : memref<!tpu.dma_semaphore, #tpu.memory_space<semaphore_mem>>) src(%dma_wait3A_353 : memref<40x128xi32, #tpu.memory_space<hbm>>) dst(%arg8 : memref<40x128xi32, #tpu.memory_space<vmem>>)
      tpu.yield
    }) : () -> ()
    %dma_start3A = arith.constant 0 : i32
    %dma_start3A_31 = arith.constant 0 : i32
    %dma_start3A_32 = arith.constant 0 : i32
    %dma_start3A_33 = arith.constant 0 : i32
    %dma_start3A_34 = arith.constant 0 : i32
    %dma_start3A_35 = tpu.memref_slice %arg9[%dma_start3A_31, %dma_start3A_33, %dma_start3A_34] : memref<2x128x128xf32, #tpu.memory_space<vmem>> -> memref<1x128x128xf32, #tpu.memory_space<vmem>>
    %dma_start3A_36 = tpu.memref_squeeze %dma_start3A_35 : memref<1x128x128xf32, #tpu.memory_space<vmem>> -> memref<128x128xf32, #tpu.memory_space<vmem>>
    %dma_start3A_37 = arith.constant 0 : i32
    %dma_start3A_38 = tpu.memref_slice %arg7[%dma_start3A, %dma_start3A_37] : memref<40x128xi32, #tpu.memory_space<vmem>> -> memref<1x128xi32, #tpu.memory_space<vmem>>
    %dma_start3A_39 = tpu.memref_squeeze %dma_start3A_38 : memref<1x128xi32, #tpu.memory_space<vmem>> -> memref<128xi32, #tpu.memory_space<vmem>>
    %dma_start3A_40 = arith.constant 0 : i32
    %dma_start3A_41 = arith.constant 0 : i32
    %dma_start3A_42 = tpu.memref_slice %arg2[%arg0, %dma_start3A_40, %dma_start3A_41] : memref<2x10240x128xf32, #tpu.memory_space<hbm>> -> memref<1x10240x128xf32, #tpu.memory_space<hbm>>
    %dma_start3A_43 = tpu.memref_squeeze %dma_start3A_42 : memref<1x10240x128xf32, #tpu.memory_space<hbm>> -> memref<10240x128xf32, #tpu.memory_space<hbm>>
    %dma_start3A_44 = arith.constant 0 : i32
    %dma_start3A_45 = arith.constant 0 : i32
    %dma_start3A_46 = tpu.memref_slice %dma_start3A_43[%dma_start3A_44, %dma_start3A_45] : memref<10240x128xf32, #tpu.memory_space<hbm>> -> memref<10240x128xf32, #tpu.memory_space<hbm>>
    %dma_start3A_47 = tpu.memref_slice %arg10[%dma_start3A_32] : memref<2x!tpu.dma_semaphore, #tpu.memory_space<semaphore_mem>> -> memref<1x!tpu.dma_semaphore, #tpu.memory_space<semaphore_mem>>
    %dma_start3A_48 = tpu.memref_squeeze %dma_start3A_47 : memref<1x!tpu.dma_semaphore, #tpu.memory_space<semaphore_mem>> -> memref<!tpu.dma_semaphore, #tpu.memory_space<semaphore_mem>>
    tpu.enqueue_indirect_dma source(%dma_start3A_46 : memref<10240x128xf32, #tpu.memory_space<hbm>>) target(%dma_start3A_36 : memref<128x128xf32, #tpu.memory_space<vmem>>) offsets(%dma_start3A_39 : memref<128xi32, #tpu.memory_space<vmem>>) semaphore(%dma_start3A_48 : memref<!tpu.dma_semaphore, #tpu.memory_space<semaphore_mem>>)
    %dma_start3A_49 = arith.constant 1 : i32
    %dma_start3A_50 = arith.constant 1 : i32
    %dma_start3A_51 = arith.constant 1 : i32
    %dma_start3A_52 = arith.constant 0 : i32
    %dma_start3A_53 = arith.constant 0 : i32
    %dma_start3A_54 = tpu.memref_slice %arg9[%dma_start3A_50, %dma_start3A_52, %dma_start3A_53] : memref<2x128x128xf32, #tpu.memory_space<vmem>> -> memref<1x128x128xf32, #tpu.memory_space<vmem>>
    %dma_start3A_55 = tpu.memref_squeeze %dma_start3A_54 : memref<1x128x128xf32, #tpu.memory_space<vmem>> -> memref<128x128xf32, #tpu.memory_space<vmem>>
    %dma_start3A_56 = arith.constant 0 : i32
    %dma_start3A_57 = tpu.memref_slice %arg7[%dma_start3A_49, %dma_start3A_56] : memref<40x128xi32, #tpu.memory_space<vmem>> -> memref<1x128xi32, #tpu.memory_space<vmem>>
    %dma_start3A_58 = tpu.memref_squeeze %dma_start3A_57 : memref<1x128xi32, #tpu.memory_space<vmem>> -> memref<128xi32, #tpu.memory_space<vmem>>
    %dma_start3A_59 = arith.constant 0 : i32
    %dma_start3A_60 = arith.constant 0 : i32
    %dma_start3A_61 = tpu.memref_slice %arg2[%arg0, %dma_start3A_59, %dma_start3A_60] : memref<2x10240x128xf32, #tpu.memory_space<hbm>> -> memref<1x10240x128xf32, #tpu.memory_space<hbm>>
    %dma_start3A_62 = tpu.memref_squeeze %dma_start3A_61 : memref<1x10240x128xf32, #tpu.memory_space<hbm>> -> memref<10240x128xf32, #tpu.memory_space<hbm>>
    %dma_start3A_63 = arith.constant 0 : i32
    %dma_start3A_64 = arith.constant 0 : i32
    %dma_start3A_65 = tpu.memref_slice %dma_start3A_62[%dma_start3A_63, %dma_start3A_64] : memref<10240x128xf32, #tpu.memory_space<hbm>> -> memref<10240x128xf32, #tpu.memory_space<hbm>>
    %dma_start3A_66 = tpu.memref_slice %arg10[%dma_start3A_51] : memref<2x!tpu.dma_semaphore, #tpu.memory_space<semaphore_mem>> -> memref<1x!tpu.dma_semaphore, #tpu.memory_space<semaphore_mem>>
    %dma_start3A_67 = tpu.memref_squeeze %dma_start3A_66 : memref<1x!tpu.dma_semaphore, #tpu.memory_space<semaphore_mem>> -> memref<!tpu.dma_semaphore, #tpu.memory_space<semaphore_mem>>
    tpu.enqueue_indirect_dma source(%dma_start3A_65 : memref<10240x128xf32, #tpu.memory_space<hbm>>) target(%dma_start3A_55 : memref<128x128xf32, #tpu.memory_space<vmem>>) offsets(%dma_start3A_58 : memref<128xi32, #tpu.memory_space<vmem>>) semaphore(%dma_start3A_67 : memref<!tpu.dma_semaphore, #tpu.memory_space<semaphore_mem>>)
    %scan3A = arith.constant 0 : i32
    %scan3A_68 = arith.constant 19 : i32
    %scan3A_69 = arith.addi %scan3A, %scan3A_68 : i32
    %scan3A_70 = arith.constant 1 : i32
    scf.for %scan3A_345 = %scan3A to %scan3A_69 step %scan3A_70  : i32 {
      %mul3A_346 = arith.constant 1 : i32
      %mul3A_347 = arith.muli %scan3A_345, %mul3A_346 : i32
      %add3A_348 = arith.constant 0 : i32
      %add3A_349 = arith.addi %add3A_348, %mul3A_347 : i32
      %mul3A_350 = arith.constant 2 : i32
      %mul3A_351 = arith.muli %add3A_349, %mul3A_350 : i32
      %add3A_352 = arith.constant 0 : i32
      %add3A_353 = arith.addi %mul3A_351, %add3A_352 : i32
      %dma_wait3A_354 = arith.constant 0 : i32
      %dma_wait3A_355 = arith.constant 0 : i32
      %dma_wait3A_356 = arith.constant 0 : i32
      %dma_wait3A_357 = arith.constant 0 : i32
      %dma_wait3A_358 = tpu.memref_slice %arg9[%dma_wait3A_354, %dma_wait3A_356, %dma_wait3A_357] : memref<2x128x128xf32, #tpu.memory_space<vmem>> -> memref<1x128x128xf32, #tpu.memory_space<vmem>>
      %dma_wait3A_359 = tpu.memref_squeeze %dma_wait3A_358 : memref<1x128x128xf32, #tpu.memory_space<vmem>> -> memref<128x128xf32, #tpu.memory_space<vmem>>
      %dma_wait3A_360 = arith.constant 0 : i32
      %dma_wait3A_361 = tpu.memref_slice %arg7[%add3A_353, %dma_wait3A_360] : memref<40x128xi32, #tpu.memory_space<vmem>> -> memref<1x128xi32, #tpu.memory_space<vmem>>
      %dma_wait3A_362 = tpu.memref_squeeze %dma_wait3A_361 : memref<1x128xi32, #tpu.memory_space<vmem>> -> memref<128xi32, #tpu.memory_space<vmem>>
      %dma_wait3A_363 = arith.constant 0 : i32
      %dma_wait3A_364 = arith.constant 0 : i32
      %dma_wait3A_365 = tpu.memref_slice %arg2[%arg0, %dma_wait3A_363, %dma_wait3A_364] : memref<2x10240x128xf32, #tpu.memory_space<hbm>> -> memref<1x10240x128xf32, #tpu.memory_space<hbm>>
      %dma_wait3A_366 = tpu.memref_squeeze %dma_wait3A_365 : memref<1x10240x128xf32, #tpu.memory_space<hbm>> -> memref<10240x128xf32, #tpu.memory_space<hbm>>
      %dma_wait3A_367 = arith.constant 0 : i32
      %dma_wait3A_368 = arith.constant 0 : i32
      %dma_wait3A_369 = tpu.memref_slice %dma_wait3A_366[%dma_wait3A_367, %dma_wait3A_368] : memref<10240x128xf32, #tpu.memory_space<hbm>> -> memref<10240x128xf32, #tpu.memory_space<hbm>>
      %dma_wait3A_370 = tpu.memref_slice %arg10[%dma_wait3A_355] : memref<2x!tpu.dma_semaphore, #tpu.memory_space<semaphore_mem>> -> memref<1x!tpu.dma_semaphore, #tpu.memory_space<semaphore_mem>>
      %dma_wait3A_371 = tpu.memref_squeeze %dma_wait3A_370 : memref<1x!tpu.dma_semaphore, #tpu.memory_space<semaphore_mem>> -> memref<!tpu.dma_semaphore, #tpu.memory_space<semaphore_mem>>
      tpu.wait_indirect_dma semaphore(%dma_wait3A_371 : memref<!tpu.dma_semaphore, #tpu.memory_space<semaphore_mem>>) src(%dma_wait3A_369 : memref<10240x128xf32, #tpu.memory_space<hbm>>) dst(%dma_wait3A_359 : memref<128x128xf32, #tpu.memory_space<vmem>>)
      %add3A_372 = arith.constant 0 : i32
      %add3A_373 = arith.addi %mul3A_351, %add3A_372 : i32
      %dma_start3A_374 = arith.constant 0 : i32
      %dma_start3A_375 = arith.constant 0 : i32
      %dma_start3A_376 = arith.constant 0 : i32
      %dma_start3A_377 = arith.constant 0 : i32
      %dma_start3A_378 = tpu.memref_slice %arg9[%dma_start3A_374, %dma_start3A_376, %dma_start3A_377] : memref<2x128x128xf32, #tpu.memory_space<vmem>> -> memref<1x128x128xf32, #tpu.memory_space<vmem>>
      %dma_start3A_379 = tpu.memref_squeeze %dma_start3A_378 : memref<1x128x128xf32, #tpu.memory_space<vmem>> -> memref<128x128xf32, #tpu.memory_space<vmem>>
      %dma_start3A_380 = arith.constant 0 : i32
      %dma_start3A_381 = tpu.memref_slice %arg8[%add3A_373, %dma_start3A_380] : memref<40x128xi32, #tpu.memory_space<vmem>> -> memref<1x128xi32, #tpu.memory_space<vmem>>
      %dma_start3A_382 = tpu.memref_squeeze %dma_start3A_381 : memref<1x128xi32, #tpu.memory_space<vmem>> -> memref<128xi32, #tpu.memory_space<vmem>>
      %dma_start3A_383 = arith.constant 0 : i32
      %dma_start3A_384 = arith.constant 0 : i32
      %dma_start3A_385 = tpu.memref_slice %arg6[%dma_start3A_383, %dma_start3A_384] : memref<10240x128xf32, #tpu.memory_space<vmem_shared>> -> memref<10240x128xf32, #tpu.memory_space<vmem_shared>>
      %dma_start3A_386 = tpu.memref_slice %arg11[%dma_start3A_375] : memref<2x!tpu.dma_semaphore, #tpu.memory_space<semaphore_mem>> -> memref<1x!tpu.dma_semaphore, #tpu.memory_space<semaphore_mem>>
      %dma_start3A_387 = tpu.memref_squeeze %dma_start3A_386 : memref<1x!tpu.dma_semaphore, #tpu.memory_space<semaphore_mem>> -> memref<!tpu.dma_semaphore, #tpu.memory_space<semaphore_mem>>
      tpu.enqueue_indirect_dma source(%dma_start3A_379 : memref<128x128xf32, #tpu.memory_space<vmem>>) target(%dma_start3A_385 : memref<10240x128xf32, #tpu.memory_space<vmem_shared>>) offsets(%dma_start3A_382 : memref<128xi32, #tpu.memory_space<vmem>>) semaphore(%dma_start3A_387 : memref<!tpu.dma_semaphore, #tpu.memory_space<semaphore_mem>>) {add = true}
      %add3A_388 = arith.constant 1 : i32
      %add3A_389 = arith.addi %mul3A_351, %add3A_388 : i32
      %dma_wait3A_390 = arith.constant 1 : i32
      %dma_wait3A_391 = arith.constant 1 : i32
      %dma_wait3A_392 = arith.constant 0 : i32
      %dma_wait3A_393 = arith.constant 0 : i32
      %dma_wait3A_394 = tpu.memref_slice %arg9[%dma_wait3A_390, %dma_wait3A_392, %dma_wait3A_393] : memref<2x128x128xf32, #tpu.memory_space<vmem>> -> memref<1x128x128xf32, #tpu.memory_space<vmem>>
      %dma_wait3A_395 = tpu.memref_squeeze %dma_wait3A_394 : memref<1x128x128xf32, #tpu.memory_space<vmem>> -> memref<128x128xf32, #tpu.memory_space<vmem>>
      %dma_wait3A_396 = arith.constant 0 : i32
      %dma_wait3A_397 = tpu.memref_slice %arg7[%add3A_389, %dma_wait3A_396] : memref<40x128xi32, #tpu.memory_space<vmem>> -> memref<1x128xi32, #tpu.memory_space<vmem>>
      %dma_wait3A_398 = tpu.memref_squeeze %dma_wait3A_397 : memref<1x128xi32, #tpu.memory_space<vmem>> -> memref<128xi32, #tpu.memory_space<vmem>>
      %dma_wait3A_399 = arith.constant 0 : i32
      %dma_wait3A_400 = arith.constant 0 : i32
      %dma_wait3A_401 = tpu.memref_slice %arg2[%arg0, %dma_wait3A_399, %dma_wait3A_400] : memref<2x10240x128xf32, #tpu.memory_space<hbm>> -> memref<1x10240x128xf32, #tpu.memory_space<hbm>>
      %dma_wait3A_402 = tpu.memref_squeeze %dma_wait3A_401 : memref<1x10240x128xf32, #tpu.memory_space<hbm>> -> memref<10240x128xf32, #tpu.memory_space<hbm>>
      %dma_wait3A_403 = arith.constant 0 : i32
      %dma_wait3A_404 = arith.constant 0 : i32
      %dma_wait3A_405 = tpu.memref_slice %dma_wait3A_402[%dma_wait3A_403, %dma_wait3A_404] : memref<10240x128xf32, #tpu.memory_space<hbm>> -> memref<10240x128xf32, #tpu.memory_space<hbm>>
      %dma_wait3A_406 = tpu.memref_slice %arg10[%dma_wait3A_391] : memref<2x!tpu.dma_semaphore, #tpu.memory_space<semaphore_mem>> -> memref<1x!tpu.dma_semaphore, #tpu.memory_space<semaphore_mem>>
      %dma_wait3A_407 = tpu.memref_squeeze %dma_wait3A_406 : memref<1x!tpu.dma_semaphore, #tpu.memory_space<semaphore_mem>> -> memref<!tpu.dma_semaphore, #tpu.memory_space<semaphore_mem>>
      tpu.wait_indirect_dma semaphore(%dma_wait3A_407 : memref<!tpu.dma_semaphore, #tpu.memory_space<semaphore_mem>>) src(%dma_wait3A_405 : memref<10240x128xf32, #tpu.memory_space<hbm>>) dst(%dma_wait3A_395 : memref<128x128xf32, #tpu.memory_space<vmem>>)
      %add3A_408 = arith.constant 1 : i32
      %add3A_409 = arith.addi %mul3A_351, %add3A_408 : i32
      %dma_start3A_410 = arith.constant 1 : i32
      %dma_start3A_411 = arith.constant 1 : i32
      %dma_start3A_412 = arith.constant 0 : i32
      %dma_start3A_413 = arith.constant 0 : i32
      %dma_start3A_414 = tpu.memref_slice %arg9[%dma_start3A_410, %dma_start3A_412, %dma_start3A_413] : memref<2x128x128xf32, #tpu.memory_space<vmem>> -> memref<1x128x128xf32, #tpu.memory_space<vmem>>
      %dma_start3A_415 = tpu.memref_squeeze %dma_start3A_414 : memref<1x128x128xf32, #tpu.memory_space<vmem>> -> memref<128x128xf32, #tpu.memory_space<vmem>>
      %dma_start3A_416 = arith.constant 0 : i32
      %dma_start3A_417 = tpu.memref_slice %arg8[%add3A_409, %dma_start3A_416] : memref<40x128xi32, #tpu.memory_space<vmem>> -> memref<1x128xi32, #tpu.memory_space<vmem>>
      %dma_start3A_418 = tpu.memref_squeeze %dma_start3A_417 : memref<1x128xi32, #tpu.memory_space<vmem>> -> memref<128xi32, #tpu.memory_space<vmem>>
      %dma_start3A_419 = arith.constant 0 : i32
      %dma_start3A_420 = arith.constant 0 : i32
      %dma_start3A_421 = tpu.memref_slice %arg6[%dma_start3A_419, %dma_start3A_420] : memref<10240x128xf32, #tpu.memory_space<vmem_shared>> -> memref<10240x128xf32, #tpu.memory_space<vmem_shared>>
      %dma_start3A_422 = tpu.memref_slice %arg11[%dma_start3A_411] : memref<2x!tpu.dma_semaphore, #tpu.memory_space<semaphore_mem>> -> memref<1x!tpu.dma_semaphore, #tpu.memory_space<semaphore_mem>>
      %dma_start3A_423 = tpu.memref_squeeze %dma_start3A_422 : memref<1x!tpu.dma_semaphore, #tpu.memory_space<semaphore_mem>> -> memref<!tpu.dma_semaphore, #tpu.memory_space<semaphore_mem>>
      tpu.enqueue_indirect_dma source(%dma_start3A_415 : memref<128x128xf32, #tpu.memory_space<vmem>>) target(%dma_start3A_421 : memref<10240x128xf32, #tpu.memory_space<vmem_shared>>) offsets(%dma_start3A_418 : memref<128xi32, #tpu.memory_space<vmem>>) semaphore(%dma_start3A_423 : memref<!tpu.dma_semaphore, #tpu.memory_space<semaphore_mem>>) {add = true}
      %add3A_424 = arith.constant 0 : i32
      %add3A_425 = arith.addi %mul3A_351, %add3A_424 : i32
      %dma_wait3A_426 = arith.constant 0 : i32
      %dma_wait3A_427 = arith.constant 0 : i32
      %dma_wait3A_428 = arith.constant 0 : i32
      %dma_wait3A_429 = arith.constant 0 : i32
      %dma_wait3A_430 = tpu.memref_slice %arg9[%dma_wait3A_426, %dma_wait3A_428, %dma_wait3A_429] : memref<2x128x128xf32, #tpu.memory_space<vmem>> -> memref<1x128x128xf32, #tpu.memory_space<vmem>>
      %dma_wait3A_431 = tpu.memref_squeeze %dma_wait3A_430 : memref<1x128x128xf32, #tpu.memory_space<vmem>> -> memref<128x128xf32, #tpu.memory_space<vmem>>
      %dma_wait3A_432 = arith.constant 0 : i32
      %dma_wait3A_433 = tpu.memref_slice %arg8[%add3A_425, %dma_wait3A_432] : memref<40x128xi32, #tpu.memory_space<vmem>> -> memref<1x128xi32, #tpu.memory_space<vmem>>
      %dma_wait3A_434 = tpu.memref_squeeze %dma_wait3A_433 : memref<1x128xi32, #tpu.memory_space<vmem>> -> memref<128xi32, #tpu.memory_space<vmem>>
      %dma_wait3A_435 = arith.constant 0 : i32
      %dma_wait3A_436 = arith.constant 0 : i32
      %dma_wait3A_437 = tpu.memref_slice %arg6[%dma_wait3A_435, %dma_wait3A_436] : memref<10240x128xf32, #tpu.memory_space<vmem_shared>> -> memref<10240x128xf32, #tpu.memory_space<vmem_shared>>
      %dma_wait3A_438 = tpu.memref_slice %arg11[%dma_wait3A_427] : memref<2x!tpu.dma_semaphore, #tpu.memory_space<semaphore_mem>> -> memref<1x!tpu.dma_semaphore, #tpu.memory_space<semaphore_mem>>
      %dma_wait3A_439 = tpu.memref_squeeze %dma_wait3A_438 : memref<1x!tpu.dma_semaphore, #tpu.memory_space<semaphore_mem>> -> memref<!tpu.dma_semaphore, #tpu.memory_space<semaphore_mem>>
      tpu.wait_indirect_dma semaphore(%dma_wait3A_439 : memref<!tpu.dma_semaphore, #tpu.memory_space<semaphore_mem>>) src(%dma_wait3A_431 : memref<128x128xf32, #tpu.memory_space<vmem>>) dst(%dma_wait3A_437 : memref<10240x128xf32, #tpu.memory_space<vmem_shared>>)
      %add3A_440 = arith.constant 2 : i32
      %add3A_441 = arith.addi %mul3A_351, %add3A_440 : i32
      %add3A_442 = arith.constant 0 : i32
      %add3A_443 = arith.addi %add3A_441, %add3A_442 : i32
      %dma_start3A_444 = arith.constant 0 : i32
      %dma_start3A_445 = arith.constant 0 : i32
      %dma_start3A_446 = arith.constant 0 : i32
      %dma_start3A_447 = arith.constant 0 : i32
      %dma_start3A_448 = tpu.memref_slice %arg9[%dma_start3A_444, %dma_start3A_446, %dma_start3A_447] : memref<2x128x128xf32, #tpu.memory_space<vmem>> -> memref<1x128x128xf32, #tpu.memory_space<vmem>>
      %dma_start3A_449 = tpu.memref_squeeze %dma_start3A_448 : memref<1x128x128xf32, #tpu.memory_space<vmem>> -> memref<128x128xf32, #tpu.memory_space<vmem>>
      %dma_start3A_450 = arith.constant 0 : i32
      %dma_start3A_451 = tpu.memref_slice %arg7[%add3A_443, %dma_start3A_450] : memref<40x128xi32, #tpu.memory_space<vmem>> -> memref<1x128xi32, #tpu.memory_space<vmem>>
      %dma_start3A_452 = tpu.memref_squeeze %dma_start3A_451 : memref<1x128xi32, #tpu.memory_space<vmem>> -> memref<128xi32, #tpu.memory_space<vmem>>
      %dma_start3A_453 = arith.constant 0 : i32
      %dma_start3A_454 = arith.constant 0 : i32
      %dma_start3A_455 = tpu.memref_slice %arg2[%arg0, %dma_start3A_453, %dma_start3A_454] : memref<2x10240x128xf32, #tpu.memory_space<hbm>> -> memref<1x10240x128xf32, #tpu.memory_space<hbm>>
      %dma_start3A_456 = tpu.memref_squeeze %dma_start3A_455 : memref<1x10240x128xf32, #tpu.memory_space<hbm>> -> memref<10240x128xf32, #tpu.memory_space<hbm>>
      %dma_start3A_457 = arith.constant 0 : i32
      %dma_start3A_458 = arith.constant 0 : i32
      %dma_start3A_459 = tpu.memref_slice %dma_start3A_456[%dma_start3A_457, %dma_start3A_458] : memref<10240x128xf32, #tpu.memory_space<hbm>> -> memref<10240x128xf32, #tpu.memory_space<hbm>>
      %dma_start3A_460 = tpu.memref_slice %arg10[%dma_start3A_445] : memref<2x!tpu.dma_semaphore, #tpu.memory_space<semaphore_mem>> -> memref<1x!tpu.dma_semaphore, #tpu.memory_space<semaphore_mem>>
      %dma_start3A_461 = tpu.memref_squeeze %dma_start3A_460 : memref<1x!tpu.dma_semaphore, #tpu.memory_space<semaphore_mem>> -> memref<!tpu.dma_semaphore, #tpu.memory_space<semaphore_mem>>
      tpu.enqueue_indirect_dma source(%dma_start3A_459 : memref<10240x128xf32, #tpu.memory_space<hbm>>) target(%dma_start3A_449 : memref<128x128xf32, #tpu.memory_space<vmem>>) offsets(%dma_start3A_452 : memref<128xi32, #tpu.memory_space<vmem>>) semaphore(%dma_start3A_461 : memref<!tpu.dma_semaphore, #tpu.memory_space<semaphore_mem>>)
      %add3A_462 = arith.constant 1 : i32
      %add3A_463 = arith.addi %mul3A_351, %add3A_462 : i32
      %dma_wait3A_464 = arith.constant 1 : i32
      %dma_wait3A_465 = arith.constant 1 : i32
      %dma_wait3A_466 = arith.constant 0 : i32
      %dma_wait3A_467 = arith.constant 0 : i32
      %dma_wait3A_468 = tpu.memref_slice %arg9[%dma_wait3A_464, %dma_wait3A_466, %dma_wait3A_467] : memref<2x128x128xf32, #tpu.memory_space<vmem>> -> memref<1x128x128xf32, #tpu.memory_space<vmem>>
      %dma_wait3A_469 = tpu.memref_squeeze %dma_wait3A_468 : memref<1x128x128xf32, #tpu.memory_space<vmem>> -> memref<128x128xf32, #tpu.memory_space<vmem>>
      %dma_wait3A_470 = arith.constant 0 : i32
      %dma_wait3A_471 = tpu.memref_slice %arg8[%add3A_463, %dma_wait3A_470] : memref<40x128xi32, #tpu.memory_space<vmem>> -> memref<1x128xi32, #tpu.memory_space<vmem>>
      %dma_wait3A_472 = tpu.memref_squeeze %dma_wait3A_471 : memref<1x128xi32, #tpu.memory_space<vmem>> -> memref<128xi32, #tpu.memory_space<vmem>>
      %dma_wait3A_473 = arith.constant 0 : i32
      %dma_wait3A_474 = arith.constant 0 : i32
      %dma_wait3A_475 = tpu.memref_slice %arg6[%dma_wait3A_473, %dma_wait3A_474] : memref<10240x128xf32, #tpu.memory_space<vmem_shared>> -> memref<10240x128xf32, #tpu.memory_space<vmem_shared>>
      %dma_wait3A_476 = tpu.memref_slice %arg11[%dma_wait3A_465] : memref<2x!tpu.dma_semaphore, #tpu.memory_space<semaphore_mem>> -> memref<1x!tpu.dma_semaphore, #tpu.memory_space<semaphore_mem>>
      %dma_wait3A_477 = tpu.memref_squeeze %dma_wait3A_476 : memref<1x!tpu.dma_semaphore, #tpu.memory_space<semaphore_mem>> -> memref<!tpu.dma_semaphore, #tpu.memory_space<semaphore_mem>>
      tpu.wait_indirect_dma semaphore(%dma_wait3A_477 : memref<!tpu.dma_semaphore, #tpu.memory_space<semaphore_mem>>) src(%dma_wait3A_469 : memref<128x128xf32, #tpu.memory_space<vmem>>) dst(%dma_wait3A_475 : memref<10240x128xf32, #tpu.memory_space<vmem_shared>>)
      %add3A_478 = arith.constant 2 : i32
      %add3A_479 = arith.addi %mul3A_351, %add3A_478 : i32
      %add3A_480 = arith.constant 1 : i32
      %add3A_481 = arith.addi %add3A_479, %add3A_480 : i32
      %dma_start3A_482 = arith.constant 1 : i32
      %dma_start3A_483 = arith.constant 1 : i32
      %dma_start3A_484 = arith.constant 0 : i32
      %dma_start3A_485 = arith.constant 0 : i32
      %dma_start3A_486 = tpu.memref_slice %arg9[%dma_start3A_482, %dma_start3A_484, %dma_start3A_485] : memref<2x128x128xf32, #tpu.memory_space<vmem>> -> memref<1x128x128xf32, #tpu.memory_space<vmem>>
      %dma_start3A_487 = tpu.memref_squeeze %dma_start3A_486 : memref<1x128x128xf32, #tpu.memory_space<vmem>> -> memref<128x128xf32, #tpu.memory_space<vmem>>
      %dma_start3A_488 = arith.constant 0 : i32
      %dma_start3A_489 = tpu.memref_slice %arg7[%add3A_481, %dma_start3A_488] : memref<40x128xi32, #tpu.memory_space<vmem>> -> memref<1x128xi32, #tpu.memory_space<vmem>>
      %dma_start3A_490 = tpu.memref_squeeze %dma_start3A_489 : memref<1x128xi32, #tpu.memory_space<vmem>> -> memref<128xi32, #tpu.memory_space<vmem>>
      %dma_start3A_491 = arith.constant 0 : i32
      %dma_start3A_492 = arith.constant 0 : i32
      %dma_start3A_493 = tpu.memref_slice %arg2[%arg0, %dma_start3A_491, %dma_start3A_492] : memref<2x10240x128xf32, #tpu.memory_space<hbm>> -> memref<1x10240x128xf32, #tpu.memory_space<hbm>>
      %dma_start3A_494 = tpu.memref_squeeze %dma_start3A_493 : memref<1x10240x128xf32, #tpu.memory_space<hbm>> -> memref<10240x128xf32, #tpu.memory_space<hbm>>
      %dma_start3A_495 = arith.constant 0 : i32
      %dma_start3A_496 = arith.constant 0 : i32
      %dma_start3A_497 = tpu.memref_slice %dma_start3A_494[%dma_start3A_495, %dma_start3A_496] : memref<10240x128xf32, #tpu.memory_space<hbm>> -> memref<10240x128xf32, #tpu.memory_space<hbm>>
      %dma_start3A_498 = tpu.memref_slice %arg10[%dma_start3A_483] : memref<2x!tpu.dma_semaphore, #tpu.memory_space<semaphore_mem>> -> memref<1x!tpu.dma_semaphore, #tpu.memory_space<semaphore_mem>>
      %dma_start3A_499 = tpu.memref_squeeze %dma_start3A_498 : memref<1x!tpu.dma_semaphore, #tpu.memory_space<semaphore_mem>> -> memref<!tpu.dma_semaphore, #tpu.memory_space<semaphore_mem>>
      tpu.enqueue_indirect_dma source(%dma_start3A_497 : memref<10240x128xf32, #tpu.memory_space<hbm>>) target(%dma_start3A_487 : memref<128x128xf32, #tpu.memory_space<vmem>>) offsets(%dma_start3A_490 : memref<128xi32, #tpu.memory_space<vmem>>) semaphore(%dma_start3A_499 : memref<!tpu.dma_semaphore, #tpu.memory_space<semaphore_mem>>)
    }
    %scan3A_71 = arith.constant 19 : i32
    %dma_wait3A = arith.constant 38 : i32
    %dma_wait3A_72 = arith.constant 0 : i32
    %dma_wait3A_73 = arith.constant 0 : i32
    %dma_wait3A_74 = arith.constant 0 : i32
    %dma_wait3A_75 = arith.constant 0 : i32
    %dma_wait3A_76 = tpu.memref_slice %arg9[%dma_wait3A_72, %dma_wait3A_74, %dma_wait3A_75] : memref<2x128x128xf32, #tpu.memory_space<vmem>> -> memref<1x128x128xf32, #tpu.memory_space<vmem>>
    %dma_wait3A_77 = tpu.memref_squeeze %dma_wait3A_76 : memref<1x128x128xf32, #tpu.memory_space<vmem>> -> memref<128x128xf32, #tpu.memory_space<vmem>>
    %dma_wait3A_78 = arith.constant 0 : i32
    %dma_wait3A_79 = tpu.memref_slice %arg7[%dma_wait3A, %dma_wait3A_78] : memref<40x128xi32, #tpu.memory_space<vmem>> -> memref<1x128xi32, #tpu.memory_space<vmem>>
    %dma_wait3A_80 = tpu.memref_squeeze %dma_wait3A_79 : memref<1x128xi32, #tpu.memory_space<vmem>> -> memref<128xi32, #tpu.memory_space<vmem>>
    %dma_wait3A_81 = arith.constant 0 : i32
    %dma_wait3A_82 = arith.constant 0 : i32
    %dma_wait3A_83 = tpu.memref_slice %arg2[%arg0, %dma_wait3A_81, %dma_wait3A_82] : memref<2x10240x128xf32, #tpu.memory_space<hbm>> -> memref<1x10240x128xf32, #tpu.memory_space<hbm>>
    %dma_wait3A_84 = tpu.memref_squeeze %dma_wait3A_83 : memref<1x10240x128xf32, #tpu.memory_space<hbm>> -> memref<10240x128xf32, #tpu.memory_space<hbm>>
    %dma_wait3A_85 = arith.constant 0 : i32
    %dma_wait3A_86 = arith.constant 0 : i32
    %dma_wait3A_87 = tpu.memref_slice %dma_wait3A_84[%dma_wait3A_85, %dma_wait3A_86] : memref<10240x128xf32, #tpu.memory_space<hbm>> -> memref<10240x128xf32, #tpu.memory_space<hbm>>
    %dma_wait3A_88 = tpu.memref_slice %arg10[%dma_wait3A_73] : memref<2x!tpu.dma_semaphore, #tpu.memory_space<semaphore_mem>> -> memref<1x!tpu.dma_semaphore, #tpu.memory_space<semaphore_mem>>
    %dma_wait3A_89 = tpu.memref_squeeze %dma_wait3A_88 : memref<1x!tpu.dma_semaphore, #tpu.memory_space<semaphore_mem>> -> memref<!tpu.dma_semaphore, #tpu.memory_space<semaphore_mem>>
    tpu.wait_indirect_dma semaphore(%dma_wait3A_89 : memref<!tpu.dma_semaphore, #tpu.memory_space<semaphore_mem>>) src(%dma_wait3A_87 : memref<10240x128xf32, #tpu.memory_space<hbm>>) dst(%dma_wait3A_77 : memref<128x128xf32, #tpu.memory_space<vmem>>)
    %dma_start3A_90 = arith.constant 0 : i32
    %dma_start3A_91 = arith.constant 38 : i32
    %dma_start3A_92 = arith.constant 0 : i32
    %dma_start3A_93 = arith.constant 0 : i32
    %dma_start3A_94 = arith.constant 0 : i32
    %dma_start3A_95 = tpu.memref_slice %arg9[%dma_start3A_90, %dma_start3A_93, %dma_start3A_94] : memref<2x128x128xf32, #tpu.memory_space<vmem>> -> memref<1x128x128xf32, #tpu.memory_space<vmem>>
    %dma_start3A_96 = tpu.memref_squeeze %dma_start3A_95 : memref<1x128x128xf32, #tpu.memory_space<vmem>> -> memref<128x128xf32, #tpu.memory_space<vmem>>
    %dma_start3A_97 = arith.constant 0 : i32
    %dma_start3A_98 = tpu.memref_slice %arg8[%dma_start3A_91, %dma_start3A_97] : memref<40x128xi32, #tpu.memory_space<vmem>> -> memref<1x128xi32, #tpu.memory_space<vmem>>
    %dma_start3A_99 = tpu.memref_squeeze %dma_start3A_98 : memref<1x128xi32, #tpu.memory_space<vmem>> -> memref<128xi32, #tpu.memory_space<vmem>>
    %dma_start3A_100 = arith.constant 0 : i32
    %dma_start3A_101 = arith.constant 0 : i32
    %dma_start3A_102 = tpu.memref_slice %arg6[%dma_start3A_100, %dma_start3A_101] : memref<10240x128xf32, #tpu.memory_space<vmem_shared>> -> memref<10240x128xf32, #tpu.memory_space<vmem_shared>>
    %dma_start3A_103 = tpu.memref_slice %arg11[%dma_start3A_92] : memref<2x!tpu.dma_semaphore, #tpu.memory_space<semaphore_mem>> -> memref<1x!tpu.dma_semaphore, #tpu.memory_space<semaphore_mem>>
    %dma_start3A_104 = tpu.memref_squeeze %dma_start3A_103 : memref<1x!tpu.dma_semaphore, #tpu.memory_space<semaphore_mem>> -> memref<!tpu.dma_semaphore, #tpu.memory_space<semaphore_mem>>
    tpu.enqueue_indirect_dma source(%dma_start3A_96 : memref<128x128xf32, #tpu.memory_space<vmem>>) target(%dma_start3A_102 : memref<10240x128xf32, #tpu.memory_space<vmem_shared>>) offsets(%dma_start3A_99 : memref<128xi32, #tpu.memory_space<vmem>>) semaphore(%dma_start3A_104 : memref<!tpu.dma_semaphore, #tpu.memory_space<semaphore_mem>>) {add = true}
    %dma_wait3A_105 = arith.constant 39 : i32
    %dma_wait3A_106 = arith.constant 1 : i32
    %dma_wait3A_107 = arith.constant 1 : i32
    %dma_wait3A_108 = arith.constant 0 : i32
    %dma_wait3A_109 = arith.constant 0 : i32
    %dma_wait3A_110 = tpu.memref_slice %arg9[%dma_wait3A_106, %dma_wait3A_108, %dma_wait3A_109] : memref<2x128x128xf32, #tpu.memory_space<vmem>> -> memref<1x128x128xf32, #tpu.memory_space<vmem>>
    %dma_wait3A_111 = tpu.memref_squeeze %dma_wait3A_110 : memref<1x128x128xf32, #tpu.memory_space<vmem>> -> memref<128x128xf32, #tpu.memory_space<vmem>>
    %dma_wait3A_112 = arith.constant 0 : i32
    %dma_wait3A_113 = tpu.memref_slice %arg7[%dma_wait3A_105, %dma_wait3A_112] : memref<40x128xi32, #tpu.memory_space<vmem>> -> memref<1x128xi32, #tpu.memory_space<vmem>>
    %dma_wait3A_114 = tpu.memref_squeeze %dma_wait3A_113 : memref<1x128xi32, #tpu.memory_space<vmem>> -> memref<128xi32, #tpu.memory_space<vmem>>
    %dma_wait3A_115 = arith.constant 0 : i32
    %dma_wait3A_116 = arith.constant 0 : i32
    %dma_wait3A_117 = tpu.memref_slice %arg2[%arg0, %dma_wait3A_115, %dma_wait3A_116] : memref<2x10240x128xf32, #tpu.memory_space<hbm>> -> memref<1x10240x128xf32, #tpu.memory_space<hbm>>
    %dma_wait3A_118 = tpu.memref_squeeze %dma_wait3A_117 : memref<1x10240x128xf32, #tpu.memory_space<hbm>> -> memref<10240x128xf32, #tpu.memory_space<hbm>>
    %dma_wait3A_119 = arith.constant 0 : i32
    %dma_wait3A_120 = arith.constant 0 : i32
    %dma_wait3A_121 = tpu.memref_slice %dma_wait3A_118[%dma_wait3A_119, %dma_wait3A_120] : memref<10240x128xf32, #tpu.memory_space<hbm>> -> memref<10240x128xf32, #tpu.memory_space<hbm>>
    %dma_wait3A_122 = tpu.memref_slice %arg10[%dma_wait3A_107] : memref<2x!tpu.dma_semaphore, #tpu.memory_space<semaphore_mem>> -> memref<1x!tpu.dma_semaphore, #tpu.memory_space<semaphore_mem>>
    %dma_wait3A_123 = tpu.memref_squeeze %dma_wait3A_122 : memref<1x!tpu.dma_semaphore, #tpu.memory_space<semaphore_mem>> -> memref<!tpu.dma_semaphore, #tpu.memory_space<semaphore_mem>>
    tpu.wait_indirect_dma semaphore(%dma_wait3A_123 : memref<!tpu.dma_semaphore, #tpu.memory_space<semaphore_mem>>) src(%dma_wait3A_121 : memref<10240x128xf32, #tpu.memory_space<hbm>>) dst(%dma_wait3A_111 : memref<128x128xf32, #tpu.memory_space<vmem>>)
    %dma_start3A_124 = arith.constant 1 : i32
    %dma_start3A_125 = arith.constant 39 : i32
    %dma_start3A_126 = arith.constant 1 : i32
    %dma_start3A_127 = arith.constant 0 : i32
    %dma_start3A_128 = arith.constant 0 : i32
    %dma_start3A_129 = tpu.memref_slice %arg9[%dma_start3A_124, %dma_start3A_127, %dma_start3A_128] : memref<2x128x128xf32, #tpu.memory_space<vmem>> -> memref<1x128x128xf32, #tpu.memory_space<vmem>>
    %dma_start3A_130 = tpu.memref_squeeze %dma_start3A_129 : memref<1x128x128xf32, #tpu.memory_space<vmem>> -> memref<128x128xf32, #tpu.memory_space<vmem>>
    %dma_start3A_131 = arith.constant 0 : i32
    %dma_start3A_132 = tpu.memref_slice %arg8[%dma_start3A_125, %dma_start3A_131] : memref<40x128xi32, #tpu.memory_space<vmem>> -> memref<1x128xi32, #tpu.memory_space<vmem>>
    %dma_start3A_133 = tpu.memref_squeeze %dma_start3A_132 : memref<1x128xi32, #tpu.memory_space<vmem>> -> memref<128xi32, #tpu.memory_space<vmem>>
    %dma_start3A_134 = arith.constant 0 : i32
    %dma_start3A_135 = arith.constant 0 : i32
    %dma_start3A_136 = tpu.memref_slice %arg6[%dma_start3A_134, %dma_start3A_135] : memref<10240x128xf32, #tpu.memory_space<vmem_shared>> -> memref<10240x128xf32, #tpu.memory_space<vmem_shared>>
    %dma_start3A_137 = tpu.memref_slice %arg11[%dma_start3A_126] : memref<2x!tpu.dma_semaphore, #tpu.memory_space<semaphore_mem>> -> memref<1x!tpu.dma_semaphore, #tpu.memory_space<semaphore_mem>>
    %dma_start3A_138 = tpu.memref_squeeze %dma_start3A_137 : memref<1x!tpu.dma_semaphore, #tpu.memory_space<semaphore_mem>> -> memref<!tpu.dma_semaphore, #tpu.memory_space<semaphore_mem>>
    tpu.enqueue_indirect_dma source(%dma_start3A_130 : memref<128x128xf32, #tpu.memory_space<vmem>>) target(%dma_start3A_136 : memref<10240x128xf32, #tpu.memory_space<vmem_shared>>) offsets(%dma_start3A_133 : memref<128xi32, #tpu.memory_space<vmem>>) semaphore(%dma_start3A_138 : memref<!tpu.dma_semaphore, #tpu.memory_space<semaphore_mem>>) {add = true}
    %dma_wait3A_139 = arith.constant 0 : i32
    %dma_wait3A_140 = arith.constant 38 : i32
    %dma_wait3A_141 = arith.constant 0 : i32
    %dma_wait3A_142 = arith.constant 0 : i32
    %dma_wait3A_143 = arith.constant 0 : i32
    %dma_wait3A_144 = tpu.memref_slice %arg9[%dma_wait3A_139, %dma_wait3A_142, %dma_wait3A_143] : memref<2x128x128xf32, #tpu.memory_space<vmem>> -> memref<1x128x128xf32, #tpu.memory_space<vmem>>
    %dma_wait3A_145 = tpu.memref_squeeze %dma_wait3A_144 : memref<1x128x128xf32, #tpu.memory_space<vmem>> -> memref<128x128xf32, #tpu.memory_space<vmem>>
    %dma_wait3A_146 = arith.constant 0 : i32
    %dma_wait3A_147 = tpu.memref_slice %arg8[%dma_wait3A_140, %dma_wait3A_146] : memref<40x128xi32, #tpu.memory_space<vmem>> -> memref<1x128xi32, #tpu.memory_space<vmem>>
    %dma_wait3A_148 = tpu.memref_squeeze %dma_wait3A_147 : memref<1x128xi32, #tpu.memory_space<vmem>> -> memref<128xi32, #tpu.memory_space<vmem>>
    %dma_wait3A_149 = arith.constant 0 : i32
    %dma_wait3A_150 = arith.constant 0 : i32
    %dma_wait3A_151 = tpu.memref_slice %arg6[%dma_wait3A_149, %dma_wait3A_150] : memref<10240x128xf32, #tpu.memory_space<vmem_shared>> -> memref<10240x128xf32, #tpu.memory_space<vmem_shared>>
    %dma_wait3A_152 = tpu.memref_slice %arg11[%dma_wait3A_141] : memref<2x!tpu.dma_semaphore, #tpu.memory_space<semaphore_mem>> -> memref<1x!tpu.dma_semaphore, #tpu.memory_space<semaphore_mem>>
    %dma_wait3A_153 = tpu.memref_squeeze %dma_wait3A_152 : memref<1x!tpu.dma_semaphore, #tpu.memory_space<semaphore_mem>> -> memref<!tpu.dma_semaphore, #tpu.memory_space<semaphore_mem>>
    tpu.wait_indirect_dma semaphore(%dma_wait3A_153 : memref<!tpu.dma_semaphore, #tpu.memory_space<semaphore_mem>>) src(%dma_wait3A_145 : memref<128x128xf32, #tpu.memory_space<vmem>>) dst(%dma_wait3A_151 : memref<10240x128xf32, #tpu.memory_space<vmem_shared>>)
    %dma_wait3A_154 = arith.constant 1 : i32
    %dma_wait3A_155 = arith.constant 39 : i32
    %dma_wait3A_156 = arith.constant 1 : i32
    %dma_wait3A_157 = arith.constant 0 : i32
    %dma_wait3A_158 = arith.constant 0 : i32
    %dma_wait3A_159 = tpu.memref_slice %arg9[%dma_wait3A_154, %dma_wait3A_157, %dma_wait3A_158] : memref<2x128x128xf32, #tpu.memory_space<vmem>> -> memref<1x128x128xf32, #tpu.memory_space<vmem>>
    %dma_wait3A_160 = tpu.memref_squeeze %dma_wait3A_159 : memref<1x128x128xf32, #tpu.memory_space<vmem>> -> memref<128x128xf32, #tpu.memory_space<vmem>>
    %dma_wait3A_161 = arith.constant 0 : i32
    %dma_wait3A_162 = tpu.memref_slice %arg8[%dma_wait3A_155, %dma_wait3A_161] : memref<40x128xi32, #tpu.memory_space<vmem>> -> memref<1x128xi32, #tpu.memory_space<vmem>>
    %dma_wait3A_163 = tpu.memref_squeeze %dma_wait3A_162 : memref<1x128xi32, #tpu.memory_space<vmem>> -> memref<128xi32, #tpu.memory_space<vmem>>
    %dma_wait3A_164 = arith.constant 0 : i32
    %dma_wait3A_165 = arith.constant 0 : i32
    %dma_wait3A_166 = tpu.memref_slice %arg6[%dma_wait3A_164, %dma_wait3A_165] : memref<10240x128xf32, #tpu.memory_space<vmem_shared>> -> memref<10240x128xf32, #tpu.memory_space<vmem_shared>>
    %dma_wait3A_167 = tpu.memref_slice %arg11[%dma_wait3A_156] : memref<2x!tpu.dma_semaphore, #tpu.memory_space<semaphore_mem>> -> memref<1x!tpu.dma_semaphore, #tpu.memory_space<semaphore_mem>>
    %dma_wait3A_168 = tpu.memref_squeeze %dma_wait3A_167 : memref<1x!tpu.dma_semaphore, #tpu.memory_space<semaphore_mem>> -> memref<!tpu.dma_semaphore, #tpu.memory_space<semaphore_mem>>
    tpu.wait_indirect_dma semaphore(%dma_wait3A_168 : memref<!tpu.dma_semaphore, #tpu.memory_space<semaphore_mem>>) src(%dma_wait3A_160 : memref<128x128xf32, #tpu.memory_space<vmem>>) dst(%dma_wait3A_166 : memref<10240x128xf32, #tpu.memory_space<vmem_shared>>)
    %mul3A_169 = arith.constant 80 : i32
    %mul3A_170 = arith.muli %arg1, %mul3A_169 : i32
    %add3A_171 = arith.constant 40 : i32
    %add3A_172 = arith.addi %mul3A_170, %add3A_171 : i32
    "tpu.region"() ({
      %run_scoped3A_345 = tpu.sem_alloc : memref<!tpu.dma_semaphore, #tpu.memory_space<semaphore_mem>>
      %dma_start3A_346 = arith.constant 0 : i32
      %dma_start3A_347 = tpu.memref_slice %arg3[%add3A_172, %dma_start3A_346] : memref<1280x128xi32, #tpu.memory_space<hbm>> -> memref<40x128xi32, #tpu.memory_space<hbm>>
      %dma_start3A_348 = arith.constant 0 : i32
      %dma_start3A_349 = tpu.memref_slice %arg3[%add3A_172, %dma_start3A_348] : memref<1280x128xi32, #tpu.memory_space<hbm>> -> memref<40x128xi32, #tpu.memory_space<hbm>>
      tpu.enqueue_dma source(%dma_start3A_349 : memref<40x128xi32, #tpu.memory_space<hbm>>) target(%arg7 : memref<40x128xi32, #tpu.memory_space<vmem>>) target_semaphore(%run_scoped3A_345 : memref<!tpu.dma_semaphore, #tpu.memory_space<semaphore_mem>>)
      %dma_wait3A_350 = arith.constant 0 : i32
      %dma_wait3A_351 = tpu.memref_slice %arg3[%add3A_172, %dma_wait3A_350] : memref<1280x128xi32, #tpu.memory_space<hbm>> -> memref<40x128xi32, #tpu.memory_space<hbm>>
      %dma_wait3A_352 = arith.constant 0 : i32
      %dma_wait3A_353 = tpu.memref_slice %arg3[%add3A_172, %dma_wait3A_352] : memref<1280x128xi32, #tpu.memory_space<hbm>> -> memref<40x128xi32, #tpu.memory_space<hbm>>
      tpu.wait_dma2 semaphore(%run_scoped3A_345 : memref<!tpu.dma_semaphore, #tpu.memory_space<semaphore_mem>>) src(%dma_wait3A_353 : memref<40x128xi32, #tpu.memory_space<hbm>>) dst(%arg7 : memref<40x128xi32, #tpu.memory_space<vmem>>)
      tpu.yield
    }) : () -> ()
    "tpu.region"() ({
      %run_scoped3A_345 = tpu.sem_alloc : memref<!tpu.dma_semaphore, #tpu.memory_space<semaphore_mem>>
      %dma_start3A_346 = arith.constant 0 : i32
      %dma_start3A_347 = tpu.memref_slice %arg4[%add3A_172, %dma_start3A_346] : memref<1280x128xi32, #tpu.memory_space<hbm>> -> memref<40x128xi32, #tpu.memory_space<hbm>>
      %dma_start3A_348 = arith.constant 0 : i32
      %dma_start3A_349 = tpu.memref_slice %arg4[%add3A_172, %dma_start3A_348] : memref<1280x128xi32, #tpu.memory_space<hbm>> -> memref<40x128xi32, #tpu.memory_space<hbm>>
      tpu.enqueue_dma source(%dma_start3A_349 : memref<40x128xi32, #tpu.memory_space<hbm>>) target(%arg8 : memref<40x128xi32, #tpu.memory_space<vmem>>) target_semaphore(%run_scoped3A_345 : memref<!tpu.dma_semaphore, #tpu.memory_space<semaphore_mem>>)
      %dma_wait3A_350 = arith.constant 0 : i32
      %dma_wait3A_351 = tpu.memref_slice %arg4[%add3A_172, %dma_wait3A_350] : memref<1280x128xi32, #tpu.memory_space<hbm>> -> memref<40x128xi32, #tpu.memory_space<hbm>>
      %dma_wait3A_352 = arith.constant 0 : i32
      %dma_wait3A_353 = tpu.memref_slice %arg4[%add3A_172, %dma_wait3A_352] : memref<1280x128xi32, #tpu.memory_space<hbm>> -> memref<40x128xi32, #tpu.memory_space<hbm>>
      tpu.wait_dma2 semaphore(%run_scoped3A_345 : memref<!tpu.dma_semaphore, #tpu.memory_space<semaphore_mem>>) src(%dma_wait3A_353 : memref<40x128xi32, #tpu.memory_space<hbm>>) dst(%arg8 : memref<40x128xi32, #tpu.memory_space<vmem>>)
      tpu.yield
    }) : () -> ()
    %dma_start3A_173 = arith.constant 0 : i32
    %dma_start3A_174 = arith.constant 0 : i32
    %dma_start3A_175 = arith.constant 0 : i32
    %dma_start3A_176 = arith.constant 0 : i32
    %dma_start3A_177 = arith.constant 0 : i32
    %dma_start3A_178 = tpu.memref_slice %arg9[%dma_start3A_174, %dma_start3A_176, %dma_start3A_177] : memref<2x128x128xf32, #tpu.memory_space<vmem>> -> memref<1x128x128xf32, #tpu.memory_space<vmem>>
    %dma_start3A_179 = tpu.memref_squeeze %dma_start3A_178 : memref<1x128x128xf32, #tpu.memory_space<vmem>> -> memref<128x128xf32, #tpu.memory_space<vmem>>
    %dma_start3A_180 = arith.constant 0 : i32
    %dma_start3A_181 = tpu.memref_slice %arg7[%dma_start3A_173, %dma_start3A_180] : memref<40x128xi32, #tpu.memory_space<vmem>> -> memref<1x128xi32, #tpu.memory_space<vmem>>
    %dma_start3A_182 = tpu.memref_squeeze %dma_start3A_181 : memref<1x128xi32, #tpu.memory_space<vmem>> -> memref<128xi32, #tpu.memory_space<vmem>>
    %dma_start3A_183 = arith.constant 0 : i32
    %dma_start3A_184 = arith.constant 0 : i32
    %dma_start3A_185 = tpu.memref_slice %arg2[%arg0, %dma_start3A_183, %dma_start3A_184] : memref<2x10240x128xf32, #tpu.memory_space<hbm>> -> memref<1x10240x128xf32, #tpu.memory_space<hbm>>
    %dma_start3A_186 = tpu.memref_squeeze %dma_start3A_185 : memref<1x10240x128xf32, #tpu.memory_space<hbm>> -> memref<10240x128xf32, #tpu.memory_space<hbm>>
    %dma_start3A_187 = arith.constant 0 : i32
    %dma_start3A_188 = arith.constant 0 : i32
    %dma_start3A_189 = tpu.memref_slice %dma_start3A_186[%dma_start3A_187, %dma_start3A_188] : memref<10240x128xf32, #tpu.memory_space<hbm>> -> memref<10240x128xf32, #tpu.memory_space<hbm>>
    %dma_start3A_190 = tpu.memref_slice %arg10[%dma_start3A_175] : memref<2x!tpu.dma_semaphore, #tpu.memory_space<semaphore_mem>> -> memref<1x!tpu.dma_semaphore, #tpu.memory_space<semaphore_mem>>
    %dma_start3A_191 = tpu.memref_squeeze %dma_start3A_190 : memref<1x!tpu.dma_semaphore, #tpu.memory_space<semaphore_mem>> -> memref<!tpu.dma_semaphore, #tpu.memory_space<semaphore_mem>>
    tpu.enqueue_indirect_dma source(%dma_start3A_189 : memref<10240x128xf32, #tpu.memory_space<hbm>>) target(%dma_start3A_179 : memref<128x128xf32, #tpu.memory_space<vmem>>) offsets(%dma_start3A_182 : memref<128xi32, #tpu.memory_space<vmem>>) semaphore(%dma_start3A_191 : memref<!tpu.dma_semaphore, #tpu.memory_space<semaphore_mem>>)
    %dma_start3A_192 = arith.constant 1 : i32
    %dma_start3A_193 = arith.constant 1 : i32
    %dma_start3A_194 = arith.constant 1 : i32
    %dma_start3A_195 = arith.constant 0 : i32
    %dma_start3A_196 = arith.constant 0 : i32
    %dma_start3A_197 = tpu.memref_slice %arg9[%dma_start3A_193, %dma_start3A_195, %dma_start3A_196] : memref<2x128x128xf32, #tpu.memory_space<vmem>> -> memref<1x128x128xf32, #tpu.memory_space<vmem>>
    %dma_start3A_198 = tpu.memref_squeeze %dma_start3A_197 : memref<1x128x128xf32, #tpu.memory_space<vmem>> -> memref<128x128xf32, #tpu.memory_space<vmem>>
    %dma_start3A_199 = arith.constant 0 : i32
    %dma_start3A_200 = tpu.memref_slice %arg7[%dma_start3A_192, %dma_start3A_199] : memref<40x128xi32, #tpu.memory_space<vmem>> -> memref<1x128xi32, #tpu.memory_space<vmem>>
    %dma_start3A_201 = tpu.memref_squeeze %dma_start3A_200 : memref<1x128xi32, #tpu.memory_space<vmem>> -> memref<128xi32, #tpu.memory_space<vmem>>
    %dma_start3A_202 = arith.constant 0 : i32
    %dma_start3A_203 = arith.constant 0 : i32
    %dma_start3A_204 = tpu.memref_slice %arg2[%arg0, %dma_start3A_202, %dma_start3A_203] : memref<2x10240x128xf32, #tpu.memory_space<hbm>> -> memref<1x10240x128xf32, #tpu.memory_space<hbm>>
    %dma_start3A_205 = tpu.memref_squeeze %dma_start3A_204 : memref<1x10240x128xf32, #tpu.memory_space<hbm>> -> memref<10240x128xf32, #tpu.memory_space<hbm>>
    %dma_start3A_206 = arith.constant 0 : i32
    %dma_start3A_207 = arith.constant 0 : i32
    %dma_start3A_208 = tpu.memref_slice %dma_start3A_205[%dma_start3A_206, %dma_start3A_207] : memref<10240x128xf32, #tpu.memory_space<hbm>> -> memref<10240x128xf32, #tpu.memory_space<hbm>>
    %dma_start3A_209 = tpu.memref_slice %arg10[%dma_start3A_194] : memref<2x!tpu.dma_semaphore, #tpu.memory_space<semaphore_mem>> -> memref<1x!tpu.dma_semaphore, #tpu.memory_space<semaphore_mem>>
    %dma_start3A_210 = tpu.memref_squeeze %dma_start3A_209 : memref<1x!tpu.dma_semaphore, #tpu.memory_space<semaphore_mem>> -> memref<!tpu.dma_semaphore, #tpu.memory_space<semaphore_mem>>
    tpu.enqueue_indirect_dma source(%dma_start3A_208 : memref<10240x128xf32, #tpu.memory_space<hbm>>) target(%dma_start3A_198 : memref<128x128xf32, #tpu.memory_space<vmem>>) offsets(%dma_start3A_201 : memref<128xi32, #tpu.memory_space<vmem>>) semaphore(%dma_start3A_210 : memref<!tpu.dma_semaphore, #tpu.memory_space<semaphore_mem>>)
    %scan3A_211 = arith.constant 0 : i32
    %scan3A_212 = arith.constant 19 : i32
    %scan3A_213 = arith.addi %scan3A_211, %scan3A_212 : i32
    %scan3A_214 = arith.constant 1 : i32
    scf.for %scan3A_345 = %scan3A_211 to %scan3A_213 step %scan3A_214  : i32 {
      %mul3A_346 = arith.constant 1 : i32
      %mul3A_347 = arith.muli %scan3A_345, %mul3A_346 : i32
      %add3A_348 = arith.constant 0 : i32
      %add3A_349 = arith.addi %add3A_348, %mul3A_347 : i32
      %mul3A_350 = arith.constant 2 : i32
      %mul3A_351 = arith.muli %add3A_349, %mul3A_350 : i32
      %add3A_352 = arith.constant 0 : i32
      %add3A_353 = arith.addi %mul3A_351, %add3A_352 : i32
      %dma_wait3A_354 = arith.constant 0 : i32
      %dma_wait3A_355 = arith.constant 0 : i32
      %dma_wait3A_356 = arith.constant 0 : i32
      %dma_wait3A_357 = arith.constant 0 : i32
      %dma_wait3A_358 = tpu.memref_slice %arg9[%dma_wait3A_354, %dma_wait3A_356, %dma_wait3A_357] : memref<2x128x128xf32, #tpu.memory_space<vmem>> -> memref<1x128x128xf32, #tpu.memory_space<vmem>>
      %dma_wait3A_359 = tpu.memref_squeeze %dma_wait3A_358 : memref<1x128x128xf32, #tpu.memory_space<vmem>> -> memref<128x128xf32, #tpu.memory_space<vmem>>
      %dma_wait3A_360 = arith.constant 0 : i32
      %dma_wait3A_361 = tpu.memref_slice %arg7[%add3A_353, %dma_wait3A_360] : memref<40x128xi32, #tpu.memory_space<vmem>> -> memref<1x128xi32, #tpu.memory_space<vmem>>
      %dma_wait3A_362 = tpu.memref_squeeze %dma_wait3A_361 : memref<1x128xi32, #tpu.memory_space<vmem>> -> memref<128xi32, #tpu.memory_space<vmem>>
      %dma_wait3A_363 = arith.constant 0 : i32
      %dma_wait3A_364 = arith.constant 0 : i32
      %dma_wait3A_365 = tpu.memref_slice %arg2[%arg0, %dma_wait3A_363, %dma_wait3A_364] : memref<2x10240x128xf32, #tpu.memory_space<hbm>> -> memref<1x10240x128xf32, #tpu.memory_space<hbm>>
      %dma_wait3A_366 = tpu.memref_squeeze %dma_wait3A_365 : memref<1x10240x128xf32, #tpu.memory_space<hbm>> -> memref<10240x128xf32, #tpu.memory_space<hbm>>
      %dma_wait3A_367 = arith.constant 0 : i32
      %dma_wait3A_368 = arith.constant 0 : i32
      %dma_wait3A_369 = tpu.memref_slice %dma_wait3A_366[%dma_wait3A_367, %dma_wait3A_368] : memref<10240x128xf32, #tpu.memory_space<hbm>> -> memref<10240x128xf32, #tpu.memory_space<hbm>>
      %dma_wait3A_370 = tpu.memref_slice %arg10[%dma_wait3A_355] : memref<2x!tpu.dma_semaphore, #tpu.memory_space<semaphore_mem>> -> memref<1x!tpu.dma_semaphore, #tpu.memory_space<semaphore_mem>>
      %dma_wait3A_371 = tpu.memref_squeeze %dma_wait3A_370 : memref<1x!tpu.dma_semaphore, #tpu.memory_space<semaphore_mem>> -> memref<!tpu.dma_semaphore, #tpu.memory_space<semaphore_mem>>
      tpu.wait_indirect_dma semaphore(%dma_wait3A_371 : memref<!tpu.dma_semaphore, #tpu.memory_space<semaphore_mem>>) src(%dma_wait3A_369 : memref<10240x128xf32, #tpu.memory_space<hbm>>) dst(%dma_wait3A_359 : memref<128x128xf32, #tpu.memory_space<vmem>>)
      %add3A_372 = arith.constant 0 : i32
      %add3A_373 = arith.addi %mul3A_351, %add3A_372 : i32
      %dma_start3A_374 = arith.constant 0 : i32
      %dma_start3A_375 = arith.constant 0 : i32
      %dma_start3A_376 = arith.constant 0 : i32
      %dma_start3A_377 = arith.constant 0 : i32
      %dma_start3A_378 = tpu.memref_slice %arg9[%dma_start3A_374, %dma_start3A_376, %dma_start3A_377] : memref<2x128x128xf32, #tpu.memory_space<vmem>> -> memref<1x128x128xf32, #tpu.memory_space<vmem>>
      %dma_start3A_379 = tpu.memref_squeeze %dma_start3A_378 : memref<1x128x128xf32, #tpu.memory_space<vmem>> -> memref<128x128xf32, #tpu.memory_space<vmem>>
      %dma_start3A_380 = arith.constant 0 : i32
      %dma_start3A_381 = tpu.memref_slice %arg8[%add3A_373, %dma_start3A_380] : memref<40x128xi32, #tpu.memory_space<vmem>> -> memref<1x128xi32, #tpu.memory_space<vmem>>
      %dma_start3A_382 = tpu.memref_squeeze %dma_start3A_381 : memref<1x128xi32, #tpu.memory_space<vmem>> -> memref<128xi32, #tpu.memory_space<vmem>>
      %dma_start3A_383 = arith.constant 0 : i32
      %dma_start3A_384 = arith.constant 0 : i32
      %dma_start3A_385 = tpu.memref_slice %arg6[%dma_start3A_383, %dma_start3A_384] : memref<10240x128xf32, #tpu.memory_space<vmem_shared>> -> memref<10240x128xf32, #tpu.memory_space<vmem_shared>>
      %dma_start3A_386 = tpu.memref_slice %arg11[%dma_start3A_375] : memref<2x!tpu.dma_semaphore, #tpu.memory_space<semaphore_mem>> -> memref<1x!tpu.dma_semaphore, #tpu.memory_space<semaphore_mem>>
      %dma_start3A_387 = tpu.memref_squeeze %dma_start3A_386 : memref<1x!tpu.dma_semaphore, #tpu.memory_space<semaphore_mem>> -> memref<!tpu.dma_semaphore, #tpu.memory_space<semaphore_mem>>
      tpu.enqueue_indirect_dma source(%dma_start3A_379 : memref<128x128xf32, #tpu.memory_space<vmem>>) target(%dma_start3A_385 : memref<10240x128xf32, #tpu.memory_space<vmem_shared>>) offsets(%dma_start3A_382 : memref<128xi32, #tpu.memory_space<vmem>>) semaphore(%dma_start3A_387 : memref<!tpu.dma_semaphore, #tpu.memory_space<semaphore_mem>>) {add = true}
      %add3A_388 = arith.constant 1 : i32
      %add3A_389 = arith.addi %mul3A_351, %add3A_388 : i32
      %dma_wait3A_390 = arith.constant 1 : i32
      %dma_wait3A_391 = arith.constant 1 : i32
      %dma_wait3A_392 = arith.constant 0 : i32
      %dma_wait3A_393 = arith.constant 0 : i32
      %dma_wait3A_394 = tpu.memref_slice %arg9[%dma_wait3A_390, %dma_wait3A_392, %dma_wait3A_393] : memref<2x128x128xf32, #tpu.memory_space<vmem>> -> memref<1x128x128xf32, #tpu.memory_space<vmem>>
      %dma_wait3A_395 = tpu.memref_squeeze %dma_wait3A_394 : memref<1x128x128xf32, #tpu.memory_space<vmem>> -> memref<128x128xf32, #tpu.memory_space<vmem>>
      %dma_wait3A_396 = arith.constant 0 : i32
      %dma_wait3A_397 = tpu.memref_slice %arg7[%add3A_389, %dma_wait3A_396] : memref<40x128xi32, #tpu.memory_space<vmem>> -> memref<1x128xi32, #tpu.memory_space<vmem>>
      %dma_wait3A_398 = tpu.memref_squeeze %dma_wait3A_397 : memref<1x128xi32, #tpu.memory_space<vmem>> -> memref<128xi32, #tpu.memory_space<vmem>>
      %dma_wait3A_399 = arith.constant 0 : i32
      %dma_wait3A_400 = arith.constant 0 : i32
      %dma_wait3A_401 = tpu.memref_slice %arg2[%arg0, %dma_wait3A_399, %dma_wait3A_400] : memref<2x10240x128xf32, #tpu.memory_space<hbm>> -> memref<1x10240x128xf32, #tpu.memory_space<hbm>>
      %dma_wait3A_402 = tpu.memref_squeeze %dma_wait3A_401 : memref<1x10240x128xf32, #tpu.memory_space<hbm>> -> memref<10240x128xf32, #tpu.memory_space<hbm>>
      %dma_wait3A_403 = arith.constant 0 : i32
      %dma_wait3A_404 = arith.constant 0 : i32
      %dma_wait3A_405 = tpu.memref_slice %dma_wait3A_402[%dma_wait3A_403, %dma_wait3A_404] : memref<10240x128xf32, #tpu.memory_space<hbm>> -> memref<10240x128xf32, #tpu.memory_space<hbm>>
      %dma_wait3A_406 = tpu.memref_slice %arg10[%dma_wait3A_391] : memref<2x!tpu.dma_semaphore, #tpu.memory_space<semaphore_mem>> -> memref<1x!tpu.dma_semaphore, #tpu.memory_space<semaphore_mem>>
      %dma_wait3A_407 = tpu.memref_squeeze %dma_wait3A_406 : memref<1x!tpu.dma_semaphore, #tpu.memory_space<semaphore_mem>> -> memref<!tpu.dma_semaphore, #tpu.memory_space<semaphore_mem>>
      tpu.wait_indirect_dma semaphore(%dma_wait3A_407 : memref<!tpu.dma_semaphore, #tpu.memory_space<semaphore_mem>>) src(%dma_wait3A_405 : memref<10240x128xf32, #tpu.memory_space<hbm>>) dst(%dma_wait3A_395 : memref<128x128xf32, #tpu.memory_space<vmem>>)
      %add3A_408 = arith.constant 1 : i32
      %add3A_409 = arith.addi %mul3A_351, %add3A_408 : i32
      %dma_start3A_410 = arith.constant 1 : i32
      %dma_start3A_411 = arith.constant 1 : i32
      %dma_start3A_412 = arith.constant 0 : i32
      %dma_start3A_413 = arith.constant 0 : i32
      %dma_start3A_414 = tpu.memref_slice %arg9[%dma_start3A_410, %dma_start3A_412, %dma_start3A_413] : memref<2x128x128xf32, #tpu.memory_space<vmem>> -> memref<1x128x128xf32, #tpu.memory_space<vmem>>
      %dma_start3A_415 = tpu.memref_squeeze %dma_start3A_414 : memref<1x128x128xf32, #tpu.memory_space<vmem>> -> memref<128x128xf32, #tpu.memory_space<vmem>>
      %dma_start3A_416 = arith.constant 0 : i32
      %dma_start3A_417 = tpu.memref_slice %arg8[%add3A_409, %dma_start3A_416] : memref<40x128xi32, #tpu.memory_space<vmem>> -> memref<1x128xi32, #tpu.memory_space<vmem>>
      %dma_start3A_418 = tpu.memref_squeeze %dma_start3A_417 : memref<1x128xi32, #tpu.memory_space<vmem>> -> memref<128xi32, #tpu.memory_space<vmem>>
      %dma_start3A_419 = arith.constant 0 : i32
      %dma_start3A_420 = arith.constant 0 : i32
      %dma_start3A_421 = tpu.memref_slice %arg6[%dma_start3A_419, %dma_start3A_420] : memref<10240x128xf32, #tpu.memory_space<vmem_shared>> -> memref<10240x128xf32, #tpu.memory_space<vmem_shared>>
      %dma_start3A_422 = tpu.memref_slice %arg11[%dma_start3A_411] : memref<2x!tpu.dma_semaphore, #tpu.memory_space<semaphore_mem>> -> memref<1x!tpu.dma_semaphore, #tpu.memory_space<semaphore_mem>>
      %dma_start3A_423 = tpu.memref_squeeze %dma_start3A_422 : memref<1x!tpu.dma_semaphore, #tpu.memory_space<semaphore_mem>> -> memref<!tpu.dma_semaphore, #tpu.memory_space<semaphore_mem>>
      tpu.enqueue_indirect_dma source(%dma_start3A_415 : memref<128x128xf32, #tpu.memory_space<vmem>>) target(%dma_start3A_421 : memref<10240x128xf32, #tpu.memory_space<vmem_shared>>) offsets(%dma_start3A_418 : memref<128xi32, #tpu.memory_space<vmem>>) semaphore(%dma_start3A_423 : memref<!tpu.dma_semaphore, #tpu.memory_space<semaphore_mem>>) {add = true}
      %add3A_424 = arith.constant 0 : i32
      %add3A_425 = arith.addi %mul3A_351, %add3A_424 : i32
      %dma_wait3A_426 = arith.constant 0 : i32
      %dma_wait3A_427 = arith.constant 0 : i32
      %dma_wait3A_428 = arith.constant 0 : i32
      %dma_wait3A_429 = arith.constant 0 : i32
      %dma_wait3A_430 = tpu.memref_slice %arg9[%dma_wait3A_426, %dma_wait3A_428, %dma_wait3A_429] : memref<2x128x128xf32, #tpu.memory_space<vmem>> -> memref<1x128x128xf32, #tpu.memory_space<vmem>>
      %dma_wait3A_431 = tpu.memref_squeeze %dma_wait3A_430 : memref<1x128x128xf32, #tpu.memory_space<vmem>> -> memref<128x128xf32, #tpu.memory_space<vmem>>
      %dma_wait3A_432 = arith.constant 0 : i32
      %dma_wait3A_433 = tpu.memref_slice %arg8[%add3A_425, %dma_wait3A_432] : memref<40x128xi32, #tpu.memory_space<vmem>> -> memref<1x128xi32, #tpu.memory_space<vmem>>
      %dma_wait3A_434 = tpu.memref_squeeze %dma_wait3A_433 : memref<1x128xi32, #tpu.memory_space<vmem>> -> memref<128xi32, #tpu.memory_space<vmem>>
      %dma_wait3A_435 = arith.constant 0 : i32
      %dma_wait3A_436 = arith.constant 0 : i32
      %dma_wait3A_437 = tpu.memref_slice %arg6[%dma_wait3A_435, %dma_wait3A_436] : memref<10240x128xf32, #tpu.memory_space<vmem_shared>> -> memref<10240x128xf32, #tpu.memory_space<vmem_shared>>
      %dma_wait3A_438 = tpu.memref_slice %arg11[%dma_wait3A_427] : memref<2x!tpu.dma_semaphore, #tpu.memory_space<semaphore_mem>> -> memref<1x!tpu.dma_semaphore, #tpu.memory_space<semaphore_mem>>
      %dma_wait3A_439 = tpu.memref_squeeze %dma_wait3A_438 : memref<1x!tpu.dma_semaphore, #tpu.memory_space<semaphore_mem>> -> memref<!tpu.dma_semaphore, #tpu.memory_space<semaphore_mem>>
      tpu.wait_indirect_dma semaphore(%dma_wait3A_439 : memref<!tpu.dma_semaphore, #tpu.memory_space<semaphore_mem>>) src(%dma_wait3A_431 : memref<128x128xf32, #tpu.memory_space<vmem>>) dst(%dma_wait3A_437 : memref<10240x128xf32, #tpu.memory_space<vmem_shared>>)
      %add3A_440 = arith.constant 2 : i32
      %add3A_441 = arith.addi %mul3A_351, %add3A_440 : i32
      %add3A_442 = arith.constant 0 : i32
      %add3A_443 = arith.addi %add3A_441, %add3A_442 : i32
      %dma_start3A_444 = arith.constant 0 : i32
      %dma_start3A_445 = arith.constant 0 : i32
      %dma_start3A_446 = arith.constant 0 : i32
      %dma_start3A_447 = arith.constant 0 : i32
      %dma_start3A_448 = tpu.memref_slice %arg9[%dma_start3A_444, %dma_start3A_446, %dma_start3A_447] : memref<2x128x128xf32, #tpu.memory_space<vmem>> -> memref<1x128x128xf32, #tpu.memory_space<vmem>>
      %dma_start3A_449 = tpu.memref_squeeze %dma_start3A_448 : memref<1x128x128xf32, #tpu.memory_space<vmem>> -> memref<128x128xf32, #tpu.memory_space<vmem>>
      %dma_start3A_450 = arith.constant 0 : i32
      %dma_start3A_451 = tpu.memref_slice %arg7[%add3A_443, %dma_start3A_450] : memref<40x128xi32, #tpu.memory_space<vmem>> -> memref<1x128xi32, #tpu.memory_space<vmem>>
      %dma_start3A_452 = tpu.memref_squeeze %dma_start3A_451 : memref<1x128xi32, #tpu.memory_space<vmem>> -> memref<128xi32, #tpu.memory_space<vmem>>
      %dma_start3A_453 = arith.constant 0 : i32
      %dma_start3A_454 = arith.constant 0 : i32
      %dma_start3A_455 = tpu.memref_slice %arg2[%arg0, %dma_start3A_453, %dma_start3A_454] : memref<2x10240x128xf32, #tpu.memory_space<hbm>> -> memref<1x10240x128xf32, #tpu.memory_space<hbm>>
      %dma_start3A_456 = tpu.memref_squeeze %dma_start3A_455 : memref<1x10240x128xf32, #tpu.memory_space<hbm>> -> memref<10240x128xf32, #tpu.memory_space<hbm>>
      %dma_start3A_457 = arith.constant 0 : i32
      %dma_start3A_458 = arith.constant 0 : i32
      %dma_start3A_459 = tpu.memref_slice %dma_start3A_456[%dma_start3A_457, %dma_start3A_458] : memref<10240x128xf32, #tpu.memory_space<hbm>> -> memref<10240x128xf32, #tpu.memory_space<hbm>>
      %dma_start3A_460 = tpu.memref_slice %arg10[%dma_start3A_445] : memref<2x!tpu.dma_semaphore, #tpu.memory_space<semaphore_mem>> -> memref<1x!tpu.dma_semaphore, #tpu.memory_space<semaphore_mem>>
      %dma_start3A_461 = tpu.memref_squeeze %dma_start3A_460 : memref<1x!tpu.dma_semaphore, #tpu.memory_space<semaphore_mem>> -> memref<!tpu.dma_semaphore, #tpu.memory_space<semaphore_mem>>
      tpu.enqueue_indirect_dma source(%dma_start3A_459 : memref<10240x128xf32, #tpu.memory_space<hbm>>) target(%dma_start3A_449 : memref<128x128xf32, #tpu.memory_space<vmem>>) offsets(%dma_start3A_452 : memref<128xi32, #tpu.memory_space<vmem>>) semaphore(%dma_start3A_461 : memref<!tpu.dma_semaphore, #tpu.memory_space<semaphore_mem>>)
      %add3A_462 = arith.constant 1 : i32
      %add3A_463 = arith.addi %mul3A_351, %add3A_462 : i32
      %dma_wait3A_464 = arith.constant 1 : i32
      %dma_wait3A_465 = arith.constant 1 : i32
      %dma_wait3A_466 = arith.constant 0 : i32
      %dma_wait3A_467 = arith.constant 0 : i32
      %dma_wait3A_468 = tpu.memref_slice %arg9[%dma_wait3A_464, %dma_wait3A_466, %dma_wait3A_467] : memref<2x128x128xf32, #tpu.memory_space<vmem>> -> memref<1x128x128xf32, #tpu.memory_space<vmem>>
      %dma_wait3A_469 = tpu.memref_squeeze %dma_wait3A_468 : memref<1x128x128xf32, #tpu.memory_space<vmem>> -> memref<128x128xf32, #tpu.memory_space<vmem>>
      %dma_wait3A_470 = arith.constant 0 : i32
      %dma_wait3A_471 = tpu.memref_slice %arg8[%add3A_463, %dma_wait3A_470] : memref<40x128xi32, #tpu.memory_space<vmem>> -> memref<1x128xi32, #tpu.memory_space<vmem>>
      %dma_wait3A_472 = tpu.memref_squeeze %dma_wait3A_471 : memref<1x128xi32, #tpu.memory_space<vmem>> -> memref<128xi32, #tpu.memory_space<vmem>>
      %dma_wait3A_473 = arith.constant 0 : i32
      %dma_wait3A_474 = arith.constant 0 : i32
      %dma_wait3A_475 = tpu.memref_slice %arg6[%dma_wait3A_473, %dma_wait3A_474] : memref<10240x128xf32, #tpu.memory_space<vmem_shared>> -> memref<10240x128xf32, #tpu.memory_space<vmem_shared>>
      %dma_wait3A_476 = tpu.memref_slice %arg11[%dma_wait3A_465] : memref<2x!tpu.dma_semaphore, #tpu.memory_space<semaphore_mem>> -> memref<1x!tpu.dma_semaphore, #tpu.memory_space<semaphore_mem>>
      %dma_wait3A_477 = tpu.memref_squeeze %dma_wait3A_476 : memref<1x!tpu.dma_semaphore, #tpu.memory_space<semaphore_mem>> -> memref<!tpu.dma_semaphore, #tpu.memory_space<semaphore_mem>>
      tpu.wait_indirect_dma semaphore(%dma_wait3A_477 : memref<!tpu.dma_semaphore, #tpu.memory_space<semaphore_mem>>) src(%dma_wait3A_469 : memref<128x128xf32, #tpu.memory_space<vmem>>) dst(%dma_wait3A_475 : memref<10240x128xf32, #tpu.memory_space<vmem_shared>>)
      %add3A_478 = arith.constant 2 : i32
      %add3A_479 = arith.addi %mul3A_351, %add3A_478 : i32
      %add3A_480 = arith.constant 1 : i32
      %add3A_481 = arith.addi %add3A_479, %add3A_480 : i32
      %dma_start3A_482 = arith.constant 1 : i32
      %dma_start3A_483 = arith.constant 1 : i32
      %dma_start3A_484 = arith.constant 0 : i32
      %dma_start3A_485 = arith.constant 0 : i32
      %dma_start3A_486 = tpu.memref_slice %arg9[%dma_start3A_482, %dma_start3A_484, %dma_start3A_485] : memref<2x128x128xf32, #tpu.memory_space<vmem>> -> memref<1x128x128xf32, #tpu.memory_space<vmem>>
      %dma_start3A_487 = tpu.memref_squeeze %dma_start3A_486 : memref<1x128x128xf32, #tpu.memory_space<vmem>> -> memref<128x128xf32, #tpu.memory_space<vmem>>
      %dma_start3A_488 = arith.constant 0 : i32
      %dma_start3A_489 = tpu.memref_slice %arg7[%add3A_481, %dma_start3A_488] : memref<40x128xi32, #tpu.memory_space<vmem>> -> memref<1x128xi32, #tpu.memory_space<vmem>>
      %dma_start3A_490 = tpu.memref_squeeze %dma_start3A_489 : memref<1x128xi32, #tpu.memory_space<vmem>> -> memref<128xi32, #tpu.memory_space<vmem>>
      %dma_start3A_491 = arith.constant 0 : i32
      %dma_start3A_492 = arith.constant 0 : i32
      %dma_start3A_493 = tpu.memref_slice %arg2[%arg0, %dma_start3A_491, %dma_start3A_492] : memref<2x10240x128xf32, #tpu.memory_space<hbm>> -> memref<1x10240x128xf32, #tpu.memory_space<hbm>>
      %dma_start3A_494 = tpu.memref_squeeze %dma_start3A_493 : memref<1x10240x128xf32, #tpu.memory_space<hbm>> -> memref<10240x128xf32, #tpu.memory_space<hbm>>
      %dma_start3A_495 = arith.constant 0 : i32
      %dma_start3A_496 = arith.constant 0 : i32
      %dma_start3A_497 = tpu.memref_slice %dma_start3A_494[%dma_start3A_495, %dma_start3A_496] : memref<10240x128xf32, #tpu.memory_space<hbm>> -> memref<10240x128xf32, #tpu.memory_space<hbm>>
      %dma_start3A_498 = tpu.memref_slice %arg10[%dma_start3A_483] : memref<2x!tpu.dma_semaphore, #tpu.memory_space<semaphore_mem>> -> memref<1x!tpu.dma_semaphore, #tpu.memory_space<semaphore_mem>>
      %dma_start3A_499 = tpu.memref_squeeze %dma_start3A_498 : memref<1x!tpu.dma_semaphore, #tpu.memory_space<semaphore_mem>> -> memref<!tpu.dma_semaphore, #tpu.memory_space<semaphore_mem>>
      tpu.enqueue_indirect_dma source(%dma_start3A_497 : memref<10240x128xf32, #tpu.memory_space<hbm>>) target(%dma_start3A_487 : memref<128x128xf32, #tpu.memory_space<vmem>>) offsets(%dma_start3A_490 : memref<128xi32, #tpu.memory_space<vmem>>) semaphore(%dma_start3A_499 : memref<!tpu.dma_semaphore, #tpu.memory_space<semaphore_mem>>)
    }
    %scan3A_215 = arith.constant 19 : i32
    %dma_wait3A_216 = arith.constant 38 : i32
    %dma_wait3A_217 = arith.constant 0 : i32
    %dma_wait3A_218 = arith.constant 0 : i32
    %dma_wait3A_219 = arith.constant 0 : i32
    %dma_wait3A_220 = arith.constant 0 : i32
    %dma_wait3A_221 = tpu.memref_slice %arg9[%dma_wait3A_217, %dma_wait3A_219, %dma_wait3A_220] : memref<2x128x128xf32, #tpu.memory_space<vmem>> -> memref<1x128x128xf32, #tpu.memory_space<vmem>>
    %dma_wait3A_222 = tpu.memref_squeeze %dma_wait3A_221 : memref<1x128x128xf32, #tpu.memory_space<vmem>> -> memref<128x128xf32, #tpu.memory_space<vmem>>
    %dma_wait3A_223 = arith.constant 0 : i32
    %dma_wait3A_224 = tpu.memref_slice %arg7[%dma_wait3A_216, %dma_wait3A_223] : memref<40x128xi32, #tpu.memory_space<vmem>> -> memref<1x128xi32, #tpu.memory_space<vmem>>
    %dma_wait3A_225 = tpu.memref_squeeze %dma_wait3A_224 : memref<1x128xi32, #tpu.memory_space<vmem>> -> memref<128xi32, #tpu.memory_space<vmem>>
    %dma_wait3A_226 = arith.constant 0 : i32
    %dma_wait3A_227 = arith.constant 0 : i32
    %dma_wait3A_228 = tpu.memref_slice %arg2[%arg0, %dma_wait3A_226, %dma_wait3A_227] : memref<2x10240x128xf32, #tpu.memory_space<hbm>> -> memref<1x10240x128xf32, #tpu.memory_space<hbm>>
    %dma_wait3A_229 = tpu.memref_squeeze %dma_wait3A_228 : memref<1x10240x128xf32, #tpu.memory_space<hbm>> -> memref<10240x128xf32, #tpu.memory_space<hbm>>
    %dma_wait3A_230 = arith.constant 0 : i32
    %dma_wait3A_231 = arith.constant 0 : i32
    %dma_wait3A_232 = tpu.memref_slice %dma_wait3A_229[%dma_wait3A_230, %dma_wait3A_231] : memref<10240x128xf32, #tpu.memory_space<hbm>> -> memref<10240x128xf32, #tpu.memory_space<hbm>>
    %dma_wait3A_233 = tpu.memref_slice %arg10[%dma_wait3A_218] : memref<2x!tpu.dma_semaphore, #tpu.memory_space<semaphore_mem>> -> memref<1x!tpu.dma_semaphore, #tpu.memory_space<semaphore_mem>>
    %dma_wait3A_234 = tpu.memref_squeeze %dma_wait3A_233 : memref<1x!tpu.dma_semaphore, #tpu.memory_space<semaphore_mem>> -> memref<!tpu.dma_semaphore, #tpu.memory_space<semaphore_mem>>
    tpu.wait_indirect_dma semaphore(%dma_wait3A_234 : memref<!tpu.dma_semaphore, #tpu.memory_space<semaphore_mem>>) src(%dma_wait3A_232 : memref<10240x128xf32, #tpu.memory_space<hbm>>) dst(%dma_wait3A_222 : memref<128x128xf32, #tpu.memory_space<vmem>>)
    %dma_start3A_235 = arith.constant 0 : i32
    %dma_start3A_236 = arith.constant 38 : i32
    %dma_start3A_237 = arith.constant 0 : i32
    %dma_start3A_238 = arith.constant 0 : i32
    %dma_start3A_239 = arith.constant 0 : i32
    %dma_start3A_240 = tpu.memref_slice %arg9[%dma_start3A_235, %dma_start3A_238, %dma_start3A_239] : memref<2x128x128xf32, #tpu.memory_space<vmem>> -> memref<1x128x128xf32, #tpu.memory_space<vmem>>
    %dma_start3A_241 = tpu.memref_squeeze %dma_start3A_240 : memref<1x128x128xf32, #tpu.memory_space<vmem>> -> memref<128x128xf32, #tpu.memory_space<vmem>>
    %dma_start3A_242 = arith.constant 0 : i32
    %dma_start3A_243 = tpu.memref_slice %arg8[%dma_start3A_236, %dma_start3A_242] : memref<40x128xi32, #tpu.memory_space<vmem>> -> memref<1x128xi32, #tpu.memory_space<vmem>>
    %dma_start3A_244 = tpu.memref_squeeze %dma_start3A_243 : memref<1x128xi32, #tpu.memory_space<vmem>> -> memref<128xi32, #tpu.memory_space<vmem>>
    %dma_start3A_245 = arith.constant 0 : i32
    %dma_start3A_246 = arith.constant 0 : i32
    %dma_start3A_247 = tpu.memref_slice %arg6[%dma_start3A_245, %dma_start3A_246] : memref<10240x128xf32, #tpu.memory_space<vmem_shared>> -> memref<10240x128xf32, #tpu.memory_space<vmem_shared>>
    %dma_start3A_248 = tpu.memref_slice %arg11[%dma_start3A_237] : memref<2x!tpu.dma_semaphore, #tpu.memory_space<semaphore_mem>> -> memref<1x!tpu.dma_semaphore, #tpu.memory_space<semaphore_mem>>
    %dma_start3A_249 = tpu.memref_squeeze %dma_start3A_248 : memref<1x!tpu.dma_semaphore, #tpu.memory_space<semaphore_mem>> -> memref<!tpu.dma_semaphore, #tpu.memory_space<semaphore_mem>>
    tpu.enqueue_indirect_dma source(%dma_start3A_241 : memref<128x128xf32, #tpu.memory_space<vmem>>) target(%dma_start3A_247 : memref<10240x128xf32, #tpu.memory_space<vmem_shared>>) offsets(%dma_start3A_244 : memref<128xi32, #tpu.memory_space<vmem>>) semaphore(%dma_start3A_249 : memref<!tpu.dma_semaphore, #tpu.memory_space<semaphore_mem>>) {add = true}
    %dma_wait3A_250 = arith.constant 39 : i32
    %dma_wait3A_251 = arith.constant 1 : i32
    %dma_wait3A_252 = arith.constant 1 : i32
    %dma_wait3A_253 = arith.constant 0 : i32
    %dma_wait3A_254 = arith.constant 0 : i32
    %dma_wait3A_255 = tpu.memref_slice %arg9[%dma_wait3A_251, %dma_wait3A_253, %dma_wait3A_254] : memref<2x128x128xf32, #tpu.memory_space<vmem>> -> memref<1x128x128xf32, #tpu.memory_space<vmem>>
    %dma_wait3A_256 = tpu.memref_squeeze %dma_wait3A_255 : memref<1x128x128xf32, #tpu.memory_space<vmem>> -> memref<128x128xf32, #tpu.memory_space<vmem>>
    %dma_wait3A_257 = arith.constant 0 : i32
    %dma_wait3A_258 = tpu.memref_slice %arg7[%dma_wait3A_250, %dma_wait3A_257] : memref<40x128xi32, #tpu.memory_space<vmem>> -> memref<1x128xi32, #tpu.memory_space<vmem>>
    %dma_wait3A_259 = tpu.memref_squeeze %dma_wait3A_258 : memref<1x128xi32, #tpu.memory_space<vmem>> -> memref<128xi32, #tpu.memory_space<vmem>>
    %dma_wait3A_260 = arith.constant 0 : i32
    %dma_wait3A_261 = arith.constant 0 : i32
    %dma_wait3A_262 = tpu.memref_slice %arg2[%arg0, %dma_wait3A_260, %dma_wait3A_261] : memref<2x10240x128xf32, #tpu.memory_space<hbm>> -> memref<1x10240x128xf32, #tpu.memory_space<hbm>>
    %dma_wait3A_263 = tpu.memref_squeeze %dma_wait3A_262 : memref<1x10240x128xf32, #tpu.memory_space<hbm>> -> memref<10240x128xf32, #tpu.memory_space<hbm>>
    %dma_wait3A_264 = arith.constant 0 : i32
    %dma_wait3A_265 = arith.constant 0 : i32
    %dma_wait3A_266 = tpu.memref_slice %dma_wait3A_263[%dma_wait3A_264, %dma_wait3A_265] : memref<10240x128xf32, #tpu.memory_space<hbm>> -> memref<10240x128xf32, #tpu.memory_space<hbm>>
    %dma_wait3A_267 = tpu.memref_slice %arg10[%dma_wait3A_252] : memref<2x!tpu.dma_semaphore, #tpu.memory_space<semaphore_mem>> -> memref<1x!tpu.dma_semaphore, #tpu.memory_space<semaphore_mem>>
    %dma_wait3A_268 = tpu.memref_squeeze %dma_wait3A_267 : memref<1x!tpu.dma_semaphore, #tpu.memory_space<semaphore_mem>> -> memref<!tpu.dma_semaphore, #tpu.memory_space<semaphore_mem>>
    tpu.wait_indirect_dma semaphore(%dma_wait3A_268 : memref<!tpu.dma_semaphore, #tpu.memory_space<semaphore_mem>>) src(%dma_wait3A_266 : memref<10240x128xf32, #tpu.memory_space<hbm>>) dst(%dma_wait3A_256 : memref<128x128xf32, #tpu.memory_space<vmem>>)
    %dma_start3A_269 = arith.constant 1 : i32
    %dma_start3A_270 = arith.constant 39 : i32
    %dma_start3A_271 = arith.constant 1 : i32
    %dma_start3A_272 = arith.constant 0 : i32
    %dma_start3A_273 = arith.constant 0 : i32
    %dma_start3A_274 = tpu.memref_slice %arg9[%dma_start3A_269, %dma_start3A_272, %dma_start3A_273] : memref<2x128x128xf32, #tpu.memory_space<vmem>> -> memref<1x128x128xf32, #tpu.memory_space<vmem>>
    %dma_start3A_275 = tpu.memref_squeeze %dma_start3A_274 : memref<1x128x128xf32, #tpu.memory_space<vmem>> -> memref<128x128xf32, #tpu.memory_space<vmem>>
    %dma_start3A_276 = arith.constant 0 : i32
    %dma_start3A_277 = tpu.memref_slice %arg8[%dma_start3A_270, %dma_start3A_276] : memref<40x128xi32, #tpu.memory_space<vmem>> -> memref<1x128xi32, #tpu.memory_space<vmem>>
    %dma_start3A_278 = tpu.memref_squeeze %dma_start3A_277 : memref<1x128xi32, #tpu.memory_space<vmem>> -> memref<128xi32, #tpu.memory_space<vmem>>
    %dma_start3A_279 = arith.constant 0 : i32
    %dma_start3A_280 = arith.constant 0 : i32
    %dma_start3A_281 = tpu.memref_slice %arg6[%dma_start3A_279, %dma_start3A_280] : memref<10240x128xf32, #tpu.memory_space<vmem_shared>> -> memref<10240x128xf32, #tpu.memory_space<vmem_shared>>
    %dma_start3A_282 = tpu.memref_slice %arg11[%dma_start3A_271] : memref<2x!tpu.dma_semaphore, #tpu.memory_space<semaphore_mem>> -> memref<1x!tpu.dma_semaphore, #tpu.memory_space<semaphore_mem>>
    %dma_start3A_283 = tpu.memref_squeeze %dma_start3A_282 : memref<1x!tpu.dma_semaphore, #tpu.memory_space<semaphore_mem>> -> memref<!tpu.dma_semaphore, #tpu.memory_space<semaphore_mem>>
    tpu.enqueue_indirect_dma source(%dma_start3A_275 : memref<128x128xf32, #tpu.memory_space<vmem>>) target(%dma_start3A_281 : memref<10240x128xf32, #tpu.memory_space<vmem_shared>>) offsets(%dma_start3A_278 : memref<128xi32, #tpu.memory_space<vmem>>) semaphore(%dma_start3A_283 : memref<!tpu.dma_semaphore, #tpu.memory_space<semaphore_mem>>) {add = true}
    %dma_wait3A_284 = arith.constant 0 : i32
    %dma_wait3A_285 = arith.constant 38 : i32
    %dma_wait3A_286 = arith.constant 0 : i32
    %dma_wait3A_287 = arith.constant 0 : i32
    %dma_wait3A_288 = arith.constant 0 : i32
    %dma_wait3A_289 = tpu.memref_slice %arg9[%dma_wait3A_284, %dma_wait3A_287, %dma_wait3A_288] : memref<2x128x128xf32, #tpu.memory_space<vmem>> -> memref<1x128x128xf32, #tpu.memory_space<vmem>>
    %dma_wait3A_290 = tpu.memref_squeeze %dma_wait3A_289 : memref<1x128x128xf32, #tpu.memory_space<vmem>> -> memref<128x128xf32, #tpu.memory_space<vmem>>
    %dma_wait3A_291 = arith.constant 0 : i32
    %dma_wait3A_292 = tpu.memref_slice %arg8[%dma_wait3A_285, %dma_wait3A_291] : memref<40x128xi32, #tpu.memory_space<vmem>> -> memref<1x128xi32, #tpu.memory_space<vmem>>
    %dma_wait3A_293 = tpu.memref_squeeze %dma_wait3A_292 : memref<1x128xi32, #tpu.memory_space<vmem>> -> memref<128xi32, #tpu.memory_space<vmem>>
    %dma_wait3A_294 = arith.constant 0 : i32
    %dma_wait3A_295 = arith.constant 0 : i32
    %dma_wait3A_296 = tpu.memref_slice %arg6[%dma_wait3A_294, %dma_wait3A_295] : memref<10240x128xf32, #tpu.memory_space<vmem_shared>> -> memref<10240x128xf32, #tpu.memory_space<vmem_shared>>
    %dma_wait3A_297 = tpu.memref_slice %arg11[%dma_wait3A_286] : memref<2x!tpu.dma_semaphore, #tpu.memory_space<semaphore_mem>> -> memref<1x!tpu.dma_semaphore, #tpu.memory_space<semaphore_mem>>
    %dma_wait3A_298 = tpu.memref_squeeze %dma_wait3A_297 : memref<1x!tpu.dma_semaphore, #tpu.memory_space<semaphore_mem>> -> memref<!tpu.dma_semaphore, #tpu.memory_space<semaphore_mem>>
    tpu.wait_indirect_dma semaphore(%dma_wait3A_298 : memref<!tpu.dma_semaphore, #tpu.memory_space<semaphore_mem>>) src(%dma_wait3A_290 : memref<128x128xf32, #tpu.memory_space<vmem>>) dst(%dma_wait3A_296 : memref<10240x128xf32, #tpu.memory_space<vmem_shared>>)
    %dma_wait3A_299 = arith.constant 1 : i32
    %dma_wait3A_300 = arith.constant 39 : i32
    %dma_wait3A_301 = arith.constant 1 : i32
    %dma_wait3A_302 = arith.constant 0 : i32
    %dma_wait3A_303 = arith.constant 0 : i32
    %dma_wait3A_304 = tpu.memref_slice %arg9[%dma_wait3A_299, %dma_wait3A_302, %dma_wait3A_303] : memref<2x128x128xf32, #tpu.memory_space<vmem>> -> memref<1x128x128xf32, #tpu.memory_space<vmem>>
    %dma_wait3A_305 = tpu.memref_squeeze %dma_wait3A_304 : memref<1x128x128xf32, #tpu.memory_space<vmem>> -> memref<128x128xf32, #tpu.memory_space<vmem>>
    %dma_wait3A_306 = arith.constant 0 : i32
    %dma_wait3A_307 = tpu.memref_slice %arg8[%dma_wait3A_300, %dma_wait3A_306] : memref<40x128xi32, #tpu.memory_space<vmem>> -> memref<1x128xi32, #tpu.memory_space<vmem>>
    %dma_wait3A_308 = tpu.memref_squeeze %dma_wait3A_307 : memref<1x128xi32, #tpu.memory_space<vmem>> -> memref<128xi32, #tpu.memory_space<vmem>>
    %dma_wait3A_309 = arith.constant 0 : i32
    %dma_wait3A_310 = arith.constant 0 : i32
    %dma_wait3A_311 = tpu.memref_slice %arg6[%dma_wait3A_309, %dma_wait3A_310] : memref<10240x128xf32, #tpu.memory_space<vmem_shared>> -> memref<10240x128xf32, #tpu.memory_space<vmem_shared>>
    %dma_wait3A_312 = tpu.memref_slice %arg11[%dma_wait3A_301] : memref<2x!tpu.dma_semaphore, #tpu.memory_space<semaphore_mem>> -> memref<1x!tpu.dma_semaphore, #tpu.memory_space<semaphore_mem>>
    %dma_wait3A_313 = tpu.memref_squeeze %dma_wait3A_312 : memref<1x!tpu.dma_semaphore, #tpu.memory_space<semaphore_mem>> -> memref<!tpu.dma_semaphore, #tpu.memory_space<semaphore_mem>>
    tpu.wait_indirect_dma semaphore(%dma_wait3A_313 : memref<!tpu.dma_semaphore, #tpu.memory_space<semaphore_mem>>) src(%dma_wait3A_305 : memref<128x128xf32, #tpu.memory_space<vmem>>) dst(%dma_wait3A_311 : memref<10240x128xf32, #tpu.memory_space<vmem_shared>>)
    %barrier3A_314 = arith.constant 0 : index
    tpu.barrier barrier_id(%barrier3A_314)
    %mul3A_315 = arith.constant 640 : i32
    %mul3A_316 = arith.muli %arg1, %mul3A_315 : i32
    %add3A_317 = arith.constant 0 : i32
    %add3A_318 = arith.addi %mul3A_316, %add3A_317 : i32
    %run_scoped3A_319 = arith.constant 0 : i32
    "tpu.region"() ({
      %run_scoped3A_345 = tpu.sem_alloc : memref<!tpu.dma_semaphore, #tpu.memory_space<semaphore_mem>>
      %dma_start3A_346 = arith.constant 0 : i32
      %dma_start3A_347 = arith.constant 0 : i32
      %dma_start3A_348 = tpu.memref_slice %arg9[%run_scoped3A_319, %dma_start3A_346, %dma_start3A_347] : memref<2x128x128xf32, #tpu.memory_space<vmem>> -> memref<1x128x128xf32, #tpu.memory_space<vmem>>
      %dma_start3A_349 = tpu.memref_squeeze %dma_start3A_348 : memref<1x128x128xf32, #tpu.memory_space<vmem>> -> memref<128x128xf32, #tpu.memory_space<vmem>>
      %dma_start3A_350 = arith.constant 0 : i32
      %dma_start3A_351 = tpu.memref_slice %arg6[%add3A_318, %dma_start3A_350] : memref<10240x128xf32, #tpu.memory_space<vmem_shared>> -> memref<128x128xf32, #tpu.memory_space<vmem_shared>>
      %dma_start3A_352 = arith.constant 0 : i32
      %dma_start3A_353 = arith.constant 0 : i32
      %dma_start3A_354 = tpu.memref_slice %arg9[%run_scoped3A_319, %dma_start3A_352, %dma_start3A_353] : memref<2x128x128xf32, #tpu.memory_space<vmem>> -> memref<1x128x128xf32, #tpu.memory_space<vmem>>
      %dma_start3A_355 = tpu.memref_squeeze %dma_start3A_354 : memref<1x128x128xf32, #tpu.memory_space<vmem>> -> memref<128x128xf32, #tpu.memory_space<vmem>>
      %dma_start3A_356 = arith.constant 0 : i32
      %dma_start3A_357 = tpu.memref_slice %arg6[%add3A_318, %dma_start3A_356] : memref<10240x128xf32, #tpu.memory_space<vmem_shared>> -> memref<128x128xf32, #tpu.memory_space<vmem_shared>>
      tpu.enqueue_dma source(%dma_start3A_357 : memref<128x128xf32, #tpu.memory_space<vmem_shared>>) target(%dma_start3A_355 : memref<128x128xf32, #tpu.memory_space<vmem>>) target_semaphore(%run_scoped3A_345 : memref<!tpu.dma_semaphore, #tpu.memory_space<semaphore_mem>>)
      %dma_wait3A_358 = arith.constant 0 : i32
      %dma_wait3A_359 = arith.constant 0 : i32
      %dma_wait3A_360 = tpu.memref_slice %arg9[%run_scoped3A_319, %dma_wait3A_358, %dma_wait3A_359] : memref<2x128x128xf32, #tpu.memory_space<vmem>> -> memref<1x128x128xf32, #tpu.memory_space<vmem>>
      %dma_wait3A_361 = tpu.memref_squeeze %dma_wait3A_360 : memref<1x128x128xf32, #tpu.memory_space<vmem>> -> memref<128x128xf32, #tpu.memory_space<vmem>>
      %dma_wait3A_362 = arith.constant 0 : i32
      %dma_wait3A_363 = tpu.memref_slice %arg6[%add3A_318, %dma_wait3A_362] : memref<10240x128xf32, #tpu.memory_space<vmem_shared>> -> memref<128x128xf32, #tpu.memory_space<vmem_shared>>
      %dma_wait3A_364 = arith.constant 0 : i32
      %dma_wait3A_365 = arith.constant 0 : i32
      %dma_wait3A_366 = tpu.memref_slice %arg9[%run_scoped3A_319, %dma_wait3A_364, %dma_wait3A_365] : memref<2x128x128xf32, #tpu.memory_space<vmem>> -> memref<1x128x128xf32, #tpu.memory_space<vmem>>
      %dma_wait3A_367 = tpu.memref_squeeze %dma_wait3A_366 : memref<1x128x128xf32, #tpu.memory_space<vmem>> -> memref<128x128xf32, #tpu.memory_space<vmem>>
      %dma_wait3A_368 = arith.constant 0 : i32
      %dma_wait3A_369 = tpu.memref_slice %arg6[%add3A_318, %dma_wait3A_368] : memref<10240x128xf32, #tpu.memory_space<vmem_shared>> -> memref<128x128xf32, #tpu.memory_space<vmem_shared>>
      tpu.wait_dma2 semaphore(%run_scoped3A_345 : memref<!tpu.dma_semaphore, #tpu.memory_space<semaphore_mem>>) src(%dma_wait3A_369 : memref<128x128xf32, #tpu.memory_space<vmem_shared>>) dst(%dma_wait3A_367 : memref<128x128xf32, #tpu.memory_space<vmem>>)
      tpu.yield
    }) : () -> ()
    %run_scoped3A_320 = arith.constant 0 : i32
    "tpu.region"() ({
      %run_scoped3A_345 = tpu.sem_alloc : memref<!tpu.dma_semaphore, #tpu.memory_space<semaphore_mem>>
      %dma_start3A_346 = arith.constant 0 : i32
      %dma_start3A_347 = arith.constant 0 : i32
      %dma_start3A_348 = tpu.memref_slice %arg9[%run_scoped3A_320, %dma_start3A_346, %dma_start3A_347] : memref<2x128x128xf32, #tpu.memory_space<vmem>> -> memref<1x128x128xf32, #tpu.memory_space<vmem>>
      %dma_start3A_349 = tpu.memref_squeeze %dma_start3A_348 : memref<1x128x128xf32, #tpu.memory_space<vmem>> -> memref<128x128xf32, #tpu.memory_space<vmem>>
      %dma_start3A_350 = arith.constant 0 : i32
      %dma_start3A_351 = arith.constant 0 : i32
      %dma_start3A_352 = tpu.memref_slice %arg5[%arg0, %dma_start3A_350, %dma_start3A_351] : memref<2x10240x128xf32, #tpu.memory_space<hbm>> -> memref<1x10240x128xf32, #tpu.memory_space<hbm>>
      %dma_start3A_353 = tpu.memref_squeeze %dma_start3A_352 : memref<1x10240x128xf32, #tpu.memory_space<hbm>> -> memref<10240x128xf32, #tpu.memory_space<hbm>>
      %dma_start3A_354 = arith.constant 0 : i32
      %dma_start3A_355 = tpu.memref_slice %dma_start3A_353[%add3A_318, %dma_start3A_354] : memref<10240x128xf32, #tpu.memory_space<hbm>> -> memref<128x128xf32, #tpu.memory_space<hbm>>
      %dma_start3A_356 = arith.constant 0 : i32
      %dma_start3A_357 = arith.constant 0 : i32
      %dma_start3A_358 = tpu.memref_slice %arg5[%arg0, %dma_start3A_356, %dma_start3A_357] : memref<2x10240x128xf32, #tpu.memory_space<hbm>> -> memref<1x10240x128xf32, #tpu.memory_space<hbm>>
      %dma_start3A_359 = tpu.memref_squeeze %dma_start3A_358 : memref<1x10240x128xf32, #tpu.memory_space<hbm>> -> memref<10240x128xf32, #tpu.memory_space<hbm>>
      %dma_start3A_360 = arith.constant 0 : i32
      %dma_start3A_361 = tpu.memref_slice %dma_start3A_359[%add3A_318, %dma_start3A_360] : memref<10240x128xf32, #tpu.memory_space<hbm>> -> memref<128x128xf32, #tpu.memory_space<hbm>>
      %dma_start3A_362 = arith.constant 0 : i32
      %dma_start3A_363 = arith.constant 0 : i32
      %dma_start3A_364 = tpu.memref_slice %arg9[%run_scoped3A_320, %dma_start3A_362, %dma_start3A_363] : memref<2x128x128xf32, #tpu.memory_space<vmem>> -> memref<1x128x128xf32, #tpu.memory_space<vmem>>
      %dma_start3A_365 = tpu.memref_squeeze %dma_start3A_364 : memref<1x128x128xf32, #tpu.memory_space<vmem>> -> memref<128x128xf32, #tpu.memory_space<vmem>>
      tpu.enqueue_dma source(%dma_start3A_365 : memref<128x128xf32, #tpu.memory_space<vmem>>) target(%dma_start3A_361 : memref<128x128xf32, #tpu.memory_space<hbm>>) target_semaphore(%run_scoped3A_345 : memref<!tpu.dma_semaphore, #tpu.memory_space<semaphore_mem>>)
      %dma_wait3A_366 = arith.constant 0 : i32
      %dma_wait3A_367 = arith.constant 0 : i32
      %dma_wait3A_368 = tpu.memref_slice %arg9[%run_scoped3A_320, %dma_wait3A_366, %dma_wait3A_367] : memref<2x128x128xf32, #tpu.memory_space<vmem>> -> memref<1x128x128xf32, #tpu.memory_space<vmem>>
      %dma_wait3A_369 = tpu.memref_squeeze %dma_wait3A_368 : memref<1x128x128xf32, #tpu.memory_space<vmem>> -> memref<128x128xf32, #tpu.memory_space<vmem>>
      %dma_wait3A_370 = arith.constant 0 : i32
      %dma_wait3A_371 = arith.constant 0 : i32
      %dma_wait3A_372 = tpu.memref_slice %arg5[%arg0, %dma_wait3A_370, %dma_wait3A_371] : memref<2x10240x128xf32, #tpu.memory_space<hbm>> -> memref<1x10240x128xf32, #tpu.memory_space<hbm>>
      %dma_wait3A_373 = tpu.memref_squeeze %dma_wait3A_372 : memref<1x10240x128xf32, #tpu.memory_space<hbm>> -> memref<10240x128xf32, #tpu.memory_space<hbm>>
      %dma_wait3A_374 = arith.constant 0 : i32
      %dma_wait3A_375 = tpu.memref_slice %dma_wait3A_373[%add3A_318, %dma_wait3A_374] : memref<10240x128xf32, #tpu.memory_space<hbm>> -> memref<128x128xf32, #tpu.memory_space<hbm>>
      %dma_wait3A_376 = arith.constant 0 : i32
      %dma_wait3A_377 = arith.constant 0 : i32
      %dma_wait3A_378 = tpu.memref_slice %arg5[%arg0, %dma_wait3A_376, %dma_wait3A_377] : memref<2x10240x128xf32, #tpu.memory_space<hbm>> -> memref<1x10240x128xf32, #tpu.memory_space<hbm>>
      %dma_wait3A_379 = tpu.memref_squeeze %dma_wait3A_378 : memref<1x10240x128xf32, #tpu.memory_space<hbm>> -> memref<10240x128xf32, #tpu.memory_space<hbm>>
      %dma_wait3A_380 = arith.constant 0 : i32
      %dma_wait3A_381 = tpu.memref_slice %dma_wait3A_379[%add3A_318, %dma_wait3A_380] : memref<10240x128xf32, #tpu.memory_space<hbm>> -> memref<128x128xf32, #tpu.memory_space<hbm>>
      %dma_wait3A_382 = arith.constant 0 : i32
      %dma_wait3A_383 = arith.constant 0 : i32
      %dma_wait3A_384 = tpu.memref_slice %arg9[%run_scoped3A_320, %dma_wait3A_382, %dma_wait3A_383] : memref<2x128x128xf32, #tpu.memory_space<vmem>> -> memref<1x128x128xf32, #tpu.memory_space<vmem>>
      %dma_wait3A_385 = tpu.memref_squeeze %dma_wait3A_384 : memref<1x128x128xf32, #tpu.memory_space<vmem>> -> memref<128x128xf32, #tpu.memory_space<vmem>>
      tpu.wait_dma2 semaphore(%run_scoped3A_345 : memref<!tpu.dma_semaphore, #tpu.memory_space<semaphore_mem>>) src(%dma_wait3A_385 : memref<128x128xf32, #tpu.memory_space<vmem>>) dst(%dma_wait3A_381 : memref<128x128xf32, #tpu.memory_space<hbm>>)
      tpu.yield
    }) : () -> ()
    %mul3A_321 = arith.constant 640 : i32
    %mul3A_322 = arith.muli %arg1, %mul3A_321 : i32
    %add3A_323 = arith.constant 128 : i32
    %add3A_324 = arith.addi %mul3A_322, %add3A_323 : i32
    %run_scoped3A_325 = arith.constant 0 : i32
    "tpu.region"() ({
      %run_scoped3A_345 = tpu.sem_alloc : memref<!tpu.dma_semaphore, #tpu.memory_space<semaphore_mem>>
      %dma_start3A_346 = arith.constant 0 : i32
      %dma_start3A_347 = arith.constant 0 : i32
      %dma_start3A_348 = tpu.memref_slice %arg9[%run_scoped3A_325, %dma_start3A_346, %dma_start3A_347] : memref<2x128x128xf32, #tpu.memory_space<vmem>> -> memref<1x128x128xf32, #tpu.memory_space<vmem>>
      %dma_start3A_349 = tpu.memref_squeeze %dma_start3A_348 : memref<1x128x128xf32, #tpu.memory_space<vmem>> -> memref<128x128xf32, #tpu.memory_space<vmem>>
      %dma_start3A_350 = arith.constant 0 : i32
      %dma_start3A_351 = tpu.memref_slice %arg6[%add3A_324, %dma_start3A_350] : memref<10240x128xf32, #tpu.memory_space<vmem_shared>> -> memref<128x128xf32, #tpu.memory_space<vmem_shared>>
      %dma_start3A_352 = arith.constant 0 : i32
      %dma_start3A_353 = arith.constant 0 : i32
      %dma_start3A_354 = tpu.memref_slice %arg9[%run_scoped3A_325, %dma_start3A_352, %dma_start3A_353] : memref<2x128x128xf32, #tpu.memory_space<vmem>> -> memref<1x128x128xf32, #tpu.memory_space<vmem>>
      %dma_start3A_355 = tpu.memref_squeeze %dma_start3A_354 : memref<1x128x128xf32, #tpu.memory_space<vmem>> -> memref<128x128xf32, #tpu.memory_space<vmem>>
      %dma_start3A_356 = arith.constant 0 : i32
      %dma_start3A_357 = tpu.memref_slice %arg6[%add3A_324, %dma_start3A_356] : memref<10240x128xf32, #tpu.memory_space<vmem_shared>> -> memref<128x128xf32, #tpu.memory_space<vmem_shared>>
      tpu.enqueue_dma source(%dma_start3A_357 : memref<128x128xf32, #tpu.memory_space<vmem_shared>>) target(%dma_start3A_355 : memref<128x128xf32, #tpu.memory_space<vmem>>) target_semaphore(%run_scoped3A_345 : memref<!tpu.dma_semaphore, #tpu.memory_space<semaphore_mem>>)
      %dma_wait3A_358 = arith.constant 0 : i32
      %dma_wait3A_359 = arith.constant 0 : i32
      %dma_wait3A_360 = tpu.memref_slice %arg9[%run_scoped3A_325, %dma_wait3A_358, %dma_wait3A_359] : memref<2x128x128xf32, #tpu.memory_space<vmem>> -> memref<1x128x128xf32, #tpu.memory_space<vmem>>
      %dma_wait3A_361 = tpu.memref_squeeze %dma_wait3A_360 : memref<1x128x128xf32, #tpu.memory_space<vmem>> -> memref<128x128xf32, #tpu.memory_space<vmem>>
      %dma_wait3A_362 = arith.constant 0 : i32
      %dma_wait3A_363 = tpu.memref_slice %arg6[%add3A_324, %dma_wait3A_362] : memref<10240x128xf32, #tpu.memory_space<vmem_shared>> -> memref<128x128xf32, #tpu.memory_space<vmem_shared>>
      %dma_wait3A_364 = arith.constant 0 : i32
      %dma_wait3A_365 = arith.constant 0 : i32
      %dma_wait3A_366 = tpu.memref_slice %arg9[%run_scoped3A_325, %dma_wait3A_364, %dma_wait3A_365] : memref<2x128x128xf32, #tpu.memory_space<vmem>> -> memref<1x128x128xf32, #tpu.memory_space<vmem>>
      %dma_wait3A_367 = tpu.memref_squeeze %dma_wait3A_366 : memref<1x128x128xf32, #tpu.memory_space<vmem>> -> memref<128x128xf32, #tpu.memory_space<vmem>>
      %dma_wait3A_368 = arith.constant 0 : i32
      %dma_wait3A_369 = tpu.memref_slice %arg6[%add3A_324, %dma_wait3A_368] : memref<10240x128xf32, #tpu.memory_space<vmem_shared>> -> memref<128x128xf32, #tpu.memory_space<vmem_shared>>
      tpu.wait_dma2 semaphore(%run_scoped3A_345 : memref<!tpu.dma_semaphore, #tpu.memory_space<semaphore_mem>>) src(%dma_wait3A_369 : memref<128x128xf32, #tpu.memory_space<vmem_shared>>) dst(%dma_wait3A_367 : memref<128x128xf32, #tpu.memory_space<vmem>>)
      tpu.yield
    }) : () -> ()
    %run_scoped3A_326 = arith.constant 0 : i32
    "tpu.region"() ({
      %run_scoped3A_345 = tpu.sem_alloc : memref<!tpu.dma_semaphore, #tpu.memory_space<semaphore_mem>>
      %dma_start3A_346 = arith.constant 0 : i32
      %dma_start3A_347 = arith.constant 0 : i32
      %dma_start3A_348 = tpu.memref_slice %arg9[%run_scoped3A_326, %dma_start3A_346, %dma_start3A_347] : memref<2x128x128xf32, #tpu.memory_space<vmem>> -> memref<1x128x128xf32, #tpu.memory_space<vmem>>
      %dma_start3A_349 = tpu.memref_squeeze %dma_start3A_348 : memref<1x128x128xf32, #tpu.memory_space<vmem>> -> memref<128x128xf32, #tpu.memory_space<vmem>>
      %dma_start3A_350 = arith.constant 0 : i32
      %dma_start3A_351 = arith.constant 0 : i32
      %dma_start3A_352 = tpu.memref_slice %arg5[%arg0, %dma_start3A_350, %dma_start3A_351] : memref<2x10240x128xf32, #tpu.memory_space<hbm>> -> memref<1x10240x128xf32, #tpu.memory_space<hbm>>
      %dma_start3A_353 = tpu.memref_squeeze %dma_start3A_352 : memref<1x10240x128xf32, #tpu.memory_space<hbm>> -> memref<10240x128xf32, #tpu.memory_space<hbm>>
      %dma_start3A_354 = arith.constant 0 : i32
      %dma_start3A_355 = tpu.memref_slice %dma_start3A_353[%add3A_324, %dma_start3A_354] : memref<10240x128xf32, #tpu.memory_space<hbm>> -> memref<128x128xf32, #tpu.memory_space<hbm>>
      %dma_start3A_356 = arith.constant 0 : i32
      %dma_start3A_357 = arith.constant 0 : i32
      %dma_start3A_358 = tpu.memref_slice %arg5[%arg0, %dma_start3A_356, %dma_start3A_357] : memref<2x10240x128xf32, #tpu.memory_space<hbm>> -> memref<1x10240x128xf32, #tpu.memory_space<hbm>>
      %dma_start3A_359 = tpu.memref_squeeze %dma_start3A_358 : memref<1x10240x128xf32, #tpu.memory_space<hbm>> -> memref<10240x128xf32, #tpu.memory_space<hbm>>
      %dma_start3A_360 = arith.constant 0 : i32
      %dma_start3A_361 = tpu.memref_slice %dma_start3A_359[%add3A_324, %dma_start3A_360] : memref<10240x128xf32, #tpu.memory_space<hbm>> -> memref<128x128xf32, #tpu.memory_space<hbm>>
      %dma_start3A_362 = arith.constant 0 : i32
      %dma_start3A_363 = arith.constant 0 : i32
      %dma_start3A_364 = tpu.memref_slice %arg9[%run_scoped3A_326, %dma_start3A_362, %dma_start3A_363] : memref<2x128x128xf32, #tpu.memory_space<vmem>> -> memref<1x128x128xf32, #tpu.memory_space<vmem>>
      %dma_start3A_365 = tpu.memref_squeeze %dma_start3A_364 : memref<1x128x128xf32, #tpu.memory_space<vmem>> -> memref<128x128xf32, #tpu.memory_space<vmem>>
      tpu.enqueue_dma source(%dma_start3A_365 : memref<128x128xf32, #tpu.memory_space<vmem>>) target(%dma_start3A_361 : memref<128x128xf32, #tpu.memory_space<hbm>>) target_semaphore(%run_scoped3A_345 : memref<!tpu.dma_semaphore, #tpu.memory_space<semaphore_mem>>)
      %dma_wait3A_366 = arith.constant 0 : i32
      %dma_wait3A_367 = arith.constant 0 : i32
      %dma_wait3A_368 = tpu.memref_slice %arg9[%run_scoped3A_326, %dma_wait3A_366, %dma_wait3A_367] : memref<2x128x128xf32, #tpu.memory_space<vmem>> -> memref<1x128x128xf32, #tpu.memory_space<vmem>>
      %dma_wait3A_369 = tpu.memref_squeeze %dma_wait3A_368 : memref<1x128x128xf32, #tpu.memory_space<vmem>> -> memref<128x128xf32, #tpu.memory_space<vmem>>
      %dma_wait3A_370 = arith.constant 0 : i32
      %dma_wait3A_371 = arith.constant 0 : i32
      %dma_wait3A_372 = tpu.memref_slice %arg5[%arg0, %dma_wait3A_370, %dma_wait3A_371] : memref<2x10240x128xf32, #tpu.memory_space<hbm>> -> memref<1x10240x128xf32, #tpu.memory_space<hbm>>
      %dma_wait3A_373 = tpu.memref_squeeze %dma_wait3A_372 : memref<1x10240x128xf32, #tpu.memory_space<hbm>> -> memref<10240x128xf32, #tpu.memory_space<hbm>>
      %dma_wait3A_374 = arith.constant 0 : i32
      %dma_wait3A_375 = tpu.memref_slice %dma_wait3A_373[%add3A_324, %dma_wait3A_374] : memref<10240x128xf32, #tpu.memory_space<hbm>> -> memref<128x128xf32, #tpu.memory_space<hbm>>
      %dma_wait3A_376 = arith.constant 0 : i32
      %dma_wait3A_377 = arith.constant 0 : i32
      %dma_wait3A_378 = tpu.memref_slice %arg5[%arg0, %dma_wait3A_376, %dma_wait3A_377] : memref<2x10240x128xf32, #tpu.memory_space<hbm>> -> memref<1x10240x128xf32, #tpu.memory_space<hbm>>
      %dma_wait3A_379 = tpu.memref_squeeze %dma_wait3A_378 : memref<1x10240x128xf32, #tpu.memory_space<hbm>> -> memref<10240x128xf32, #tpu.memory_space<hbm>>
      %dma_wait3A_380 = arith.constant 0 : i32
      %dma_wait3A_381 = tpu.memref_slice %dma_wait3A_379[%add3A_324, %dma_wait3A_380] : memref<10240x128xf32, #tpu.memory_space<hbm>> -> memref<128x128xf32, #tpu.memory_space<hbm>>
      %dma_wait3A_382 = arith.constant 0 : i32
      %dma_wait3A_383 = arith.constant 0 : i32
      %dma_wait3A_384 = tpu.memref_slice %arg9[%run_scoped3A_326, %dma_wait3A_382, %dma_wait3A_383] : memref<2x128x128xf32, #tpu.memory_space<vmem>> -> memref<1x128x128xf32, #tpu.memory_space<vmem>>
      %dma_wait3A_385 = tpu.memref_squeeze %dma_wait3A_384 : memref<1x128x128xf32, #tpu.memory_space<vmem>> -> memref<128x128xf32, #tpu.memory_space<vmem>>
      tpu.wait_dma2 semaphore(%run_scoped3A_345 : memref<!tpu.dma_semaphore, #tpu.memory_space<semaphore_mem>>) src(%dma_wait3A_385 : memref<128x128xf32, #tpu.memory_space<vmem>>) dst(%dma_wait3A_381 : memref<128x128xf32, #tpu.memory_space<hbm>>)
      tpu.yield
    }) : () -> ()
    %mul3A_327 = arith.constant 640 : i32
    %mul3A_328 = arith.muli %arg1, %mul3A_327 : i32
    %add3A_329 = arith.constant 256 : i32
    %add3A_330 = arith.addi %mul3A_328, %add3A_329 : i32
    %run_scoped3A_331 = arith.constant 0 : i32
    "tpu.region"() ({
      %run_scoped3A_345 = tpu.sem_alloc : memref<!tpu.dma_semaphore, #tpu.memory_space<semaphore_mem>>
      %dma_start3A_346 = arith.constant 0 : i32
      %dma_start3A_347 = arith.constant 0 : i32
      %dma_start3A_348 = tpu.memref_slice %arg9[%run_scoped3A_331, %dma_start3A_346, %dma_start3A_347] : memref<2x128x128xf32, #tpu.memory_space<vmem>> -> memref<1x128x128xf32, #tpu.memory_space<vmem>>
      %dma_start3A_349 = tpu.memref_squeeze %dma_start3A_348 : memref<1x128x128xf32, #tpu.memory_space<vmem>> -> memref<128x128xf32, #tpu.memory_space<vmem>>
      %dma_start3A_350 = arith.constant 0 : i32
      %dma_start3A_351 = tpu.memref_slice %arg6[%add3A_330, %dma_start3A_350] : memref<10240x128xf32, #tpu.memory_space<vmem_shared>> -> memref<128x128xf32, #tpu.memory_space<vmem_shared>>
      %dma_start3A_352 = arith.constant 0 : i32
      %dma_start3A_353 = arith.constant 0 : i32
      %dma_start3A_354 = tpu.memref_slice %arg9[%run_scoped3A_331, %dma_start3A_352, %dma_start3A_353] : memref<2x128x128xf32, #tpu.memory_space<vmem>> -> memref<1x128x128xf32, #tpu.memory_space<vmem>>
      %dma_start3A_355 = tpu.memref_squeeze %dma_start3A_354 : memref<1x128x128xf32, #tpu.memory_space<vmem>> -> memref<128x128xf32, #tpu.memory_space<vmem>>
      %dma_start3A_356 = arith.constant 0 : i32
      %dma_start3A_357 = tpu.memref_slice %arg6[%add3A_330, %dma_start3A_356] : memref<10240x128xf32, #tpu.memory_space<vmem_shared>> -> memref<128x128xf32, #tpu.memory_space<vmem_shared>>
      tpu.enqueue_dma source(%dma_start3A_357 : memref<128x128xf32, #tpu.memory_space<vmem_shared>>) target(%dma_start3A_355 : memref<128x128xf32, #tpu.memory_space<vmem>>) target_semaphore(%run_scoped3A_345 : memref<!tpu.dma_semaphore, #tpu.memory_space<semaphore_mem>>)
      %dma_wait3A_358 = arith.constant 0 : i32
      %dma_wait3A_359 = arith.constant 0 : i32
      %dma_wait3A_360 = tpu.memref_slice %arg9[%run_scoped3A_331, %dma_wait3A_358, %dma_wait3A_359] : memref<2x128x128xf32, #tpu.memory_space<vmem>> -> memref<1x128x128xf32, #tpu.memory_space<vmem>>
      %dma_wait3A_361 = tpu.memref_squeeze %dma_wait3A_360 : memref<1x128x128xf32, #tpu.memory_space<vmem>> -> memref<128x128xf32, #tpu.memory_space<vmem>>
      %dma_wait3A_362 = arith.constant 0 : i32
      %dma_wait3A_363 = tpu.memref_slice %arg6[%add3A_330, %dma_wait3A_362] : memref<10240x128xf32, #tpu.memory_space<vmem_shared>> -> memref<128x128xf32, #tpu.memory_space<vmem_shared>>
      %dma_wait3A_364 = arith.constant 0 : i32
      %dma_wait3A_365 = arith.constant 0 : i32
      %dma_wait3A_366 = tpu.memref_slice %arg9[%run_scoped3A_331, %dma_wait3A_364, %dma_wait3A_365] : memref<2x128x128xf32, #tpu.memory_space<vmem>> -> memref<1x128x128xf32, #tpu.memory_space<vmem>>
      %dma_wait3A_367 = tpu.memref_squeeze %dma_wait3A_366 : memref<1x128x128xf32, #tpu.memory_space<vmem>> -> memref<128x128xf32, #tpu.memory_space<vmem>>
      %dma_wait3A_368 = arith.constant 0 : i32
      %dma_wait3A_369 = tpu.memref_slice %arg6[%add3A_330, %dma_wait3A_368] : memref<10240x128xf32, #tpu.memory_space<vmem_shared>> -> memref<128x128xf32, #tpu.memory_space<vmem_shared>>
      tpu.wait_dma2 semaphore(%run_scoped3A_345 : memref<!tpu.dma_semaphore, #tpu.memory_space<semaphore_mem>>) src(%dma_wait3A_369 : memref<128x128xf32, #tpu.memory_space<vmem_shared>>) dst(%dma_wait3A_367 : memref<128x128xf32, #tpu.memory_space<vmem>>)
      tpu.yield
    }) : () -> ()
    %run_scoped3A_332 = arith.constant 0 : i32
    "tpu.region"() ({
      %run_scoped3A_345 = tpu.sem_alloc : memref<!tpu.dma_semaphore, #tpu.memory_space<semaphore_mem>>
      %dma_start3A_346 = arith.constant 0 : i32
      %dma_start3A_347 = arith.constant 0 : i32
      %dma_start3A_348 = tpu.memref_slice %arg9[%run_scoped3A_332, %dma_start3A_346, %dma_start3A_347] : memref<2x128x128xf32, #tpu.memory_space<vmem>> -> memref<1x128x128xf32, #tpu.memory_space<vmem>>
      %dma_start3A_349 = tpu.memref_squeeze %dma_start3A_348 : memref<1x128x128xf32, #tpu.memory_space<vmem>> -> memref<128x128xf32, #tpu.memory_space<vmem>>
      %dma_start3A_350 = arith.constant 0 : i32
      %dma_start3A_351 = arith.constant 0 : i32
      %dma_start3A_352 = tpu.memref_slice %arg5[%arg0, %dma_start3A_350, %dma_start3A_351] : memref<2x10240x128xf32, #tpu.memory_space<hbm>> -> memref<1x10240x128xf32, #tpu.memory_space<hbm>>
      %dma_start3A_353 = tpu.memref_squeeze %dma_start3A_352 : memref<1x10240x128xf32, #tpu.memory_space<hbm>> -> memref<10240x128xf32, #tpu.memory_space<hbm>>
      %dma_start3A_354 = arith.constant 0 : i32
      %dma_start3A_355 = tpu.memref_slice %dma_start3A_353[%add3A_330, %dma_start3A_354] : memref<10240x128xf32, #tpu.memory_space<hbm>> -> memref<128x128xf32, #tpu.memory_space<hbm>>
      %dma_start3A_356 = arith.constant 0 : i32
      %dma_start3A_357 = arith.constant 0 : i32
      %dma_start3A_358 = tpu.memref_slice %arg5[%arg0, %dma_start3A_356, %dma_start3A_357] : memref<2x10240x128xf32, #tpu.memory_space<hbm>> -> memref<1x10240x128xf32, #tpu.memory_space<hbm>>
      %dma_start3A_359 = tpu.memref_squeeze %dma_start3A_358 : memref<1x10240x128xf32, #tpu.memory_space<hbm>> -> memref<10240x128xf32, #tpu.memory_space<hbm>>
      %dma_start3A_360 = arith.constant 0 : i32
      %dma_start3A_361 = tpu.memref_slice %dma_start3A_359[%add3A_330, %dma_start3A_360] : memref<10240x128xf32, #tpu.memory_space<hbm>> -> memref<128x128xf32, #tpu.memory_space<hbm>>
      %dma_start3A_362 = arith.constant 0 : i32
      %dma_start3A_363 = arith.constant 0 : i32
      %dma_start3A_364 = tpu.memref_slice %arg9[%run_scoped3A_332, %dma_start3A_362, %dma_start3A_363] : memref<2x128x128xf32, #tpu.memory_space<vmem>> -> memref<1x128x128xf32, #tpu.memory_space<vmem>>
      %dma_start3A_365 = tpu.memref_squeeze %dma_start3A_364 : memref<1x128x128xf32, #tpu.memory_space<vmem>> -> memref<128x128xf32, #tpu.memory_space<vmem>>
      tpu.enqueue_dma source(%dma_start3A_365 : memref<128x128xf32, #tpu.memory_space<vmem>>) target(%dma_start3A_361 : memref<128x128xf32, #tpu.memory_space<hbm>>) target_semaphore(%run_scoped3A_345 : memref<!tpu.dma_semaphore, #tpu.memory_space<semaphore_mem>>)
      %dma_wait3A_366 = arith.constant 0 : i32
      %dma_wait3A_367 = arith.constant 0 : i32
      %dma_wait3A_368 = tpu.memref_slice %arg9[%run_scoped3A_332, %dma_wait3A_366, %dma_wait3A_367] : memref<2x128x128xf32, #tpu.memory_space<vmem>> -> memref<1x128x128xf32, #tpu.memory_space<vmem>>
      %dma_wait3A_369 = tpu.memref_squeeze %dma_wait3A_368 : memref<1x128x128xf32, #tpu.memory_space<vmem>> -> memref<128x128xf32, #tpu.memory_space<vmem>>
      %dma_wait3A_370 = arith.constant 0 : i32
      %dma_wait3A_371 = arith.constant 0 : i32
      %dma_wait3A_372 = tpu.memref_slice %arg5[%arg0, %dma_wait3A_370, %dma_wait3A_371] : memref<2x10240x128xf32, #tpu.memory_space<hbm>> -> memref<1x10240x128xf32, #tpu.memory_space<hbm>>
      %dma_wait3A_373 = tpu.memref_squeeze %dma_wait3A_372 : memref<1x10240x128xf32, #tpu.memory_space<hbm>> -> memref<10240x128xf32, #tpu.memory_space<hbm>>
      %dma_wait3A_374 = arith.constant 0 : i32
      %dma_wait3A_375 = tpu.memref_slice %dma_wait3A_373[%add3A_330, %dma_wait3A_374] : memref<10240x128xf32, #tpu.memory_space<hbm>> -> memref<128x128xf32, #tpu.memory_space<hbm>>
      %dma_wait3A_376 = arith.constant 0 : i32
      %dma_wait3A_377 = arith.constant 0 : i32
      %dma_wait3A_378 = tpu.memref_slice %arg5[%arg0, %dma_wait3A_376, %dma_wait3A_377] : memref<2x10240x128xf32, #tpu.memory_space<hbm>> -> memref<1x10240x128xf32, #tpu.memory_space<hbm>>
      %dma_wait3A_379 = tpu.memref_squeeze %dma_wait3A_378 : memref<1x10240x128xf32, #tpu.memory_space<hbm>> -> memref<10240x128xf32, #tpu.memory_space<hbm>>
      %dma_wait3A_380 = arith.constant 0 : i32
      %dma_wait3A_381 = tpu.memref_slice %dma_wait3A_379[%add3A_330, %dma_wait3A_380] : memref<10240x128xf32, #tpu.memory_space<hbm>> -> memref<128x128xf32, #tpu.memory_space<hbm>>
      %dma_wait3A_382 = arith.constant 0 : i32
      %dma_wait3A_383 = arith.constant 0 : i32
      %dma_wait3A_384 = tpu.memref_slice %arg9[%run_scoped3A_332, %dma_wait3A_382, %dma_wait3A_383] : memref<2x128x128xf32, #tpu.memory_space<vmem>> -> memref<1x128x128xf32, #tpu.memory_space<vmem>>
      %dma_wait3A_385 = tpu.memref_squeeze %dma_wait3A_384 : memref<1x128x128xf32, #tpu.memory_space<vmem>> -> memref<128x128xf32, #tpu.memory_space<vmem>>
      tpu.wait_dma2 semaphore(%run_scoped3A_345 : memref<!tpu.dma_semaphore, #tpu.memory_space<semaphore_mem>>) src(%dma_wait3A_385 : memref<128x128xf32, #tpu.memory_space<vmem>>) dst(%dma_wait3A_381 : memref<128x128xf32, #tpu.memory_space<hbm>>)
      tpu.yield
    }) : () -> ()
    %mul3A_333 = arith.constant 640 : i32
    %mul3A_334 = arith.muli %arg1, %mul3A_333 : i32
    %add3A_335 = arith.constant 384 : i32
    %add3A_336 = arith.addi %mul3A_334, %add3A_335 : i32
    %run_scoped3A_337 = arith.constant 0 : i32
    "tpu.region"() ({
      %run_scoped3A_345 = tpu.sem_alloc : memref<!tpu.dma_semaphore, #tpu.memory_space<semaphore_mem>>
      %dma_start3A_346 = arith.constant 0 : i32
      %dma_start3A_347 = arith.constant 0 : i32
      %dma_start3A_348 = tpu.memref_slice %arg9[%run_scoped3A_337, %dma_start3A_346, %dma_start3A_347] : memref<2x128x128xf32, #tpu.memory_space<vmem>> -> memref<1x128x128xf32, #tpu.memory_space<vmem>>
      %dma_start3A_349 = tpu.memref_squeeze %dma_start3A_348 : memref<1x128x128xf32, #tpu.memory_space<vmem>> -> memref<128x128xf32, #tpu.memory_space<vmem>>
      %dma_start3A_350 = arith.constant 0 : i32
      %dma_start3A_351 = tpu.memref_slice %arg6[%add3A_336, %dma_start3A_350] : memref<10240x128xf32, #tpu.memory_space<vmem_shared>> -> memref<128x128xf32, #tpu.memory_space<vmem_shared>>
      %dma_start3A_352 = arith.constant 0 : i32
      %dma_start3A_353 = arith.constant 0 : i32
      %dma_start3A_354 = tpu.memref_slice %arg9[%run_scoped3A_337, %dma_start3A_352, %dma_start3A_353] : memref<2x128x128xf32, #tpu.memory_space<vmem>> -> memref<1x128x128xf32, #tpu.memory_space<vmem>>
      %dma_start3A_355 = tpu.memref_squeeze %dma_start3A_354 : memref<1x128x128xf32, #tpu.memory_space<vmem>> -> memref<128x128xf32, #tpu.memory_space<vmem>>
      %dma_start3A_356 = arith.constant 0 : i32
      %dma_start3A_357 = tpu.memref_slice %arg6[%add3A_336, %dma_start3A_356] : memref<10240x128xf32, #tpu.memory_space<vmem_shared>> -> memref<128x128xf32, #tpu.memory_space<vmem_shared>>
      tpu.enqueue_dma source(%dma_start3A_357 : memref<128x128xf32, #tpu.memory_space<vmem_shared>>) target(%dma_start3A_355 : memref<128x128xf32, #tpu.memory_space<vmem>>) target_semaphore(%run_scoped3A_345 : memref<!tpu.dma_semaphore, #tpu.memory_space<semaphore_mem>>)
      %dma_wait3A_358 = arith.constant 0 : i32
      %dma_wait3A_359 = arith.constant 0 : i32
      %dma_wait3A_360 = tpu.memref_slice %arg9[%run_scoped3A_337, %dma_wait3A_358, %dma_wait3A_359] : memref<2x128x128xf32, #tpu.memory_space<vmem>> -> memref<1x128x128xf32, #tpu.memory_space<vmem>>
      %dma_wait3A_361 = tpu.memref_squeeze %dma_wait3A_360 : memref<1x128x128xf32, #tpu.memory_space<vmem>> -> memref<128x128xf32, #tpu.memory_space<vmem>>
      %dma_wait3A_362 = arith.constant 0 : i32
      %dma_wait3A_363 = tpu.memref_slice %arg6[%add3A_336, %dma_wait3A_362] : memref<10240x128xf32, #tpu.memory_space<vmem_shared>> -> memref<128x128xf32, #tpu.memory_space<vmem_shared>>
      %dma_wait3A_364 = arith.constant 0 : i32
      %dma_wait3A_365 = arith.constant 0 : i32
      %dma_wait3A_366 = tpu.memref_slice %arg9[%run_scoped3A_337, %dma_wait3A_364, %dma_wait3A_365] : memref<2x128x128xf32, #tpu.memory_space<vmem>> -> memref<1x128x128xf32, #tpu.memory_space<vmem>>
      %dma_wait3A_367 = tpu.memref_squeeze %dma_wait3A_366 : memref<1x128x128xf32, #tpu.memory_space<vmem>> -> memref<128x128xf32, #tpu.memory_space<vmem>>
      %dma_wait3A_368 = arith.constant 0 : i32
      %dma_wait3A_369 = tpu.memref_slice %arg6[%add3A_336, %dma_wait3A_368] : memref<10240x128xf32, #tpu.memory_space<vmem_shared>> -> memref<128x128xf32, #tpu.memory_space<vmem_shared>>
      tpu.wait_dma2 semaphore(%run_scoped3A_345 : memref<!tpu.dma_semaphore, #tpu.memory_space<semaphore_mem>>) src(%dma_wait3A_369 : memref<128x128xf32, #tpu.memory_space<vmem_shared>>) dst(%dma_wait3A_367 : memref<128x128xf32, #tpu.memory_space<vmem>>)
      tpu.yield
    }) : () -> ()
    %run_scoped3A_338 = arith.constant 0 : i32
    "tpu.region"() ({
      %run_scoped3A_345 = tpu.sem_alloc : memref<!tpu.dma_semaphore, #tpu.memory_space<semaphore_mem>>
      %dma_start3A_346 = arith.constant 0 : i32
      %dma_start3A_347 = arith.constant 0 : i32
      %dma_start3A_348 = tpu.memref_slice %arg9[%run_scoped3A_338, %dma_start3A_346, %dma_start3A_347] : memref<2x128x128xf32, #tpu.memory_space<vmem>> -> memref<1x128x128xf32, #tpu.memory_space<vmem>>
      %dma_start3A_349 = tpu.memref_squeeze %dma_start3A_348 : memref<1x128x128xf32, #tpu.memory_space<vmem>> -> memref<128x128xf32, #tpu.memory_space<vmem>>
      %dma_start3A_350 = arith.constant 0 : i32
      %dma_start3A_351 = arith.constant 0 : i32
      %dma_start3A_352 = tpu.memref_slice %arg5[%arg0, %dma_start3A_350, %dma_start3A_351] : memref<2x10240x128xf32, #tpu.memory_space<hbm>> -> memref<1x10240x128xf32, #tpu.memory_space<hbm>>
      %dma_start3A_353 = tpu.memref_squeeze %dma_start3A_352 : memref<1x10240x128xf32, #tpu.memory_space<hbm>> -> memref<10240x128xf32, #tpu.memory_space<hbm>>
      %dma_start3A_354 = arith.constant 0 : i32
      %dma_start3A_355 = tpu.memref_slice %dma_start3A_353[%add3A_336, %dma_start3A_354] : memref<10240x128xf32, #tpu.memory_space<hbm>> -> memref<128x128xf32, #tpu.memory_space<hbm>>
      %dma_start3A_356 = arith.constant 0 : i32
      %dma_start3A_357 = arith.constant 0 : i32
      %dma_start3A_358 = tpu.memref_slice %arg5[%arg0, %dma_start3A_356, %dma_start3A_357] : memref<2x10240x128xf32, #tpu.memory_space<hbm>> -> memref<1x10240x128xf32, #tpu.memory_space<hbm>>
      %dma_start3A_359 = tpu.memref_squeeze %dma_start3A_358 : memref<1x10240x128xf32, #tpu.memory_space<hbm>> -> memref<10240x128xf32, #tpu.memory_space<hbm>>
      %dma_start3A_360 = arith.constant 0 : i32
      %dma_start3A_361 = tpu.memref_slice %dma_start3A_359[%add3A_336, %dma_start3A_360] : memref<10240x128xf32, #tpu.memory_space<hbm>> -> memref<128x128xf32, #tpu.memory_space<hbm>>
      %dma_start3A_362 = arith.constant 0 : i32
      %dma_start3A_363 = arith.constant 0 : i32
      %dma_start3A_364 = tpu.memref_slice %arg9[%run_scoped3A_338, %dma_start3A_362, %dma_start3A_363] : memref<2x128x128xf32, #tpu.memory_space<vmem>> -> memref<1x128x128xf32, #tpu.memory_space<vmem>>
      %dma_start3A_365 = tpu.memref_squeeze %dma_start3A_364 : memref<1x128x128xf32, #tpu.memory_space<vmem>> -> memref<128x128xf32, #tpu.memory_space<vmem>>
      tpu.enqueue_dma source(%dma_start3A_365 : memref<128x128xf32, #tpu.memory_space<vmem>>) target(%dma_start3A_361 : memref<128x128xf32, #tpu.memory_space<hbm>>) target_semaphore(%run_scoped3A_345 : memref<!tpu.dma_semaphore, #tpu.memory_space<semaphore_mem>>)
      %dma_wait3A_366 = arith.constant 0 : i32
      %dma_wait3A_367 = arith.constant 0 : i32
      %dma_wait3A_368 = tpu.memref_slice %arg9[%run_scoped3A_338, %dma_wait3A_366, %dma_wait3A_367] : memref<2x128x128xf32, #tpu.memory_space<vmem>> -> memref<1x128x128xf32, #tpu.memory_space<vmem>>
      %dma_wait3A_369 = tpu.memref_squeeze %dma_wait3A_368 : memref<1x128x128xf32, #tpu.memory_space<vmem>> -> memref<128x128xf32, #tpu.memory_space<vmem>>
      %dma_wait3A_370 = arith.constant 0 : i32
      %dma_wait3A_371 = arith.constant 0 : i32
      %dma_wait3A_372 = tpu.memref_slice %arg5[%arg0, %dma_wait3A_370, %dma_wait3A_371] : memref<2x10240x128xf32, #tpu.memory_space<hbm>> -> memref<1x10240x128xf32, #tpu.memory_space<hbm>>
      %dma_wait3A_373 = tpu.memref_squeeze %dma_wait3A_372 : memref<1x10240x128xf32, #tpu.memory_space<hbm>> -> memref<10240x128xf32, #tpu.memory_space<hbm>>
      %dma_wait3A_374 = arith.constant 0 : i32
      %dma_wait3A_375 = tpu.memref_slice %dma_wait3A_373[%add3A_336, %dma_wait3A_374] : memref<10240x128xf32, #tpu.memory_space<hbm>> -> memref<128x128xf32, #tpu.memory_space<hbm>>
      %dma_wait3A_376 = arith.constant 0 : i32
      %dma_wait3A_377 = arith.constant 0 : i32
      %dma_wait3A_378 = tpu.memref_slice %arg5[%arg0, %dma_wait3A_376, %dma_wait3A_377] : memref<2x10240x128xf32, #tpu.memory_space<hbm>> -> memref<1x10240x128xf32, #tpu.memory_space<hbm>>
      %dma_wait3A_379 = tpu.memref_squeeze %dma_wait3A_378 : memref<1x10240x128xf32, #tpu.memory_space<hbm>> -> memref<10240x128xf32, #tpu.memory_space<hbm>>
      %dma_wait3A_380 = arith.constant 0 : i32
      %dma_wait3A_381 = tpu.memref_slice %dma_wait3A_379[%add3A_336, %dma_wait3A_380] : memref<10240x128xf32, #tpu.memory_space<hbm>> -> memref<128x128xf32, #tpu.memory_space<hbm>>
      %dma_wait3A_382 = arith.constant 0 : i32
      %dma_wait3A_383 = arith.constant 0 : i32
      %dma_wait3A_384 = tpu.memref_slice %arg9[%run_scoped3A_338, %dma_wait3A_382, %dma_wait3A_383] : memref<2x128x128xf32, #tpu.memory_space<vmem>> -> memref<1x128x128xf32, #tpu.memory_space<vmem>>
      %dma_wait3A_385 = tpu.memref_squeeze %dma_wait3A_384 : memref<1x128x128xf32, #tpu.memory_space<vmem>> -> memref<128x128xf32, #tpu.memory_space<vmem>>
      tpu.wait_dma2 semaphore(%run_scoped3A_345 : memref<!tpu.dma_semaphore, #tpu.memory_space<semaphore_mem>>) src(%dma_wait3A_385 : memref<128x128xf32, #tpu.memory_space<vmem>>) dst(%dma_wait3A_381 : memref<128x128xf32, #tpu.memory_space<hbm>>)
      tpu.yield
    }) : () -> ()
    %mul3A_339 = arith.constant 640 : i32
    %mul3A_340 = arith.muli %arg1, %mul3A_339 : i32
    %add3A_341 = arith.constant 512 : i32
    %add3A_342 = arith.addi %mul3A_340, %add3A_341 : i32
    %run_scoped3A_343 = arith.constant 0 : i32
    "tpu.region"() ({
      %run_scoped3A_345 = tpu.sem_alloc : memref<!tpu.dma_semaphore, #tpu.memory_space<semaphore_mem>>
      %dma_start3A_346 = arith.constant 0 : i32
      %dma_start3A_347 = arith.constant 0 : i32
      %dma_start3A_348 = tpu.memref_slice %arg9[%run_scoped3A_343, %dma_start3A_346, %dma_start3A_347] : memref<2x128x128xf32, #tpu.memory_space<vmem>> -> memref<1x128x128xf32, #tpu.memory_space<vmem>>
      %dma_start3A_349 = tpu.memref_squeeze %dma_start3A_348 : memref<1x128x128xf32, #tpu.memory_space<vmem>> -> memref<128x128xf32, #tpu.memory_space<vmem>>
      %dma_start3A_350 = arith.constant 0 : i32
      %dma_start3A_351 = tpu.memref_slice %arg6[%add3A_342, %dma_start3A_350] : memref<10240x128xf32, #tpu.memory_space<vmem_shared>> -> memref<128x128xf32, #tpu.memory_space<vmem_shared>>
      %dma_start3A_352 = arith.constant 0 : i32
      %dma_start3A_353 = arith.constant 0 : i32
      %dma_start3A_354 = tpu.memref_slice %arg9[%run_scoped3A_343, %dma_start3A_352, %dma_start3A_353] : memref<2x128x128xf32, #tpu.memory_space<vmem>> -> memref<1x128x128xf32, #tpu.memory_space<vmem>>
      %dma_start3A_355 = tpu.memref_squeeze %dma_start3A_354 : memref<1x128x128xf32, #tpu.memory_space<vmem>> -> memref<128x128xf32, #tpu.memory_space<vmem>>
      %dma_start3A_356 = arith.constant 0 : i32
      %dma_start3A_357 = tpu.memref_slice %arg6[%add3A_342, %dma_start3A_356] : memref<10240x128xf32, #tpu.memory_space<vmem_shared>> -> memref<128x128xf32, #tpu.memory_space<vmem_shared>>
      tpu.enqueue_dma source(%dma_start3A_357 : memref<128x128xf32, #tpu.memory_space<vmem_shared>>) target(%dma_start3A_355 : memref<128x128xf32, #tpu.memory_space<vmem>>) target_semaphore(%run_scoped3A_345 : memref<!tpu.dma_semaphore, #tpu.memory_space<semaphore_mem>>)
      %dma_wait3A_358 = arith.constant 0 : i32
      %dma_wait3A_359 = arith.constant 0 : i32
      %dma_wait3A_360 = tpu.memref_slice %arg9[%run_scoped3A_343, %dma_wait3A_358, %dma_wait3A_359] : memref<2x128x128xf32, #tpu.memory_space<vmem>> -> memref<1x128x128xf32, #tpu.memory_space<vmem>>
      %dma_wait3A_361 = tpu.memref_squeeze %dma_wait3A_360 : memref<1x128x128xf32, #tpu.memory_space<vmem>> -> memref<128x128xf32, #tpu.memory_space<vmem>>
      %dma_wait3A_362 = arith.constant 0 : i32
      %dma_wait3A_363 = tpu.memref_slice %arg6[%add3A_342, %dma_wait3A_362] : memref<10240x128xf32, #tpu.memory_space<vmem_shared>> -> memref<128x128xf32, #tpu.memory_space<vmem_shared>>
      %dma_wait3A_364 = arith.constant 0 : i32
      %dma_wait3A_365 = arith.constant 0 : i32
      %dma_wait3A_366 = tpu.memref_slice %arg9[%run_scoped3A_343, %dma_wait3A_364, %dma_wait3A_365] : memref<2x128x128xf32, #tpu.memory_space<vmem>> -> memref<1x128x128xf32, #tpu.memory_space<vmem>>
      %dma_wait3A_367 = tpu.memref_squeeze %dma_wait3A_366 : memref<1x128x128xf32, #tpu.memory_space<vmem>> -> memref<128x128xf32, #tpu.memory_space<vmem>>
      %dma_wait3A_368 = arith.constant 0 : i32
      %dma_wait3A_369 = tpu.memref_slice %arg6[%add3A_342, %dma_wait3A_368] : memref<10240x128xf32, #tpu.memory_space<vmem_shared>> -> memref<128x128xf32, #tpu.memory_space<vmem_shared>>
      tpu.wait_dma2 semaphore(%run_scoped3A_345 : memref<!tpu.dma_semaphore, #tpu.memory_space<semaphore_mem>>) src(%dma_wait3A_369 : memref<128x128xf32, #tpu.memory_space<vmem_shared>>) dst(%dma_wait3A_367 : memref<128x128xf32, #tpu.memory_space<vmem>>)
      tpu.yield
    }) : () -> ()
    %run_scoped3A_344 = arith.constant 0 : i32
    "tpu.region"() ({
      %run_scoped3A_345 = tpu.sem_alloc : memref<!tpu.dma_semaphore, #tpu.memory_space<semaphore_mem>>
      %dma_start3A_346 = arith.constant 0 : i32
      %dma_start3A_347 = arith.constant 0 : i32
      %dma_start3A_348 = tpu.memref_slice %arg9[%run_scoped3A_344, %dma_start3A_346, %dma_start3A_347] : memref<2x128x128xf32, #tpu.memory_space<vmem>> -> memref<1x128x128xf32, #tpu.memory_space<vmem>>
      %dma_start3A_349 = tpu.memref_squeeze %dma_start3A_348 : memref<1x128x128xf32, #tpu.memory_space<vmem>> -> memref<128x128xf32, #tpu.memory_space<vmem>>
      %dma_start3A_350 = arith.constant 0 : i32
      %dma_start3A_351 = arith.constant 0 : i32
      %dma_start3A_352 = tpu.memref_slice %arg5[%arg0, %dma_start3A_350, %dma_start3A_351] : memref<2x10240x128xf32, #tpu.memory_space<hbm>> -> memref<1x10240x128xf32, #tpu.memory_space<hbm>>
      %dma_start3A_353 = tpu.memref_squeeze %dma_start3A_352 : memref<1x10240x128xf32, #tpu.memory_space<hbm>> -> memref<10240x128xf32, #tpu.memory_space<hbm>>
      %dma_start3A_354 = arith.constant 0 : i32
      %dma_start3A_355 = tpu.memref_slice %dma_start3A_353[%add3A_342, %dma_start3A_354] : memref<10240x128xf32, #tpu.memory_space<hbm>> -> memref<128x128xf32, #tpu.memory_space<hbm>>
      %dma_start3A_356 = arith.constant 0 : i32
      %dma_start3A_357 = arith.constant 0 : i32
      %dma_start3A_358 = tpu.memref_slice %arg5[%arg0, %dma_start3A_356, %dma_start3A_357] : memref<2x10240x128xf32, #tpu.memory_space<hbm>> -> memref<1x10240x128xf32, #tpu.memory_space<hbm>>
      %dma_start3A_359 = tpu.memref_squeeze %dma_start3A_358 : memref<1x10240x128xf32, #tpu.memory_space<hbm>> -> memref<10240x128xf32, #tpu.memory_space<hbm>>
      %dma_start3A_360 = arith.constant 0 : i32
      %dma_start3A_361 = tpu.memref_slice %dma_start3A_359[%add3A_342, %dma_start3A_360] : memref<10240x128xf32, #tpu.memory_space<hbm>> -> memref<128x128xf32, #tpu.memory_space<hbm>>
      %dma_start3A_362 = arith.constant 0 : i32
      %dma_start3A_363 = arith.constant 0 : i32
      %dma_start3A_364 = tpu.memref_slice %arg9[%run_scoped3A_344, %dma_start3A_362, %dma_start3A_363] : memref<2x128x128xf32, #tpu.memory_space<vmem>> -> memref<1x128x128xf32, #tpu.memory_space<vmem>>
      %dma_start3A_365 = tpu.memref_squeeze %dma_start3A_364 : memref<1x128x128xf32, #tpu.memory_space<vmem>> -> memref<128x128xf32, #tpu.memory_space<vmem>>
      tpu.enqueue_dma source(%dma_start3A_365 : memref<128x128xf32, #tpu.memory_space<vmem>>) target(%dma_start3A_361 : memref<128x128xf32, #tpu.memory_space<hbm>>) target_semaphore(%run_scoped3A_345 : memref<!tpu.dma_semaphore, #tpu.memory_space<semaphore_mem>>)
      %dma_wait3A_366 = arith.constant 0 : i32
      %dma_wait3A_367 = arith.constant 0 : i32
      %dma_wait3A_368 = tpu.memref_slice %arg9[%run_scoped3A_344, %dma_wait3A_366, %dma_wait3A_367] : memref<2x128x128xf32, #tpu.memory_space<vmem>> -> memref<1x128x128xf32, #tpu.memory_space<vmem>>
      %dma_wait3A_369 = tpu.memref_squeeze %dma_wait3A_368 : memref<1x128x128xf32, #tpu.memory_space<vmem>> -> memref<128x128xf32, #tpu.memory_space<vmem>>
      %dma_wait3A_370 = arith.constant 0 : i32
      %dma_wait3A_371 = arith.constant 0 : i32
      %dma_wait3A_372 = tpu.memref_slice %arg5[%arg0, %dma_wait3A_370, %dma_wait3A_371] : memref<2x10240x128xf32, #tpu.memory_space<hbm>> -> memref<1x10240x128xf32, #tpu.memory_space<hbm>>
      %dma_wait3A_373 = tpu.memref_squeeze %dma_wait3A_372 : memref<1x10240x128xf32, #tpu.memory_space<hbm>> -> memref<10240x128xf32, #tpu.memory_space<hbm>>
      %dma_wait3A_374 = arith.constant 0 : i32
      %dma_wait3A_375 = tpu.memref_slice %dma_wait3A_373[%add3A_342, %dma_wait3A_374] : memref<10240x128xf32, #tpu.memory_space<hbm>> -> memref<128x128xf32, #tpu.memory_space<hbm>>
      %dma_wait3A_376 = arith.constant 0 : i32
      %dma_wait3A_377 = arith.constant 0 : i32
      %dma_wait3A_378 = tpu.memref_slice %arg5[%arg0, %dma_wait3A_376, %dma_wait3A_377] : memref<2x10240x128xf32, #tpu.memory_space<hbm>> -> memref<1x10240x128xf32, #tpu.memory_space<hbm>>
      %dma_wait3A_379 = tpu.memref_squeeze %dma_wait3A_378 : memref<1x10240x128xf32, #tpu.memory_space<hbm>> -> memref<10240x128xf32, #tpu.memory_space<hbm>>
      %dma_wait3A_380 = arith.constant 0 : i32
      %dma_wait3A_381 = tpu.memref_slice %dma_wait3A_379[%add3A_342, %dma_wait3A_380] : memref<10240x128xf32, #tpu.memory_space<hbm>> -> memref<128x128xf32, #tpu.memory_space<hbm>>
      %dma_wait3A_382 = arith.constant 0 : i32
      %dma_wait3A_383 = arith.constant 0 : i32
      %dma_wait3A_384 = tpu.memref_slice %arg9[%run_scoped3A_344, %dma_wait3A_382, %dma_wait3A_383] : memref<2x128x128xf32, #tpu.memory_space<vmem>> -> memref<1x128x128xf32, #tpu.memory_space<vmem>>
      %dma_wait3A_385 = tpu.memref_squeeze %dma_wait3A_384 : memref<1x128x128xf32, #tpu.memory_space<vmem>> -> memref<128x128xf32, #tpu.memory_space<vmem>>
      tpu.wait_dma2 semaphore(%run_scoped3A_345 : memref<!tpu.dma_semaphore, #tpu.memory_space<semaphore_mem>>) src(%dma_wait3A_385 : memref<128x128xf32, #tpu.memory_space<vmem>>) dst(%dma_wait3A_381 : memref<128x128xf32, #tpu.memory_space<hbm>>)
      tpu.yield
    }) : () -> ()
    return
  }
}

#map = affine_map<(d0, d1) -> (0)>
module attributes {stable_mosaic.version = 14 : i64} {
  func.func @_deg_body(%arg0: i32, %arg1: i32, %arg2: memref<163840xi32, #tpu.memory_space<hbm>>, %arg3: memref<20480xf32, #tpu.memory_space<hbm>>, %arg4: memref<10240xf32, #tpu.memory_space<vmem>>, %arg5: memref<5120xi32, #tpu.memory_space<vmem>>, %arg6: memref<16x10240xf32, #tpu.memory_space<vmem_shared>>, %arg7: memref<16x640xf32, #tpu.memory_space<vmem>>, %arg8: memref<640xf32, #tpu.memory_space<vmem>>) attributes {dimension_semantics = [#tpu.dimension_semantics<core_parallel>, #tpu.dimension_semantics<subcore_parallel>], iteration_bounds = array<i64: 2, 16>, scalar_prefetch = 0 : i64, scratch_operands = 5 : i64, tpu.core_type = #tpu.core_type<sc_vector_subcore>, window_params = [{transform_indices = #map}, {transform_indices = #map}]} {
    %broadcast_in_dim3A = arith.constant 0.000000e+00 : f32
    %broadcast_in_dim3A_0 = vector.broadcast %broadcast_in_dim3A : f32 to vector<16xf32>
    %broadcast_in_dim3A_1 = arith.constant 1.000000e+00 : f32
    %broadcast_in_dim3A_2 = vector.broadcast %broadcast_in_dim3A_1 : f32 to vector<16xf32>
    %scan3A = arith.constant 0 : i32
    %scan3A_3 = arith.constant 640 : i32
    %scan3A_4 = arith.addi %scan3A, %scan3A_3 : i32
    %scan3A_5 = arith.constant 1 : i32
    scf.for %scan3A_27 = %scan3A to %scan3A_4 step %scan3A_5  : i32 {
      %mul3A_28 = arith.constant 16 : i32
      %mul3A_29 = arith.muli %scan3A_27, %mul3A_28 : i32
      %add3A_30 = arith.constant 0 : i32
      %add3A_31 = arith.addi %add3A_30, %mul3A_29 : i32
      %swap3A = arith.index_cast %add3A_31 : i32 to index
      %swap3A_32 = tpu.vector_load %arg4[%swap3A] {strides = array<i32>} : memref<10240xf32, #tpu.memory_space<vmem>>, vector<16xf32>,
      tpu.vector_store %arg4[%swap3A], %broadcast_in_dim3A_0 {strides = array<i32>} : memref<10240xf32, #tpu.memory_space<vmem>>, vector<16xf32>,
    }
    %scan3A_6 = arith.constant 640 : i32
    %mul3A = arith.constant 16 : i32
    %mul3A_7 = arith.muli %arg0, %mul3A : i32
    %add3A = arith.addi %mul3A_7, %arg1 : i32
    %mul3A_8 = arith.constant 5120 : i32
    %mul3A_9 = arith.muli %add3A, %mul3A_8 : i32
    "tpu.region"() ({
      %run_scoped3A = tpu.sem_alloc : memref<!tpu.dma_semaphore, #tpu.memory_space<semaphore_mem>>
      %dma_start3A = tpu.memref_slice %arg2[%mul3A_9] : memref<163840xi32, #tpu.memory_space<hbm>> -> memref<5120xi32, #tpu.memory_space<hbm>>
      %dma_start3A_27 = tpu.memref_slice %arg2[%mul3A_9] : memref<163840xi32, #tpu.memory_space<hbm>> -> memref<5120xi32, #tpu.memory_space<hbm>>
      tpu.enqueue_dma source(%dma_start3A_27 : memref<5120xi32, #tpu.memory_space<hbm>>) target(%arg5 : memref<5120xi32, #tpu.memory_space<vmem>>) target_semaphore(%run_scoped3A : memref<!tpu.dma_semaphore, #tpu.memory_space<semaphore_mem>>)
      %dma_wait3A = tpu.memref_slice %arg2[%mul3A_9] : memref<163840xi32, #tpu.memory_space<hbm>> -> memref<5120xi32, #tpu.memory_space<hbm>>
      %dma_wait3A_28 = tpu.memref_slice %arg2[%mul3A_9] : memref<163840xi32, #tpu.memory_space<hbm>> -> memref<5120xi32, #tpu.memory_space<hbm>>
      tpu.wait_dma2 semaphore(%run_scoped3A : memref<!tpu.dma_semaphore, #tpu.memory_space<semaphore_mem>>) src(%dma_wait3A_28 : memref<5120xi32, #tpu.memory_space<hbm>>) dst(%arg5 : memref<5120xi32, #tpu.memory_space<vmem>>)
      tpu.yield
    }) : () -> ()
    %scan3A_10 = arith.constant 0 : i32
    %scan3A_11 = arith.constant 320 : i32
    %scan3A_12 = arith.addi %scan3A_10, %scan3A_11 : i32
    %scan3A_13 = arith.constant 1 : i32
    scf.for %scan3A_27 = %scan3A_10 to %scan3A_12 step %scan3A_13  : i32 {
      %mul3A_28 = arith.constant 1 : i32
      %mul3A_29 = arith.muli %scan3A_27, %mul3A_28 : i32
      %add3A_30 = arith.constant 0 : i32
      %add3A_31 = arith.addi %add3A_30, %mul3A_29 : i32
      %mul3A_32 = arith.constant 16 : i32
      %mul3A_33 = arith.muli %add3A_31, %mul3A_32 : i32
      %get3A = arith.index_cast %mul3A_33 : i32 to index
      %get3A_34 = tpu.vector_load %arg5[%get3A] {strides = array<i32>} : memref<5120xi32, #tpu.memory_space<vmem>>, vector<16xi32>,
      tpu.vector_store_idx %arg4[%get3A_34], %broadcast_in_dim3A_2 {add = true} : memref<10240xf32, #tpu.memory_space<vmem>>[vector<16xi32>], vector<16xf32>,
    }
    %scan3A_14 = arith.constant 320 : i32
    "tpu.region"() ({
      %run_scoped3A = tpu.sem_alloc : memref<!tpu.dma_semaphore, #tpu.memory_space<semaphore_mem>>
      %dma_start3A = arith.constant 0 : i32
      %dma_start3A_27 = tpu.memref_slice %arg6[%arg1, %dma_start3A] : memref<16x10240xf32, #tpu.memory_space<vmem_shared>> -> memref<1x10240xf32, #tpu.memory_space<vmem_shared>>
      %dma_start3A_28 = tpu.memref_squeeze %dma_start3A_27 : memref<1x10240xf32, #tpu.memory_space<vmem_shared>> -> memref<10240xf32, #tpu.memory_space<vmem_shared>>
      %dma_start3A_29 = arith.constant 0 : i32
      %dma_start3A_30 = tpu.memref_slice %arg6[%arg1, %dma_start3A_29] : memref<16x10240xf32, #tpu.memory_space<vmem_shared>> -> memref<1x10240xf32, #tpu.memory_space<vmem_shared>>
      %dma_start3A_31 = tpu.memref_squeeze %dma_start3A_30 : memref<1x10240xf32, #tpu.memory_space<vmem_shared>> -> memref<10240xf32, #tpu.memory_space<vmem_shared>>
      tpu.enqueue_dma source(%arg4 : memref<10240xf32, #tpu.memory_space<vmem>>) target(%dma_start3A_31 : memref<10240xf32, #tpu.memory_space<vmem_shared>>) target_semaphore(%run_scoped3A : memref<!tpu.dma_semaphore, #tpu.memory_space<semaphore_mem>>)
      %dma_wait3A = arith.constant 0 : i32
      %dma_wait3A_32 = tpu.memref_slice %arg6[%arg1, %dma_wait3A] : memref<16x10240xf32, #tpu.memory_space<vmem_shared>> -> memref<1x10240xf32, #tpu.memory_space<vmem_shared>>
      %dma_wait3A_33 = tpu.memref_squeeze %dma_wait3A_32 : memref<1x10240xf32, #tpu.memory_space<vmem_shared>> -> memref<10240xf32, #tpu.memory_space<vmem_shared>>
      %dma_wait3A_34 = arith.constant 0 : i32
      %dma_wait3A_35 = tpu.memref_slice %arg6[%arg1, %dma_wait3A_34] : memref<16x10240xf32, #tpu.memory_space<vmem_shared>> -> memref<1x10240xf32, #tpu.memory_space<vmem_shared>>
      %dma_wait3A_36 = tpu.memref_squeeze %dma_wait3A_35 : memref<1x10240xf32, #tpu.memory_space<vmem_shared>> -> memref<10240xf32, #tpu.memory_space<vmem_shared>>
      tpu.wait_dma2 semaphore(%run_scoped3A : memref<!tpu.dma_semaphore, #tpu.memory_space<semaphore_mem>>) src(%arg4 : memref<10240xf32, #tpu.memory_space<vmem>>) dst(%dma_wait3A_36 : memref<10240xf32, #tpu.memory_space<vmem_shared>>)
      tpu.yield
    }) : () -> ()
    %barrier3A = arith.constant 0 : index
    tpu.barrier barrier_id(%barrier3A)
    %mul3A_15 = arith.constant 640 : i32
    %mul3A_16 = arith.muli %arg1, %mul3A_15 : i32
    "tpu.region"() ({
      %run_scoped3A = tpu.sem_alloc : memref<!tpu.dma_semaphore, #tpu.memory_space<semaphore_mem>>
      %dma_start3A = arith.constant 0 : i32
      %dma_start3A_27 = tpu.memref_slice %arg6[%dma_start3A, %mul3A_16] : memref<16x10240xf32, #tpu.memory_space<vmem_shared>> -> memref<16x640xf32, #tpu.memory_space<vmem_shared>>
      %dma_start3A_28 = arith.constant 0 : i32
      %dma_start3A_29 = tpu.memref_slice %arg6[%dma_start3A_28, %mul3A_16] : memref<16x10240xf32, #tpu.memory_space<vmem_shared>> -> memref<16x640xf32, #tpu.memory_space<vmem_shared>>
      tpu.enqueue_dma source(%dma_start3A_29 : memref<16x640xf32, #tpu.memory_space<vmem_shared>>) target(%arg7 : memref<16x640xf32, #tpu.memory_space<vmem>>) target_semaphore(%run_scoped3A : memref<!tpu.dma_semaphore, #tpu.memory_space<semaphore_mem>>)
      %dma_wait3A = arith.constant 0 : i32
      %dma_wait3A_30 = tpu.memref_slice %arg6[%dma_wait3A, %mul3A_16] : memref<16x10240xf32, #tpu.memory_space<vmem_shared>> -> memref<16x640xf32, #tpu.memory_space<vmem_shared>>
      %dma_wait3A_31 = arith.constant 0 : i32
      %dma_wait3A_32 = tpu.memref_slice %arg6[%dma_wait3A_31, %mul3A_16] : memref<16x10240xf32, #tpu.memory_space<vmem_shared>> -> memref<16x640xf32, #tpu.memory_space<vmem_shared>>
      tpu.wait_dma2 semaphore(%run_scoped3A : memref<!tpu.dma_semaphore, #tpu.memory_space<semaphore_mem>>) src(%dma_wait3A_32 : memref<16x640xf32, #tpu.memory_space<vmem_shared>>) dst(%arg7 : memref<16x640xf32, #tpu.memory_space<vmem>>)
      tpu.yield
    }) : () -> ()
    %scan3A_17 = arith.constant 0 : i32
    %scan3A_18 = arith.constant 40 : i32
    %scan3A_19 = arith.addi %scan3A_17, %scan3A_18 : i32
    %scan3A_20 = arith.constant 1 : i32
    scf.for %scan3A_27 = %scan3A_17 to %scan3A_19 step %scan3A_20  : i32 {
      %mul3A_28 = arith.constant 16 : i32
      %mul3A_29 = arith.muli %scan3A_27, %mul3A_28 : i32
      %add3A_30 = arith.constant 0 : i32
      %add3A_31 = arith.addi %add3A_30, %mul3A_29 : i32
      %get3A = arith.constant 0 : i32
      %get3A_32 = arith.index_cast %get3A : i32 to index
      %get3A_33 = arith.index_cast %add3A_31 : i32 to index
      %get3A_34 = tpu.vector_load %arg7[%get3A_32, %get3A_33] {strides = array<i32>} : memref<16x640xf32, #tpu.memory_space<vmem>>, vector<16xf32>,
      %get3A_35 = arith.constant 1 : i32
      %get3A_36 = arith.index_cast %get3A_35 : i32 to index
      %get3A_37 = arith.index_cast %add3A_31 : i32 to index
      %get3A_38 = tpu.vector_load %arg7[%get3A_36, %get3A_37] {strides = array<i32>} : memref<16x640xf32, #tpu.memory_space<vmem>>, vector<16xf32>,
      %add3A_39 = arith.addf %get3A_34, %get3A_38 : vector<16xf32>
      %get3A_40 = arith.constant 2 : i32
      %get3A_41 = arith.index_cast %get3A_40 : i32 to index
      %get3A_42 = arith.index_cast %add3A_31 : i32 to index
      %get3A_43 = tpu.vector_load %arg7[%get3A_41, %get3A_42] {strides = array<i32>} : memref<16x640xf32, #tpu.memory_space<vmem>>, vector<16xf32>,
      %add3A_44 = arith.addf %add3A_39, %get3A_43 : vector<16xf32>
      %get3A_45 = arith.constant 3 : i32
      %get3A_46 = arith.index_cast %get3A_45 : i32 to index
      %get3A_47 = arith.index_cast %add3A_31 : i32 to index
      %get3A_48 = tpu.vector_load %arg7[%get3A_46, %get3A_47] {strides = array<i32>} : memref<16x640xf32, #tpu.memory_space<vmem>>, vector<16xf32>,
      %add3A_49 = arith.addf %add3A_44, %get3A_48 : vector<16xf32>
      %get3A_50 = arith.constant 4 : i32
      %get3A_51 = arith.index_cast %get3A_50 : i32 to index
      %get3A_52 = arith.index_cast %add3A_31 : i32 to index
      %get3A_53 = tpu.vector_load %arg7[%get3A_51, %get3A_52] {strides = array<i32>} : memref<16x640xf32, #tpu.memory_space<vmem>>, vector<16xf32>,
      %add3A_54 = arith.addf %add3A_49, %get3A_53 : vector<16xf32>
      %get3A_55 = arith.constant 5 : i32
      %get3A_56 = arith.index_cast %get3A_55 : i32 to index
      %get3A_57 = arith.index_cast %add3A_31 : i32 to index
      %get3A_58 = tpu.vector_load %arg7[%get3A_56, %get3A_57] {strides = array<i32>} : memref<16x640xf32, #tpu.memory_space<vmem>>, vector<16xf32>,
      %add3A_59 = arith.addf %add3A_54, %get3A_58 : vector<16xf32>
      %get3A_60 = arith.constant 6 : i32
      %get3A_61 = arith.index_cast %get3A_60 : i32 to index
      %get3A_62 = arith.index_cast %add3A_31 : i32 to index
      %get3A_63 = tpu.vector_load %arg7[%get3A_61, %get3A_62] {strides = array<i32>} : memref<16x640xf32, #tpu.memory_space<vmem>>, vector<16xf32>,
      %add3A_64 = arith.addf %add3A_59, %get3A_63 : vector<16xf32>
      %get3A_65 = arith.constant 7 : i32
      %get3A_66 = arith.index_cast %get3A_65 : i32 to index
      %get3A_67 = arith.index_cast %add3A_31 : i32 to index
      %get3A_68 = tpu.vector_load %arg7[%get3A_66, %get3A_67] {strides = array<i32>} : memref<16x640xf32, #tpu.memory_space<vmem>>, vector<16xf32>,
      %add3A_69 = arith.addf %add3A_64, %get3A_68 : vector<16xf32>
      %get3A_70 = arith.constant 8 : i32
      %get3A_71 = arith.index_cast %get3A_70 : i32 to index
      %get3A_72 = arith.index_cast %add3A_31 : i32 to index
      %get3A_73 = tpu.vector_load %arg7[%get3A_71, %get3A_72] {strides = array<i32>} : memref<16x640xf32, #tpu.memory_space<vmem>>, vector<16xf32>,
      %add3A_74 = arith.addf %add3A_69, %get3A_73 : vector<16xf32>
      %get3A_75 = arith.constant 9 : i32
      %get3A_76 = arith.index_cast %get3A_75 : i32 to index
      %get3A_77 = arith.index_cast %add3A_31 : i32 to index
      %get3A_78 = tpu.vector_load %arg7[%get3A_76, %get3A_77] {strides = array<i32>} : memref<16x640xf32, #tpu.memory_space<vmem>>, vector<16xf32>,
      %add3A_79 = arith.addf %add3A_74, %get3A_78 : vector<16xf32>
      %get3A_80 = arith.constant 10 : i32
      %get3A_81 = arith.index_cast %get3A_80 : i32 to index
      %get3A_82 = arith.index_cast %add3A_31 : i32 to index
      %get3A_83 = tpu.vector_load %arg7[%get3A_81, %get3A_82] {strides = array<i32>} : memref<16x640xf32, #tpu.memory_space<vmem>>, vector<16xf32>,
      %add3A_84 = arith.addf %add3A_79, %get3A_83 : vector<16xf32>
      %get3A_85 = arith.constant 11 : i32
      %get3A_86 = arith.index_cast %get3A_85 : i32 to index
      %get3A_87 = arith.index_cast %add3A_31 : i32 to index
      %get3A_88 = tpu.vector_load %arg7[%get3A_86, %get3A_87] {strides = array<i32>} : memref<16x640xf32, #tpu.memory_space<vmem>>, vector<16xf32>,
      %add3A_89 = arith.addf %add3A_84, %get3A_88 : vector<16xf32>
      %get3A_90 = arith.constant 12 : i32
      %get3A_91 = arith.index_cast %get3A_90 : i32 to index
      %get3A_92 = arith.index_cast %add3A_31 : i32 to index
      %get3A_93 = tpu.vector_load %arg7[%get3A_91, %get3A_92] {strides = array<i32>} : memref<16x640xf32, #tpu.memory_space<vmem>>, vector<16xf32>,
      %add3A_94 = arith.addf %add3A_89, %get3A_93 : vector<16xf32>
      %get3A_95 = arith.constant 13 : i32
      %get3A_96 = arith.index_cast %get3A_95 : i32 to index
      %get3A_97 = arith.index_cast %add3A_31 : i32 to index
      %get3A_98 = tpu.vector_load %arg7[%get3A_96, %get3A_97] {strides = array<i32>} : memref<16x640xf32, #tpu.memory_space<vmem>>, vector<16xf32>,
      %add3A_99 = arith.addf %add3A_94, %get3A_98 : vector<16xf32>
      %get3A_100 = arith.constant 14 : i32
      %get3A_101 = arith.index_cast %get3A_100 : i32 to index
      %get3A_102 = arith.index_cast %add3A_31 : i32 to index
      %get3A_103 = tpu.vector_load %arg7[%get3A_101, %get3A_102] {strides = array<i32>} : memref<16x640xf32, #tpu.memory_space<vmem>>, vector<16xf32>,
      %add3A_104 = arith.addf %add3A_99, %get3A_103 : vector<16xf32>
      %get3A_105 = arith.constant 15 : i32
      %get3A_106 = arith.index_cast %get3A_105 : i32 to index
      %get3A_107 = arith.index_cast %add3A_31 : i32 to index
      %get3A_108 = tpu.vector_load %arg7[%get3A_106, %get3A_107] {strides = array<i32>} : memref<16x640xf32, #tpu.memory_space<vmem>>, vector<16xf32>,
      %add3A_109 = arith.addf %add3A_104, %get3A_108 : vector<16xf32>
      %swap3A = arith.index_cast %add3A_31 : i32 to index
      %swap3A_110 = tpu.vector_load %arg8[%swap3A] {strides = array<i32>} : memref<640xf32, #tpu.memory_space<vmem>>, vector<16xf32>,
      tpu.vector_store %arg8[%swap3A], %add3A_109 {strides = array<i32>} : memref<640xf32, #tpu.memory_space<vmem>>, vector<16xf32>,
    }
    %scan3A_21 = arith.constant 40 : i32
    %mul3A_22 = arith.constant 10240 : i32
    %mul3A_23 = arith.muli %arg0, %mul3A_22 : i32
    %mul3A_24 = arith.constant 640 : i32
    %mul3A_25 = arith.muli %arg1, %mul3A_24 : i32
    %add3A_26 = arith.addi %mul3A_23, %mul3A_25 : i32
    "tpu.region"() ({
      %run_scoped3A = tpu.sem_alloc : memref<!tpu.dma_semaphore, #tpu.memory_space<semaphore_mem>>
      %dma_start3A = tpu.memref_slice %arg3[%add3A_26] : memref<20480xf32, #tpu.memory_space<hbm>> -> memref<640xf32, #tpu.memory_space<hbm>>
      %dma_start3A_27 = tpu.memref_slice %arg3[%add3A_26] : memref<20480xf32, #tpu.memory_space<hbm>> -> memref<640xf32, #tpu.memory_space<hbm>>
      tpu.enqueue_dma source(%arg8 : memref<640xf32, #tpu.memory_space<vmem>>) target(%dma_start3A_27 : memref<640xf32, #tpu.memory_space<hbm>>) target_semaphore(%run_scoped3A : memref<!tpu.dma_semaphore, #tpu.memory_space<semaphore_mem>>)
      %dma_wait3A = tpu.memref_slice %arg3[%add3A_26] : memref<20480xf32, #tpu.memory_space<hbm>> -> memref<640xf32, #tpu.memory_space<hbm>>
      %dma_wait3A_28 = tpu.memref_slice %arg3[%add3A_26] : memref<20480xf32, #tpu.memory_space<hbm>> -> memref<640xf32, #tpu.memory_space<hbm>>
      tpu.wait_dma2 semaphore(%run_scoped3A : memref<!tpu.dma_semaphore, #tpu.memory_space<semaphore_mem>>) src(%arg8 : memref<640xf32, #tpu.memory_space<vmem>>) dst(%dma_wait3A_28 : memref<640xf32, #tpu.memory_space<hbm>>)
      tpu.yield
    }) : () -> ()
    return
  }
}

#map = affine_map<(d0, d1) -> (0, 0, 0)>
#map1 = affine_map<(d0, d1) -> (0, 0)>
module attributes {stable_mosaic.version = 14 : i64} {
  func.func @_agg_body(%arg0: i32, %arg1: i32, %arg2: memref<2x10240x128xf32, #tpu.memory_space<hbm>>, %arg3: memref<1280x128xi32, #tpu.memory_space<hbm>>, %arg4: memref<1280x128xi32, #tpu.memory_space<hbm>>, %arg5: memref<2x10240x128xf32, #tpu.memory_space<hbm>>, %arg6: memref<10240x128xf32, #tpu.memory_space<vmem_shared>>, %arg7: memref<40x128xi32, #tpu.memory_space<vmem>>, %arg8: memref<40x128xi32, #tpu.memory_space<vmem>>, %arg9: memref<2x128x128xf32, #tpu.memory_space<vmem>>, %arg10: memref<2x!tpu.dma_semaphore, #tpu.memory_space<semaphore_mem>>, %arg11: memref<2x!tpu.dma_semaphore, #tpu.memory_space<semaphore_mem>>) attributes {dimension_semantics = [#tpu.dimension_semantics<core_parallel>, #tpu.dimension_semantics<subcore_parallel>], iteration_bounds = array<i64: 2, 16>, scalar_prefetch = 0 : i64, scratch_operands = 6 : i64, tpu.core_type = #tpu.core_type<sc_vector_subcore>, window_params = [{transform_indices = #map}, {transform_indices = #map1}, {transform_indices = #map1}, {transform_indices = #map}]} {
    %mul3A = arith.constant 640 : i32
    %mul3A_0 = arith.muli %arg1, %mul3A : i32
    %add3A = arith.constant 0 : i32
    %add3A_1 = arith.addi %mul3A_0, %add3A : i32
    %run_scoped3A = arith.constant 0 : i32
    "tpu.region"() ({
      %run_scoped3A_345 = tpu.sem_alloc : memref<!tpu.dma_semaphore, #tpu.memory_space<semaphore_mem>>
      %dma_start3A_346 = arith.constant 0 : i32
      %dma_start3A_347 = arith.constant 0 : i32
      %dma_start3A_348 = tpu.memref_slice %arg9[%run_scoped3A, %dma_start3A_346, %dma_start3A_347] : memref<2x128x128xf32, #tpu.memory_space<vmem>> -> memref<1x128x128xf32, #tpu.memory_space<vmem>>
      %dma_start3A_349 = tpu.memref_squeeze %dma_start3A_348 : memref<1x128x128xf32, #tpu.memory_space<vmem>> -> memref<128x128xf32, #tpu.memory_space<vmem>>
      %dma_start3A_350 = arith.constant 0 : i32
      %dma_start3A_351 = arith.constant 0 : i32
      %dma_start3A_352 = tpu.memref_slice %arg2[%arg0, %dma_start3A_350, %dma_start3A_351] : memref<2x10240x128xf32, #tpu.memory_space<hbm>> -> memref<1x10240x128xf32, #tpu.memory_space<hbm>>
      %dma_start3A_353 = tpu.memref_squeeze %dma_start3A_352 : memref<1x10240x128xf32, #tpu.memory_space<hbm>> -> memref<10240x128xf32, #tpu.memory_space<hbm>>
      %dma_start3A_354 = arith.constant 0 : i32
      %dma_start3A_355 = tpu.memref_slice %dma_start3A_353[%add3A_1, %dma_start3A_354] : memref<10240x128xf32, #tpu.memory_space<hbm>> -> memref<128x128xf32, #tpu.memory_space<hbm>>
      %dma_start3A_356 = arith.constant 0 : i32
      %dma_start3A_357 = arith.constant 0 : i32
      %dma_start3A_358 = tpu.memref_slice %arg9[%run_scoped3A, %dma_start3A_356, %dma_start3A_357] : memref<2x128x128xf32, #tpu.memory_space<vmem>> -> memref<1x128x128xf32, #tpu.memory_space<vmem>>
      %dma_start3A_359 = tpu.memref_squeeze %dma_start3A_358 : memref<1x128x128xf32, #tpu.memory_space<vmem>> -> memref<128x128xf32, #tpu.memory_space<vmem>>
      %dma_start3A_360 = arith.constant 0 : i32
      %dma_start3A_361 = arith.constant 0 : i32
      %dma_start3A_362 = tpu.memref_slice %arg2[%arg0, %dma_start3A_360, %dma_start3A_361] : memref<2x10240x128xf32, #tpu.memory_space<hbm>> -> memref<1x10240x128xf32, #tpu.memory_space<hbm>>
      %dma_start3A_363 = tpu.memref_squeeze %dma_start3A_362 : memref<1x10240x128xf32, #tpu.memory_space<hbm>> -> memref<10240x128xf32, #tpu.memory_space<hbm>>
      %dma_start3A_364 = arith.constant 0 : i32
      %dma_start3A_365 = tpu.memref_slice %dma_start3A_363[%add3A_1, %dma_start3A_364] : memref<10240x128xf32, #tpu.memory_space<hbm>> -> memref<128x128xf32, #tpu.memory_space<hbm>>
      tpu.enqueue_dma source(%dma_start3A_365 : memref<128x128xf32, #tpu.memory_space<hbm>>) target(%dma_start3A_359 : memref<128x128xf32, #tpu.memory_space<vmem>>) target_semaphore(%run_scoped3A_345 : memref<!tpu.dma_semaphore, #tpu.memory_space<semaphore_mem>>)
      %dma_wait3A_366 = arith.constant 0 : i32
      %dma_wait3A_367 = arith.constant 0 : i32
      %dma_wait3A_368 = tpu.memref_slice %arg9[%run_scoped3A, %dma_wait3A_366, %dma_wait3A_367] : memref<2x128x128xf32, #tpu.memory_space<vmem>> -> memref<1x128x128xf32, #tpu.memory_space<vmem>>
      %dma_wait3A_369 = tpu.memref_squeeze %dma_wait3A_368 : memref<1x128x128xf32, #tpu.memory_space<vmem>> -> memref<128x128xf32, #tpu.memory_space<vmem>>
      %dma_wait3A_370 = arith.constant 0 : i32
      %dma_wait3A_371 = arith.constant 0 : i32
      %dma_wait3A_372 = tpu.memref_slice %arg2[%arg0, %dma_wait3A_370, %dma_wait3A_371] : memref<2x10240x128xf32, #tpu.memory_space<hbm>> -> memref<1x10240x128xf32, #tpu.memory_space<hbm>>
      %dma_wait3A_373 = tpu.memref_squeeze %dma_wait3A_372 : memref<1x10240x128xf32, #tpu.memory_space<hbm>> -> memref<10240x128xf32, #tpu.memory_space<hbm>>
      %dma_wait3A_374 = arith.constant 0 : i32
      %dma_wait3A_375 = tpu.memref_slice %dma_wait3A_373[%add3A_1, %dma_wait3A_374] : memref<10240x128xf32, #tpu.memory_space<hbm>> -> memref<128x128xf32, #tpu.memory_space<hbm>>
      %dma_wait3A_376 = arith.constant 0 : i32
      %dma_wait3A_377 = arith.constant 0 : i32
      %dma_wait3A_378 = tpu.memref_slice %arg9[%run_scoped3A, %dma_wait3A_376, %dma_wait3A_377] : memref<2x128x128xf32, #tpu.memory_space<vmem>> -> memref<1x128x128xf32, #tpu.memory_space<vmem>>
      %dma_wait3A_379 = tpu.memref_squeeze %dma_wait3A_378 : memref<1x128x128xf32, #tpu.memory_space<vmem>> -> memref<128x128xf32, #tpu.memory_space<vmem>>
      %dma_wait3A_380 = arith.constant 0 : i32
      %dma_wait3A_381 = arith.constant 0 : i32
      %dma_wait3A_382 = tpu.memref_slice %arg2[%arg0, %dma_wait3A_380, %dma_wait3A_381] : memref<2x10240x128xf32, #tpu.memory_space<hbm>> -> memref<1x10240x128xf32, #tpu.memory_space<hbm>>
      %dma_wait3A_383 = tpu.memref_squeeze %dma_wait3A_382 : memref<1x10240x128xf32, #tpu.memory_space<hbm>> -> memref<10240x128xf32, #tpu.memory_space<hbm>>
      %dma_wait3A_384 = arith.constant 0 : i32
      %dma_wait3A_385 = tpu.memref_slice %dma_wait3A_383[%add3A_1, %dma_wait3A_384] : memref<10240x128xf32, #tpu.memory_space<hbm>> -> memref<128x128xf32, #tpu.memory_space<hbm>>
      tpu.wait_dma2 semaphore(%run_scoped3A_345 : memref<!tpu.dma_semaphore, #tpu.memory_space<semaphore_mem>>) src(%dma_wait3A_385 : memref<128x128xf32, #tpu.memory_space<hbm>>) dst(%dma_wait3A_379 : memref<128x128xf32, #tpu.memory_space<vmem>>)
      tpu.yield
    }) : () -> ()
    %run_scoped3A_2 = arith.constant 0 : i32
    "tpu.region"() ({
      %run_scoped3A_345 = tpu.sem_alloc : memref<!tpu.dma_semaphore, #tpu.memory_space<semaphore_mem>>
      %dma_start3A_346 = arith.constant 0 : i32
      %dma_start3A_347 = arith.constant 0 : i32
      %dma_start3A_348 = tpu.memref_slice %arg9[%run_scoped3A_2, %dma_start3A_346, %dma_start3A_347] : memref<2x128x128xf32, #tpu.memory_space<vmem>> -> memref<1x128x128xf32, #tpu.memory_space<vmem>>
      %dma_start3A_349 = tpu.memref_squeeze %dma_start3A_348 : memref<1x128x128xf32, #tpu.memory_space<vmem>> -> memref<128x128xf32, #tpu.memory_space<vmem>>
      %dma_start3A_350 = arith.constant 0 : i32
      %dma_start3A_351 = tpu.memref_slice %arg6[%add3A_1, %dma_start3A_350] : memref<10240x128xf32, #tpu.memory_space<vmem_shared>> -> memref<128x128xf32, #tpu.memory_space<vmem_shared>>
      %dma_start3A_352 = arith.constant 0 : i32
      %dma_start3A_353 = tpu.memref_slice %arg6[%add3A_1, %dma_start3A_352] : memref<10240x128xf32, #tpu.memory_space<vmem_shared>> -> memref<128x128xf32, #tpu.memory_space<vmem_shared>>
      %dma_start3A_354 = arith.constant 0 : i32
      %dma_start3A_355 = arith.constant 0 : i32
      %dma_start3A_356 = tpu.memref_slice %arg9[%run_scoped3A_2, %dma_start3A_354, %dma_start3A_355] : memref<2x128x128xf32, #tpu.memory_space<vmem>> -> memref<1x128x128xf32, #tpu.memory_space<vmem>>
      %dma_start3A_357 = tpu.memref_squeeze %dma_start3A_356 : memref<1x128x128xf32, #tpu.memory_space<vmem>> -> memref<128x128xf32, #tpu.memory_space<vmem>>
      tpu.enqueue_dma source(%dma_start3A_357 : memref<128x128xf32, #tpu.memory_space<vmem>>) target(%dma_start3A_353 : memref<128x128xf32, #tpu.memory_space<vmem_shared>>) target_semaphore(%run_scoped3A_345 : memref<!tpu.dma_semaphore, #tpu.memory_space<semaphore_mem>>)
      %dma_wait3A_358 = arith.constant 0 : i32
      %dma_wait3A_359 = arith.constant 0 : i32
      %dma_wait3A_360 = tpu.memref_slice %arg9[%run_scoped3A_2, %dma_wait3A_358, %dma_wait3A_359] : memref<2x128x128xf32, #tpu.memory_space<vmem>> -> memref<1x128x128xf32, #tpu.memory_space<vmem>>
      %dma_wait3A_361 = tpu.memref_squeeze %dma_wait3A_360 : memref<1x128x128xf32, #tpu.memory_space<vmem>> -> memref<128x128xf32, #tpu.memory_space<vmem>>
      %dma_wait3A_362 = arith.constant 0 : i32
      %dma_wait3A_363 = tpu.memref_slice %arg6[%add3A_1, %dma_wait3A_362] : memref<10240x128xf32, #tpu.memory_space<vmem_shared>> -> memref<128x128xf32, #tpu.memory_space<vmem_shared>>
      %dma_wait3A_364 = arith.constant 0 : i32
      %dma_wait3A_365 = tpu.memref_slice %arg6[%add3A_1, %dma_wait3A_364] : memref<10240x128xf32, #tpu.memory_space<vmem_shared>> -> memref<128x128xf32, #tpu.memory_space<vmem_shared>>
      %dma_wait3A_366 = arith.constant 0 : i32
      %dma_wait3A_367 = arith.constant 0 : i32
      %dma_wait3A_368 = tpu.memref_slice %arg9[%run_scoped3A_2, %dma_wait3A_366, %dma_wait3A_367] : memref<2x128x128xf32, #tpu.memory_space<vmem>> -> memref<1x128x128xf32, #tpu.memory_space<vmem>>
      %dma_wait3A_369 = tpu.memref_squeeze %dma_wait3A_368 : memref<1x128x128xf32, #tpu.memory_space<vmem>> -> memref<128x128xf32, #tpu.memory_space<vmem>>
      tpu.wait_dma2 semaphore(%run_scoped3A_345 : memref<!tpu.dma_semaphore, #tpu.memory_space<semaphore_mem>>) src(%dma_wait3A_369 : memref<128x128xf32, #tpu.memory_space<vmem>>) dst(%dma_wait3A_365 : memref<128x128xf32, #tpu.memory_space<vmem_shared>>)
      tpu.yield
    }) : () -> ()
    %mul3A_3 = arith.constant 640 : i32
    %mul3A_4 = arith.muli %arg1, %mul3A_3 : i32
    %add3A_5 = arith.constant 128 : i32
    %add3A_6 = arith.addi %mul3A_4, %add3A_5 : i32
    %run_scoped3A_7 = arith.constant 0 : i32
    "tpu.region"() ({
      %run_scoped3A_345 = tpu.sem_alloc : memref<!tpu.dma_semaphore, #tpu.memory_space<semaphore_mem>>
      %dma_start3A_346 = arith.constant 0 : i32
      %dma_start3A_347 = arith.constant 0 : i32
      %dma_start3A_348 = tpu.memref_slice %arg9[%run_scoped3A_7, %dma_start3A_346, %dma_start3A_347] : memref<2x128x128xf32, #tpu.memory_space<vmem>> -> memref<1x128x128xf32, #tpu.memory_space<vmem>>
      %dma_start3A_349 = tpu.memref_squeeze %dma_start3A_348 : memref<1x128x128xf32, #tpu.memory_space<vmem>> -> memref<128x128xf32, #tpu.memory_space<vmem>>
      %dma_start3A_350 = arith.constant 0 : i32
      %dma_start3A_351 = arith.constant 0 : i32
      %dma_start3A_352 = tpu.memref_slice %arg2[%arg0, %dma_start3A_350, %dma_start3A_351] : memref<2x10240x128xf32, #tpu.memory_space<hbm>> -> memref<1x10240x128xf32, #tpu.memory_space<hbm>>
      %dma_start3A_353 = tpu.memref_squeeze %dma_start3A_352 : memref<1x10240x128xf32, #tpu.memory_space<hbm>> -> memref<10240x128xf32, #tpu.memory_space<hbm>>
      %dma_start3A_354 = arith.constant 0 : i32
      %dma_start3A_355 = tpu.memref_slice %dma_start3A_353[%add3A_6, %dma_start3A_354] : memref<10240x128xf32, #tpu.memory_space<hbm>> -> memref<128x128xf32, #tpu.memory_space<hbm>>
      %dma_start3A_356 = arith.constant 0 : i32
      %dma_start3A_357 = arith.constant 0 : i32
      %dma_start3A_358 = tpu.memref_slice %arg9[%run_scoped3A_7, %dma_start3A_356, %dma_start3A_357] : memref<2x128x128xf32, #tpu.memory_space<vmem>> -> memref<1x128x128xf32, #tpu.memory_space<vmem>>
      %dma_start3A_359 = tpu.memref_squeeze %dma_start3A_358 : memref<1x128x128xf32, #tpu.memory_space<vmem>> -> memref<128x128xf32, #tpu.memory_space<vmem>>
      %dma_start3A_360 = arith.constant 0 : i32
      %dma_start3A_361 = arith.constant 0 : i32
      %dma_start3A_362 = tpu.memref_slice %arg2[%arg0, %dma_start3A_360, %dma_start3A_361] : memref<2x10240x128xf32, #tpu.memory_space<hbm>> -> memref<1x10240x128xf32, #tpu.memory_space<hbm>>
      %dma_start3A_363 = tpu.memref_squeeze %dma_start3A_362 : memref<1x10240x128xf32, #tpu.memory_space<hbm>> -> memref<10240x128xf32, #tpu.memory_space<hbm>>
      %dma_start3A_364 = arith.constant 0 : i32
      %dma_start3A_365 = tpu.memref_slice %dma_start3A_363[%add3A_6, %dma_start3A_364] : memref<10240x128xf32, #tpu.memory_space<hbm>> -> memref<128x128xf32, #tpu.memory_space<hbm>>
      tpu.enqueue_dma source(%dma_start3A_365 : memref<128x128xf32, #tpu.memory_space<hbm>>) target(%dma_start3A_359 : memref<128x128xf32, #tpu.memory_space<vmem>>) target_semaphore(%run_scoped3A_345 : memref<!tpu.dma_semaphore, #tpu.memory_space<semaphore_mem>>)
      %dma_wait3A_366 = arith.constant 0 : i32
      %dma_wait3A_367 = arith.constant 0 : i32
      %dma_wait3A_368 = tpu.memref_slice %arg9[%run_scoped3A_7, %dma_wait3A_366, %dma_wait3A_367] : memref<2x128x128xf32, #tpu.memory_space<vmem>> -> memref<1x128x128xf32, #tpu.memory_space<vmem>>
      %dma_wait3A_369 = tpu.memref_squeeze %dma_wait3A_368 : memref<1x128x128xf32, #tpu.memory_space<vmem>> -> memref<128x128xf32, #tpu.memory_space<vmem>>
      %dma_wait3A_370 = arith.constant 0 : i32
      %dma_wait3A_371 = arith.constant 0 : i32
      %dma_wait3A_372 = tpu.memref_slice %arg2[%arg0, %dma_wait3A_370, %dma_wait3A_371] : memref<2x10240x128xf32, #tpu.memory_space<hbm>> -> memref<1x10240x128xf32, #tpu.memory_space<hbm>>
      %dma_wait3A_373 = tpu.memref_squeeze %dma_wait3A_372 : memref<1x10240x128xf32, #tpu.memory_space<hbm>> -> memref<10240x128xf32, #tpu.memory_space<hbm>>
      %dma_wait3A_374 = arith.constant 0 : i32
      %dma_wait3A_375 = tpu.memref_slice %dma_wait3A_373[%add3A_6, %dma_wait3A_374] : memref<10240x128xf32, #tpu.memory_space<hbm>> -> memref<128x128xf32, #tpu.memory_space<hbm>>
      %dma_wait3A_376 = arith.constant 0 : i32
      %dma_wait3A_377 = arith.constant 0 : i32
      %dma_wait3A_378 = tpu.memref_slice %arg9[%run_scoped3A_7, %dma_wait3A_376, %dma_wait3A_377] : memref<2x128x128xf32, #tpu.memory_space<vmem>> -> memref<1x128x128xf32, #tpu.memory_space<vmem>>
      %dma_wait3A_379 = tpu.memref_squeeze %dma_wait3A_378 : memref<1x128x128xf32, #tpu.memory_space<vmem>> -> memref<128x128xf32, #tpu.memory_space<vmem>>
      %dma_wait3A_380 = arith.constant 0 : i32
      %dma_wait3A_381 = arith.constant 0 : i32
      %dma_wait3A_382 = tpu.memref_slice %arg2[%arg0, %dma_wait3A_380, %dma_wait3A_381] : memref<2x10240x128xf32, #tpu.memory_space<hbm>> -> memref<1x10240x128xf32, #tpu.memory_space<hbm>>
      %dma_wait3A_383 = tpu.memref_squeeze %dma_wait3A_382 : memref<1x10240x128xf32, #tpu.memory_space<hbm>> -> memref<10240x128xf32, #tpu.memory_space<hbm>>
      %dma_wait3A_384 = arith.constant 0 : i32
      %dma_wait3A_385 = tpu.memref_slice %dma_wait3A_383[%add3A_6, %dma_wait3A_384] : memref<10240x128xf32, #tpu.memory_space<hbm>> -> memref<128x128xf32, #tpu.memory_space<hbm>>
      tpu.wait_dma2 semaphore(%run_scoped3A_345 : memref<!tpu.dma_semaphore, #tpu.memory_space<semaphore_mem>>) src(%dma_wait3A_385 : memref<128x128xf32, #tpu.memory_space<hbm>>) dst(%dma_wait3A_379 : memref<128x128xf32, #tpu.memory_space<vmem>>)
      tpu.yield
    }) : () -> ()
    %run_scoped3A_8 = arith.constant 0 : i32
    "tpu.region"() ({
      %run_scoped3A_345 = tpu.sem_alloc : memref<!tpu.dma_semaphore, #tpu.memory_space<semaphore_mem>>
      %dma_start3A_346 = arith.constant 0 : i32
      %dma_start3A_347 = arith.constant 0 : i32
      %dma_start3A_348 = tpu.memref_slice %arg9[%run_scoped3A_8, %dma_start3A_346, %dma_start3A_347] : memref<2x128x128xf32, #tpu.memory_space<vmem>> -> memref<1x128x128xf32, #tpu.memory_space<vmem>>
      %dma_start3A_349 = tpu.memref_squeeze %dma_start3A_348 : memref<1x128x128xf32, #tpu.memory_space<vmem>> -> memref<128x128xf32, #tpu.memory_space<vmem>>
      %dma_start3A_350 = arith.constant 0 : i32
      %dma_start3A_351 = tpu.memref_slice %arg6[%add3A_6, %dma_start3A_350] : memref<10240x128xf32, #tpu.memory_space<vmem_shared>> -> memref<128x128xf32, #tpu.memory_space<vmem_shared>>
      %dma_start3A_352 = arith.constant 0 : i32
      %dma_start3A_353 = tpu.memref_slice %arg6[%add3A_6, %dma_start3A_352] : memref<10240x128xf32, #tpu.memory_space<vmem_shared>> -> memref<128x128xf32, #tpu.memory_space<vmem_shared>>
      %dma_start3A_354 = arith.constant 0 : i32
      %dma_start3A_355 = arith.constant 0 : i32
      %dma_start3A_356 = tpu.memref_slice %arg9[%run_scoped3A_8, %dma_start3A_354, %dma_start3A_355] : memref<2x128x128xf32, #tpu.memory_space<vmem>> -> memref<1x128x128xf32, #tpu.memory_space<vmem>>
      %dma_start3A_357 = tpu.memref_squeeze %dma_start3A_356 : memref<1x128x128xf32, #tpu.memory_space<vmem>> -> memref<128x128xf32, #tpu.memory_space<vmem>>
      tpu.enqueue_dma source(%dma_start3A_357 : memref<128x128xf32, #tpu.memory_space<vmem>>) target(%dma_start3A_353 : memref<128x128xf32, #tpu.memory_space<vmem_shared>>) target_semaphore(%run_scoped3A_345 : memref<!tpu.dma_semaphore, #tpu.memory_space<semaphore_mem>>)
      %dma_wait3A_358 = arith.constant 0 : i32
      %dma_wait3A_359 = arith.constant 0 : i32
      %dma_wait3A_360 = tpu.memref_slice %arg9[%run_scoped3A_8, %dma_wait3A_358, %dma_wait3A_359] : memref<2x128x128xf32, #tpu.memory_space<vmem>> -> memref<1x128x128xf32, #tpu.memory_space<vmem>>
      %dma_wait3A_361 = tpu.memref_squeeze %dma_wait3A_360 : memref<1x128x128xf32, #tpu.memory_space<vmem>> -> memref<128x128xf32, #tpu.memory_space<vmem>>
      %dma_wait3A_362 = arith.constant 0 : i32
      %dma_wait3A_363 = tpu.memref_slice %arg6[%add3A_6, %dma_wait3A_362] : memref<10240x128xf32, #tpu.memory_space<vmem_shared>> -> memref<128x128xf32, #tpu.memory_space<vmem_shared>>
      %dma_wait3A_364 = arith.constant 0 : i32
      %dma_wait3A_365 = tpu.memref_slice %arg6[%add3A_6, %dma_wait3A_364] : memref<10240x128xf32, #tpu.memory_space<vmem_shared>> -> memref<128x128xf32, #tpu.memory_space<vmem_shared>>
      %dma_wait3A_366 = arith.constant 0 : i32
      %dma_wait3A_367 = arith.constant 0 : i32
      %dma_wait3A_368 = tpu.memref_slice %arg9[%run_scoped3A_8, %dma_wait3A_366, %dma_wait3A_367] : memref<2x128x128xf32, #tpu.memory_space<vmem>> -> memref<1x128x128xf32, #tpu.memory_space<vmem>>
      %dma_wait3A_369 = tpu.memref_squeeze %dma_wait3A_368 : memref<1x128x128xf32, #tpu.memory_space<vmem>> -> memref<128x128xf32, #tpu.memory_space<vmem>>
      tpu.wait_dma2 semaphore(%run_scoped3A_345 : memref<!tpu.dma_semaphore, #tpu.memory_space<semaphore_mem>>) src(%dma_wait3A_369 : memref<128x128xf32, #tpu.memory_space<vmem>>) dst(%dma_wait3A_365 : memref<128x128xf32, #tpu.memory_space<vmem_shared>>)
      tpu.yield
    }) : () -> ()
    %mul3A_9 = arith.constant 640 : i32
    %mul3A_10 = arith.muli %arg1, %mul3A_9 : i32
    %add3A_11 = arith.constant 256 : i32
    %add3A_12 = arith.addi %mul3A_10, %add3A_11 : i32
    %run_scoped3A_13 = arith.constant 0 : i32
    "tpu.region"() ({
      %run_scoped3A_345 = tpu.sem_alloc : memref<!tpu.dma_semaphore, #tpu.memory_space<semaphore_mem>>
      %dma_start3A_346 = arith.constant 0 : i32
      %dma_start3A_347 = arith.constant 0 : i32
      %dma_start3A_348 = tpu.memref_slice %arg9[%run_scoped3A_13, %dma_start3A_346, %dma_start3A_347] : memref<2x128x128xf32, #tpu.memory_space<vmem>> -> memref<1x128x128xf32, #tpu.memory_space<vmem>>
      %dma_start3A_349 = tpu.memref_squeeze %dma_start3A_348 : memref<1x128x128xf32, #tpu.memory_space<vmem>> -> memref<128x128xf32, #tpu.memory_space<vmem>>
      %dma_start3A_350 = arith.constant 0 : i32
      %dma_start3A_351 = arith.constant 0 : i32
      %dma_start3A_352 = tpu.memref_slice %arg2[%arg0, %dma_start3A_350, %dma_start3A_351] : memref<2x10240x128xf32, #tpu.memory_space<hbm>> -> memref<1x10240x128xf32, #tpu.memory_space<hbm>>
      %dma_start3A_353 = tpu.memref_squeeze %dma_start3A_352 : memref<1x10240x128xf32, #tpu.memory_space<hbm>> -> memref<10240x128xf32, #tpu.memory_space<hbm>>
      %dma_start3A_354 = arith.constant 0 : i32
      %dma_start3A_355 = tpu.memref_slice %dma_start3A_353[%add3A_12, %dma_start3A_354] : memref<10240x128xf32, #tpu.memory_space<hbm>> -> memref<128x128xf32, #tpu.memory_space<hbm>>
      %dma_start3A_356 = arith.constant 0 : i32
      %dma_start3A_357 = arith.constant 0 : i32
      %dma_start3A_358 = tpu.memref_slice %arg9[%run_scoped3A_13, %dma_start3A_356, %dma_start3A_357] : memref<2x128x128xf32, #tpu.memory_space<vmem>> -> memref<1x128x128xf32, #tpu.memory_space<vmem>>
      %dma_start3A_359 = tpu.memref_squeeze %dma_start3A_358 : memref<1x128x128xf32, #tpu.memory_space<vmem>> -> memref<128x128xf32, #tpu.memory_space<vmem>>
      %dma_start3A_360 = arith.constant 0 : i32
      %dma_start3A_361 = arith.constant 0 : i32
      %dma_start3A_362 = tpu.memref_slice %arg2[%arg0, %dma_start3A_360, %dma_start3A_361] : memref<2x10240x128xf32, #tpu.memory_space<hbm>> -> memref<1x10240x128xf32, #tpu.memory_space<hbm>>
      %dma_start3A_363 = tpu.memref_squeeze %dma_start3A_362 : memref<1x10240x128xf32, #tpu.memory_space<hbm>> -> memref<10240x128xf32, #tpu.memory_space<hbm>>
      %dma_start3A_364 = arith.constant 0 : i32
      %dma_start3A_365 = tpu.memref_slice %dma_start3A_363[%add3A_12, %dma_start3A_364] : memref<10240x128xf32, #tpu.memory_space<hbm>> -> memref<128x128xf32, #tpu.memory_space<hbm>>
      tpu.enqueue_dma source(%dma_start3A_365 : memref<128x128xf32, #tpu.memory_space<hbm>>) target(%dma_start3A_359 : memref<128x128xf32, #tpu.memory_space<vmem>>) target_semaphore(%run_scoped3A_345 : memref<!tpu.dma_semaphore, #tpu.memory_space<semaphore_mem>>)
      %dma_wait3A_366 = arith.constant 0 : i32
      %dma_wait3A_367 = arith.constant 0 : i32
      %dma_wait3A_368 = tpu.memref_slice %arg9[%run_scoped3A_13, %dma_wait3A_366, %dma_wait3A_367] : memref<2x128x128xf32, #tpu.memory_space<vmem>> -> memref<1x128x128xf32, #tpu.memory_space<vmem>>
      %dma_wait3A_369 = tpu.memref_squeeze %dma_wait3A_368 : memref<1x128x128xf32, #tpu.memory_space<vmem>> -> memref<128x128xf32, #tpu.memory_space<vmem>>
      %dma_wait3A_370 = arith.constant 0 : i32
      %dma_wait3A_371 = arith.constant 0 : i32
      %dma_wait3A_372 = tpu.memref_slice %arg2[%arg0, %dma_wait3A_370, %dma_wait3A_371] : memref<2x10240x128xf32, #tpu.memory_space<hbm>> -> memref<1x10240x128xf32, #tpu.memory_space<hbm>>
      %dma_wait3A_373 = tpu.memref_squeeze %dma_wait3A_372 : memref<1x10240x128xf32, #tpu.memory_space<hbm>> -> memref<10240x128xf32, #tpu.memory_space<hbm>>
      %dma_wait3A_374 = arith.constant 0 : i32
      %dma_wait3A_375 = tpu.memref_slice %dma_wait3A_373[%add3A_12, %dma_wait3A_374] : memref<10240x128xf32, #tpu.memory_space<hbm>> -> memref<128x128xf32, #tpu.memory_space<hbm>>
      %dma_wait3A_376 = arith.constant 0 : i32
      %dma_wait3A_377 = arith.constant 0 : i32
      %dma_wait3A_378 = tpu.memref_slice %arg9[%run_scoped3A_13, %dma_wait3A_376, %dma_wait3A_377] : memref<2x128x128xf32, #tpu.memory_space<vmem>> -> memref<1x128x128xf32, #tpu.memory_space<vmem>>
      %dma_wait3A_379 = tpu.memref_squeeze %dma_wait3A_378 : memref<1x128x128xf32, #tpu.memory_space<vmem>> -> memref<128x128xf32, #tpu.memory_space<vmem>>
      %dma_wait3A_380 = arith.constant 0 : i32
      %dma_wait3A_381 = arith.constant 0 : i32
      %dma_wait3A_382 = tpu.memref_slice %arg2[%arg0, %dma_wait3A_380, %dma_wait3A_381] : memref<2x10240x128xf32, #tpu.memory_space<hbm>> -> memref<1x10240x128xf32, #tpu.memory_space<hbm>>
      %dma_wait3A_383 = tpu.memref_squeeze %dma_wait3A_382 : memref<1x10240x128xf32, #tpu.memory_space<hbm>> -> memref<10240x128xf32, #tpu.memory_space<hbm>>
      %dma_wait3A_384 = arith.constant 0 : i32
      %dma_wait3A_385 = tpu.memref_slice %dma_wait3A_383[%add3A_12, %dma_wait3A_384] : memref<10240x128xf32, #tpu.memory_space<hbm>> -> memref<128x128xf32, #tpu.memory_space<hbm>>
      tpu.wait_dma2 semaphore(%run_scoped3A_345 : memref<!tpu.dma_semaphore, #tpu.memory_space<semaphore_mem>>) src(%dma_wait3A_385 : memref<128x128xf32, #tpu.memory_space<hbm>>) dst(%dma_wait3A_379 : memref<128x128xf32, #tpu.memory_space<vmem>>)
      tpu.yield
    }) : () -> ()
    %run_scoped3A_14 = arith.constant 0 : i32
    "tpu.region"() ({
      %run_scoped3A_345 = tpu.sem_alloc : memref<!tpu.dma_semaphore, #tpu.memory_space<semaphore_mem>>
      %dma_start3A_346 = arith.constant 0 : i32
      %dma_start3A_347 = arith.constant 0 : i32
      %dma_start3A_348 = tpu.memref_slice %arg9[%run_scoped3A_14, %dma_start3A_346, %dma_start3A_347] : memref<2x128x128xf32, #tpu.memory_space<vmem>> -> memref<1x128x128xf32, #tpu.memory_space<vmem>>
      %dma_start3A_349 = tpu.memref_squeeze %dma_start3A_348 : memref<1x128x128xf32, #tpu.memory_space<vmem>> -> memref<128x128xf32, #tpu.memory_space<vmem>>
      %dma_start3A_350 = arith.constant 0 : i32
      %dma_start3A_351 = tpu.memref_slice %arg6[%add3A_12, %dma_start3A_350] : memref<10240x128xf32, #tpu.memory_space<vmem_shared>> -> memref<128x128xf32, #tpu.memory_space<vmem_shared>>
      %dma_start3A_352 = arith.constant 0 : i32
      %dma_start3A_353 = tpu.memref_slice %arg6[%add3A_12, %dma_start3A_352] : memref<10240x128xf32, #tpu.memory_space<vmem_shared>> -> memref<128x128xf32, #tpu.memory_space<vmem_shared>>
      %dma_start3A_354 = arith.constant 0 : i32
      %dma_start3A_355 = arith.constant 0 : i32
      %dma_start3A_356 = tpu.memref_slice %arg9[%run_scoped3A_14, %dma_start3A_354, %dma_start3A_355] : memref<2x128x128xf32, #tpu.memory_space<vmem>> -> memref<1x128x128xf32, #tpu.memory_space<vmem>>
      %dma_start3A_357 = tpu.memref_squeeze %dma_start3A_356 : memref<1x128x128xf32, #tpu.memory_space<vmem>> -> memref<128x128xf32, #tpu.memory_space<vmem>>
      tpu.enqueue_dma source(%dma_start3A_357 : memref<128x128xf32, #tpu.memory_space<vmem>>) target(%dma_start3A_353 : memref<128x128xf32, #tpu.memory_space<vmem_shared>>) target_semaphore(%run_scoped3A_345 : memref<!tpu.dma_semaphore, #tpu.memory_space<semaphore_mem>>)
      %dma_wait3A_358 = arith.constant 0 : i32
      %dma_wait3A_359 = arith.constant 0 : i32
      %dma_wait3A_360 = tpu.memref_slice %arg9[%run_scoped3A_14, %dma_wait3A_358, %dma_wait3A_359] : memref<2x128x128xf32, #tpu.memory_space<vmem>> -> memref<1x128x128xf32, #tpu.memory_space<vmem>>
      %dma_wait3A_361 = tpu.memref_squeeze %dma_wait3A_360 : memref<1x128x128xf32, #tpu.memory_space<vmem>> -> memref<128x128xf32, #tpu.memory_space<vmem>>
      %dma_wait3A_362 = arith.constant 0 : i32
      %dma_wait3A_363 = tpu.memref_slice %arg6[%add3A_12, %dma_wait3A_362] : memref<10240x128xf32, #tpu.memory_space<vmem_shared>> -> memref<128x128xf32, #tpu.memory_space<vmem_shared>>
      %dma_wait3A_364 = arith.constant 0 : i32
      %dma_wait3A_365 = tpu.memref_slice %arg6[%add3A_12, %dma_wait3A_364] : memref<10240x128xf32, #tpu.memory_space<vmem_shared>> -> memref<128x128xf32, #tpu.memory_space<vmem_shared>>
      %dma_wait3A_366 = arith.constant 0 : i32
      %dma_wait3A_367 = arith.constant 0 : i32
      %dma_wait3A_368 = tpu.memref_slice %arg9[%run_scoped3A_14, %dma_wait3A_366, %dma_wait3A_367] : memref<2x128x128xf32, #tpu.memory_space<vmem>> -> memref<1x128x128xf32, #tpu.memory_space<vmem>>
      %dma_wait3A_369 = tpu.memref_squeeze %dma_wait3A_368 : memref<1x128x128xf32, #tpu.memory_space<vmem>> -> memref<128x128xf32, #tpu.memory_space<vmem>>
      tpu.wait_dma2 semaphore(%run_scoped3A_345 : memref<!tpu.dma_semaphore, #tpu.memory_space<semaphore_mem>>) src(%dma_wait3A_369 : memref<128x128xf32, #tpu.memory_space<vmem>>) dst(%dma_wait3A_365 : memref<128x128xf32, #tpu.memory_space<vmem_shared>>)
      tpu.yield
    }) : () -> ()
    %mul3A_15 = arith.constant 640 : i32
    %mul3A_16 = arith.muli %arg1, %mul3A_15 : i32
    %add3A_17 = arith.constant 384 : i32
    %add3A_18 = arith.addi %mul3A_16, %add3A_17 : i32
    %run_scoped3A_19 = arith.constant 0 : i32
    "tpu.region"() ({
      %run_scoped3A_345 = tpu.sem_alloc : memref<!tpu.dma_semaphore, #tpu.memory_space<semaphore_mem>>
      %dma_start3A_346 = arith.constant 0 : i32
      %dma_start3A_347 = arith.constant 0 : i32
      %dma_start3A_348 = tpu.memref_slice %arg9[%run_scoped3A_19, %dma_start3A_346, %dma_start3A_347] : memref<2x128x128xf32, #tpu.memory_space<vmem>> -> memref<1x128x128xf32, #tpu.memory_space<vmem>>
      %dma_start3A_349 = tpu.memref_squeeze %dma_start3A_348 : memref<1x128x128xf32, #tpu.memory_space<vmem>> -> memref<128x128xf32, #tpu.memory_space<vmem>>
      %dma_start3A_350 = arith.constant 0 : i32
      %dma_start3A_351 = arith.constant 0 : i32
      %dma_start3A_352 = tpu.memref_slice %arg2[%arg0, %dma_start3A_350, %dma_start3A_351] : memref<2x10240x128xf32, #tpu.memory_space<hbm>> -> memref<1x10240x128xf32, #tpu.memory_space<hbm>>
      %dma_start3A_353 = tpu.memref_squeeze %dma_start3A_352 : memref<1x10240x128xf32, #tpu.memory_space<hbm>> -> memref<10240x128xf32, #tpu.memory_space<hbm>>
      %dma_start3A_354 = arith.constant 0 : i32
      %dma_start3A_355 = tpu.memref_slice %dma_start3A_353[%add3A_18, %dma_start3A_354] : memref<10240x128xf32, #tpu.memory_space<hbm>> -> memref<128x128xf32, #tpu.memory_space<hbm>>
      %dma_start3A_356 = arith.constant 0 : i32
      %dma_start3A_357 = arith.constant 0 : i32
      %dma_start3A_358 = tpu.memref_slice %arg9[%run_scoped3A_19, %dma_start3A_356, %dma_start3A_357] : memref<2x128x128xf32, #tpu.memory_space<vmem>> -> memref<1x128x128xf32, #tpu.memory_space<vmem>>
      %dma_start3A_359 = tpu.memref_squeeze %dma_start3A_358 : memref<1x128x128xf32, #tpu.memory_space<vmem>> -> memref<128x128xf32, #tpu.memory_space<vmem>>
      %dma_start3A_360 = arith.constant 0 : i32
      %dma_start3A_361 = arith.constant 0 : i32
      %dma_start3A_362 = tpu.memref_slice %arg2[%arg0, %dma_start3A_360, %dma_start3A_361] : memref<2x10240x128xf32, #tpu.memory_space<hbm>> -> memref<1x10240x128xf32, #tpu.memory_space<hbm>>
      %dma_start3A_363 = tpu.memref_squeeze %dma_start3A_362 : memref<1x10240x128xf32, #tpu.memory_space<hbm>> -> memref<10240x128xf32, #tpu.memory_space<hbm>>
      %dma_start3A_364 = arith.constant 0 : i32
      %dma_start3A_365 = tpu.memref_slice %dma_start3A_363[%add3A_18, %dma_start3A_364] : memref<10240x128xf32, #tpu.memory_space<hbm>> -> memref<128x128xf32, #tpu.memory_space<hbm>>
      tpu.enqueue_dma source(%dma_start3A_365 : memref<128x128xf32, #tpu.memory_space<hbm>>) target(%dma_start3A_359 : memref<128x128xf32, #tpu.memory_space<vmem>>) target_semaphore(%run_scoped3A_345 : memref<!tpu.dma_semaphore, #tpu.memory_space<semaphore_mem>>)
      %dma_wait3A_366 = arith.constant 0 : i32
      %dma_wait3A_367 = arith.constant 0 : i32
      %dma_wait3A_368 = tpu.memref_slice %arg9[%run_scoped3A_19, %dma_wait3A_366, %dma_wait3A_367] : memref<2x128x128xf32, #tpu.memory_space<vmem>> -> memref<1x128x128xf32, #tpu.memory_space<vmem>>
      %dma_wait3A_369 = tpu.memref_squeeze %dma_wait3A_368 : memref<1x128x128xf32, #tpu.memory_space<vmem>> -> memref<128x128xf32, #tpu.memory_space<vmem>>
      %dma_wait3A_370 = arith.constant 0 : i32
      %dma_wait3A_371 = arith.constant 0 : i32
      %dma_wait3A_372 = tpu.memref_slice %arg2[%arg0, %dma_wait3A_370, %dma_wait3A_371] : memref<2x10240x128xf32, #tpu.memory_space<hbm>> -> memref<1x10240x128xf32, #tpu.memory_space<hbm>>
      %dma_wait3A_373 = tpu.memref_squeeze %dma_wait3A_372 : memref<1x10240x128xf32, #tpu.memory_space<hbm>> -> memref<10240x128xf32, #tpu.memory_space<hbm>>
      %dma_wait3A_374 = arith.constant 0 : i32
      %dma_wait3A_375 = tpu.memref_slice %dma_wait3A_373[%add3A_18, %dma_wait3A_374] : memref<10240x128xf32, #tpu.memory_space<hbm>> -> memref<128x128xf32, #tpu.memory_space<hbm>>
      %dma_wait3A_376 = arith.constant 0 : i32
      %dma_wait3A_377 = arith.constant 0 : i32
      %dma_wait3A_378 = tpu.memref_slice %arg9[%run_scoped3A_19, %dma_wait3A_376, %dma_wait3A_377] : memref<2x128x128xf32, #tpu.memory_space<vmem>> -> memref<1x128x128xf32, #tpu.memory_space<vmem>>
      %dma_wait3A_379 = tpu.memref_squeeze %dma_wait3A_378 : memref<1x128x128xf32, #tpu.memory_space<vmem>> -> memref<128x128xf32, #tpu.memory_space<vmem>>
      %dma_wait3A_380 = arith.constant 0 : i32
      %dma_wait3A_381 = arith.constant 0 : i32
      %dma_wait3A_382 = tpu.memref_slice %arg2[%arg0, %dma_wait3A_380, %dma_wait3A_381] : memref<2x10240x128xf32, #tpu.memory_space<hbm>> -> memref<1x10240x128xf32, #tpu.memory_space<hbm>>
      %dma_wait3A_383 = tpu.memref_squeeze %dma_wait3A_382 : memref<1x10240x128xf32, #tpu.memory_space<hbm>> -> memref<10240x128xf32, #tpu.memory_space<hbm>>
      %dma_wait3A_384 = arith.constant 0 : i32
      %dma_wait3A_385 = tpu.memref_slice %dma_wait3A_383[%add3A_18, %dma_wait3A_384] : memref<10240x128xf32, #tpu.memory_space<hbm>> -> memref<128x128xf32, #tpu.memory_space<hbm>>
      tpu.wait_dma2 semaphore(%run_scoped3A_345 : memref<!tpu.dma_semaphore, #tpu.memory_space<semaphore_mem>>) src(%dma_wait3A_385 : memref<128x128xf32, #tpu.memory_space<hbm>>) dst(%dma_wait3A_379 : memref<128x128xf32, #tpu.memory_space<vmem>>)
      tpu.yield
    }) : () -> ()
    %run_scoped3A_20 = arith.constant 0 : i32
    "tpu.region"() ({
      %run_scoped3A_345 = tpu.sem_alloc : memref<!tpu.dma_semaphore, #tpu.memory_space<semaphore_mem>>
      %dma_start3A_346 = arith.constant 0 : i32
      %dma_start3A_347 = arith.constant 0 : i32
      %dma_start3A_348 = tpu.memref_slice %arg9[%run_scoped3A_20, %dma_start3A_346, %dma_start3A_347] : memref<2x128x128xf32, #tpu.memory_space<vmem>> -> memref<1x128x128xf32, #tpu.memory_space<vmem>>
      %dma_start3A_349 = tpu.memref_squeeze %dma_start3A_348 : memref<1x128x128xf32, #tpu.memory_space<vmem>> -> memref<128x128xf32, #tpu.memory_space<vmem>>
      %dma_start3A_350 = arith.constant 0 : i32
      %dma_start3A_351 = tpu.memref_slice %arg6[%add3A_18, %dma_start3A_350] : memref<10240x128xf32, #tpu.memory_space<vmem_shared>> -> memref<128x128xf32, #tpu.memory_space<vmem_shared>>
      %dma_start3A_352 = arith.constant 0 : i32
      %dma_start3A_353 = tpu.memref_slice %arg6[%add3A_18, %dma_start3A_352] : memref<10240x128xf32, #tpu.memory_space<vmem_shared>> -> memref<128x128xf32, #tpu.memory_space<vmem_shared>>
      %dma_start3A_354 = arith.constant 0 : i32
      %dma_start3A_355 = arith.constant 0 : i32
      %dma_start3A_356 = tpu.memref_slice %arg9[%run_scoped3A_20, %dma_start3A_354, %dma_start3A_355] : memref<2x128x128xf32, #tpu.memory_space<vmem>> -> memref<1x128x128xf32, #tpu.memory_space<vmem>>
      %dma_start3A_357 = tpu.memref_squeeze %dma_start3A_356 : memref<1x128x128xf32, #tpu.memory_space<vmem>> -> memref<128x128xf32, #tpu.memory_space<vmem>>
      tpu.enqueue_dma source(%dma_start3A_357 : memref<128x128xf32, #tpu.memory_space<vmem>>) target(%dma_start3A_353 : memref<128x128xf32, #tpu.memory_space<vmem_shared>>) target_semaphore(%run_scoped3A_345 : memref<!tpu.dma_semaphore, #tpu.memory_space<semaphore_mem>>)
      %dma_wait3A_358 = arith.constant 0 : i32
      %dma_wait3A_359 = arith.constant 0 : i32
      %dma_wait3A_360 = tpu.memref_slice %arg9[%run_scoped3A_20, %dma_wait3A_358, %dma_wait3A_359] : memref<2x128x128xf32, #tpu.memory_space<vmem>> -> memref<1x128x128xf32, #tpu.memory_space<vmem>>
      %dma_wait3A_361 = tpu.memref_squeeze %dma_wait3A_360 : memref<1x128x128xf32, #tpu.memory_space<vmem>> -> memref<128x128xf32, #tpu.memory_space<vmem>>
      %dma_wait3A_362 = arith.constant 0 : i32
      %dma_wait3A_363 = tpu.memref_slice %arg6[%add3A_18, %dma_wait3A_362] : memref<10240x128xf32, #tpu.memory_space<vmem_shared>> -> memref<128x128xf32, #tpu.memory_space<vmem_shared>>
      %dma_wait3A_364 = arith.constant 0 : i32
      %dma_wait3A_365 = tpu.memref_slice %arg6[%add3A_18, %dma_wait3A_364] : memref<10240x128xf32, #tpu.memory_space<vmem_shared>> -> memref<128x128xf32, #tpu.memory_space<vmem_shared>>
      %dma_wait3A_366 = arith.constant 0 : i32
      %dma_wait3A_367 = arith.constant 0 : i32
      %dma_wait3A_368 = tpu.memref_slice %arg9[%run_scoped3A_20, %dma_wait3A_366, %dma_wait3A_367] : memref<2x128x128xf32, #tpu.memory_space<vmem>> -> memref<1x128x128xf32, #tpu.memory_space<vmem>>
      %dma_wait3A_369 = tpu.memref_squeeze %dma_wait3A_368 : memref<1x128x128xf32, #tpu.memory_space<vmem>> -> memref<128x128xf32, #tpu.memory_space<vmem>>
      tpu.wait_dma2 semaphore(%run_scoped3A_345 : memref<!tpu.dma_semaphore, #tpu.memory_space<semaphore_mem>>) src(%dma_wait3A_369 : memref<128x128xf32, #tpu.memory_space<vmem>>) dst(%dma_wait3A_365 : memref<128x128xf32, #tpu.memory_space<vmem_shared>>)
      tpu.yield
    }) : () -> ()
    %mul3A_21 = arith.constant 640 : i32
    %mul3A_22 = arith.muli %arg1, %mul3A_21 : i32
    %add3A_23 = arith.constant 512 : i32
    %add3A_24 = arith.addi %mul3A_22, %add3A_23 : i32
    %run_scoped3A_25 = arith.constant 0 : i32
    "tpu.region"() ({
      %run_scoped3A_345 = tpu.sem_alloc : memref<!tpu.dma_semaphore, #tpu.memory_space<semaphore_mem>>
      %dma_start3A_346 = arith.constant 0 : i32
      %dma_start3A_347 = arith.constant 0 : i32
      %dma_start3A_348 = tpu.memref_slice %arg9[%run_scoped3A_25, %dma_start3A_346, %dma_start3A_347] : memref<2x128x128xf32, #tpu.memory_space<vmem>> -> memref<1x128x128xf32, #tpu.memory_space<vmem>>
      %dma_start3A_349 = tpu.memref_squeeze %dma_start3A_348 : memref<1x128x128xf32, #tpu.memory_space<vmem>> -> memref<128x128xf32, #tpu.memory_space<vmem>>
      %dma_start3A_350 = arith.constant 0 : i32
      %dma_start3A_351 = arith.constant 0 : i32
      %dma_start3A_352 = tpu.memref_slice %arg2[%arg0, %dma_start3A_350, %dma_start3A_351] : memref<2x10240x128xf32, #tpu.memory_space<hbm>> -> memref<1x10240x128xf32, #tpu.memory_space<hbm>>
      %dma_start3A_353 = tpu.memref_squeeze %dma_start3A_352 : memref<1x10240x128xf32, #tpu.memory_space<hbm>> -> memref<10240x128xf32, #tpu.memory_space<hbm>>
      %dma_start3A_354 = arith.constant 0 : i32
      %dma_start3A_355 = tpu.memref_slice %dma_start3A_353[%add3A_24, %dma_start3A_354] : memref<10240x128xf32, #tpu.memory_space<hbm>> -> memref<128x128xf32, #tpu.memory_space<hbm>>
      %dma_start3A_356 = arith.constant 0 : i32
      %dma_start3A_357 = arith.constant 0 : i32
      %dma_start3A_358 = tpu.memref_slice %arg9[%run_scoped3A_25, %dma_start3A_356, %dma_start3A_357] : memref<2x128x128xf32, #tpu.memory_space<vmem>> -> memref<1x128x128xf32, #tpu.memory_space<vmem>>
      %dma_start3A_359 = tpu.memref_squeeze %dma_start3A_358 : memref<1x128x128xf32, #tpu.memory_space<vmem>> -> memref<128x128xf32, #tpu.memory_space<vmem>>
      %dma_start3A_360 = arith.constant 0 : i32
      %dma_start3A_361 = arith.constant 0 : i32
      %dma_start3A_362 = tpu.memref_slice %arg2[%arg0, %dma_start3A_360, %dma_start3A_361] : memref<2x10240x128xf32, #tpu.memory_space<hbm>> -> memref<1x10240x128xf32, #tpu.memory_space<hbm>>
      %dma_start3A_363 = tpu.memref_squeeze %dma_start3A_362 : memref<1x10240x128xf32, #tpu.memory_space<hbm>> -> memref<10240x128xf32, #tpu.memory_space<hbm>>
      %dma_start3A_364 = arith.constant 0 : i32
      %dma_start3A_365 = tpu.memref_slice %dma_start3A_363[%add3A_24, %dma_start3A_364] : memref<10240x128xf32, #tpu.memory_space<hbm>> -> memref<128x128xf32, #tpu.memory_space<hbm>>
      tpu.enqueue_dma source(%dma_start3A_365 : memref<128x128xf32, #tpu.memory_space<hbm>>) target(%dma_start3A_359 : memref<128x128xf32, #tpu.memory_space<vmem>>) target_semaphore(%run_scoped3A_345 : memref<!tpu.dma_semaphore, #tpu.memory_space<semaphore_mem>>)
      %dma_wait3A_366 = arith.constant 0 : i32
      %dma_wait3A_367 = arith.constant 0 : i32
      %dma_wait3A_368 = tpu.memref_slice %arg9[%run_scoped3A_25, %dma_wait3A_366, %dma_wait3A_367] : memref<2x128x128xf32, #tpu.memory_space<vmem>> -> memref<1x128x128xf32, #tpu.memory_space<vmem>>
      %dma_wait3A_369 = tpu.memref_squeeze %dma_wait3A_368 : memref<1x128x128xf32, #tpu.memory_space<vmem>> -> memref<128x128xf32, #tpu.memory_space<vmem>>
      %dma_wait3A_370 = arith.constant 0 : i32
      %dma_wait3A_371 = arith.constant 0 : i32
      %dma_wait3A_372 = tpu.memref_slice %arg2[%arg0, %dma_wait3A_370, %dma_wait3A_371] : memref<2x10240x128xf32, #tpu.memory_space<hbm>> -> memref<1x10240x128xf32, #tpu.memory_space<hbm>>
      %dma_wait3A_373 = tpu.memref_squeeze %dma_wait3A_372 : memref<1x10240x128xf32, #tpu.memory_space<hbm>> -> memref<10240x128xf32, #tpu.memory_space<hbm>>
      %dma_wait3A_374 = arith.constant 0 : i32
      %dma_wait3A_375 = tpu.memref_slice %dma_wait3A_373[%add3A_24, %dma_wait3A_374] : memref<10240x128xf32, #tpu.memory_space<hbm>> -> memref<128x128xf32, #tpu.memory_space<hbm>>
      %dma_wait3A_376 = arith.constant 0 : i32
      %dma_wait3A_377 = arith.constant 0 : i32
      %dma_wait3A_378 = tpu.memref_slice %arg9[%run_scoped3A_25, %dma_wait3A_376, %dma_wait3A_377] : memref<2x128x128xf32, #tpu.memory_space<vmem>> -> memref<1x128x128xf32, #tpu.memory_space<vmem>>
      %dma_wait3A_379 = tpu.memref_squeeze %dma_wait3A_378 : memref<1x128x128xf32, #tpu.memory_space<vmem>> -> memref<128x128xf32, #tpu.memory_space<vmem>>
      %dma_wait3A_380 = arith.constant 0 : i32
      %dma_wait3A_381 = arith.constant 0 : i32
      %dma_wait3A_382 = tpu.memref_slice %arg2[%arg0, %dma_wait3A_380, %dma_wait3A_381] : memref<2x10240x128xf32, #tpu.memory_space<hbm>> -> memref<1x10240x128xf32, #tpu.memory_space<hbm>>
      %dma_wait3A_383 = tpu.memref_squeeze %dma_wait3A_382 : memref<1x10240x128xf32, #tpu.memory_space<hbm>> -> memref<10240x128xf32, #tpu.memory_space<hbm>>
      %dma_wait3A_384 = arith.constant 0 : i32
      %dma_wait3A_385 = tpu.memref_slice %dma_wait3A_383[%add3A_24, %dma_wait3A_384] : memref<10240x128xf32, #tpu.memory_space<hbm>> -> memref<128x128xf32, #tpu.memory_space<hbm>>
      tpu.wait_dma2 semaphore(%run_scoped3A_345 : memref<!tpu.dma_semaphore, #tpu.memory_space<semaphore_mem>>) src(%dma_wait3A_385 : memref<128x128xf32, #tpu.memory_space<hbm>>) dst(%dma_wait3A_379 : memref<128x128xf32, #tpu.memory_space<vmem>>)
      tpu.yield
    }) : () -> ()
    %run_scoped3A_26 = arith.constant 0 : i32
    "tpu.region"() ({
      %run_scoped3A_345 = tpu.sem_alloc : memref<!tpu.dma_semaphore, #tpu.memory_space<semaphore_mem>>
      %dma_start3A_346 = arith.constant 0 : i32
      %dma_start3A_347 = arith.constant 0 : i32
      %dma_start3A_348 = tpu.memref_slice %arg9[%run_scoped3A_26, %dma_start3A_346, %dma_start3A_347] : memref<2x128x128xf32, #tpu.memory_space<vmem>> -> memref<1x128x128xf32, #tpu.memory_space<vmem>>
      %dma_start3A_349 = tpu.memref_squeeze %dma_start3A_348 : memref<1x128x128xf32, #tpu.memory_space<vmem>> -> memref<128x128xf32, #tpu.memory_space<vmem>>
      %dma_start3A_350 = arith.constant 0 : i32
      %dma_start3A_351 = tpu.memref_slice %arg6[%add3A_24, %dma_start3A_350] : memref<10240x128xf32, #tpu.memory_space<vmem_shared>> -> memref<128x128xf32, #tpu.memory_space<vmem_shared>>
      %dma_start3A_352 = arith.constant 0 : i32
      %dma_start3A_353 = tpu.memref_slice %arg6[%add3A_24, %dma_start3A_352] : memref<10240x128xf32, #tpu.memory_space<vmem_shared>> -> memref<128x128xf32, #tpu.memory_space<vmem_shared>>
      %dma_start3A_354 = arith.constant 0 : i32
      %dma_start3A_355 = arith.constant 0 : i32
      %dma_start3A_356 = tpu.memref_slice %arg9[%run_scoped3A_26, %dma_start3A_354, %dma_start3A_355] : memref<2x128x128xf32, #tpu.memory_space<vmem>> -> memref<1x128x128xf32, #tpu.memory_space<vmem>>
      %dma_start3A_357 = tpu.memref_squeeze %dma_start3A_356 : memref<1x128x128xf32, #tpu.memory_space<vmem>> -> memref<128x128xf32, #tpu.memory_space<vmem>>
      tpu.enqueue_dma source(%dma_start3A_357 : memref<128x128xf32, #tpu.memory_space<vmem>>) target(%dma_start3A_353 : memref<128x128xf32, #tpu.memory_space<vmem_shared>>) target_semaphore(%run_scoped3A_345 : memref<!tpu.dma_semaphore, #tpu.memory_space<semaphore_mem>>)
      %dma_wait3A_358 = arith.constant 0 : i32
      %dma_wait3A_359 = arith.constant 0 : i32
      %dma_wait3A_360 = tpu.memref_slice %arg9[%run_scoped3A_26, %dma_wait3A_358, %dma_wait3A_359] : memref<2x128x128xf32, #tpu.memory_space<vmem>> -> memref<1x128x128xf32, #tpu.memory_space<vmem>>
      %dma_wait3A_361 = tpu.memref_squeeze %dma_wait3A_360 : memref<1x128x128xf32, #tpu.memory_space<vmem>> -> memref<128x128xf32, #tpu.memory_space<vmem>>
      %dma_wait3A_362 = arith.constant 0 : i32
      %dma_wait3A_363 = tpu.memref_slice %arg6[%add3A_24, %dma_wait3A_362] : memref<10240x128xf32, #tpu.memory_space<vmem_shared>> -> memref<128x128xf32, #tpu.memory_space<vmem_shared>>
      %dma_wait3A_364 = arith.constant 0 : i32
      %dma_wait3A_365 = tpu.memref_slice %arg6[%add3A_24, %dma_wait3A_364] : memref<10240x128xf32, #tpu.memory_space<vmem_shared>> -> memref<128x128xf32, #tpu.memory_space<vmem_shared>>
      %dma_wait3A_366 = arith.constant 0 : i32
      %dma_wait3A_367 = arith.constant 0 : i32
      %dma_wait3A_368 = tpu.memref_slice %arg9[%run_scoped3A_26, %dma_wait3A_366, %dma_wait3A_367] : memref<2x128x128xf32, #tpu.memory_space<vmem>> -> memref<1x128x128xf32, #tpu.memory_space<vmem>>
      %dma_wait3A_369 = tpu.memref_squeeze %dma_wait3A_368 : memref<1x128x128xf32, #tpu.memory_space<vmem>> -> memref<128x128xf32, #tpu.memory_space<vmem>>
      tpu.wait_dma2 semaphore(%run_scoped3A_345 : memref<!tpu.dma_semaphore, #tpu.memory_space<semaphore_mem>>) src(%dma_wait3A_369 : memref<128x128xf32, #tpu.memory_space<vmem>>) dst(%dma_wait3A_365 : memref<128x128xf32, #tpu.memory_space<vmem_shared>>)
      tpu.yield
    }) : () -> ()
    %barrier3A = arith.constant 0 : index
    tpu.barrier barrier_id(%barrier3A)
    %mul3A_27 = arith.constant 80 : i32
    %mul3A_28 = arith.muli %arg1, %mul3A_27 : i32
    %add3A_29 = arith.constant 0 : i32
    %add3A_30 = arith.addi %mul3A_28, %add3A_29 : i32
    "tpu.region"() ({
      %run_scoped3A_345 = tpu.sem_alloc : memref<!tpu.dma_semaphore, #tpu.memory_space<semaphore_mem>>
      %dma_start3A_346 = arith.constant 0 : i32
      %dma_start3A_347 = tpu.memref_slice %arg3[%add3A_30, %dma_start3A_346] : memref<1280x128xi32, #tpu.memory_space<hbm>> -> memref<40x128xi32, #tpu.memory_space<hbm>>
      %dma_start3A_348 = arith.constant 0 : i32
      %dma_start3A_349 = tpu.memref_slice %arg3[%add3A_30, %dma_start3A_348] : memref<1280x128xi32, #tpu.memory_space<hbm>> -> memref<40x128xi32, #tpu.memory_space<hbm>>
      tpu.enqueue_dma source(%dma_start3A_349 : memref<40x128xi32, #tpu.memory_space<hbm>>) target(%arg7 : memref<40x128xi32, #tpu.memory_space<vmem>>) target_semaphore(%run_scoped3A_345 : memref<!tpu.dma_semaphore, #tpu.memory_space<semaphore_mem>>)
      %dma_wait3A_350 = arith.constant 0 : i32
      %dma_wait3A_351 = tpu.memref_slice %arg3[%add3A_30, %dma_wait3A_350] : memref<1280x128xi32, #tpu.memory_space<hbm>> -> memref<40x128xi32, #tpu.memory_space<hbm>>
      %dma_wait3A_352 = arith.constant 0 : i32
      %dma_wait3A_353 = tpu.memref_slice %arg3[%add3A_30, %dma_wait3A_352] : memref<1280x128xi32, #tpu.memory_space<hbm>> -> memref<40x128xi32, #tpu.memory_space<hbm>>
      tpu.wait_dma2 semaphore(%run_scoped3A_345 : memref<!tpu.dma_semaphore, #tpu.memory_space<semaphore_mem>>) src(%dma_wait3A_353 : memref<40x128xi32, #tpu.memory_space<hbm>>) dst(%arg7 : memref<40x128xi32, #tpu.memory_space<vmem>>)
      tpu.yield
    }) : () -> ()
    "tpu.region"() ({
      %run_scoped3A_345 = tpu.sem_alloc : memref<!tpu.dma_semaphore, #tpu.memory_space<semaphore_mem>>
      %dma_start3A_346 = arith.constant 0 : i32
      %dma_start3A_347 = tpu.memref_slice %arg4[%add3A_30, %dma_start3A_346] : memref<1280x128xi32, #tpu.memory_space<hbm>> -> memref<40x128xi32, #tpu.memory_space<hbm>>
      %dma_start3A_348 = arith.constant 0 : i32
      %dma_start3A_349 = tpu.memref_slice %arg4[%add3A_30, %dma_start3A_348] : memref<1280x128xi32, #tpu.memory_space<hbm>> -> memref<40x128xi32, #tpu.memory_space<hbm>>
      tpu.enqueue_dma source(%dma_start3A_349 : memref<40x128xi32, #tpu.memory_space<hbm>>) target(%arg8 : memref<40x128xi32, #tpu.memory_space<vmem>>) target_semaphore(%run_scoped3A_345 : memref<!tpu.dma_semaphore, #tpu.memory_space<semaphore_mem>>)
      %dma_wait3A_350 = arith.constant 0 : i32
      %dma_wait3A_351 = tpu.memref_slice %arg4[%add3A_30, %dma_wait3A_350] : memref<1280x128xi32, #tpu.memory_space<hbm>> -> memref<40x128xi32, #tpu.memory_space<hbm>>
      %dma_wait3A_352 = arith.constant 0 : i32
      %dma_wait3A_353 = tpu.memref_slice %arg4[%add3A_30, %dma_wait3A_352] : memref<1280x128xi32, #tpu.memory_space<hbm>> -> memref<40x128xi32, #tpu.memory_space<hbm>>
      tpu.wait_dma2 semaphore(%run_scoped3A_345 : memref<!tpu.dma_semaphore, #tpu.memory_space<semaphore_mem>>) src(%dma_wait3A_353 : memref<40x128xi32, #tpu.memory_space<hbm>>) dst(%arg8 : memref<40x128xi32, #tpu.memory_space<vmem>>)
      tpu.yield
    }) : () -> ()
    %dma_start3A = arith.constant 0 : i32
    %dma_start3A_31 = arith.constant 0 : i32
    %dma_start3A_32 = arith.constant 0 : i32
    %dma_start3A_33 = arith.constant 0 : i32
    %dma_start3A_34 = arith.constant 0 : i32
    %dma_start3A_35 = tpu.memref_slice %arg9[%dma_start3A_31, %dma_start3A_33, %dma_start3A_34] : memref<2x128x128xf32, #tpu.memory_space<vmem>> -> memref<1x128x128xf32, #tpu.memory_space<vmem>>
    %dma_start3A_36 = tpu.memref_squeeze %dma_start3A_35 : memref<1x128x128xf32, #tpu.memory_space<vmem>> -> memref<128x128xf32, #tpu.memory_space<vmem>>
    %dma_start3A_37 = arith.constant 0 : i32
    %dma_start3A_38 = tpu.memref_slice %arg7[%dma_start3A, %dma_start3A_37] : memref<40x128xi32, #tpu.memory_space<vmem>> -> memref<1x128xi32, #tpu.memory_space<vmem>>
    %dma_start3A_39 = tpu.memref_squeeze %dma_start3A_38 : memref<1x128xi32, #tpu.memory_space<vmem>> -> memref<128xi32, #tpu.memory_space<vmem>>
    %dma_start3A_40 = arith.constant 0 : i32
    %dma_start3A_41 = arith.constant 0 : i32
    %dma_start3A_42 = tpu.memref_slice %arg2[%arg0, %dma_start3A_40, %dma_start3A_41] : memref<2x10240x128xf32, #tpu.memory_space<hbm>> -> memref<1x10240x128xf32, #tpu.memory_space<hbm>>
    %dma_start3A_43 = tpu.memref_squeeze %dma_start3A_42 : memref<1x10240x128xf32, #tpu.memory_space<hbm>> -> memref<10240x128xf32, #tpu.memory_space<hbm>>
    %dma_start3A_44 = arith.constant 0 : i32
    %dma_start3A_45 = arith.constant 0 : i32
    %dma_start3A_46 = tpu.memref_slice %dma_start3A_43[%dma_start3A_44, %dma_start3A_45] : memref<10240x128xf32, #tpu.memory_space<hbm>> -> memref<10240x128xf32, #tpu.memory_space<hbm>>
    %dma_start3A_47 = tpu.memref_slice %arg10[%dma_start3A_32] : memref<2x!tpu.dma_semaphore, #tpu.memory_space<semaphore_mem>> -> memref<1x!tpu.dma_semaphore, #tpu.memory_space<semaphore_mem>>
    %dma_start3A_48 = tpu.memref_squeeze %dma_start3A_47 : memref<1x!tpu.dma_semaphore, #tpu.memory_space<semaphore_mem>> -> memref<!tpu.dma_semaphore, #tpu.memory_space<semaphore_mem>>
    tpu.enqueue_indirect_dma source(%dma_start3A_46 : memref<10240x128xf32, #tpu.memory_space<hbm>>) target(%dma_start3A_36 : memref<128x128xf32, #tpu.memory_space<vmem>>) offsets(%dma_start3A_39 : memref<128xi32, #tpu.memory_space<vmem>>) semaphore(%dma_start3A_48 : memref<!tpu.dma_semaphore, #tpu.memory_space<semaphore_mem>>)
    %dma_start3A_49 = arith.constant 1 : i32
    %dma_start3A_50 = arith.constant 1 : i32
    %dma_start3A_51 = arith.constant 1 : i32
    %dma_start3A_52 = arith.constant 0 : i32
    %dma_start3A_53 = arith.constant 0 : i32
    %dma_start3A_54 = tpu.memref_slice %arg9[%dma_start3A_50, %dma_start3A_52, %dma_start3A_53] : memref<2x128x128xf32, #tpu.memory_space<vmem>> -> memref<1x128x128xf32, #tpu.memory_space<vmem>>
    %dma_start3A_55 = tpu.memref_squeeze %dma_start3A_54 : memref<1x128x128xf32, #tpu.memory_space<vmem>> -> memref<128x128xf32, #tpu.memory_space<vmem>>
    %dma_start3A_56 = arith.constant 0 : i32
    %dma_start3A_57 = tpu.memref_slice %arg7[%dma_start3A_49, %dma_start3A_56] : memref<40x128xi32, #tpu.memory_space<vmem>> -> memref<1x128xi32, #tpu.memory_space<vmem>>
    %dma_start3A_58 = tpu.memref_squeeze %dma_start3A_57 : memref<1x128xi32, #tpu.memory_space<vmem>> -> memref<128xi32, #tpu.memory_space<vmem>>
    %dma_start3A_59 = arith.constant 0 : i32
    %dma_start3A_60 = arith.constant 0 : i32
    %dma_start3A_61 = tpu.memref_slice %arg2[%arg0, %dma_start3A_59, %dma_start3A_60] : memref<2x10240x128xf32, #tpu.memory_space<hbm>> -> memref<1x10240x128xf32, #tpu.memory_space<hbm>>
    %dma_start3A_62 = tpu.memref_squeeze %dma_start3A_61 : memref<1x10240x128xf32, #tpu.memory_space<hbm>> -> memref<10240x128xf32, #tpu.memory_space<hbm>>
    %dma_start3A_63 = arith.constant 0 : i32
    %dma_start3A_64 = arith.constant 0 : i32
    %dma_start3A_65 = tpu.memref_slice %dma_start3A_62[%dma_start3A_63, %dma_start3A_64] : memref<10240x128xf32, #tpu.memory_space<hbm>> -> memref<10240x128xf32, #tpu.memory_space<hbm>>
    %dma_start3A_66 = tpu.memref_slice %arg10[%dma_start3A_51] : memref<2x!tpu.dma_semaphore, #tpu.memory_space<semaphore_mem>> -> memref<1x!tpu.dma_semaphore, #tpu.memory_space<semaphore_mem>>
    %dma_start3A_67 = tpu.memref_squeeze %dma_start3A_66 : memref<1x!tpu.dma_semaphore, #tpu.memory_space<semaphore_mem>> -> memref<!tpu.dma_semaphore, #tpu.memory_space<semaphore_mem>>
    tpu.enqueue_indirect_dma source(%dma_start3A_65 : memref<10240x128xf32, #tpu.memory_space<hbm>>) target(%dma_start3A_55 : memref<128x128xf32, #tpu.memory_space<vmem>>) offsets(%dma_start3A_58 : memref<128xi32, #tpu.memory_space<vmem>>) semaphore(%dma_start3A_67 : memref<!tpu.dma_semaphore, #tpu.memory_space<semaphore_mem>>)
    %scan3A = arith.constant 0 : i32
    %scan3A_68 = arith.constant 19 : i32
    %scan3A_69 = arith.addi %scan3A, %scan3A_68 : i32
    %scan3A_70 = arith.constant 1 : i32
    scf.for %scan3A_345 = %scan3A to %scan3A_69 step %scan3A_70  : i32 {
      %mul3A_346 = arith.constant 1 : i32
      %mul3A_347 = arith.muli %scan3A_345, %mul3A_346 : i32
      %add3A_348 = arith.constant 0 : i32
      %add3A_349 = arith.addi %add3A_348, %mul3A_347 : i32
      %mul3A_350 = arith.constant 2 : i32
      %mul3A_351 = arith.muli %add3A_349, %mul3A_350 : i32
      %add3A_352 = arith.constant 0 : i32
      %add3A_353 = arith.addi %mul3A_351, %add3A_352 : i32
      %dma_wait3A_354 = arith.constant 0 : i32
      %dma_wait3A_355 = arith.constant 0 : i32
      %dma_wait3A_356 = arith.constant 0 : i32
      %dma_wait3A_357 = arith.constant 0 : i32
      %dma_wait3A_358 = tpu.memref_slice %arg9[%dma_wait3A_354, %dma_wait3A_356, %dma_wait3A_357] : memref<2x128x128xf32, #tpu.memory_space<vmem>> -> memref<1x128x128xf32, #tpu.memory_space<vmem>>
      %dma_wait3A_359 = tpu.memref_squeeze %dma_wait3A_358 : memref<1x128x128xf32, #tpu.memory_space<vmem>> -> memref<128x128xf32, #tpu.memory_space<vmem>>
      %dma_wait3A_360 = arith.constant 0 : i32
      %dma_wait3A_361 = tpu.memref_slice %arg7[%add3A_353, %dma_wait3A_360] : memref<40x128xi32, #tpu.memory_space<vmem>> -> memref<1x128xi32, #tpu.memory_space<vmem>>
      %dma_wait3A_362 = tpu.memref_squeeze %dma_wait3A_361 : memref<1x128xi32, #tpu.memory_space<vmem>> -> memref<128xi32, #tpu.memory_space<vmem>>
      %dma_wait3A_363 = arith.constant 0 : i32
      %dma_wait3A_364 = arith.constant 0 : i32
      %dma_wait3A_365 = tpu.memref_slice %arg2[%arg0, %dma_wait3A_363, %dma_wait3A_364] : memref<2x10240x128xf32, #tpu.memory_space<hbm>> -> memref<1x10240x128xf32, #tpu.memory_space<hbm>>
      %dma_wait3A_366 = tpu.memref_squeeze %dma_wait3A_365 : memref<1x10240x128xf32, #tpu.memory_space<hbm>> -> memref<10240x128xf32, #tpu.memory_space<hbm>>
      %dma_wait3A_367 = arith.constant 0 : i32
      %dma_wait3A_368 = arith.constant 0 : i32
      %dma_wait3A_369 = tpu.memref_slice %dma_wait3A_366[%dma_wait3A_367, %dma_wait3A_368] : memref<10240x128xf32, #tpu.memory_space<hbm>> -> memref<10240x128xf32, #tpu.memory_space<hbm>>
      %dma_wait3A_370 = tpu.memref_slice %arg10[%dma_wait3A_355] : memref<2x!tpu.dma_semaphore, #tpu.memory_space<semaphore_mem>> -> memref<1x!tpu.dma_semaphore, #tpu.memory_space<semaphore_mem>>
      %dma_wait3A_371 = tpu.memref_squeeze %dma_wait3A_370 : memref<1x!tpu.dma_semaphore, #tpu.memory_space<semaphore_mem>> -> memref<!tpu.dma_semaphore, #tpu.memory_space<semaphore_mem>>
      tpu.wait_indirect_dma semaphore(%dma_wait3A_371 : memref<!tpu.dma_semaphore, #tpu.memory_space<semaphore_mem>>) src(%dma_wait3A_369 : memref<10240x128xf32, #tpu.memory_space<hbm>>) dst(%dma_wait3A_359 : memref<128x128xf32, #tpu.memory_space<vmem>>)
      %add3A_372 = arith.constant 0 : i32
      %add3A_373 = arith.addi %mul3A_351, %add3A_372 : i32
      %dma_start3A_374 = arith.constant 0 : i32
      %dma_start3A_375 = arith.constant 0 : i32
      %dma_start3A_376 = arith.constant 0 : i32
      %dma_start3A_377 = arith.constant 0 : i32
      %dma_start3A_378 = tpu.memref_slice %arg9[%dma_start3A_374, %dma_start3A_376, %dma_start3A_377] : memref<2x128x128xf32, #tpu.memory_space<vmem>> -> memref<1x128x128xf32, #tpu.memory_space<vmem>>
      %dma_start3A_379 = tpu.memref_squeeze %dma_start3A_378 : memref<1x128x128xf32, #tpu.memory_space<vmem>> -> memref<128x128xf32, #tpu.memory_space<vmem>>
      %dma_start3A_380 = arith.constant 0 : i32
      %dma_start3A_381 = tpu.memref_slice %arg8[%add3A_373, %dma_start3A_380] : memref<40x128xi32, #tpu.memory_space<vmem>> -> memref<1x128xi32, #tpu.memory_space<vmem>>
      %dma_start3A_382 = tpu.memref_squeeze %dma_start3A_381 : memref<1x128xi32, #tpu.memory_space<vmem>> -> memref<128xi32, #tpu.memory_space<vmem>>
      %dma_start3A_383 = arith.constant 0 : i32
      %dma_start3A_384 = arith.constant 0 : i32
      %dma_start3A_385 = tpu.memref_slice %arg6[%dma_start3A_383, %dma_start3A_384] : memref<10240x128xf32, #tpu.memory_space<vmem_shared>> -> memref<10240x128xf32, #tpu.memory_space<vmem_shared>>
      %dma_start3A_386 = tpu.memref_slice %arg11[%dma_start3A_375] : memref<2x!tpu.dma_semaphore, #tpu.memory_space<semaphore_mem>> -> memref<1x!tpu.dma_semaphore, #tpu.memory_space<semaphore_mem>>
      %dma_start3A_387 = tpu.memref_squeeze %dma_start3A_386 : memref<1x!tpu.dma_semaphore, #tpu.memory_space<semaphore_mem>> -> memref<!tpu.dma_semaphore, #tpu.memory_space<semaphore_mem>>
      tpu.enqueue_indirect_dma source(%dma_start3A_379 : memref<128x128xf32, #tpu.memory_space<vmem>>) target(%dma_start3A_385 : memref<10240x128xf32, #tpu.memory_space<vmem_shared>>) offsets(%dma_start3A_382 : memref<128xi32, #tpu.memory_space<vmem>>) semaphore(%dma_start3A_387 : memref<!tpu.dma_semaphore, #tpu.memory_space<semaphore_mem>>) {add = true}
      %add3A_388 = arith.constant 1 : i32
      %add3A_389 = arith.addi %mul3A_351, %add3A_388 : i32
      %dma_wait3A_390 = arith.constant 1 : i32
      %dma_wait3A_391 = arith.constant 1 : i32
      %dma_wait3A_392 = arith.constant 0 : i32
      %dma_wait3A_393 = arith.constant 0 : i32
      %dma_wait3A_394 = tpu.memref_slice %arg9[%dma_wait3A_390, %dma_wait3A_392, %dma_wait3A_393] : memref<2x128x128xf32, #tpu.memory_space<vmem>> -> memref<1x128x128xf32, #tpu.memory_space<vmem>>
      %dma_wait3A_395 = tpu.memref_squeeze %dma_wait3A_394 : memref<1x128x128xf32, #tpu.memory_space<vmem>> -> memref<128x128xf32, #tpu.memory_space<vmem>>
      %dma_wait3A_396 = arith.constant 0 : i32
      %dma_wait3A_397 = tpu.memref_slice %arg7[%add3A_389, %dma_wait3A_396] : memref<40x128xi32, #tpu.memory_space<vmem>> -> memref<1x128xi32, #tpu.memory_space<vmem>>
      %dma_wait3A_398 = tpu.memref_squeeze %dma_wait3A_397 : memref<1x128xi32, #tpu.memory_space<vmem>> -> memref<128xi32, #tpu.memory_space<vmem>>
      %dma_wait3A_399 = arith.constant 0 : i32
      %dma_wait3A_400 = arith.constant 0 : i32
      %dma_wait3A_401 = tpu.memref_slice %arg2[%arg0, %dma_wait3A_399, %dma_wait3A_400] : memref<2x10240x128xf32, #tpu.memory_space<hbm>> -> memref<1x10240x128xf32, #tpu.memory_space<hbm>>
      %dma_wait3A_402 = tpu.memref_squeeze %dma_wait3A_401 : memref<1x10240x128xf32, #tpu.memory_space<hbm>> -> memref<10240x128xf32, #tpu.memory_space<hbm>>
      %dma_wait3A_403 = arith.constant 0 : i32
      %dma_wait3A_404 = arith.constant 0 : i32
      %dma_wait3A_405 = tpu.memref_slice %dma_wait3A_402[%dma_wait3A_403, %dma_wait3A_404] : memref<10240x128xf32, #tpu.memory_space<hbm>> -> memref<10240x128xf32, #tpu.memory_space<hbm>>
      %dma_wait3A_406 = tpu.memref_slice %arg10[%dma_wait3A_391] : memref<2x!tpu.dma_semaphore, #tpu.memory_space<semaphore_mem>> -> memref<1x!tpu.dma_semaphore, #tpu.memory_space<semaphore_mem>>
      %dma_wait3A_407 = tpu.memref_squeeze %dma_wait3A_406 : memref<1x!tpu.dma_semaphore, #tpu.memory_space<semaphore_mem>> -> memref<!tpu.dma_semaphore, #tpu.memory_space<semaphore_mem>>
      tpu.wait_indirect_dma semaphore(%dma_wait3A_407 : memref<!tpu.dma_semaphore, #tpu.memory_space<semaphore_mem>>) src(%dma_wait3A_405 : memref<10240x128xf32, #tpu.memory_space<hbm>>) dst(%dma_wait3A_395 : memref<128x128xf32, #tpu.memory_space<vmem>>)
      %add3A_408 = arith.constant 1 : i32
      %add3A_409 = arith.addi %mul3A_351, %add3A_408 : i32
      %dma_start3A_410 = arith.constant 1 : i32
      %dma_start3A_411 = arith.constant 1 : i32
      %dma_start3A_412 = arith.constant 0 : i32
      %dma_start3A_413 = arith.constant 0 : i32
      %dma_start3A_414 = tpu.memref_slice %arg9[%dma_start3A_410, %dma_start3A_412, %dma_start3A_413] : memref<2x128x128xf32, #tpu.memory_space<vmem>> -> memref<1x128x128xf32, #tpu.memory_space<vmem>>
      %dma_start3A_415 = tpu.memref_squeeze %dma_start3A_414 : memref<1x128x128xf32, #tpu.memory_space<vmem>> -> memref<128x128xf32, #tpu.memory_space<vmem>>
      %dma_start3A_416 = arith.constant 0 : i32
      %dma_start3A_417 = tpu.memref_slice %arg8[%add3A_409, %dma_start3A_416] : memref<40x128xi32, #tpu.memory_space<vmem>> -> memref<1x128xi32, #tpu.memory_space<vmem>>
      %dma_start3A_418 = tpu.memref_squeeze %dma_start3A_417 : memref<1x128xi32, #tpu.memory_space<vmem>> -> memref<128xi32, #tpu.memory_space<vmem>>
      %dma_start3A_419 = arith.constant 0 : i32
      %dma_start3A_420 = arith.constant 0 : i32
      %dma_start3A_421 = tpu.memref_slice %arg6[%dma_start3A_419, %dma_start3A_420] : memref<10240x128xf32, #tpu.memory_space<vmem_shared>> -> memref<10240x128xf32, #tpu.memory_space<vmem_shared>>
      %dma_start3A_422 = tpu.memref_slice %arg11[%dma_start3A_411] : memref<2x!tpu.dma_semaphore, #tpu.memory_space<semaphore_mem>> -> memref<1x!tpu.dma_semaphore, #tpu.memory_space<semaphore_mem>>
      %dma_start3A_423 = tpu.memref_squeeze %dma_start3A_422 : memref<1x!tpu.dma_semaphore, #tpu.memory_space<semaphore_mem>> -> memref<!tpu.dma_semaphore, #tpu.memory_space<semaphore_mem>>
      tpu.enqueue_indirect_dma source(%dma_start3A_415 : memref<128x128xf32, #tpu.memory_space<vmem>>) target(%dma_start3A_421 : memref<10240x128xf32, #tpu.memory_space<vmem_shared>>) offsets(%dma_start3A_418 : memref<128xi32, #tpu.memory_space<vmem>>) semaphore(%dma_start3A_423 : memref<!tpu.dma_semaphore, #tpu.memory_space<semaphore_mem>>) {add = true}
      %add3A_424 = arith.constant 0 : i32
      %add3A_425 = arith.addi %mul3A_351, %add3A_424 : i32
      %dma_wait3A_426 = arith.constant 0 : i32
      %dma_wait3A_427 = arith.constant 0 : i32
      %dma_wait3A_428 = arith.constant 0 : i32
      %dma_wait3A_429 = arith.constant 0 : i32
      %dma_wait3A_430 = tpu.memref_slice %arg9[%dma_wait3A_426, %dma_wait3A_428, %dma_wait3A_429] : memref<2x128x128xf32, #tpu.memory_space<vmem>> -> memref<1x128x128xf32, #tpu.memory_space<vmem>>
      %dma_wait3A_431 = tpu.memref_squeeze %dma_wait3A_430 : memref<1x128x128xf32, #tpu.memory_space<vmem>> -> memref<128x128xf32, #tpu.memory_space<vmem>>
      %dma_wait3A_432 = arith.constant 0 : i32
      %dma_wait3A_433 = tpu.memref_slice %arg8[%add3A_425, %dma_wait3A_432] : memref<40x128xi32, #tpu.memory_space<vmem>> -> memref<1x128xi32, #tpu.memory_space<vmem>>
      %dma_wait3A_434 = tpu.memref_squeeze %dma_wait3A_433 : memref<1x128xi32, #tpu.memory_space<vmem>> -> memref<128xi32, #tpu.memory_space<vmem>>
      %dma_wait3A_435 = arith.constant 0 : i32
      %dma_wait3A_436 = arith.constant 0 : i32
      %dma_wait3A_437 = tpu.memref_slice %arg6[%dma_wait3A_435, %dma_wait3A_436] : memref<10240x128xf32, #tpu.memory_space<vmem_shared>> -> memref<10240x128xf32, #tpu.memory_space<vmem_shared>>
      %dma_wait3A_438 = tpu.memref_slice %arg11[%dma_wait3A_427] : memref<2x!tpu.dma_semaphore, #tpu.memory_space<semaphore_mem>> -> memref<1x!tpu.dma_semaphore, #tpu.memory_space<semaphore_mem>>
      %dma_wait3A_439 = tpu.memref_squeeze %dma_wait3A_438 : memref<1x!tpu.dma_semaphore, #tpu.memory_space<semaphore_mem>> -> memref<!tpu.dma_semaphore, #tpu.memory_space<semaphore_mem>>
      tpu.wait_indirect_dma semaphore(%dma_wait3A_439 : memref<!tpu.dma_semaphore, #tpu.memory_space<semaphore_mem>>) src(%dma_wait3A_431 : memref<128x128xf32, #tpu.memory_space<vmem>>) dst(%dma_wait3A_437 : memref<10240x128xf32, #tpu.memory_space<vmem_shared>>)
      %add3A_440 = arith.constant 2 : i32
      %add3A_441 = arith.addi %mul3A_351, %add3A_440 : i32
      %add3A_442 = arith.constant 0 : i32
      %add3A_443 = arith.addi %add3A_441, %add3A_442 : i32
      %dma_start3A_444 = arith.constant 0 : i32
      %dma_start3A_445 = arith.constant 0 : i32
      %dma_start3A_446 = arith.constant 0 : i32
      %dma_start3A_447 = arith.constant 0 : i32
      %dma_start3A_448 = tpu.memref_slice %arg9[%dma_start3A_444, %dma_start3A_446, %dma_start3A_447] : memref<2x128x128xf32, #tpu.memory_space<vmem>> -> memref<1x128x128xf32, #tpu.memory_space<vmem>>
      %dma_start3A_449 = tpu.memref_squeeze %dma_start3A_448 : memref<1x128x128xf32, #tpu.memory_space<vmem>> -> memref<128x128xf32, #tpu.memory_space<vmem>>
      %dma_start3A_450 = arith.constant 0 : i32
      %dma_start3A_451 = tpu.memref_slice %arg7[%add3A_443, %dma_start3A_450] : memref<40x128xi32, #tpu.memory_space<vmem>> -> memref<1x128xi32, #tpu.memory_space<vmem>>
      %dma_start3A_452 = tpu.memref_squeeze %dma_start3A_451 : memref<1x128xi32, #tpu.memory_space<vmem>> -> memref<128xi32, #tpu.memory_space<vmem>>
      %dma_start3A_453 = arith.constant 0 : i32
      %dma_start3A_454 = arith.constant 0 : i32
      %dma_start3A_455 = tpu.memref_slice %arg2[%arg0, %dma_start3A_453, %dma_start3A_454] : memref<2x10240x128xf32, #tpu.memory_space<hbm>> -> memref<1x10240x128xf32, #tpu.memory_space<hbm>>
      %dma_start3A_456 = tpu.memref_squeeze %dma_start3A_455 : memref<1x10240x128xf32, #tpu.memory_space<hbm>> -> memref<10240x128xf32, #tpu.memory_space<hbm>>
      %dma_start3A_457 = arith.constant 0 : i32
      %dma_start3A_458 = arith.constant 0 : i32
      %dma_start3A_459 = tpu.memref_slice %dma_start3A_456[%dma_start3A_457, %dma_start3A_458] : memref<10240x128xf32, #tpu.memory_space<hbm>> -> memref<10240x128xf32, #tpu.memory_space<hbm>>
      %dma_start3A_460 = tpu.memref_slice %arg10[%dma_start3A_445] : memref<2x!tpu.dma_semaphore, #tpu.memory_space<semaphore_mem>> -> memref<1x!tpu.dma_semaphore, #tpu.memory_space<semaphore_mem>>
      %dma_start3A_461 = tpu.memref_squeeze %dma_start3A_460 : memref<1x!tpu.dma_semaphore, #tpu.memory_space<semaphore_mem>> -> memref<!tpu.dma_semaphore, #tpu.memory_space<semaphore_mem>>
      tpu.enqueue_indirect_dma source(%dma_start3A_459 : memref<10240x128xf32, #tpu.memory_space<hbm>>) target(%dma_start3A_449 : memref<128x128xf32, #tpu.memory_space<vmem>>) offsets(%dma_start3A_452 : memref<128xi32, #tpu.memory_space<vmem>>) semaphore(%dma_start3A_461 : memref<!tpu.dma_semaphore, #tpu.memory_space<semaphore_mem>>)
      %add3A_462 = arith.constant 1 : i32
      %add3A_463 = arith.addi %mul3A_351, %add3A_462 : i32
      %dma_wait3A_464 = arith.constant 1 : i32
      %dma_wait3A_465 = arith.constant 1 : i32
      %dma_wait3A_466 = arith.constant 0 : i32
      %dma_wait3A_467 = arith.constant 0 : i32
      %dma_wait3A_468 = tpu.memref_slice %arg9[%dma_wait3A_464, %dma_wait3A_466, %dma_wait3A_467] : memref<2x128x128xf32, #tpu.memory_space<vmem>> -> memref<1x128x128xf32, #tpu.memory_space<vmem>>
      %dma_wait3A_469 = tpu.memref_squeeze %dma_wait3A_468 : memref<1x128x128xf32, #tpu.memory_space<vmem>> -> memref<128x128xf32, #tpu.memory_space<vmem>>
      %dma_wait3A_470 = arith.constant 0 : i32
      %dma_wait3A_471 = tpu.memref_slice %arg8[%add3A_463, %dma_wait3A_470] : memref<40x128xi32, #tpu.memory_space<vmem>> -> memref<1x128xi32, #tpu.memory_space<vmem>>
      %dma_wait3A_472 = tpu.memref_squeeze %dma_wait3A_471 : memref<1x128xi32, #tpu.memory_space<vmem>> -> memref<128xi32, #tpu.memory_space<vmem>>
      %dma_wait3A_473 = arith.constant 0 : i32
      %dma_wait3A_474 = arith.constant 0 : i32
      %dma_wait3A_475 = tpu.memref_slice %arg6[%dma_wait3A_473, %dma_wait3A_474] : memref<10240x128xf32, #tpu.memory_space<vmem_shared>> -> memref<10240x128xf32, #tpu.memory_space<vmem_shared>>
      %dma_wait3A_476 = tpu.memref_slice %arg11[%dma_wait3A_465] : memref<2x!tpu.dma_semaphore, #tpu.memory_space<semaphore_mem>> -> memref<1x!tpu.dma_semaphore, #tpu.memory_space<semaphore_mem>>
      %dma_wait3A_477 = tpu.memref_squeeze %dma_wait3A_476 : memref<1x!tpu.dma_semaphore, #tpu.memory_space<semaphore_mem>> -> memref<!tpu.dma_semaphore, #tpu.memory_space<semaphore_mem>>
      tpu.wait_indirect_dma semaphore(%dma_wait3A_477 : memref<!tpu.dma_semaphore, #tpu.memory_space<semaphore_mem>>) src(%dma_wait3A_469 : memref<128x128xf32, #tpu.memory_space<vmem>>) dst(%dma_wait3A_475 : memref<10240x128xf32, #tpu.memory_space<vmem_shared>>)
      %add3A_478 = arith.constant 2 : i32
      %add3A_479 = arith.addi %mul3A_351, %add3A_478 : i32
      %add3A_480 = arith.constant 1 : i32
      %add3A_481 = arith.addi %add3A_479, %add3A_480 : i32
      %dma_start3A_482 = arith.constant 1 : i32
      %dma_start3A_483 = arith.constant 1 : i32
      %dma_start3A_484 = arith.constant 0 : i32
      %dma_start3A_485 = arith.constant 0 : i32
      %dma_start3A_486 = tpu.memref_slice %arg9[%dma_start3A_482, %dma_start3A_484, %dma_start3A_485] : memref<2x128x128xf32, #tpu.memory_space<vmem>> -> memref<1x128x128xf32, #tpu.memory_space<vmem>>
      %dma_start3A_487 = tpu.memref_squeeze %dma_start3A_486 : memref<1x128x128xf32, #tpu.memory_space<vmem>> -> memref<128x128xf32, #tpu.memory_space<vmem>>
      %dma_start3A_488 = arith.constant 0 : i32
      %dma_start3A_489 = tpu.memref_slice %arg7[%add3A_481, %dma_start3A_488] : memref<40x128xi32, #tpu.memory_space<vmem>> -> memref<1x128xi32, #tpu.memory_space<vmem>>
      %dma_start3A_490 = tpu.memref_squeeze %dma_start3A_489 : memref<1x128xi32, #tpu.memory_space<vmem>> -> memref<128xi32, #tpu.memory_space<vmem>>
      %dma_start3A_491 = arith.constant 0 : i32
      %dma_start3A_492 = arith.constant 0 : i32
      %dma_start3A_493 = tpu.memref_slice %arg2[%arg0, %dma_start3A_491, %dma_start3A_492] : memref<2x10240x128xf32, #tpu.memory_space<hbm>> -> memref<1x10240x128xf32, #tpu.memory_space<hbm>>
      %dma_start3A_494 = tpu.memref_squeeze %dma_start3A_493 : memref<1x10240x128xf32, #tpu.memory_space<hbm>> -> memref<10240x128xf32, #tpu.memory_space<hbm>>
      %dma_start3A_495 = arith.constant 0 : i32
      %dma_start3A_496 = arith.constant 0 : i32
      %dma_start3A_497 = tpu.memref_slice %dma_start3A_494[%dma_start3A_495, %dma_start3A_496] : memref<10240x128xf32, #tpu.memory_space<hbm>> -> memref<10240x128xf32, #tpu.memory_space<hbm>>
      %dma_start3A_498 = tpu.memref_slice %arg10[%dma_start3A_483] : memref<2x!tpu.dma_semaphore, #tpu.memory_space<semaphore_mem>> -> memref<1x!tpu.dma_semaphore, #tpu.memory_space<semaphore_mem>>
      %dma_start3A_499 = tpu.memref_squeeze %dma_start3A_498 : memref<1x!tpu.dma_semaphore, #tpu.memory_space<semaphore_mem>> -> memref<!tpu.dma_semaphore, #tpu.memory_space<semaphore_mem>>
      tpu.enqueue_indirect_dma source(%dma_start3A_497 : memref<10240x128xf32, #tpu.memory_space<hbm>>) target(%dma_start3A_487 : memref<128x128xf32, #tpu.memory_space<vmem>>) offsets(%dma_start3A_490 : memref<128xi32, #tpu.memory_space<vmem>>) semaphore(%dma_start3A_499 : memref<!tpu.dma_semaphore, #tpu.memory_space<semaphore_mem>>)
    }
    %scan3A_71 = arith.constant 19 : i32
    %dma_wait3A = arith.constant 38 : i32
    %dma_wait3A_72 = arith.constant 0 : i32
    %dma_wait3A_73 = arith.constant 0 : i32
    %dma_wait3A_74 = arith.constant 0 : i32
    %dma_wait3A_75 = arith.constant 0 : i32
    %dma_wait3A_76 = tpu.memref_slice %arg9[%dma_wait3A_72, %dma_wait3A_74, %dma_wait3A_75] : memref<2x128x128xf32, #tpu.memory_space<vmem>> -> memref<1x128x128xf32, #tpu.memory_space<vmem>>
    %dma_wait3A_77 = tpu.memref_squeeze %dma_wait3A_76 : memref<1x128x128xf32, #tpu.memory_space<vmem>> -> memref<128x128xf32, #tpu.memory_space<vmem>>
    %dma_wait3A_78 = arith.constant 0 : i32
    %dma_wait3A_79 = tpu.memref_slice %arg7[%dma_wait3A, %dma_wait3A_78] : memref<40x128xi32, #tpu.memory_space<vmem>> -> memref<1x128xi32, #tpu.memory_space<vmem>>
    %dma_wait3A_80 = tpu.memref_squeeze %dma_wait3A_79 : memref<1x128xi32, #tpu.memory_space<vmem>> -> memref<128xi32, #tpu.memory_space<vmem>>
    %dma_wait3A_81 = arith.constant 0 : i32
    %dma_wait3A_82 = arith.constant 0 : i32
    %dma_wait3A_83 = tpu.memref_slice %arg2[%arg0, %dma_wait3A_81, %dma_wait3A_82] : memref<2x10240x128xf32, #tpu.memory_space<hbm>> -> memref<1x10240x128xf32, #tpu.memory_space<hbm>>
    %dma_wait3A_84 = tpu.memref_squeeze %dma_wait3A_83 : memref<1x10240x128xf32, #tpu.memory_space<hbm>> -> memref<10240x128xf32, #tpu.memory_space<hbm>>
    %dma_wait3A_85 = arith.constant 0 : i32
    %dma_wait3A_86 = arith.constant 0 : i32
    %dma_wait3A_87 = tpu.memref_slice %dma_wait3A_84[%dma_wait3A_85, %dma_wait3A_86] : memref<10240x128xf32, #tpu.memory_space<hbm>> -> memref<10240x128xf32, #tpu.memory_space<hbm>>
    %dma_wait3A_88 = tpu.memref_slice %arg10[%dma_wait3A_73] : memref<2x!tpu.dma_semaphore, #tpu.memory_space<semaphore_mem>> -> memref<1x!tpu.dma_semaphore, #tpu.memory_space<semaphore_mem>>
    %dma_wait3A_89 = tpu.memref_squeeze %dma_wait3A_88 : memref<1x!tpu.dma_semaphore, #tpu.memory_space<semaphore_mem>> -> memref<!tpu.dma_semaphore, #tpu.memory_space<semaphore_mem>>
    tpu.wait_indirect_dma semaphore(%dma_wait3A_89 : memref<!tpu.dma_semaphore, #tpu.memory_space<semaphore_mem>>) src(%dma_wait3A_87 : memref<10240x128xf32, #tpu.memory_space<hbm>>) dst(%dma_wait3A_77 : memref<128x128xf32, #tpu.memory_space<vmem>>)
    %dma_start3A_90 = arith.constant 0 : i32
    %dma_start3A_91 = arith.constant 38 : i32
    %dma_start3A_92 = arith.constant 0 : i32
    %dma_start3A_93 = arith.constant 0 : i32
    %dma_start3A_94 = arith.constant 0 : i32
    %dma_start3A_95 = tpu.memref_slice %arg9[%dma_start3A_90, %dma_start3A_93, %dma_start3A_94] : memref<2x128x128xf32, #tpu.memory_space<vmem>> -> memref<1x128x128xf32, #tpu.memory_space<vmem>>
    %dma_start3A_96 = tpu.memref_squeeze %dma_start3A_95 : memref<1x128x128xf32, #tpu.memory_space<vmem>> -> memref<128x128xf32, #tpu.memory_space<vmem>>
    %dma_start3A_97 = arith.constant 0 : i32
    %dma_start3A_98 = tpu.memref_slice %arg8[%dma_start3A_91, %dma_start3A_97] : memref<40x128xi32, #tpu.memory_space<vmem>> -> memref<1x128xi32, #tpu.memory_space<vmem>>
    %dma_start3A_99 = tpu.memref_squeeze %dma_start3A_98 : memref<1x128xi32, #tpu.memory_space<vmem>> -> memref<128xi32, #tpu.memory_space<vmem>>
    %dma_start3A_100 = arith.constant 0 : i32
    %dma_start3A_101 = arith.constant 0 : i32
    %dma_start3A_102 = tpu.memref_slice %arg6[%dma_start3A_100, %dma_start3A_101] : memref<10240x128xf32, #tpu.memory_space<vmem_shared>> -> memref<10240x128xf32, #tpu.memory_space<vmem_shared>>
    %dma_start3A_103 = tpu.memref_slice %arg11[%dma_start3A_92] : memref<2x!tpu.dma_semaphore, #tpu.memory_space<semaphore_mem>> -> memref<1x!tpu.dma_semaphore, #tpu.memory_space<semaphore_mem>>
    %dma_start3A_104 = tpu.memref_squeeze %dma_start3A_103 : memref<1x!tpu.dma_semaphore, #tpu.memory_space<semaphore_mem>> -> memref<!tpu.dma_semaphore, #tpu.memory_space<semaphore_mem>>
    tpu.enqueue_indirect_dma source(%dma_start3A_96 : memref<128x128xf32, #tpu.memory_space<vmem>>) target(%dma_start3A_102 : memref<10240x128xf32, #tpu.memory_space<vmem_shared>>) offsets(%dma_start3A_99 : memref<128xi32, #tpu.memory_space<vmem>>) semaphore(%dma_start3A_104 : memref<!tpu.dma_semaphore, #tpu.memory_space<semaphore_mem>>) {add = true}
    %dma_wait3A_105 = arith.constant 39 : i32
    %dma_wait3A_106 = arith.constant 1 : i32
    %dma_wait3A_107 = arith.constant 1 : i32
    %dma_wait3A_108 = arith.constant 0 : i32
    %dma_wait3A_109 = arith.constant 0 : i32
    %dma_wait3A_110 = tpu.memref_slice %arg9[%dma_wait3A_106, %dma_wait3A_108, %dma_wait3A_109] : memref<2x128x128xf32, #tpu.memory_space<vmem>> -> memref<1x128x128xf32, #tpu.memory_space<vmem>>
    %dma_wait3A_111 = tpu.memref_squeeze %dma_wait3A_110 : memref<1x128x128xf32, #tpu.memory_space<vmem>> -> memref<128x128xf32, #tpu.memory_space<vmem>>
    %dma_wait3A_112 = arith.constant 0 : i32
    %dma_wait3A_113 = tpu.memref_slice %arg7[%dma_wait3A_105, %dma_wait3A_112] : memref<40x128xi32, #tpu.memory_space<vmem>> -> memref<1x128xi32, #tpu.memory_space<vmem>>
    %dma_wait3A_114 = tpu.memref_squeeze %dma_wait3A_113 : memref<1x128xi32, #tpu.memory_space<vmem>> -> memref<128xi32, #tpu.memory_space<vmem>>
    %dma_wait3A_115 = arith.constant 0 : i32
    %dma_wait3A_116 = arith.constant 0 : i32
    %dma_wait3A_117 = tpu.memref_slice %arg2[%arg0, %dma_wait3A_115, %dma_wait3A_116] : memref<2x10240x128xf32, #tpu.memory_space<hbm>> -> memref<1x10240x128xf32, #tpu.memory_space<hbm>>
    %dma_wait3A_118 = tpu.memref_squeeze %dma_wait3A_117 : memref<1x10240x128xf32, #tpu.memory_space<hbm>> -> memref<10240x128xf32, #tpu.memory_space<hbm>>
    %dma_wait3A_119 = arith.constant 0 : i32
    %dma_wait3A_120 = arith.constant 0 : i32
    %dma_wait3A_121 = tpu.memref_slice %dma_wait3A_118[%dma_wait3A_119, %dma_wait3A_120] : memref<10240x128xf32, #tpu.memory_space<hbm>> -> memref<10240x128xf32, #tpu.memory_space<hbm>>
    %dma_wait3A_122 = tpu.memref_slice %arg10[%dma_wait3A_107] : memref<2x!tpu.dma_semaphore, #tpu.memory_space<semaphore_mem>> -> memref<1x!tpu.dma_semaphore, #tpu.memory_space<semaphore_mem>>
    %dma_wait3A_123 = tpu.memref_squeeze %dma_wait3A_122 : memref<1x!tpu.dma_semaphore, #tpu.memory_space<semaphore_mem>> -> memref<!tpu.dma_semaphore, #tpu.memory_space<semaphore_mem>>
    tpu.wait_indirect_dma semaphore(%dma_wait3A_123 : memref<!tpu.dma_semaphore, #tpu.memory_space<semaphore_mem>>) src(%dma_wait3A_121 : memref<10240x128xf32, #tpu.memory_space<hbm>>) dst(%dma_wait3A_111 : memref<128x128xf32, #tpu.memory_space<vmem>>)
    %dma_start3A_124 = arith.constant 1 : i32
    %dma_start3A_125 = arith.constant 39 : i32
    %dma_start3A_126 = arith.constant 1 : i32
    %dma_start3A_127 = arith.constant 0 : i32
    %dma_start3A_128 = arith.constant 0 : i32
    %dma_start3A_129 = tpu.memref_slice %arg9[%dma_start3A_124, %dma_start3A_127, %dma_start3A_128] : memref<2x128x128xf32, #tpu.memory_space<vmem>> -> memref<1x128x128xf32, #tpu.memory_space<vmem>>
    %dma_start3A_130 = tpu.memref_squeeze %dma_start3A_129 : memref<1x128x128xf32, #tpu.memory_space<vmem>> -> memref<128x128xf32, #tpu.memory_space<vmem>>
    %dma_start3A_131 = arith.constant 0 : i32
    %dma_start3A_132 = tpu.memref_slice %arg8[%dma_start3A_125, %dma_start3A_131] : memref<40x128xi32, #tpu.memory_space<vmem>> -> memref<1x128xi32, #tpu.memory_space<vmem>>
    %dma_start3A_133 = tpu.memref_squeeze %dma_start3A_132 : memref<1x128xi32, #tpu.memory_space<vmem>> -> memref<128xi32, #tpu.memory_space<vmem>>
    %dma_start3A_134 = arith.constant 0 : i32
    %dma_start3A_135 = arith.constant 0 : i32
    %dma_start3A_136 = tpu.memref_slice %arg6[%dma_start3A_134, %dma_start3A_135] : memref<10240x128xf32, #tpu.memory_space<vmem_shared>> -> memref<10240x128xf32, #tpu.memory_space<vmem_shared>>
    %dma_start3A_137 = tpu.memref_slice %arg11[%dma_start3A_126] : memref<2x!tpu.dma_semaphore, #tpu.memory_space<semaphore_mem>> -> memref<1x!tpu.dma_semaphore, #tpu.memory_space<semaphore_mem>>
    %dma_start3A_138 = tpu.memref_squeeze %dma_start3A_137 : memref<1x!tpu.dma_semaphore, #tpu.memory_space<semaphore_mem>> -> memref<!tpu.dma_semaphore, #tpu.memory_space<semaphore_mem>>
    tpu.enqueue_indirect_dma source(%dma_start3A_130 : memref<128x128xf32, #tpu.memory_space<vmem>>) target(%dma_start3A_136 : memref<10240x128xf32, #tpu.memory_space<vmem_shared>>) offsets(%dma_start3A_133 : memref<128xi32, #tpu.memory_space<vmem>>) semaphore(%dma_start3A_138 : memref<!tpu.dma_semaphore, #tpu.memory_space<semaphore_mem>>) {add = true}
    %dma_wait3A_139 = arith.constant 0 : i32
    %dma_wait3A_140 = arith.constant 38 : i32
    %dma_wait3A_141 = arith.constant 0 : i32
    %dma_wait3A_142 = arith.constant 0 : i32
    %dma_wait3A_143 = arith.constant 0 : i32
    %dma_wait3A_144 = tpu.memref_slice %arg9[%dma_wait3A_139, %dma_wait3A_142, %dma_wait3A_143] : memref<2x128x128xf32, #tpu.memory_space<vmem>> -> memref<1x128x128xf32, #tpu.memory_space<vmem>>
    %dma_wait3A_145 = tpu.memref_squeeze %dma_wait3A_144 : memref<1x128x128xf32, #tpu.memory_space<vmem>> -> memref<128x128xf32, #tpu.memory_space<vmem>>
    %dma_wait3A_146 = arith.constant 0 : i32
    %dma_wait3A_147 = tpu.memref_slice %arg8[%dma_wait3A_140, %dma_wait3A_146] : memref<40x128xi32, #tpu.memory_space<vmem>> -> memref<1x128xi32, #tpu.memory_space<vmem>>
    %dma_wait3A_148 = tpu.memref_squeeze %dma_wait3A_147 : memref<1x128xi32, #tpu.memory_space<vmem>> -> memref<128xi32, #tpu.memory_space<vmem>>
    %dma_wait3A_149 = arith.constant 0 : i32
    %dma_wait3A_150 = arith.constant 0 : i32
    %dma_wait3A_151 = tpu.memref_slice %arg6[%dma_wait3A_149, %dma_wait3A_150] : memref<10240x128xf32, #tpu.memory_space<vmem_shared>> -> memref<10240x128xf32, #tpu.memory_space<vmem_shared>>
    %dma_wait3A_152 = tpu.memref_slice %arg11[%dma_wait3A_141] : memref<2x!tpu.dma_semaphore, #tpu.memory_space<semaphore_mem>> -> memref<1x!tpu.dma_semaphore, #tpu.memory_space<semaphore_mem>>
    %dma_wait3A_153 = tpu.memref_squeeze %dma_wait3A_152 : memref<1x!tpu.dma_semaphore, #tpu.memory_space<semaphore_mem>> -> memref<!tpu.dma_semaphore, #tpu.memory_space<semaphore_mem>>
    tpu.wait_indirect_dma semaphore(%dma_wait3A_153 : memref<!tpu.dma_semaphore, #tpu.memory_space<semaphore_mem>>) src(%dma_wait3A_145 : memref<128x128xf32, #tpu.memory_space<vmem>>) dst(%dma_wait3A_151 : memref<10240x128xf32, #tpu.memory_space<vmem_shared>>)
    %dma_wait3A_154 = arith.constant 1 : i32
    %dma_wait3A_155 = arith.constant 39 : i32
    %dma_wait3A_156 = arith.constant 1 : i32
    %dma_wait3A_157 = arith.constant 0 : i32
    %dma_wait3A_158 = arith.constant 0 : i32
    %dma_wait3A_159 = tpu.memref_slice %arg9[%dma_wait3A_154, %dma_wait3A_157, %dma_wait3A_158] : memref<2x128x128xf32, #tpu.memory_space<vmem>> -> memref<1x128x128xf32, #tpu.memory_space<vmem>>
    %dma_wait3A_160 = tpu.memref_squeeze %dma_wait3A_159 : memref<1x128x128xf32, #tpu.memory_space<vmem>> -> memref<128x128xf32, #tpu.memory_space<vmem>>
    %dma_wait3A_161 = arith.constant 0 : i32
    %dma_wait3A_162 = tpu.memref_slice %arg8[%dma_wait3A_155, %dma_wait3A_161] : memref<40x128xi32, #tpu.memory_space<vmem>> -> memref<1x128xi32, #tpu.memory_space<vmem>>
    %dma_wait3A_163 = tpu.memref_squeeze %dma_wait3A_162 : memref<1x128xi32, #tpu.memory_space<vmem>> -> memref<128xi32, #tpu.memory_space<vmem>>
    %dma_wait3A_164 = arith.constant 0 : i32
    %dma_wait3A_165 = arith.constant 0 : i32
    %dma_wait3A_166 = tpu.memref_slice %arg6[%dma_wait3A_164, %dma_wait3A_165] : memref<10240x128xf32, #tpu.memory_space<vmem_shared>> -> memref<10240x128xf32, #tpu.memory_space<vmem_shared>>
    %dma_wait3A_167 = tpu.memref_slice %arg11[%dma_wait3A_156] : memref<2x!tpu.dma_semaphore, #tpu.memory_space<semaphore_mem>> -> memref<1x!tpu.dma_semaphore, #tpu.memory_space<semaphore_mem>>
    %dma_wait3A_168 = tpu.memref_squeeze %dma_wait3A_167 : memref<1x!tpu.dma_semaphore, #tpu.memory_space<semaphore_mem>> -> memref<!tpu.dma_semaphore, #tpu.memory_space<semaphore_mem>>
    tpu.wait_indirect_dma semaphore(%dma_wait3A_168 : memref<!tpu.dma_semaphore, #tpu.memory_space<semaphore_mem>>) src(%dma_wait3A_160 : memref<128x128xf32, #tpu.memory_space<vmem>>) dst(%dma_wait3A_166 : memref<10240x128xf32, #tpu.memory_space<vmem_shared>>)
    %mul3A_169 = arith.constant 80 : i32
    %mul3A_170 = arith.muli %arg1, %mul3A_169 : i32
    %add3A_171 = arith.constant 40 : i32
    %add3A_172 = arith.addi %mul3A_170, %add3A_171 : i32
    "tpu.region"() ({
      %run_scoped3A_345 = tpu.sem_alloc : memref<!tpu.dma_semaphore, #tpu.memory_space<semaphore_mem>>
      %dma_start3A_346 = arith.constant 0 : i32
      %dma_start3A_347 = tpu.memref_slice %arg3[%add3A_172, %dma_start3A_346] : memref<1280x128xi32, #tpu.memory_space<hbm>> -> memref<40x128xi32, #tpu.memory_space<hbm>>
      %dma_start3A_348 = arith.constant 0 : i32
      %dma_start3A_349 = tpu.memref_slice %arg3[%add3A_172, %dma_start3A_348] : memref<1280x128xi32, #tpu.memory_space<hbm>> -> memref<40x128xi32, #tpu.memory_space<hbm>>
      tpu.enqueue_dma source(%dma_start3A_349 : memref<40x128xi32, #tpu.memory_space<hbm>>) target(%arg7 : memref<40x128xi32, #tpu.memory_space<vmem>>) target_semaphore(%run_scoped3A_345 : memref<!tpu.dma_semaphore, #tpu.memory_space<semaphore_mem>>)
      %dma_wait3A_350 = arith.constant 0 : i32
      %dma_wait3A_351 = tpu.memref_slice %arg3[%add3A_172, %dma_wait3A_350] : memref<1280x128xi32, #tpu.memory_space<hbm>> -> memref<40x128xi32, #tpu.memory_space<hbm>>
      %dma_wait3A_352 = arith.constant 0 : i32
      %dma_wait3A_353 = tpu.memref_slice %arg3[%add3A_172, %dma_wait3A_352] : memref<1280x128xi32, #tpu.memory_space<hbm>> -> memref<40x128xi32, #tpu.memory_space<hbm>>
      tpu.wait_dma2 semaphore(%run_scoped3A_345 : memref<!tpu.dma_semaphore, #tpu.memory_space<semaphore_mem>>) src(%dma_wait3A_353 : memref<40x128xi32, #tpu.memory_space<hbm>>) dst(%arg7 : memref<40x128xi32, #tpu.memory_space<vmem>>)
      tpu.yield
    }) : () -> ()
    "tpu.region"() ({
      %run_scoped3A_345 = tpu.sem_alloc : memref<!tpu.dma_semaphore, #tpu.memory_space<semaphore_mem>>
      %dma_start3A_346 = arith.constant 0 : i32
      %dma_start3A_347 = tpu.memref_slice %arg4[%add3A_172, %dma_start3A_346] : memref<1280x128xi32, #tpu.memory_space<hbm>> -> memref<40x128xi32, #tpu.memory_space<hbm>>
      %dma_start3A_348 = arith.constant 0 : i32
      %dma_start3A_349 = tpu.memref_slice %arg4[%add3A_172, %dma_start3A_348] : memref<1280x128xi32, #tpu.memory_space<hbm>> -> memref<40x128xi32, #tpu.memory_space<hbm>>
      tpu.enqueue_dma source(%dma_start3A_349 : memref<40x128xi32, #tpu.memory_space<hbm>>) target(%arg8 : memref<40x128xi32, #tpu.memory_space<vmem>>) target_semaphore(%run_scoped3A_345 : memref<!tpu.dma_semaphore, #tpu.memory_space<semaphore_mem>>)
      %dma_wait3A_350 = arith.constant 0 : i32
      %dma_wait3A_351 = tpu.memref_slice %arg4[%add3A_172, %dma_wait3A_350] : memref<1280x128xi32, #tpu.memory_space<hbm>> -> memref<40x128xi32, #tpu.memory_space<hbm>>
      %dma_wait3A_352 = arith.constant 0 : i32
      %dma_wait3A_353 = tpu.memref_slice %arg4[%add3A_172, %dma_wait3A_352] : memref<1280x128xi32, #tpu.memory_space<hbm>> -> memref<40x128xi32, #tpu.memory_space<hbm>>
      tpu.wait_dma2 semaphore(%run_scoped3A_345 : memref<!tpu.dma_semaphore, #tpu.memory_space<semaphore_mem>>) src(%dma_wait3A_353 : memref<40x128xi32, #tpu.memory_space<hbm>>) dst(%arg8 : memref<40x128xi32, #tpu.memory_space<vmem>>)
      tpu.yield
    }) : () -> ()
    %dma_start3A_173 = arith.constant 0 : i32
    %dma_start3A_174 = arith.constant 0 : i32
    %dma_start3A_175 = arith.constant 0 : i32
    %dma_start3A_176 = arith.constant 0 : i32
    %dma_start3A_177 = arith.constant 0 : i32
    %dma_start3A_178 = tpu.memref_slice %arg9[%dma_start3A_174, %dma_start3A_176, %dma_start3A_177] : memref<2x128x128xf32, #tpu.memory_space<vmem>> -> memref<1x128x128xf32, #tpu.memory_space<vmem>>
    %dma_start3A_179 = tpu.memref_squeeze %dma_start3A_178 : memref<1x128x128xf32, #tpu.memory_space<vmem>> -> memref<128x128xf32, #tpu.memory_space<vmem>>
    %dma_start3A_180 = arith.constant 0 : i32
    %dma_start3A_181 = tpu.memref_slice %arg7[%dma_start3A_173, %dma_start3A_180] : memref<40x128xi32, #tpu.memory_space<vmem>> -> memref<1x128xi32, #tpu.memory_space<vmem>>
    %dma_start3A_182 = tpu.memref_squeeze %dma_start3A_181 : memref<1x128xi32, #tpu.memory_space<vmem>> -> memref<128xi32, #tpu.memory_space<vmem>>
    %dma_start3A_183 = arith.constant 0 : i32
    %dma_start3A_184 = arith.constant 0 : i32
    %dma_start3A_185 = tpu.memref_slice %arg2[%arg0, %dma_start3A_183, %dma_start3A_184] : memref<2x10240x128xf32, #tpu.memory_space<hbm>> -> memref<1x10240x128xf32, #tpu.memory_space<hbm>>
    %dma_start3A_186 = tpu.memref_squeeze %dma_start3A_185 : memref<1x10240x128xf32, #tpu.memory_space<hbm>> -> memref<10240x128xf32, #tpu.memory_space<hbm>>
    %dma_start3A_187 = arith.constant 0 : i32
    %dma_start3A_188 = arith.constant 0 : i32
    %dma_start3A_189 = tpu.memref_slice %dma_start3A_186[%dma_start3A_187, %dma_start3A_188] : memref<10240x128xf32, #tpu.memory_space<hbm>> -> memref<10240x128xf32, #tpu.memory_space<hbm>>
    %dma_start3A_190 = tpu.memref_slice %arg10[%dma_start3A_175] : memref<2x!tpu.dma_semaphore, #tpu.memory_space<semaphore_mem>> -> memref<1x!tpu.dma_semaphore, #tpu.memory_space<semaphore_mem>>
    %dma_start3A_191 = tpu.memref_squeeze %dma_start3A_190 : memref<1x!tpu.dma_semaphore, #tpu.memory_space<semaphore_mem>> -> memref<!tpu.dma_semaphore, #tpu.memory_space<semaphore_mem>>
    tpu.enqueue_indirect_dma source(%dma_start3A_189 : memref<10240x128xf32, #tpu.memory_space<hbm>>) target(%dma_start3A_179 : memref<128x128xf32, #tpu.memory_space<vmem>>) offsets(%dma_start3A_182 : memref<128xi32, #tpu.memory_space<vmem>>) semaphore(%dma_start3A_191 : memref<!tpu.dma_semaphore, #tpu.memory_space<semaphore_mem>>)
    %dma_start3A_192 = arith.constant 1 : i32
    %dma_start3A_193 = arith.constant 1 : i32
    %dma_start3A_194 = arith.constant 1 : i32
    %dma_start3A_195 = arith.constant 0 : i32
    %dma_start3A_196 = arith.constant 0 : i32
    %dma_start3A_197 = tpu.memref_slice %arg9[%dma_start3A_193, %dma_start3A_195, %dma_start3A_196] : memref<2x128x128xf32, #tpu.memory_space<vmem>> -> memref<1x128x128xf32, #tpu.memory_space<vmem>>
    %dma_start3A_198 = tpu.memref_squeeze %dma_start3A_197 : memref<1x128x128xf32, #tpu.memory_space<vmem>> -> memref<128x128xf32, #tpu.memory_space<vmem>>
    %dma_start3A_199 = arith.constant 0 : i32
    %dma_start3A_200 = tpu.memref_slice %arg7[%dma_start3A_192, %dma_start3A_199] : memref<40x128xi32, #tpu.memory_space<vmem>> -> memref<1x128xi32, #tpu.memory_space<vmem>>
    %dma_start3A_201 = tpu.memref_squeeze %dma_start3A_200 : memref<1x128xi32, #tpu.memory_space<vmem>> -> memref<128xi32, #tpu.memory_space<vmem>>
    %dma_start3A_202 = arith.constant 0 : i32
    %dma_start3A_203 = arith.constant 0 : i32
    %dma_start3A_204 = tpu.memref_slice %arg2[%arg0, %dma_start3A_202, %dma_start3A_203] : memref<2x10240x128xf32, #tpu.memory_space<hbm>> -> memref<1x10240x128xf32, #tpu.memory_space<hbm>>
    %dma_start3A_205 = tpu.memref_squeeze %dma_start3A_204 : memref<1x10240x128xf32, #tpu.memory_space<hbm>> -> memref<10240x128xf32, #tpu.memory_space<hbm>>
    %dma_start3A_206 = arith.constant 0 : i32
    %dma_start3A_207 = arith.constant 0 : i32
    %dma_start3A_208 = tpu.memref_slice %dma_start3A_205[%dma_start3A_206, %dma_start3A_207] : memref<10240x128xf32, #tpu.memory_space<hbm>> -> memref<10240x128xf32, #tpu.memory_space<hbm>>
    %dma_start3A_209 = tpu.memref_slice %arg10[%dma_start3A_194] : memref<2x!tpu.dma_semaphore, #tpu.memory_space<semaphore_mem>> -> memref<1x!tpu.dma_semaphore, #tpu.memory_space<semaphore_mem>>
    %dma_start3A_210 = tpu.memref_squeeze %dma_start3A_209 : memref<1x!tpu.dma_semaphore, #tpu.memory_space<semaphore_mem>> -> memref<!tpu.dma_semaphore, #tpu.memory_space<semaphore_mem>>
    tpu.enqueue_indirect_dma source(%dma_start3A_208 : memref<10240x128xf32, #tpu.memory_space<hbm>>) target(%dma_start3A_198 : memref<128x128xf32, #tpu.memory_space<vmem>>) offsets(%dma_start3A_201 : memref<128xi32, #tpu.memory_space<vmem>>) semaphore(%dma_start3A_210 : memref<!tpu.dma_semaphore, #tpu.memory_space<semaphore_mem>>)
    %scan3A_211 = arith.constant 0 : i32
    %scan3A_212 = arith.constant 19 : i32
    %scan3A_213 = arith.addi %scan3A_211, %scan3A_212 : i32
    %scan3A_214 = arith.constant 1 : i32
    scf.for %scan3A_345 = %scan3A_211 to %scan3A_213 step %scan3A_214  : i32 {
      %mul3A_346 = arith.constant 1 : i32
      %mul3A_347 = arith.muli %scan3A_345, %mul3A_346 : i32
      %add3A_348 = arith.constant 0 : i32
      %add3A_349 = arith.addi %add3A_348, %mul3A_347 : i32
      %mul3A_350 = arith.constant 2 : i32
      %mul3A_351 = arith.muli %add3A_349, %mul3A_350 : i32
      %add3A_352 = arith.constant 0 : i32
      %add3A_353 = arith.addi %mul3A_351, %add3A_352 : i32
      %dma_wait3A_354 = arith.constant 0 : i32
      %dma_wait3A_355 = arith.constant 0 : i32
      %dma_wait3A_356 = arith.constant 0 : i32
      %dma_wait3A_357 = arith.constant 0 : i32
      %dma_wait3A_358 = tpu.memref_slice %arg9[%dma_wait3A_354, %dma_wait3A_356, %dma_wait3A_357] : memref<2x128x128xf32, #tpu.memory_space<vmem>> -> memref<1x128x128xf32, #tpu.memory_space<vmem>>
      %dma_wait3A_359 = tpu.memref_squeeze %dma_wait3A_358 : memref<1x128x128xf32, #tpu.memory_space<vmem>> -> memref<128x128xf32, #tpu.memory_space<vmem>>
      %dma_wait3A_360 = arith.constant 0 : i32
      %dma_wait3A_361 = tpu.memref_slice %arg7[%add3A_353, %dma_wait3A_360] : memref<40x128xi32, #tpu.memory_space<vmem>> -> memref<1x128xi32, #tpu.memory_space<vmem>>
      %dma_wait3A_362 = tpu.memref_squeeze %dma_wait3A_361 : memref<1x128xi32, #tpu.memory_space<vmem>> -> memref<128xi32, #tpu.memory_space<vmem>>
      %dma_wait3A_363 = arith.constant 0 : i32
      %dma_wait3A_364 = arith.constant 0 : i32
      %dma_wait3A_365 = tpu.memref_slice %arg2[%arg0, %dma_wait3A_363, %dma_wait3A_364] : memref<2x10240x128xf32, #tpu.memory_space<hbm>> -> memref<1x10240x128xf32, #tpu.memory_space<hbm>>
      %dma_wait3A_366 = tpu.memref_squeeze %dma_wait3A_365 : memref<1x10240x128xf32, #tpu.memory_space<hbm>> -> memref<10240x128xf32, #tpu.memory_space<hbm>>
      %dma_wait3A_367 = arith.constant 0 : i32
      %dma_wait3A_368 = arith.constant 0 : i32
      %dma_wait3A_369 = tpu.memref_slice %dma_wait3A_366[%dma_wait3A_367, %dma_wait3A_368] : memref<10240x128xf32, #tpu.memory_space<hbm>> -> memref<10240x128xf32, #tpu.memory_space<hbm>>
      %dma_wait3A_370 = tpu.memref_slice %arg10[%dma_wait3A_355] : memref<2x!tpu.dma_semaphore, #tpu.memory_space<semaphore_mem>> -> memref<1x!tpu.dma_semaphore, #tpu.memory_space<semaphore_mem>>
      %dma_wait3A_371 = tpu.memref_squeeze %dma_wait3A_370 : memref<1x!tpu.dma_semaphore, #tpu.memory_space<semaphore_mem>> -> memref<!tpu.dma_semaphore, #tpu.memory_space<semaphore_mem>>
      tpu.wait_indirect_dma semaphore(%dma_wait3A_371 : memref<!tpu.dma_semaphore, #tpu.memory_space<semaphore_mem>>) src(%dma_wait3A_369 : memref<10240x128xf32, #tpu.memory_space<hbm>>) dst(%dma_wait3A_359 : memref<128x128xf32, #tpu.memory_space<vmem>>)
      %add3A_372 = arith.constant 0 : i32
      %add3A_373 = arith.addi %mul3A_351, %add3A_372 : i32
      %dma_start3A_374 = arith.constant 0 : i32
      %dma_start3A_375 = arith.constant 0 : i32
      %dma_start3A_376 = arith.constant 0 : i32
      %dma_start3A_377 = arith.constant 0 : i32
      %dma_start3A_378 = tpu.memref_slice %arg9[%dma_start3A_374, %dma_start3A_376, %dma_start3A_377] : memref<2x128x128xf32, #tpu.memory_space<vmem>> -> memref<1x128x128xf32, #tpu.memory_space<vmem>>
      %dma_start3A_379 = tpu.memref_squeeze %dma_start3A_378 : memref<1x128x128xf32, #tpu.memory_space<vmem>> -> memref<128x128xf32, #tpu.memory_space<vmem>>
      %dma_start3A_380 = arith.constant 0 : i32
      %dma_start3A_381 = tpu.memref_slice %arg8[%add3A_373, %dma_start3A_380] : memref<40x128xi32, #tpu.memory_space<vmem>> -> memref<1x128xi32, #tpu.memory_space<vmem>>
      %dma_start3A_382 = tpu.memref_squeeze %dma_start3A_381 : memref<1x128xi32, #tpu.memory_space<vmem>> -> memref<128xi32, #tpu.memory_space<vmem>>
      %dma_start3A_383 = arith.constant 0 : i32
      %dma_start3A_384 = arith.constant 0 : i32
      %dma_start3A_385 = tpu.memref_slice %arg6[%dma_start3A_383, %dma_start3A_384] : memref<10240x128xf32, #tpu.memory_space<vmem_shared>> -> memref<10240x128xf32, #tpu.memory_space<vmem_shared>>
      %dma_start3A_386 = tpu.memref_slice %arg11[%dma_start3A_375] : memref<2x!tpu.dma_semaphore, #tpu.memory_space<semaphore_mem>> -> memref<1x!tpu.dma_semaphore, #tpu.memory_space<semaphore_mem>>
      %dma_start3A_387 = tpu.memref_squeeze %dma_start3A_386 : memref<1x!tpu.dma_semaphore, #tpu.memory_space<semaphore_mem>> -> memref<!tpu.dma_semaphore, #tpu.memory_space<semaphore_mem>>
      tpu.enqueue_indirect_dma source(%dma_start3A_379 : memref<128x128xf32, #tpu.memory_space<vmem>>) target(%dma_start3A_385 : memref<10240x128xf32, #tpu.memory_space<vmem_shared>>) offsets(%dma_start3A_382 : memref<128xi32, #tpu.memory_space<vmem>>) semaphore(%dma_start3A_387 : memref<!tpu.dma_semaphore, #tpu.memory_space<semaphore_mem>>) {add = true}
      %add3A_388 = arith.constant 1 : i32
      %add3A_389 = arith.addi %mul3A_351, %add3A_388 : i32
      %dma_wait3A_390 = arith.constant 1 : i32
      %dma_wait3A_391 = arith.constant 1 : i32
      %dma_wait3A_392 = arith.constant 0 : i32
      %dma_wait3A_393 = arith.constant 0 : i32
      %dma_wait3A_394 = tpu.memref_slice %arg9[%dma_wait3A_390, %dma_wait3A_392, %dma_wait3A_393] : memref<2x128x128xf32, #tpu.memory_space<vmem>> -> memref<1x128x128xf32, #tpu.memory_space<vmem>>
      %dma_wait3A_395 = tpu.memref_squeeze %dma_wait3A_394 : memref<1x128x128xf32, #tpu.memory_space<vmem>> -> memref<128x128xf32, #tpu.memory_space<vmem>>
      %dma_wait3A_396 = arith.constant 0 : i32
      %dma_wait3A_397 = tpu.memref_slice %arg7[%add3A_389, %dma_wait3A_396] : memref<40x128xi32, #tpu.memory_space<vmem>> -> memref<1x128xi32, #tpu.memory_space<vmem>>
      %dma_wait3A_398 = tpu.memref_squeeze %dma_wait3A_397 : memref<1x128xi32, #tpu.memory_space<vmem>> -> memref<128xi32, #tpu.memory_space<vmem>>
      %dma_wait3A_399 = arith.constant 0 : i32
      %dma_wait3A_400 = arith.constant 0 : i32
      %dma_wait3A_401 = tpu.memref_slice %arg2[%arg0, %dma_wait3A_399, %dma_wait3A_400] : memref<2x10240x128xf32, #tpu.memory_space<hbm>> -> memref<1x10240x128xf32, #tpu.memory_space<hbm>>
      %dma_wait3A_402 = tpu.memref_squeeze %dma_wait3A_401 : memref<1x10240x128xf32, #tpu.memory_space<hbm>> -> memref<10240x128xf32, #tpu.memory_space<hbm>>
      %dma_wait3A_403 = arith.constant 0 : i32
      %dma_wait3A_404 = arith.constant 0 : i32
      %dma_wait3A_405 = tpu.memref_slice %dma_wait3A_402[%dma_wait3A_403, %dma_wait3A_404] : memref<10240x128xf32, #tpu.memory_space<hbm>> -> memref<10240x128xf32, #tpu.memory_space<hbm>>
      %dma_wait3A_406 = tpu.memref_slice %arg10[%dma_wait3A_391] : memref<2x!tpu.dma_semaphore, #tpu.memory_space<semaphore_mem>> -> memref<1x!tpu.dma_semaphore, #tpu.memory_space<semaphore_mem>>
      %dma_wait3A_407 = tpu.memref_squeeze %dma_wait3A_406 : memref<1x!tpu.dma_semaphore, #tpu.memory_space<semaphore_mem>> -> memref<!tpu.dma_semaphore, #tpu.memory_space<semaphore_mem>>
      tpu.wait_indirect_dma semaphore(%dma_wait3A_407 : memref<!tpu.dma_semaphore, #tpu.memory_space<semaphore_mem>>) src(%dma_wait3A_405 : memref<10240x128xf32, #tpu.memory_space<hbm>>) dst(%dma_wait3A_395 : memref<128x128xf32, #tpu.memory_space<vmem>>)
      %add3A_408 = arith.constant 1 : i32
      %add3A_409 = arith.addi %mul3A_351, %add3A_408 : i32
      %dma_start3A_410 = arith.constant 1 : i32
      %dma_start3A_411 = arith.constant 1 : i32
      %dma_start3A_412 = arith.constant 0 : i32
      %dma_start3A_413 = arith.constant 0 : i32
      %dma_start3A_414 = tpu.memref_slice %arg9[%dma_start3A_410, %dma_start3A_412, %dma_start3A_413] : memref<2x128x128xf32, #tpu.memory_space<vmem>> -> memref<1x128x128xf32, #tpu.memory_space<vmem>>
      %dma_start3A_415 = tpu.memref_squeeze %dma_start3A_414 : memref<1x128x128xf32, #tpu.memory_space<vmem>> -> memref<128x128xf32, #tpu.memory_space<vmem>>
      %dma_start3A_416 = arith.constant 0 : i32
      %dma_start3A_417 = tpu.memref_slice %arg8[%add3A_409, %dma_start3A_416] : memref<40x128xi32, #tpu.memory_space<vmem>> -> memref<1x128xi32, #tpu.memory_space<vmem>>
      %dma_start3A_418 = tpu.memref_squeeze %dma_start3A_417 : memref<1x128xi32, #tpu.memory_space<vmem>> -> memref<128xi32, #tpu.memory_space<vmem>>
      %dma_start3A_419 = arith.constant 0 : i32
      %dma_start3A_420 = arith.constant 0 : i32
      %dma_start3A_421 = tpu.memref_slice %arg6[%dma_start3A_419, %dma_start3A_420] : memref<10240x128xf32, #tpu.memory_space<vmem_shared>> -> memref<10240x128xf32, #tpu.memory_space<vmem_shared>>
      %dma_start3A_422 = tpu.memref_slice %arg11[%dma_start3A_411] : memref<2x!tpu.dma_semaphore, #tpu.memory_space<semaphore_mem>> -> memref<1x!tpu.dma_semaphore, #tpu.memory_space<semaphore_mem>>
      %dma_start3A_423 = tpu.memref_squeeze %dma_start3A_422 : memref<1x!tpu.dma_semaphore, #tpu.memory_space<semaphore_mem>> -> memref<!tpu.dma_semaphore, #tpu.memory_space<semaphore_mem>>
      tpu.enqueue_indirect_dma source(%dma_start3A_415 : memref<128x128xf32, #tpu.memory_space<vmem>>) target(%dma_start3A_421 : memref<10240x128xf32, #tpu.memory_space<vmem_shared>>) offsets(%dma_start3A_418 : memref<128xi32, #tpu.memory_space<vmem>>) semaphore(%dma_start3A_423 : memref<!tpu.dma_semaphore, #tpu.memory_space<semaphore_mem>>) {add = true}
      %add3A_424 = arith.constant 0 : i32
      %add3A_425 = arith.addi %mul3A_351, %add3A_424 : i32
      %dma_wait3A_426 = arith.constant 0 : i32
      %dma_wait3A_427 = arith.constant 0 : i32
      %dma_wait3A_428 = arith.constant 0 : i32
      %dma_wait3A_429 = arith.constant 0 : i32
      %dma_wait3A_430 = tpu.memref_slice %arg9[%dma_wait3A_426, %dma_wait3A_428, %dma_wait3A_429] : memref<2x128x128xf32, #tpu.memory_space<vmem>> -> memref<1x128x128xf32, #tpu.memory_space<vmem>>
      %dma_wait3A_431 = tpu.memref_squeeze %dma_wait3A_430 : memref<1x128x128xf32, #tpu.memory_space<vmem>> -> memref<128x128xf32, #tpu.memory_space<vmem>>
      %dma_wait3A_432 = arith.constant 0 : i32
      %dma_wait3A_433 = tpu.memref_slice %arg8[%add3A_425, %dma_wait3A_432] : memref<40x128xi32, #tpu.memory_space<vmem>> -> memref<1x128xi32, #tpu.memory_space<vmem>>
      %dma_wait3A_434 = tpu.memref_squeeze %dma_wait3A_433 : memref<1x128xi32, #tpu.memory_space<vmem>> -> memref<128xi32, #tpu.memory_space<vmem>>
      %dma_wait3A_435 = arith.constant 0 : i32
      %dma_wait3A_436 = arith.constant 0 : i32
      %dma_wait3A_437 = tpu.memref_slice %arg6[%dma_wait3A_435, %dma_wait3A_436] : memref<10240x128xf32, #tpu.memory_space<vmem_shared>> -> memref<10240x128xf32, #tpu.memory_space<vmem_shared>>
      %dma_wait3A_438 = tpu.memref_slice %arg11[%dma_wait3A_427] : memref<2x!tpu.dma_semaphore, #tpu.memory_space<semaphore_mem>> -> memref<1x!tpu.dma_semaphore, #tpu.memory_space<semaphore_mem>>
      %dma_wait3A_439 = tpu.memref_squeeze %dma_wait3A_438 : memref<1x!tpu.dma_semaphore, #tpu.memory_space<semaphore_mem>> -> memref<!tpu.dma_semaphore, #tpu.memory_space<semaphore_mem>>
      tpu.wait_indirect_dma semaphore(%dma_wait3A_439 : memref<!tpu.dma_semaphore, #tpu.memory_space<semaphore_mem>>) src(%dma_wait3A_431 : memref<128x128xf32, #tpu.memory_space<vmem>>) dst(%dma_wait3A_437 : memref<10240x128xf32, #tpu.memory_space<vmem_shared>>)
      %add3A_440 = arith.constant 2 : i32
      %add3A_441 = arith.addi %mul3A_351, %add3A_440 : i32
      %add3A_442 = arith.constant 0 : i32
      %add3A_443 = arith.addi %add3A_441, %add3A_442 : i32
      %dma_start3A_444 = arith.constant 0 : i32
      %dma_start3A_445 = arith.constant 0 : i32
      %dma_start3A_446 = arith.constant 0 : i32
      %dma_start3A_447 = arith.constant 0 : i32
      %dma_start3A_448 = tpu.memref_slice %arg9[%dma_start3A_444, %dma_start3A_446, %dma_start3A_447] : memref<2x128x128xf32, #tpu.memory_space<vmem>> -> memref<1x128x128xf32, #tpu.memory_space<vmem>>
      %dma_start3A_449 = tpu.memref_squeeze %dma_start3A_448 : memref<1x128x128xf32, #tpu.memory_space<vmem>> -> memref<128x128xf32, #tpu.memory_space<vmem>>
      %dma_start3A_450 = arith.constant 0 : i32
      %dma_start3A_451 = tpu.memref_slice %arg7[%add3A_443, %dma_start3A_450] : memref<40x128xi32, #tpu.memory_space<vmem>> -> memref<1x128xi32, #tpu.memory_space<vmem>>
      %dma_start3A_452 = tpu.memref_squeeze %dma_start3A_451 : memref<1x128xi32, #tpu.memory_space<vmem>> -> memref<128xi32, #tpu.memory_space<vmem>>
      %dma_start3A_453 = arith.constant 0 : i32
      %dma_start3A_454 = arith.constant 0 : i32
      %dma_start3A_455 = tpu.memref_slice %arg2[%arg0, %dma_start3A_453, %dma_start3A_454] : memref<2x10240x128xf32, #tpu.memory_space<hbm>> -> memref<1x10240x128xf32, #tpu.memory_space<hbm>>
      %dma_start3A_456 = tpu.memref_squeeze %dma_start3A_455 : memref<1x10240x128xf32, #tpu.memory_space<hbm>> -> memref<10240x128xf32, #tpu.memory_space<hbm>>
      %dma_start3A_457 = arith.constant 0 : i32
      %dma_start3A_458 = arith.constant 0 : i32
      %dma_start3A_459 = tpu.memref_slice %dma_start3A_456[%dma_start3A_457, %dma_start3A_458] : memref<10240x128xf32, #tpu.memory_space<hbm>> -> memref<10240x128xf32, #tpu.memory_space<hbm>>
      %dma_start3A_460 = tpu.memref_slice %arg10[%dma_start3A_445] : memref<2x!tpu.dma_semaphore, #tpu.memory_space<semaphore_mem>> -> memref<1x!tpu.dma_semaphore, #tpu.memory_space<semaphore_mem>>
      %dma_start3A_461 = tpu.memref_squeeze %dma_start3A_460 : memref<1x!tpu.dma_semaphore, #tpu.memory_space<semaphore_mem>> -> memref<!tpu.dma_semaphore, #tpu.memory_space<semaphore_mem>>
      tpu.enqueue_indirect_dma source(%dma_start3A_459 : memref<10240x128xf32, #tpu.memory_space<hbm>>) target(%dma_start3A_449 : memref<128x128xf32, #tpu.memory_space<vmem>>) offsets(%dma_start3A_452 : memref<128xi32, #tpu.memory_space<vmem>>) semaphore(%dma_start3A_461 : memref<!tpu.dma_semaphore, #tpu.memory_space<semaphore_mem>>)
      %add3A_462 = arith.constant 1 : i32
      %add3A_463 = arith.addi %mul3A_351, %add3A_462 : i32
      %dma_wait3A_464 = arith.constant 1 : i32
      %dma_wait3A_465 = arith.constant 1 : i32
      %dma_wait3A_466 = arith.constant 0 : i32
      %dma_wait3A_467 = arith.constant 0 : i32
      %dma_wait3A_468 = tpu.memref_slice %arg9[%dma_wait3A_464, %dma_wait3A_466, %dma_wait3A_467] : memref<2x128x128xf32, #tpu.memory_space<vmem>> -> memref<1x128x128xf32, #tpu.memory_space<vmem>>
      %dma_wait3A_469 = tpu.memref_squeeze %dma_wait3A_468 : memref<1x128x128xf32, #tpu.memory_space<vmem>> -> memref<128x128xf32, #tpu.memory_space<vmem>>
      %dma_wait3A_470 = arith.constant 0 : i32
      %dma_wait3A_471 = tpu.memref_slice %arg8[%add3A_463, %dma_wait3A_470] : memref<40x128xi32, #tpu.memory_space<vmem>> -> memref<1x128xi32, #tpu.memory_space<vmem>>
      %dma_wait3A_472 = tpu.memref_squeeze %dma_wait3A_471 : memref<1x128xi32, #tpu.memory_space<vmem>> -> memref<128xi32, #tpu.memory_space<vmem>>
      %dma_wait3A_473 = arith.constant 0 : i32
      %dma_wait3A_474 = arith.constant 0 : i32
      %dma_wait3A_475 = tpu.memref_slice %arg6[%dma_wait3A_473, %dma_wait3A_474] : memref<10240x128xf32, #tpu.memory_space<vmem_shared>> -> memref<10240x128xf32, #tpu.memory_space<vmem_shared>>
      %dma_wait3A_476 = tpu.memref_slice %arg11[%dma_wait3A_465] : memref<2x!tpu.dma_semaphore, #tpu.memory_space<semaphore_mem>> -> memref<1x!tpu.dma_semaphore, #tpu.memory_space<semaphore_mem>>
      %dma_wait3A_477 = tpu.memref_squeeze %dma_wait3A_476 : memref<1x!tpu.dma_semaphore, #tpu.memory_space<semaphore_mem>> -> memref<!tpu.dma_semaphore, #tpu.memory_space<semaphore_mem>>
      tpu.wait_indirect_dma semaphore(%dma_wait3A_477 : memref<!tpu.dma_semaphore, #tpu.memory_space<semaphore_mem>>) src(%dma_wait3A_469 : memref<128x128xf32, #tpu.memory_space<vmem>>) dst(%dma_wait3A_475 : memref<10240x128xf32, #tpu.memory_space<vmem_shared>>)
      %add3A_478 = arith.constant 2 : i32
      %add3A_479 = arith.addi %mul3A_351, %add3A_478 : i32
      %add3A_480 = arith.constant 1 : i32
      %add3A_481 = arith.addi %add3A_479, %add3A_480 : i32
      %dma_start3A_482 = arith.constant 1 : i32
      %dma_start3A_483 = arith.constant 1 : i32
      %dma_start3A_484 = arith.constant 0 : i32
      %dma_start3A_485 = arith.constant 0 : i32
      %dma_start3A_486 = tpu.memref_slice %arg9[%dma_start3A_482, %dma_start3A_484, %dma_start3A_485] : memref<2x128x128xf32, #tpu.memory_space<vmem>> -> memref<1x128x128xf32, #tpu.memory_space<vmem>>
      %dma_start3A_487 = tpu.memref_squeeze %dma_start3A_486 : memref<1x128x128xf32, #tpu.memory_space<vmem>> -> memref<128x128xf32, #tpu.memory_space<vmem>>
      %dma_start3A_488 = arith.constant 0 : i32
      %dma_start3A_489 = tpu.memref_slice %arg7[%add3A_481, %dma_start3A_488] : memref<40x128xi32, #tpu.memory_space<vmem>> -> memref<1x128xi32, #tpu.memory_space<vmem>>
      %dma_start3A_490 = tpu.memref_squeeze %dma_start3A_489 : memref<1x128xi32, #tpu.memory_space<vmem>> -> memref<128xi32, #tpu.memory_space<vmem>>
      %dma_start3A_491 = arith.constant 0 : i32
      %dma_start3A_492 = arith.constant 0 : i32
      %dma_start3A_493 = tpu.memref_slice %arg2[%arg0, %dma_start3A_491, %dma_start3A_492] : memref<2x10240x128xf32, #tpu.memory_space<hbm>> -> memref<1x10240x128xf32, #tpu.memory_space<hbm>>
      %dma_start3A_494 = tpu.memref_squeeze %dma_start3A_493 : memref<1x10240x128xf32, #tpu.memory_space<hbm>> -> memref<10240x128xf32, #tpu.memory_space<hbm>>
      %dma_start3A_495 = arith.constant 0 : i32
      %dma_start3A_496 = arith.constant 0 : i32
      %dma_start3A_497 = tpu.memref_slice %dma_start3A_494[%dma_start3A_495, %dma_start3A_496] : memref<10240x128xf32, #tpu.memory_space<hbm>> -> memref<10240x128xf32, #tpu.memory_space<hbm>>
      %dma_start3A_498 = tpu.memref_slice %arg10[%dma_start3A_483] : memref<2x!tpu.dma_semaphore, #tpu.memory_space<semaphore_mem>> -> memref<1x!tpu.dma_semaphore, #tpu.memory_space<semaphore_mem>>
      %dma_start3A_499 = tpu.memref_squeeze %dma_start3A_498 : memref<1x!tpu.dma_semaphore, #tpu.memory_space<semaphore_mem>> -> memref<!tpu.dma_semaphore, #tpu.memory_space<semaphore_mem>>
      tpu.enqueue_indirect_dma source(%dma_start3A_497 : memref<10240x128xf32, #tpu.memory_space<hbm>>) target(%dma_start3A_487 : memref<128x128xf32, #tpu.memory_space<vmem>>) offsets(%dma_start3A_490 : memref<128xi32, #tpu.memory_space<vmem>>) semaphore(%dma_start3A_499 : memref<!tpu.dma_semaphore, #tpu.memory_space<semaphore_mem>>)
    }
    %scan3A_215 = arith.constant 19 : i32
    %dma_wait3A_216 = arith.constant 38 : i32
    %dma_wait3A_217 = arith.constant 0 : i32
    %dma_wait3A_218 = arith.constant 0 : i32
    %dma_wait3A_219 = arith.constant 0 : i32
    %dma_wait3A_220 = arith.constant 0 : i32
    %dma_wait3A_221 = tpu.memref_slice %arg9[%dma_wait3A_217, %dma_wait3A_219, %dma_wait3A_220] : memref<2x128x128xf32, #tpu.memory_space<vmem>> -> memref<1x128x128xf32, #tpu.memory_space<vmem>>
    %dma_wait3A_222 = tpu.memref_squeeze %dma_wait3A_221 : memref<1x128x128xf32, #tpu.memory_space<vmem>> -> memref<128x128xf32, #tpu.memory_space<vmem>>
    %dma_wait3A_223 = arith.constant 0 : i32
    %dma_wait3A_224 = tpu.memref_slice %arg7[%dma_wait3A_216, %dma_wait3A_223] : memref<40x128xi32, #tpu.memory_space<vmem>> -> memref<1x128xi32, #tpu.memory_space<vmem>>
    %dma_wait3A_225 = tpu.memref_squeeze %dma_wait3A_224 : memref<1x128xi32, #tpu.memory_space<vmem>> -> memref<128xi32, #tpu.memory_space<vmem>>
    %dma_wait3A_226 = arith.constant 0 : i32
    %dma_wait3A_227 = arith.constant 0 : i32
    %dma_wait3A_228 = tpu.memref_slice %arg2[%arg0, %dma_wait3A_226, %dma_wait3A_227] : memref<2x10240x128xf32, #tpu.memory_space<hbm>> -> memref<1x10240x128xf32, #tpu.memory_space<hbm>>
    %dma_wait3A_229 = tpu.memref_squeeze %dma_wait3A_228 : memref<1x10240x128xf32, #tpu.memory_space<hbm>> -> memref<10240x128xf32, #tpu.memory_space<hbm>>
    %dma_wait3A_230 = arith.constant 0 : i32
    %dma_wait3A_231 = arith.constant 0 : i32
    %dma_wait3A_232 = tpu.memref_slice %dma_wait3A_229[%dma_wait3A_230, %dma_wait3A_231] : memref<10240x128xf32, #tpu.memory_space<hbm>> -> memref<10240x128xf32, #tpu.memory_space<hbm>>
    %dma_wait3A_233 = tpu.memref_slice %arg10[%dma_wait3A_218] : memref<2x!tpu.dma_semaphore, #tpu.memory_space<semaphore_mem>> -> memref<1x!tpu.dma_semaphore, #tpu.memory_space<semaphore_mem>>
    %dma_wait3A_234 = tpu.memref_squeeze %dma_wait3A_233 : memref<1x!tpu.dma_semaphore, #tpu.memory_space<semaphore_mem>> -> memref<!tpu.dma_semaphore, #tpu.memory_space<semaphore_mem>>
    tpu.wait_indirect_dma semaphore(%dma_wait3A_234 : memref<!tpu.dma_semaphore, #tpu.memory_space<semaphore_mem>>) src(%dma_wait3A_232 : memref<10240x128xf32, #tpu.memory_space<hbm>>) dst(%dma_wait3A_222 : memref<128x128xf32, #tpu.memory_space<vmem>>)
    %dma_start3A_235 = arith.constant 0 : i32
    %dma_start3A_236 = arith.constant 38 : i32
    %dma_start3A_237 = arith.constant 0 : i32
    %dma_start3A_238 = arith.constant 0 : i32
    %dma_start3A_239 = arith.constant 0 : i32
    %dma_start3A_240 = tpu.memref_slice %arg9[%dma_start3A_235, %dma_start3A_238, %dma_start3A_239] : memref<2x128x128xf32, #tpu.memory_space<vmem>> -> memref<1x128x128xf32, #tpu.memory_space<vmem>>
    %dma_start3A_241 = tpu.memref_squeeze %dma_start3A_240 : memref<1x128x128xf32, #tpu.memory_space<vmem>> -> memref<128x128xf32, #tpu.memory_space<vmem>>
    %dma_start3A_242 = arith.constant 0 : i32
    %dma_start3A_243 = tpu.memref_slice %arg8[%dma_start3A_236, %dma_start3A_242] : memref<40x128xi32, #tpu.memory_space<vmem>> -> memref<1x128xi32, #tpu.memory_space<vmem>>
    %dma_start3A_244 = tpu.memref_squeeze %dma_start3A_243 : memref<1x128xi32, #tpu.memory_space<vmem>> -> memref<128xi32, #tpu.memory_space<vmem>>
    %dma_start3A_245 = arith.constant 0 : i32
    %dma_start3A_246 = arith.constant 0 : i32
    %dma_start3A_247 = tpu.memref_slice %arg6[%dma_start3A_245, %dma_start3A_246] : memref<10240x128xf32, #tpu.memory_space<vmem_shared>> -> memref<10240x128xf32, #tpu.memory_space<vmem_shared>>
    %dma_start3A_248 = tpu.memref_slice %arg11[%dma_start3A_237] : memref<2x!tpu.dma_semaphore, #tpu.memory_space<semaphore_mem>> -> memref<1x!tpu.dma_semaphore, #tpu.memory_space<semaphore_mem>>
    %dma_start3A_249 = tpu.memref_squeeze %dma_start3A_248 : memref<1x!tpu.dma_semaphore, #tpu.memory_space<semaphore_mem>> -> memref<!tpu.dma_semaphore, #tpu.memory_space<semaphore_mem>>
    tpu.enqueue_indirect_dma source(%dma_start3A_241 : memref<128x128xf32, #tpu.memory_space<vmem>>) target(%dma_start3A_247 : memref<10240x128xf32, #tpu.memory_space<vmem_shared>>) offsets(%dma_start3A_244 : memref<128xi32, #tpu.memory_space<vmem>>) semaphore(%dma_start3A_249 : memref<!tpu.dma_semaphore, #tpu.memory_space<semaphore_mem>>) {add = true}
    %dma_wait3A_250 = arith.constant 39 : i32
    %dma_wait3A_251 = arith.constant 1 : i32
    %dma_wait3A_252 = arith.constant 1 : i32
    %dma_wait3A_253 = arith.constant 0 : i32
    %dma_wait3A_254 = arith.constant 0 : i32
    %dma_wait3A_255 = tpu.memref_slice %arg9[%dma_wait3A_251, %dma_wait3A_253, %dma_wait3A_254] : memref<2x128x128xf32, #tpu.memory_space<vmem>> -> memref<1x128x128xf32, #tpu.memory_space<vmem>>
    %dma_wait3A_256 = tpu.memref_squeeze %dma_wait3A_255 : memref<1x128x128xf32, #tpu.memory_space<vmem>> -> memref<128x128xf32, #tpu.memory_space<vmem>>
    %dma_wait3A_257 = arith.constant 0 : i32
    %dma_wait3A_258 = tpu.memref_slice %arg7[%dma_wait3A_250, %dma_wait3A_257] : memref<40x128xi32, #tpu.memory_space<vmem>> -> memref<1x128xi32, #tpu.memory_space<vmem>>
    %dma_wait3A_259 = tpu.memref_squeeze %dma_wait3A_258 : memref<1x128xi32, #tpu.memory_space<vmem>> -> memref<128xi32, #tpu.memory_space<vmem>>
    %dma_wait3A_260 = arith.constant 0 : i32
    %dma_wait3A_261 = arith.constant 0 : i32
    %dma_wait3A_262 = tpu.memref_slice %arg2[%arg0, %dma_wait3A_260, %dma_wait3A_261] : memref<2x10240x128xf32, #tpu.memory_space<hbm>> -> memref<1x10240x128xf32, #tpu.memory_space<hbm>>
    %dma_wait3A_263 = tpu.memref_squeeze %dma_wait3A_262 : memref<1x10240x128xf32, #tpu.memory_space<hbm>> -> memref<10240x128xf32, #tpu.memory_space<hbm>>
    %dma_wait3A_264 = arith.constant 0 : i32
    %dma_wait3A_265 = arith.constant 0 : i32
    %dma_wait3A_266 = tpu.memref_slice %dma_wait3A_263[%dma_wait3A_264, %dma_wait3A_265] : memref<10240x128xf32, #tpu.memory_space<hbm>> -> memref<10240x128xf32, #tpu.memory_space<hbm>>
    %dma_wait3A_267 = tpu.memref_slice %arg10[%dma_wait3A_252] : memref<2x!tpu.dma_semaphore, #tpu.memory_space<semaphore_mem>> -> memref<1x!tpu.dma_semaphore, #tpu.memory_space<semaphore_mem>>
    %dma_wait3A_268 = tpu.memref_squeeze %dma_wait3A_267 : memref<1x!tpu.dma_semaphore, #tpu.memory_space<semaphore_mem>> -> memref<!tpu.dma_semaphore, #tpu.memory_space<semaphore_mem>>
    tpu.wait_indirect_dma semaphore(%dma_wait3A_268 : memref<!tpu.dma_semaphore, #tpu.memory_space<semaphore_mem>>) src(%dma_wait3A_266 : memref<10240x128xf32, #tpu.memory_space<hbm>>) dst(%dma_wait3A_256 : memref<128x128xf32, #tpu.memory_space<vmem>>)
    %dma_start3A_269 = arith.constant 1 : i32
    %dma_start3A_270 = arith.constant 39 : i32
    %dma_start3A_271 = arith.constant 1 : i32
    %dma_start3A_272 = arith.constant 0 : i32
    %dma_start3A_273 = arith.constant 0 : i32
    %dma_start3A_274 = tpu.memref_slice %arg9[%dma_start3A_269, %dma_start3A_272, %dma_start3A_273] : memref<2x128x128xf32, #tpu.memory_space<vmem>> -> memref<1x128x128xf32, #tpu.memory_space<vmem>>
    %dma_start3A_275 = tpu.memref_squeeze %dma_start3A_274 : memref<1x128x128xf32, #tpu.memory_space<vmem>> -> memref<128x128xf32, #tpu.memory_space<vmem>>
    %dma_start3A_276 = arith.constant 0 : i32
    %dma_start3A_277 = tpu.memref_slice %arg8[%dma_start3A_270, %dma_start3A_276] : memref<40x128xi32, #tpu.memory_space<vmem>> -> memref<1x128xi32, #tpu.memory_space<vmem>>
    %dma_start3A_278 = tpu.memref_squeeze %dma_start3A_277 : memref<1x128xi32, #tpu.memory_space<vmem>> -> memref<128xi32, #tpu.memory_space<vmem>>
    %dma_start3A_279 = arith.constant 0 : i32
    %dma_start3A_280 = arith.constant 0 : i32
    %dma_start3A_281 = tpu.memref_slice %arg6[%dma_start3A_279, %dma_start3A_280] : memref<10240x128xf32, #tpu.memory_space<vmem_shared>> -> memref<10240x128xf32, #tpu.memory_space<vmem_shared>>
    %dma_start3A_282 = tpu.memref_slice %arg11[%dma_start3A_271] : memref<2x!tpu.dma_semaphore, #tpu.memory_space<semaphore_mem>> -> memref<1x!tpu.dma_semaphore, #tpu.memory_space<semaphore_mem>>
    %dma_start3A_283 = tpu.memref_squeeze %dma_start3A_282 : memref<1x!tpu.dma_semaphore, #tpu.memory_space<semaphore_mem>> -> memref<!tpu.dma_semaphore, #tpu.memory_space<semaphore_mem>>
    tpu.enqueue_indirect_dma source(%dma_start3A_275 : memref<128x128xf32, #tpu.memory_space<vmem>>) target(%dma_start3A_281 : memref<10240x128xf32, #tpu.memory_space<vmem_shared>>) offsets(%dma_start3A_278 : memref<128xi32, #tpu.memory_space<vmem>>) semaphore(%dma_start3A_283 : memref<!tpu.dma_semaphore, #tpu.memory_space<semaphore_mem>>) {add = true}
    %dma_wait3A_284 = arith.constant 0 : i32
    %dma_wait3A_285 = arith.constant 38 : i32
    %dma_wait3A_286 = arith.constant 0 : i32
    %dma_wait3A_287 = arith.constant 0 : i32
    %dma_wait3A_288 = arith.constant 0 : i32
    %dma_wait3A_289 = tpu.memref_slice %arg9[%dma_wait3A_284, %dma_wait3A_287, %dma_wait3A_288] : memref<2x128x128xf32, #tpu.memory_space<vmem>> -> memref<1x128x128xf32, #tpu.memory_space<vmem>>
    %dma_wait3A_290 = tpu.memref_squeeze %dma_wait3A_289 : memref<1x128x128xf32, #tpu.memory_space<vmem>> -> memref<128x128xf32, #tpu.memory_space<vmem>>
    %dma_wait3A_291 = arith.constant 0 : i32
    %dma_wait3A_292 = tpu.memref_slice %arg8[%dma_wait3A_285, %dma_wait3A_291] : memref<40x128xi32, #tpu.memory_space<vmem>> -> memref<1x128xi32, #tpu.memory_space<vmem>>
    %dma_wait3A_293 = tpu.memref_squeeze %dma_wait3A_292 : memref<1x128xi32, #tpu.memory_space<vmem>> -> memref<128xi32, #tpu.memory_space<vmem>>
    %dma_wait3A_294 = arith.constant 0 : i32
    %dma_wait3A_295 = arith.constant 0 : i32
    %dma_wait3A_296 = tpu.memref_slice %arg6[%dma_wait3A_294, %dma_wait3A_295] : memref<10240x128xf32, #tpu.memory_space<vmem_shared>> -> memref<10240x128xf32, #tpu.memory_space<vmem_shared>>
    %dma_wait3A_297 = tpu.memref_slice %arg11[%dma_wait3A_286] : memref<2x!tpu.dma_semaphore, #tpu.memory_space<semaphore_mem>> -> memref<1x!tpu.dma_semaphore, #tpu.memory_space<semaphore_mem>>
    %dma_wait3A_298 = tpu.memref_squeeze %dma_wait3A_297 : memref<1x!tpu.dma_semaphore, #tpu.memory_space<semaphore_mem>> -> memref<!tpu.dma_semaphore, #tpu.memory_space<semaphore_mem>>
    tpu.wait_indirect_dma semaphore(%dma_wait3A_298 : memref<!tpu.dma_semaphore, #tpu.memory_space<semaphore_mem>>) src(%dma_wait3A_290 : memref<128x128xf32, #tpu.memory_space<vmem>>) dst(%dma_wait3A_296 : memref<10240x128xf32, #tpu.memory_space<vmem_shared>>)
    %dma_wait3A_299 = arith.constant 1 : i32
    %dma_wait3A_300 = arith.constant 39 : i32
    %dma_wait3A_301 = arith.constant 1 : i32
    %dma_wait3A_302 = arith.constant 0 : i32
    %dma_wait3A_303 = arith.constant 0 : i32
    %dma_wait3A_304 = tpu.memref_slice %arg9[%dma_wait3A_299, %dma_wait3A_302, %dma_wait3A_303] : memref<2x128x128xf32, #tpu.memory_space<vmem>> -> memref<1x128x128xf32, #tpu.memory_space<vmem>>
    %dma_wait3A_305 = tpu.memref_squeeze %dma_wait3A_304 : memref<1x128x128xf32, #tpu.memory_space<vmem>> -> memref<128x128xf32, #tpu.memory_space<vmem>>
    %dma_wait3A_306 = arith.constant 0 : i32
    %dma_wait3A_307 = tpu.memref_slice %arg8[%dma_wait3A_300, %dma_wait3A_306] : memref<40x128xi32, #tpu.memory_space<vmem>> -> memref<1x128xi32, #tpu.memory_space<vmem>>
    %dma_wait3A_308 = tpu.memref_squeeze %dma_wait3A_307 : memref<1x128xi32, #tpu.memory_space<vmem>> -> memref<128xi32, #tpu.memory_space<vmem>>
    %dma_wait3A_309 = arith.constant 0 : i32
    %dma_wait3A_310 = arith.constant 0 : i32
    %dma_wait3A_311 = tpu.memref_slice %arg6[%dma_wait3A_309, %dma_wait3A_310] : memref<10240x128xf32, #tpu.memory_space<vmem_shared>> -> memref<10240x128xf32, #tpu.memory_space<vmem_shared>>
    %dma_wait3A_312 = tpu.memref_slice %arg11[%dma_wait3A_301] : memref<2x!tpu.dma_semaphore, #tpu.memory_space<semaphore_mem>> -> memref<1x!tpu.dma_semaphore, #tpu.memory_space<semaphore_mem>>
    %dma_wait3A_313 = tpu.memref_squeeze %dma_wait3A_312 : memref<1x!tpu.dma_semaphore, #tpu.memory_space<semaphore_mem>> -> memref<!tpu.dma_semaphore, #tpu.memory_space<semaphore_mem>>
    tpu.wait_indirect_dma semaphore(%dma_wait3A_313 : memref<!tpu.dma_semaphore, #tpu.memory_space<semaphore_mem>>) src(%dma_wait3A_305 : memref<128x128xf32, #tpu.memory_space<vmem>>) dst(%dma_wait3A_311 : memref<10240x128xf32, #tpu.memory_space<vmem_shared>>)
    %barrier3A_314 = arith.constant 0 : index
    tpu.barrier barrier_id(%barrier3A_314)
    %mul3A_315 = arith.constant 640 : i32
    %mul3A_316 = arith.muli %arg1, %mul3A_315 : i32
    %add3A_317 = arith.constant 0 : i32
    %add3A_318 = arith.addi %mul3A_316, %add3A_317 : i32
    %run_scoped3A_319 = arith.constant 0 : i32
    "tpu.region"() ({
      %run_scoped3A_345 = tpu.sem_alloc : memref<!tpu.dma_semaphore, #tpu.memory_space<semaphore_mem>>
      %dma_start3A_346 = arith.constant 0 : i32
      %dma_start3A_347 = arith.constant 0 : i32
      %dma_start3A_348 = tpu.memref_slice %arg9[%run_scoped3A_319, %dma_start3A_346, %dma_start3A_347] : memref<2x128x128xf32, #tpu.memory_space<vmem>> -> memref<1x128x128xf32, #tpu.memory_space<vmem>>
      %dma_start3A_349 = tpu.memref_squeeze %dma_start3A_348 : memref<1x128x128xf32, #tpu.memory_space<vmem>> -> memref<128x128xf32, #tpu.memory_space<vmem>>
      %dma_start3A_350 = arith.constant 0 : i32
      %dma_start3A_351 = tpu.memref_slice %arg6[%add3A_318, %dma_start3A_350] : memref<10240x128xf32, #tpu.memory_space<vmem_shared>> -> memref<128x128xf32, #tpu.memory_space<vmem_shared>>
      %dma_start3A_352 = arith.constant 0 : i32
      %dma_start3A_353 = arith.constant 0 : i32
      %dma_start3A_354 = tpu.memref_slice %arg9[%run_scoped3A_319, %dma_start3A_352, %dma_start3A_353] : memref<2x128x128xf32, #tpu.memory_space<vmem>> -> memref<1x128x128xf32, #tpu.memory_space<vmem>>
      %dma_start3A_355 = tpu.memref_squeeze %dma_start3A_354 : memref<1x128x128xf32, #tpu.memory_space<vmem>> -> memref<128x128xf32, #tpu.memory_space<vmem>>
      %dma_start3A_356 = arith.constant 0 : i32
      %dma_start3A_357 = tpu.memref_slice %arg6[%add3A_318, %dma_start3A_356] : memref<10240x128xf32, #tpu.memory_space<vmem_shared>> -> memref<128x128xf32, #tpu.memory_space<vmem_shared>>
      tpu.enqueue_dma source(%dma_start3A_357 : memref<128x128xf32, #tpu.memory_space<vmem_shared>>) target(%dma_start3A_355 : memref<128x128xf32, #tpu.memory_space<vmem>>) target_semaphore(%run_scoped3A_345 : memref<!tpu.dma_semaphore, #tpu.memory_space<semaphore_mem>>)
      %dma_wait3A_358 = arith.constant 0 : i32
      %dma_wait3A_359 = arith.constant 0 : i32
      %dma_wait3A_360 = tpu.memref_slice %arg9[%run_scoped3A_319, %dma_wait3A_358, %dma_wait3A_359] : memref<2x128x128xf32, #tpu.memory_space<vmem>> -> memref<1x128x128xf32, #tpu.memory_space<vmem>>
      %dma_wait3A_361 = tpu.memref_squeeze %dma_wait3A_360 : memref<1x128x128xf32, #tpu.memory_space<vmem>> -> memref<128x128xf32, #tpu.memory_space<vmem>>
      %dma_wait3A_362 = arith.constant 0 : i32
      %dma_wait3A_363 = tpu.memref_slice %arg6[%add3A_318, %dma_wait3A_362] : memref<10240x128xf32, #tpu.memory_space<vmem_shared>> -> memref<128x128xf32, #tpu.memory_space<vmem_shared>>
      %dma_wait3A_364 = arith.constant 0 : i32
      %dma_wait3A_365 = arith.constant 0 : i32
      %dma_wait3A_366 = tpu.memref_slice %arg9[%run_scoped3A_319, %dma_wait3A_364, %dma_wait3A_365] : memref<2x128x128xf32, #tpu.memory_space<vmem>> -> memref<1x128x128xf32, #tpu.memory_space<vmem>>
      %dma_wait3A_367 = tpu.memref_squeeze %dma_wait3A_366 : memref<1x128x128xf32, #tpu.memory_space<vmem>> -> memref<128x128xf32, #tpu.memory_space<vmem>>
      %dma_wait3A_368 = arith.constant 0 : i32
      %dma_wait3A_369 = tpu.memref_slice %arg6[%add3A_318, %dma_wait3A_368] : memref<10240x128xf32, #tpu.memory_space<vmem_shared>> -> memref<128x128xf32, #tpu.memory_space<vmem_shared>>
      tpu.wait_dma2 semaphore(%run_scoped3A_345 : memref<!tpu.dma_semaphore, #tpu.memory_space<semaphore_mem>>) src(%dma_wait3A_369 : memref<128x128xf32, #tpu.memory_space<vmem_shared>>) dst(%dma_wait3A_367 : memref<128x128xf32, #tpu.memory_space<vmem>>)
      tpu.yield
    }) : () -> ()
    %run_scoped3A_320 = arith.constant 0 : i32
    "tpu.region"() ({
      %run_scoped3A_345 = tpu.sem_alloc : memref<!tpu.dma_semaphore, #tpu.memory_space<semaphore_mem>>
      %dma_start3A_346 = arith.constant 0 : i32
      %dma_start3A_347 = arith.constant 0 : i32
      %dma_start3A_348 = tpu.memref_slice %arg9[%run_scoped3A_320, %dma_start3A_346, %dma_start3A_347] : memref<2x128x128xf32, #tpu.memory_space<vmem>> -> memref<1x128x128xf32, #tpu.memory_space<vmem>>
      %dma_start3A_349 = tpu.memref_squeeze %dma_start3A_348 : memref<1x128x128xf32, #tpu.memory_space<vmem>> -> memref<128x128xf32, #tpu.memory_space<vmem>>
      %dma_start3A_350 = arith.constant 0 : i32
      %dma_start3A_351 = arith.constant 0 : i32
      %dma_start3A_352 = tpu.memref_slice %arg5[%arg0, %dma_start3A_350, %dma_start3A_351] : memref<2x10240x128xf32, #tpu.memory_space<hbm>> -> memref<1x10240x128xf32, #tpu.memory_space<hbm>>
      %dma_start3A_353 = tpu.memref_squeeze %dma_start3A_352 : memref<1x10240x128xf32, #tpu.memory_space<hbm>> -> memref<10240x128xf32, #tpu.memory_space<hbm>>
      %dma_start3A_354 = arith.constant 0 : i32
      %dma_start3A_355 = tpu.memref_slice %dma_start3A_353[%add3A_318, %dma_start3A_354] : memref<10240x128xf32, #tpu.memory_space<hbm>> -> memref<128x128xf32, #tpu.memory_space<hbm>>
      %dma_start3A_356 = arith.constant 0 : i32
      %dma_start3A_357 = arith.constant 0 : i32
      %dma_start3A_358 = tpu.memref_slice %arg5[%arg0, %dma_start3A_356, %dma_start3A_357] : memref<2x10240x128xf32, #tpu.memory_space<hbm>> -> memref<1x10240x128xf32, #tpu.memory_space<hbm>>
      %dma_start3A_359 = tpu.memref_squeeze %dma_start3A_358 : memref<1x10240x128xf32, #tpu.memory_space<hbm>> -> memref<10240x128xf32, #tpu.memory_space<hbm>>
      %dma_start3A_360 = arith.constant 0 : i32
      %dma_start3A_361 = tpu.memref_slice %dma_start3A_359[%add3A_318, %dma_start3A_360] : memref<10240x128xf32, #tpu.memory_space<hbm>> -> memref<128x128xf32, #tpu.memory_space<hbm>>
      %dma_start3A_362 = arith.constant 0 : i32
      %dma_start3A_363 = arith.constant 0 : i32
      %dma_start3A_364 = tpu.memref_slice %arg9[%run_scoped3A_320, %dma_start3A_362, %dma_start3A_363] : memref<2x128x128xf32, #tpu.memory_space<vmem>> -> memref<1x128x128xf32, #tpu.memory_space<vmem>>
      %dma_start3A_365 = tpu.memref_squeeze %dma_start3A_364 : memref<1x128x128xf32, #tpu.memory_space<vmem>> -> memref<128x128xf32, #tpu.memory_space<vmem>>
      tpu.enqueue_dma source(%dma_start3A_365 : memref<128x128xf32, #tpu.memory_space<vmem>>) target(%dma_start3A_361 : memref<128x128xf32, #tpu.memory_space<hbm>>) target_semaphore(%run_scoped3A_345 : memref<!tpu.dma_semaphore, #tpu.memory_space<semaphore_mem>>)
      %dma_wait3A_366 = arith.constant 0 : i32
      %dma_wait3A_367 = arith.constant 0 : i32
      %dma_wait3A_368 = tpu.memref_slice %arg9[%run_scoped3A_320, %dma_wait3A_366, %dma_wait3A_367] : memref<2x128x128xf32, #tpu.memory_space<vmem>> -> memref<1x128x128xf32, #tpu.memory_space<vmem>>
      %dma_wait3A_369 = tpu.memref_squeeze %dma_wait3A_368 : memref<1x128x128xf32, #tpu.memory_space<vmem>> -> memref<128x128xf32, #tpu.memory_space<vmem>>
      %dma_wait3A_370 = arith.constant 0 : i32
      %dma_wait3A_371 = arith.constant 0 : i32
      %dma_wait3A_372 = tpu.memref_slice %arg5[%arg0, %dma_wait3A_370, %dma_wait3A_371] : memref<2x10240x128xf32, #tpu.memory_space<hbm>> -> memref<1x10240x128xf32, #tpu.memory_space<hbm>>
      %dma_wait3A_373 = tpu.memref_squeeze %dma_wait3A_372 : memref<1x10240x128xf32, #tpu.memory_space<hbm>> -> memref<10240x128xf32, #tpu.memory_space<hbm>>
      %dma_wait3A_374 = arith.constant 0 : i32
      %dma_wait3A_375 = tpu.memref_slice %dma_wait3A_373[%add3A_318, %dma_wait3A_374] : memref<10240x128xf32, #tpu.memory_space<hbm>> -> memref<128x128xf32, #tpu.memory_space<hbm>>
      %dma_wait3A_376 = arith.constant 0 : i32
      %dma_wait3A_377 = arith.constant 0 : i32
      %dma_wait3A_378 = tpu.memref_slice %arg5[%arg0, %dma_wait3A_376, %dma_wait3A_377] : memref<2x10240x128xf32, #tpu.memory_space<hbm>> -> memref<1x10240x128xf32, #tpu.memory_space<hbm>>
      %dma_wait3A_379 = tpu.memref_squeeze %dma_wait3A_378 : memref<1x10240x128xf32, #tpu.memory_space<hbm>> -> memref<10240x128xf32, #tpu.memory_space<hbm>>
      %dma_wait3A_380 = arith.constant 0 : i32
      %dma_wait3A_381 = tpu.memref_slice %dma_wait3A_379[%add3A_318, %dma_wait3A_380] : memref<10240x128xf32, #tpu.memory_space<hbm>> -> memref<128x128xf32, #tpu.memory_space<hbm>>
      %dma_wait3A_382 = arith.constant 0 : i32
      %dma_wait3A_383 = arith.constant 0 : i32
      %dma_wait3A_384 = tpu.memref_slice %arg9[%run_scoped3A_320, %dma_wait3A_382, %dma_wait3A_383] : memref<2x128x128xf32, #tpu.memory_space<vmem>> -> memref<1x128x128xf32, #tpu.memory_space<vmem>>
      %dma_wait3A_385 = tpu.memref_squeeze %dma_wait3A_384 : memref<1x128x128xf32, #tpu.memory_space<vmem>> -> memref<128x128xf32, #tpu.memory_space<vmem>>
      tpu.wait_dma2 semaphore(%run_scoped3A_345 : memref<!tpu.dma_semaphore, #tpu.memory_space<semaphore_mem>>) src(%dma_wait3A_385 : memref<128x128xf32, #tpu.memory_space<vmem>>) dst(%dma_wait3A_381 : memref<128x128xf32, #tpu.memory_space<hbm>>)
      tpu.yield
    }) : () -> ()
    %mul3A_321 = arith.constant 640 : i32
    %mul3A_322 = arith.muli %arg1, %mul3A_321 : i32
    %add3A_323 = arith.constant 128 : i32
    %add3A_324 = arith.addi %mul3A_322, %add3A_323 : i32
    %run_scoped3A_325 = arith.constant 0 : i32
    "tpu.region"() ({
      %run_scoped3A_345 = tpu.sem_alloc : memref<!tpu.dma_semaphore, #tpu.memory_space<semaphore_mem>>
      %dma_start3A_346 = arith.constant 0 : i32
      %dma_start3A_347 = arith.constant 0 : i32
      %dma_start3A_348 = tpu.memref_slice %arg9[%run_scoped3A_325, %dma_start3A_346, %dma_start3A_347] : memref<2x128x128xf32, #tpu.memory_space<vmem>> -> memref<1x128x128xf32, #tpu.memory_space<vmem>>
      %dma_start3A_349 = tpu.memref_squeeze %dma_start3A_348 : memref<1x128x128xf32, #tpu.memory_space<vmem>> -> memref<128x128xf32, #tpu.memory_space<vmem>>
      %dma_start3A_350 = arith.constant 0 : i32
      %dma_start3A_351 = tpu.memref_slice %arg6[%add3A_324, %dma_start3A_350] : memref<10240x128xf32, #tpu.memory_space<vmem_shared>> -> memref<128x128xf32, #tpu.memory_space<vmem_shared>>
      %dma_start3A_352 = arith.constant 0 : i32
      %dma_start3A_353 = arith.constant 0 : i32
      %dma_start3A_354 = tpu.memref_slice %arg9[%run_scoped3A_325, %dma_start3A_352, %dma_start3A_353] : memref<2x128x128xf32, #tpu.memory_space<vmem>> -> memref<1x128x128xf32, #tpu.memory_space<vmem>>
      %dma_start3A_355 = tpu.memref_squeeze %dma_start3A_354 : memref<1x128x128xf32, #tpu.memory_space<vmem>> -> memref<128x128xf32, #tpu.memory_space<vmem>>
      %dma_start3A_356 = arith.constant 0 : i32
      %dma_start3A_357 = tpu.memref_slice %arg6[%add3A_324, %dma_start3A_356] : memref<10240x128xf32, #tpu.memory_space<vmem_shared>> -> memref<128x128xf32, #tpu.memory_space<vmem_shared>>
      tpu.enqueue_dma source(%dma_start3A_357 : memref<128x128xf32, #tpu.memory_space<vmem_shared>>) target(%dma_start3A_355 : memref<128x128xf32, #tpu.memory_space<vmem>>) target_semaphore(%run_scoped3A_345 : memref<!tpu.dma_semaphore, #tpu.memory_space<semaphore_mem>>)
      %dma_wait3A_358 = arith.constant 0 : i32
      %dma_wait3A_359 = arith.constant 0 : i32
      %dma_wait3A_360 = tpu.memref_slice %arg9[%run_scoped3A_325, %dma_wait3A_358, %dma_wait3A_359] : memref<2x128x128xf32, #tpu.memory_space<vmem>> -> memref<1x128x128xf32, #tpu.memory_space<vmem>>
      %dma_wait3A_361 = tpu.memref_squeeze %dma_wait3A_360 : memref<1x128x128xf32, #tpu.memory_space<vmem>> -> memref<128x128xf32, #tpu.memory_space<vmem>>
      %dma_wait3A_362 = arith.constant 0 : i32
      %dma_wait3A_363 = tpu.memref_slice %arg6[%add3A_324, %dma_wait3A_362] : memref<10240x128xf32, #tpu.memory_space<vmem_shared>> -> memref<128x128xf32, #tpu.memory_space<vmem_shared>>
      %dma_wait3A_364 = arith.constant 0 : i32
      %dma_wait3A_365 = arith.constant 0 : i32
      %dma_wait3A_366 = tpu.memref_slice %arg9[%run_scoped3A_325, %dma_wait3A_364, %dma_wait3A_365] : memref<2x128x128xf32, #tpu.memory_space<vmem>> -> memref<1x128x128xf32, #tpu.memory_space<vmem>>
      %dma_wait3A_367 = tpu.memref_squeeze %dma_wait3A_366 : memref<1x128x128xf32, #tpu.memory_space<vmem>> -> memref<128x128xf32, #tpu.memory_space<vmem>>
      %dma_wait3A_368 = arith.constant 0 : i32
      %dma_wait3A_369 = tpu.memref_slice %arg6[%add3A_324, %dma_wait3A_368] : memref<10240x128xf32, #tpu.memory_space<vmem_shared>> -> memref<128x128xf32, #tpu.memory_space<vmem_shared>>
      tpu.wait_dma2 semaphore(%run_scoped3A_345 : memref<!tpu.dma_semaphore, #tpu.memory_space<semaphore_mem>>) src(%dma_wait3A_369 : memref<128x128xf32, #tpu.memory_space<vmem_shared>>) dst(%dma_wait3A_367 : memref<128x128xf32, #tpu.memory_space<vmem>>)
      tpu.yield
    }) : () -> ()
    %run_scoped3A_326 = arith.constant 0 : i32
    "tpu.region"() ({
      %run_scoped3A_345 = tpu.sem_alloc : memref<!tpu.dma_semaphore, #tpu.memory_space<semaphore_mem>>
      %dma_start3A_346 = arith.constant 0 : i32
      %dma_start3A_347 = arith.constant 0 : i32
      %dma_start3A_348 = tpu.memref_slice %arg9[%run_scoped3A_326, %dma_start3A_346, %dma_start3A_347] : memref<2x128x128xf32, #tpu.memory_space<vmem>> -> memref<1x128x128xf32, #tpu.memory_space<vmem>>
      %dma_start3A_349 = tpu.memref_squeeze %dma_start3A_348 : memref<1x128x128xf32, #tpu.memory_space<vmem>> -> memref<128x128xf32, #tpu.memory_space<vmem>>
      %dma_start3A_350 = arith.constant 0 : i32
      %dma_start3A_351 = arith.constant 0 : i32
      %dma_start3A_352 = tpu.memref_slice %arg5[%arg0, %dma_start3A_350, %dma_start3A_351] : memref<2x10240x128xf32, #tpu.memory_space<hbm>> -> memref<1x10240x128xf32, #tpu.memory_space<hbm>>
      %dma_start3A_353 = tpu.memref_squeeze %dma_start3A_352 : memref<1x10240x128xf32, #tpu.memory_space<hbm>> -> memref<10240x128xf32, #tpu.memory_space<hbm>>
      %dma_start3A_354 = arith.constant 0 : i32
      %dma_start3A_355 = tpu.memref_slice %dma_start3A_353[%add3A_324, %dma_start3A_354] : memref<10240x128xf32, #tpu.memory_space<hbm>> -> memref<128x128xf32, #tpu.memory_space<hbm>>
      %dma_start3A_356 = arith.constant 0 : i32
      %dma_start3A_357 = arith.constant 0 : i32
      %dma_start3A_358 = tpu.memref_slice %arg5[%arg0, %dma_start3A_356, %dma_start3A_357] : memref<2x10240x128xf32, #tpu.memory_space<hbm>> -> memref<1x10240x128xf32, #tpu.memory_space<hbm>>
      %dma_start3A_359 = tpu.memref_squeeze %dma_start3A_358 : memref<1x10240x128xf32, #tpu.memory_space<hbm>> -> memref<10240x128xf32, #tpu.memory_space<hbm>>
      %dma_start3A_360 = arith.constant 0 : i32
      %dma_start3A_361 = tpu.memref_slice %dma_start3A_359[%add3A_324, %dma_start3A_360] : memref<10240x128xf32, #tpu.memory_space<hbm>> -> memref<128x128xf32, #tpu.memory_space<hbm>>
      %dma_start3A_362 = arith.constant 0 : i32
      %dma_start3A_363 = arith.constant 0 : i32
      %dma_start3A_364 = tpu.memref_slice %arg9[%run_scoped3A_326, %dma_start3A_362, %dma_start3A_363] : memref<2x128x128xf32, #tpu.memory_space<vmem>> -> memref<1x128x128xf32, #tpu.memory_space<vmem>>
      %dma_start3A_365 = tpu.memref_squeeze %dma_start3A_364 : memref<1x128x128xf32, #tpu.memory_space<vmem>> -> memref<128x128xf32, #tpu.memory_space<vmem>>
      tpu.enqueue_dma source(%dma_start3A_365 : memref<128x128xf32, #tpu.memory_space<vmem>>) target(%dma_start3A_361 : memref<128x128xf32, #tpu.memory_space<hbm>>) target_semaphore(%run_scoped3A_345 : memref<!tpu.dma_semaphore, #tpu.memory_space<semaphore_mem>>)
      %dma_wait3A_366 = arith.constant 0 : i32
      %dma_wait3A_367 = arith.constant 0 : i32
      %dma_wait3A_368 = tpu.memref_slice %arg9[%run_scoped3A_326, %dma_wait3A_366, %dma_wait3A_367] : memref<2x128x128xf32, #tpu.memory_space<vmem>> -> memref<1x128x128xf32, #tpu.memory_space<vmem>>
      %dma_wait3A_369 = tpu.memref_squeeze %dma_wait3A_368 : memref<1x128x128xf32, #tpu.memory_space<vmem>> -> memref<128x128xf32, #tpu.memory_space<vmem>>
      %dma_wait3A_370 = arith.constant 0 : i32
      %dma_wait3A_371 = arith.constant 0 : i32
      %dma_wait3A_372 = tpu.memref_slice %arg5[%arg0, %dma_wait3A_370, %dma_wait3A_371] : memref<2x10240x128xf32, #tpu.memory_space<hbm>> -> memref<1x10240x128xf32, #tpu.memory_space<hbm>>
      %dma_wait3A_373 = tpu.memref_squeeze %dma_wait3A_372 : memref<1x10240x128xf32, #tpu.memory_space<hbm>> -> memref<10240x128xf32, #tpu.memory_space<hbm>>
      %dma_wait3A_374 = arith.constant 0 : i32
      %dma_wait3A_375 = tpu.memref_slice %dma_wait3A_373[%add3A_324, %dma_wait3A_374] : memref<10240x128xf32, #tpu.memory_space<hbm>> -> memref<128x128xf32, #tpu.memory_space<hbm>>
      %dma_wait3A_376 = arith.constant 0 : i32
      %dma_wait3A_377 = arith.constant 0 : i32
      %dma_wait3A_378 = tpu.memref_slice %arg5[%arg0, %dma_wait3A_376, %dma_wait3A_377] : memref<2x10240x128xf32, #tpu.memory_space<hbm>> -> memref<1x10240x128xf32, #tpu.memory_space<hbm>>
      %dma_wait3A_379 = tpu.memref_squeeze %dma_wait3A_378 : memref<1x10240x128xf32, #tpu.memory_space<hbm>> -> memref<10240x128xf32, #tpu.memory_space<hbm>>
      %dma_wait3A_380 = arith.constant 0 : i32
      %dma_wait3A_381 = tpu.memref_slice %dma_wait3A_379[%add3A_324, %dma_wait3A_380] : memref<10240x128xf32, #tpu.memory_space<hbm>> -> memref<128x128xf32, #tpu.memory_space<hbm>>
      %dma_wait3A_382 = arith.constant 0 : i32
      %dma_wait3A_383 = arith.constant 0 : i32
      %dma_wait3A_384 = tpu.memref_slice %arg9[%run_scoped3A_326, %dma_wait3A_382, %dma_wait3A_383] : memref<2x128x128xf32, #tpu.memory_space<vmem>> -> memref<1x128x128xf32, #tpu.memory_space<vmem>>
      %dma_wait3A_385 = tpu.memref_squeeze %dma_wait3A_384 : memref<1x128x128xf32, #tpu.memory_space<vmem>> -> memref<128x128xf32, #tpu.memory_space<vmem>>
      tpu.wait_dma2 semaphore(%run_scoped3A_345 : memref<!tpu.dma_semaphore, #tpu.memory_space<semaphore_mem>>) src(%dma_wait3A_385 : memref<128x128xf32, #tpu.memory_space<vmem>>) dst(%dma_wait3A_381 : memref<128x128xf32, #tpu.memory_space<hbm>>)
      tpu.yield
    }) : () -> ()
    %mul3A_327 = arith.constant 640 : i32
    %mul3A_328 = arith.muli %arg1, %mul3A_327 : i32
    %add3A_329 = arith.constant 256 : i32
    %add3A_330 = arith.addi %mul3A_328, %add3A_329 : i32
    %run_scoped3A_331 = arith.constant 0 : i32
    "tpu.region"() ({
      %run_scoped3A_345 = tpu.sem_alloc : memref<!tpu.dma_semaphore, #tpu.memory_space<semaphore_mem>>
      %dma_start3A_346 = arith.constant 0 : i32
      %dma_start3A_347 = arith.constant 0 : i32
      %dma_start3A_348 = tpu.memref_slice %arg9[%run_scoped3A_331, %dma_start3A_346, %dma_start3A_347] : memref<2x128x128xf32, #tpu.memory_space<vmem>> -> memref<1x128x128xf32, #tpu.memory_space<vmem>>
      %dma_start3A_349 = tpu.memref_squeeze %dma_start3A_348 : memref<1x128x128xf32, #tpu.memory_space<vmem>> -> memref<128x128xf32, #tpu.memory_space<vmem>>
      %dma_start3A_350 = arith.constant 0 : i32
      %dma_start3A_351 = tpu.memref_slice %arg6[%add3A_330, %dma_start3A_350] : memref<10240x128xf32, #tpu.memory_space<vmem_shared>> -> memref<128x128xf32, #tpu.memory_space<vmem_shared>>
      %dma_start3A_352 = arith.constant 0 : i32
      %dma_start3A_353 = arith.constant 0 : i32
      %dma_start3A_354 = tpu.memref_slice %arg9[%run_scoped3A_331, %dma_start3A_352, %dma_start3A_353] : memref<2x128x128xf32, #tpu.memory_space<vmem>> -> memref<1x128x128xf32, #tpu.memory_space<vmem>>
      %dma_start3A_355 = tpu.memref_squeeze %dma_start3A_354 : memref<1x128x128xf32, #tpu.memory_space<vmem>> -> memref<128x128xf32, #tpu.memory_space<vmem>>
      %dma_start3A_356 = arith.constant 0 : i32
      %dma_start3A_357 = tpu.memref_slice %arg6[%add3A_330, %dma_start3A_356] : memref<10240x128xf32, #tpu.memory_space<vmem_shared>> -> memref<128x128xf32, #tpu.memory_space<vmem_shared>>
      tpu.enqueue_dma source(%dma_start3A_357 : memref<128x128xf32, #tpu.memory_space<vmem_shared>>) target(%dma_start3A_355 : memref<128x128xf32, #tpu.memory_space<vmem>>) target_semaphore(%run_scoped3A_345 : memref<!tpu.dma_semaphore, #tpu.memory_space<semaphore_mem>>)
      %dma_wait3A_358 = arith.constant 0 : i32
      %dma_wait3A_359 = arith.constant 0 : i32
      %dma_wait3A_360 = tpu.memref_slice %arg9[%run_scoped3A_331, %dma_wait3A_358, %dma_wait3A_359] : memref<2x128x128xf32, #tpu.memory_space<vmem>> -> memref<1x128x128xf32, #tpu.memory_space<vmem>>
      %dma_wait3A_361 = tpu.memref_squeeze %dma_wait3A_360 : memref<1x128x128xf32, #tpu.memory_space<vmem>> -> memref<128x128xf32, #tpu.memory_space<vmem>>
      %dma_wait3A_362 = arith.constant 0 : i32
      %dma_wait3A_363 = tpu.memref_slice %arg6[%add3A_330, %dma_wait3A_362] : memref<10240x128xf32, #tpu.memory_space<vmem_shared>> -> memref<128x128xf32, #tpu.memory_space<vmem_shared>>
      %dma_wait3A_364 = arith.constant 0 : i32
      %dma_wait3A_365 = arith.constant 0 : i32
      %dma_wait3A_366 = tpu.memref_slice %arg9[%run_scoped3A_331, %dma_wait3A_364, %dma_wait3A_365] : memref<2x128x128xf32, #tpu.memory_space<vmem>> -> memref<1x128x128xf32, #tpu.memory_space<vmem>>
      %dma_wait3A_367 = tpu.memref_squeeze %dma_wait3A_366 : memref<1x128x128xf32, #tpu.memory_space<vmem>> -> memref<128x128xf32, #tpu.memory_space<vmem>>
      %dma_wait3A_368 = arith.constant 0 : i32
      %dma_wait3A_369 = tpu.memref_slice %arg6[%add3A_330, %dma_wait3A_368] : memref<10240x128xf32, #tpu.memory_space<vmem_shared>> -> memref<128x128xf32, #tpu.memory_space<vmem_shared>>
      tpu.wait_dma2 semaphore(%run_scoped3A_345 : memref<!tpu.dma_semaphore, #tpu.memory_space<semaphore_mem>>) src(%dma_wait3A_369 : memref<128x128xf32, #tpu.memory_space<vmem_shared>>) dst(%dma_wait3A_367 : memref<128x128xf32, #tpu.memory_space<vmem>>)
      tpu.yield
    }) : () -> ()
    %run_scoped3A_332 = arith.constant 0 : i32
    "tpu.region"() ({
      %run_scoped3A_345 = tpu.sem_alloc : memref<!tpu.dma_semaphore, #tpu.memory_space<semaphore_mem>>
      %dma_start3A_346 = arith.constant 0 : i32
      %dma_start3A_347 = arith.constant 0 : i32
      %dma_start3A_348 = tpu.memref_slice %arg9[%run_scoped3A_332, %dma_start3A_346, %dma_start3A_347] : memref<2x128x128xf32, #tpu.memory_space<vmem>> -> memref<1x128x128xf32, #tpu.memory_space<vmem>>
      %dma_start3A_349 = tpu.memref_squeeze %dma_start3A_348 : memref<1x128x128xf32, #tpu.memory_space<vmem>> -> memref<128x128xf32, #tpu.memory_space<vmem>>
      %dma_start3A_350 = arith.constant 0 : i32
      %dma_start3A_351 = arith.constant 0 : i32
      %dma_start3A_352 = tpu.memref_slice %arg5[%arg0, %dma_start3A_350, %dma_start3A_351] : memref<2x10240x128xf32, #tpu.memory_space<hbm>> -> memref<1x10240x128xf32, #tpu.memory_space<hbm>>
      %dma_start3A_353 = tpu.memref_squeeze %dma_start3A_352 : memref<1x10240x128xf32, #tpu.memory_space<hbm>> -> memref<10240x128xf32, #tpu.memory_space<hbm>>
      %dma_start3A_354 = arith.constant 0 : i32
      %dma_start3A_355 = tpu.memref_slice %dma_start3A_353[%add3A_330, %dma_start3A_354] : memref<10240x128xf32, #tpu.memory_space<hbm>> -> memref<128x128xf32, #tpu.memory_space<hbm>>
      %dma_start3A_356 = arith.constant 0 : i32
      %dma_start3A_357 = arith.constant 0 : i32
      %dma_start3A_358 = tpu.memref_slice %arg5[%arg0, %dma_start3A_356, %dma_start3A_357] : memref<2x10240x128xf32, #tpu.memory_space<hbm>> -> memref<1x10240x128xf32, #tpu.memory_space<hbm>>
      %dma_start3A_359 = tpu.memref_squeeze %dma_start3A_358 : memref<1x10240x128xf32, #tpu.memory_space<hbm>> -> memref<10240x128xf32, #tpu.memory_space<hbm>>
      %dma_start3A_360 = arith.constant 0 : i32
      %dma_start3A_361 = tpu.memref_slice %dma_start3A_359[%add3A_330, %dma_start3A_360] : memref<10240x128xf32, #tpu.memory_space<hbm>> -> memref<128x128xf32, #tpu.memory_space<hbm>>
      %dma_start3A_362 = arith.constant 0 : i32
      %dma_start3A_363 = arith.constant 0 : i32
      %dma_start3A_364 = tpu.memref_slice %arg9[%run_scoped3A_332, %dma_start3A_362, %dma_start3A_363] : memref<2x128x128xf32, #tpu.memory_space<vmem>> -> memref<1x128x128xf32, #tpu.memory_space<vmem>>
      %dma_start3A_365 = tpu.memref_squeeze %dma_start3A_364 : memref<1x128x128xf32, #tpu.memory_space<vmem>> -> memref<128x128xf32, #tpu.memory_space<vmem>>
      tpu.enqueue_dma source(%dma_start3A_365 : memref<128x128xf32, #tpu.memory_space<vmem>>) target(%dma_start3A_361 : memref<128x128xf32, #tpu.memory_space<hbm>>) target_semaphore(%run_scoped3A_345 : memref<!tpu.dma_semaphore, #tpu.memory_space<semaphore_mem>>)
      %dma_wait3A_366 = arith.constant 0 : i32
      %dma_wait3A_367 = arith.constant 0 : i32
      %dma_wait3A_368 = tpu.memref_slice %arg9[%run_scoped3A_332, %dma_wait3A_366, %dma_wait3A_367] : memref<2x128x128xf32, #tpu.memory_space<vmem>> -> memref<1x128x128xf32, #tpu.memory_space<vmem>>
      %dma_wait3A_369 = tpu.memref_squeeze %dma_wait3A_368 : memref<1x128x128xf32, #tpu.memory_space<vmem>> -> memref<128x128xf32, #tpu.memory_space<vmem>>
      %dma_wait3A_370 = arith.constant 0 : i32
      %dma_wait3A_371 = arith.constant 0 : i32
      %dma_wait3A_372 = tpu.memref_slice %arg5[%arg0, %dma_wait3A_370, %dma_wait3A_371] : memref<2x10240x128xf32, #tpu.memory_space<hbm>> -> memref<1x10240x128xf32, #tpu.memory_space<hbm>>
      %dma_wait3A_373 = tpu.memref_squeeze %dma_wait3A_372 : memref<1x10240x128xf32, #tpu.memory_space<hbm>> -> memref<10240x128xf32, #tpu.memory_space<hbm>>
      %dma_wait3A_374 = arith.constant 0 : i32
      %dma_wait3A_375 = tpu.memref_slice %dma_wait3A_373[%add3A_330, %dma_wait3A_374] : memref<10240x128xf32, #tpu.memory_space<hbm>> -> memref<128x128xf32, #tpu.memory_space<hbm>>
      %dma_wait3A_376 = arith.constant 0 : i32
      %dma_wait3A_377 = arith.constant 0 : i32
      %dma_wait3A_378 = tpu.memref_slice %arg5[%arg0, %dma_wait3A_376, %dma_wait3A_377] : memref<2x10240x128xf32, #tpu.memory_space<hbm>> -> memref<1x10240x128xf32, #tpu.memory_space<hbm>>
      %dma_wait3A_379 = tpu.memref_squeeze %dma_wait3A_378 : memref<1x10240x128xf32, #tpu.memory_space<hbm>> -> memref<10240x128xf32, #tpu.memory_space<hbm>>
      %dma_wait3A_380 = arith.constant 0 : i32
      %dma_wait3A_381 = tpu.memref_slice %dma_wait3A_379[%add3A_330, %dma_wait3A_380] : memref<10240x128xf32, #tpu.memory_space<hbm>> -> memref<128x128xf32, #tpu.memory_space<hbm>>
      %dma_wait3A_382 = arith.constant 0 : i32
      %dma_wait3A_383 = arith.constant 0 : i32
      %dma_wait3A_384 = tpu.memref_slice %arg9[%run_scoped3A_332, %dma_wait3A_382, %dma_wait3A_383] : memref<2x128x128xf32, #tpu.memory_space<vmem>> -> memref<1x128x128xf32, #tpu.memory_space<vmem>>
      %dma_wait3A_385 = tpu.memref_squeeze %dma_wait3A_384 : memref<1x128x128xf32, #tpu.memory_space<vmem>> -> memref<128x128xf32, #tpu.memory_space<vmem>>
      tpu.wait_dma2 semaphore(%run_scoped3A_345 : memref<!tpu.dma_semaphore, #tpu.memory_space<semaphore_mem>>) src(%dma_wait3A_385 : memref<128x128xf32, #tpu.memory_space<vmem>>) dst(%dma_wait3A_381 : memref<128x128xf32, #tpu.memory_space<hbm>>)
      tpu.yield
    }) : () -> ()
    %mul3A_333 = arith.constant 640 : i32
    %mul3A_334 = arith.muli %arg1, %mul3A_333 : i32
    %add3A_335 = arith.constant 384 : i32
    %add3A_336 = arith.addi %mul3A_334, %add3A_335 : i32
    %run_scoped3A_337 = arith.constant 0 : i32
    "tpu.region"() ({
      %run_scoped3A_345 = tpu.sem_alloc : memref<!tpu.dma_semaphore, #tpu.memory_space<semaphore_mem>>
      %dma_start3A_346 = arith.constant 0 : i32
      %dma_start3A_347 = arith.constant 0 : i32
      %dma_start3A_348 = tpu.memref_slice %arg9[%run_scoped3A_337, %dma_start3A_346, %dma_start3A_347] : memref<2x128x128xf32, #tpu.memory_space<vmem>> -> memref<1x128x128xf32, #tpu.memory_space<vmem>>
      %dma_start3A_349 = tpu.memref_squeeze %dma_start3A_348 : memref<1x128x128xf32, #tpu.memory_space<vmem>> -> memref<128x128xf32, #tpu.memory_space<vmem>>
      %dma_start3A_350 = arith.constant 0 : i32
      %dma_start3A_351 = tpu.memref_slice %arg6[%add3A_336, %dma_start3A_350] : memref<10240x128xf32, #tpu.memory_space<vmem_shared>> -> memref<128x128xf32, #tpu.memory_space<vmem_shared>>
      %dma_start3A_352 = arith.constant 0 : i32
      %dma_start3A_353 = arith.constant 0 : i32
      %dma_start3A_354 = tpu.memref_slice %arg9[%run_scoped3A_337, %dma_start3A_352, %dma_start3A_353] : memref<2x128x128xf32, #tpu.memory_space<vmem>> -> memref<1x128x128xf32, #tpu.memory_space<vmem>>
      %dma_start3A_355 = tpu.memref_squeeze %dma_start3A_354 : memref<1x128x128xf32, #tpu.memory_space<vmem>> -> memref<128x128xf32, #tpu.memory_space<vmem>>
      %dma_start3A_356 = arith.constant 0 : i32
      %dma_start3A_357 = tpu.memref_slice %arg6[%add3A_336, %dma_start3A_356] : memref<10240x128xf32, #tpu.memory_space<vmem_shared>> -> memref<128x128xf32, #tpu.memory_space<vmem_shared>>
      tpu.enqueue_dma source(%dma_start3A_357 : memref<128x128xf32, #tpu.memory_space<vmem_shared>>) target(%dma_start3A_355 : memref<128x128xf32, #tpu.memory_space<vmem>>) target_semaphore(%run_scoped3A_345 : memref<!tpu.dma_semaphore, #tpu.memory_space<semaphore_mem>>)
      %dma_wait3A_358 = arith.constant 0 : i32
      %dma_wait3A_359 = arith.constant 0 : i32
      %dma_wait3A_360 = tpu.memref_slice %arg9[%run_scoped3A_337, %dma_wait3A_358, %dma_wait3A_359] : memref<2x128x128xf32, #tpu.memory_space<vmem>> -> memref<1x128x128xf32, #tpu.memory_space<vmem>>
      %dma_wait3A_361 = tpu.memref_squeeze %dma_wait3A_360 : memref<1x128x128xf32, #tpu.memory_space<vmem>> -> memref<128x128xf32, #tpu.memory_space<vmem>>
      %dma_wait3A_362 = arith.constant 0 : i32
      %dma_wait3A_363 = tpu.memref_slice %arg6[%add3A_336, %dma_wait3A_362] : memref<10240x128xf32, #tpu.memory_space<vmem_shared>> -> memref<128x128xf32, #tpu.memory_space<vmem_shared>>
      %dma_wait3A_364 = arith.constant 0 : i32
      %dma_wait3A_365 = arith.constant 0 : i32
      %dma_wait3A_366 = tpu.memref_slice %arg9[%run_scoped3A_337, %dma_wait3A_364, %dma_wait3A_365] : memref<2x128x128xf32, #tpu.memory_space<vmem>> -> memref<1x128x128xf32, #tpu.memory_space<vmem>>
      %dma_wait3A_367 = tpu.memref_squeeze %dma_wait3A_366 : memref<1x128x128xf32, #tpu.memory_space<vmem>> -> memref<128x128xf32, #tpu.memory_space<vmem>>
      %dma_wait3A_368 = arith.constant 0 : i32
      %dma_wait3A_369 = tpu.memref_slice %arg6[%add3A_336, %dma_wait3A_368] : memref<10240x128xf32, #tpu.memory_space<vmem_shared>> -> memref<128x128xf32, #tpu.memory_space<vmem_shared>>
      tpu.wait_dma2 semaphore(%run_scoped3A_345 : memref<!tpu.dma_semaphore, #tpu.memory_space<semaphore_mem>>) src(%dma_wait3A_369 : memref<128x128xf32, #tpu.memory_space<vmem_shared>>) dst(%dma_wait3A_367 : memref<128x128xf32, #tpu.memory_space<vmem>>)
      tpu.yield
    }) : () -> ()
    %run_scoped3A_338 = arith.constant 0 : i32
    "tpu.region"() ({
      %run_scoped3A_345 = tpu.sem_alloc : memref<!tpu.dma_semaphore, #tpu.memory_space<semaphore_mem>>
      %dma_start3A_346 = arith.constant 0 : i32
      %dma_start3A_347 = arith.constant 0 : i32
      %dma_start3A_348 = tpu.memref_slice %arg9[%run_scoped3A_338, %dma_start3A_346, %dma_start3A_347] : memref<2x128x128xf32, #tpu.memory_space<vmem>> -> memref<1x128x128xf32, #tpu.memory_space<vmem>>
      %dma_start3A_349 = tpu.memref_squeeze %dma_start3A_348 : memref<1x128x128xf32, #tpu.memory_space<vmem>> -> memref<128x128xf32, #tpu.memory_space<vmem>>
      %dma_start3A_350 = arith.constant 0 : i32
      %dma_start3A_351 = arith.constant 0 : i32
      %dma_start3A_352 = tpu.memref_slice %arg5[%arg0, %dma_start3A_350, %dma_start3A_351] : memref<2x10240x128xf32, #tpu.memory_space<hbm>> -> memref<1x10240x128xf32, #tpu.memory_space<hbm>>
      %dma_start3A_353 = tpu.memref_squeeze %dma_start3A_352 : memref<1x10240x128xf32, #tpu.memory_space<hbm>> -> memref<10240x128xf32, #tpu.memory_space<hbm>>
      %dma_start3A_354 = arith.constant 0 : i32
      %dma_start3A_355 = tpu.memref_slice %dma_start3A_353[%add3A_336, %dma_start3A_354] : memref<10240x128xf32, #tpu.memory_space<hbm>> -> memref<128x128xf32, #tpu.memory_space<hbm>>
      %dma_start3A_356 = arith.constant 0 : i32
      %dma_start3A_357 = arith.constant 0 : i32
      %dma_start3A_358 = tpu.memref_slice %arg5[%arg0, %dma_start3A_356, %dma_start3A_357] : memref<2x10240x128xf32, #tpu.memory_space<hbm>> -> memref<1x10240x128xf32, #tpu.memory_space<hbm>>
      %dma_start3A_359 = tpu.memref_squeeze %dma_start3A_358 : memref<1x10240x128xf32, #tpu.memory_space<hbm>> -> memref<10240x128xf32, #tpu.memory_space<hbm>>
      %dma_start3A_360 = arith.constant 0 : i32
      %dma_start3A_361 = tpu.memref_slice %dma_start3A_359[%add3A_336, %dma_start3A_360] : memref<10240x128xf32, #tpu.memory_space<hbm>> -> memref<128x128xf32, #tpu.memory_space<hbm>>
      %dma_start3A_362 = arith.constant 0 : i32
      %dma_start3A_363 = arith.constant 0 : i32
      %dma_start3A_364 = tpu.memref_slice %arg9[%run_scoped3A_338, %dma_start3A_362, %dma_start3A_363] : memref<2x128x128xf32, #tpu.memory_space<vmem>> -> memref<1x128x128xf32, #tpu.memory_space<vmem>>
      %dma_start3A_365 = tpu.memref_squeeze %dma_start3A_364 : memref<1x128x128xf32, #tpu.memory_space<vmem>> -> memref<128x128xf32, #tpu.memory_space<vmem>>
      tpu.enqueue_dma source(%dma_start3A_365 : memref<128x128xf32, #tpu.memory_space<vmem>>) target(%dma_start3A_361 : memref<128x128xf32, #tpu.memory_space<hbm>>) target_semaphore(%run_scoped3A_345 : memref<!tpu.dma_semaphore, #tpu.memory_space<semaphore_mem>>)
      %dma_wait3A_366 = arith.constant 0 : i32
      %dma_wait3A_367 = arith.constant 0 : i32
      %dma_wait3A_368 = tpu.memref_slice %arg9[%run_scoped3A_338, %dma_wait3A_366, %dma_wait3A_367] : memref<2x128x128xf32, #tpu.memory_space<vmem>> -> memref<1x128x128xf32, #tpu.memory_space<vmem>>
      %dma_wait3A_369 = tpu.memref_squeeze %dma_wait3A_368 : memref<1x128x128xf32, #tpu.memory_space<vmem>> -> memref<128x128xf32, #tpu.memory_space<vmem>>
      %dma_wait3A_370 = arith.constant 0 : i32
      %dma_wait3A_371 = arith.constant 0 : i32
      %dma_wait3A_372 = tpu.memref_slice %arg5[%arg0, %dma_wait3A_370, %dma_wait3A_371] : memref<2x10240x128xf32, #tpu.memory_space<hbm>> -> memref<1x10240x128xf32, #tpu.memory_space<hbm>>
      %dma_wait3A_373 = tpu.memref_squeeze %dma_wait3A_372 : memref<1x10240x128xf32, #tpu.memory_space<hbm>> -> memref<10240x128xf32, #tpu.memory_space<hbm>>
      %dma_wait3A_374 = arith.constant 0 : i32
      %dma_wait3A_375 = tpu.memref_slice %dma_wait3A_373[%add3A_336, %dma_wait3A_374] : memref<10240x128xf32, #tpu.memory_space<hbm>> -> memref<128x128xf32, #tpu.memory_space<hbm>>
      %dma_wait3A_376 = arith.constant 0 : i32
      %dma_wait3A_377 = arith.constant 0 : i32
      %dma_wait3A_378 = tpu.memref_slice %arg5[%arg0, %dma_wait3A_376, %dma_wait3A_377] : memref<2x10240x128xf32, #tpu.memory_space<hbm>> -> memref<1x10240x128xf32, #tpu.memory_space<hbm>>
      %dma_wait3A_379 = tpu.memref_squeeze %dma_wait3A_378 : memref<1x10240x128xf32, #tpu.memory_space<hbm>> -> memref<10240x128xf32, #tpu.memory_space<hbm>>
      %dma_wait3A_380 = arith.constant 0 : i32
      %dma_wait3A_381 = tpu.memref_slice %dma_wait3A_379[%add3A_336, %dma_wait3A_380] : memref<10240x128xf32, #tpu.memory_space<hbm>> -> memref<128x128xf32, #tpu.memory_space<hbm>>
      %dma_wait3A_382 = arith.constant 0 : i32
      %dma_wait3A_383 = arith.constant 0 : i32
      %dma_wait3A_384 = tpu.memref_slice %arg9[%run_scoped3A_338, %dma_wait3A_382, %dma_wait3A_383] : memref<2x128x128xf32, #tpu.memory_space<vmem>> -> memref<1x128x128xf32, #tpu.memory_space<vmem>>
      %dma_wait3A_385 = tpu.memref_squeeze %dma_wait3A_384 : memref<1x128x128xf32, #tpu.memory_space<vmem>> -> memref<128x128xf32, #tpu.memory_space<vmem>>
      tpu.wait_dma2 semaphore(%run_scoped3A_345 : memref<!tpu.dma_semaphore, #tpu.memory_space<semaphore_mem>>) src(%dma_wait3A_385 : memref<128x128xf32, #tpu.memory_space<vmem>>) dst(%dma_wait3A_381 : memref<128x128xf32, #tpu.memory_space<hbm>>)
      tpu.yield
    }) : () -> ()
    %mul3A_339 = arith.constant 640 : i32
    %mul3A_340 = arith.muli %arg1, %mul3A_339 : i32
    %add3A_341 = arith.constant 512 : i32
    %add3A_342 = arith.addi %mul3A_340, %add3A_341 : i32
    %run_scoped3A_343 = arith.constant 0 : i32
    "tpu.region"() ({
      %run_scoped3A_345 = tpu.sem_alloc : memref<!tpu.dma_semaphore, #tpu.memory_space<semaphore_mem>>
      %dma_start3A_346 = arith.constant 0 : i32
      %dma_start3A_347 = arith.constant 0 : i32
      %dma_start3A_348 = tpu.memref_slice %arg9[%run_scoped3A_343, %dma_start3A_346, %dma_start3A_347] : memref<2x128x128xf32, #tpu.memory_space<vmem>> -> memref<1x128x128xf32, #tpu.memory_space<vmem>>
      %dma_start3A_349 = tpu.memref_squeeze %dma_start3A_348 : memref<1x128x128xf32, #tpu.memory_space<vmem>> -> memref<128x128xf32, #tpu.memory_space<vmem>>
      %dma_start3A_350 = arith.constant 0 : i32
      %dma_start3A_351 = tpu.memref_slice %arg6[%add3A_342, %dma_start3A_350] : memref<10240x128xf32, #tpu.memory_space<vmem_shared>> -> memref<128x128xf32, #tpu.memory_space<vmem_shared>>
      %dma_start3A_352 = arith.constant 0 : i32
      %dma_start3A_353 = arith.constant 0 : i32
      %dma_start3A_354 = tpu.memref_slice %arg9[%run_scoped3A_343, %dma_start3A_352, %dma_start3A_353] : memref<2x128x128xf32, #tpu.memory_space<vmem>> -> memref<1x128x128xf32, #tpu.memory_space<vmem>>
      %dma_start3A_355 = tpu.memref_squeeze %dma_start3A_354 : memref<1x128x128xf32, #tpu.memory_space<vmem>> -> memref<128x128xf32, #tpu.memory_space<vmem>>
      %dma_start3A_356 = arith.constant 0 : i32
      %dma_start3A_357 = tpu.memref_slice %arg6[%add3A_342, %dma_start3A_356] : memref<10240x128xf32, #tpu.memory_space<vmem_shared>> -> memref<128x128xf32, #tpu.memory_space<vmem_shared>>
      tpu.enqueue_dma source(%dma_start3A_357 : memref<128x128xf32, #tpu.memory_space<vmem_shared>>) target(%dma_start3A_355 : memref<128x128xf32, #tpu.memory_space<vmem>>) target_semaphore(%run_scoped3A_345 : memref<!tpu.dma_semaphore, #tpu.memory_space<semaphore_mem>>)
      %dma_wait3A_358 = arith.constant 0 : i32
      %dma_wait3A_359 = arith.constant 0 : i32
      %dma_wait3A_360 = tpu.memref_slice %arg9[%run_scoped3A_343, %dma_wait3A_358, %dma_wait3A_359] : memref<2x128x128xf32, #tpu.memory_space<vmem>> -> memref<1x128x128xf32, #tpu.memory_space<vmem>>
      %dma_wait3A_361 = tpu.memref_squeeze %dma_wait3A_360 : memref<1x128x128xf32, #tpu.memory_space<vmem>> -> memref<128x128xf32, #tpu.memory_space<vmem>>
      %dma_wait3A_362 = arith.constant 0 : i32
      %dma_wait3A_363 = tpu.memref_slice %arg6[%add3A_342, %dma_wait3A_362] : memref<10240x128xf32, #tpu.memory_space<vmem_shared>> -> memref<128x128xf32, #tpu.memory_space<vmem_shared>>
      %dma_wait3A_364 = arith.constant 0 : i32
      %dma_wait3A_365 = arith.constant 0 : i32
      %dma_wait3A_366 = tpu.memref_slice %arg9[%run_scoped3A_343, %dma_wait3A_364, %dma_wait3A_365] : memref<2x128x128xf32, #tpu.memory_space<vmem>> -> memref<1x128x128xf32, #tpu.memory_space<vmem>>
      %dma_wait3A_367 = tpu.memref_squeeze %dma_wait3A_366 : memref<1x128x128xf32, #tpu.memory_space<vmem>> -> memref<128x128xf32, #tpu.memory_space<vmem>>
      %dma_wait3A_368 = arith.constant 0 : i32
      %dma_wait3A_369 = tpu.memref_slice %arg6[%add3A_342, %dma_wait3A_368] : memref<10240x128xf32, #tpu.memory_space<vmem_shared>> -> memref<128x128xf32, #tpu.memory_space<vmem_shared>>
      tpu.wait_dma2 semaphore(%run_scoped3A_345 : memref<!tpu.dma_semaphore, #tpu.memory_space<semaphore_mem>>) src(%dma_wait3A_369 : memref<128x128xf32, #tpu.memory_space<vmem_shared>>) dst(%dma_wait3A_367 : memref<128x128xf32, #tpu.memory_space<vmem>>)
      tpu.yield
    }) : () -> ()
    %run_scoped3A_344 = arith.constant 0 : i32
    "tpu.region"() ({
      %run_scoped3A_345 = tpu.sem_alloc : memref<!tpu.dma_semaphore, #tpu.memory_space<semaphore_mem>>
      %dma_start3A_346 = arith.constant 0 : i32
      %dma_start3A_347 = arith.constant 0 : i32
      %dma_start3A_348 = tpu.memref_slice %arg9[%run_scoped3A_344, %dma_start3A_346, %dma_start3A_347] : memref<2x128x128xf32, #tpu.memory_space<vmem>> -> memref<1x128x128xf32, #tpu.memory_space<vmem>>
      %dma_start3A_349 = tpu.memref_squeeze %dma_start3A_348 : memref<1x128x128xf32, #tpu.memory_space<vmem>> -> memref<128x128xf32, #tpu.memory_space<vmem>>
      %dma_start3A_350 = arith.constant 0 : i32
      %dma_start3A_351 = arith.constant 0 : i32
      %dma_start3A_352 = tpu.memref_slice %arg5[%arg0, %dma_start3A_350, %dma_start3A_351] : memref<2x10240x128xf32, #tpu.memory_space<hbm>> -> memref<1x10240x128xf32, #tpu.memory_space<hbm>>
      %dma_start3A_353 = tpu.memref_squeeze %dma_start3A_352 : memref<1x10240x128xf32, #tpu.memory_space<hbm>> -> memref<10240x128xf32, #tpu.memory_space<hbm>>
      %dma_start3A_354 = arith.constant 0 : i32
      %dma_start3A_355 = tpu.memref_slice %dma_start3A_353[%add3A_342, %dma_start3A_354] : memref<10240x128xf32, #tpu.memory_space<hbm>> -> memref<128x128xf32, #tpu.memory_space<hbm>>
      %dma_start3A_356 = arith.constant 0 : i32
      %dma_start3A_357 = arith.constant 0 : i32
      %dma_start3A_358 = tpu.memref_slice %arg5[%arg0, %dma_start3A_356, %dma_start3A_357] : memref<2x10240x128xf32, #tpu.memory_space<hbm>> -> memref<1x10240x128xf32, #tpu.memory_space<hbm>>
      %dma_start3A_359 = tpu.memref_squeeze %dma_start3A_358 : memref<1x10240x128xf32, #tpu.memory_space<hbm>> -> memref<10240x128xf32, #tpu.memory_space<hbm>>
      %dma_start3A_360 = arith.constant 0 : i32
      %dma_start3A_361 = tpu.memref_slice %dma_start3A_359[%add3A_342, %dma_start3A_360] : memref<10240x128xf32, #tpu.memory_space<hbm>> -> memref<128x128xf32, #tpu.memory_space<hbm>>
      %dma_start3A_362 = arith.constant 0 : i32
      %dma_start3A_363 = arith.constant 0 : i32
      %dma_start3A_364 = tpu.memref_slice %arg9[%run_scoped3A_344, %dma_start3A_362, %dma_start3A_363] : memref<2x128x128xf32, #tpu.memory_space<vmem>> -> memref<1x128x128xf32, #tpu.memory_space<vmem>>
      %dma_start3A_365 = tpu.memref_squeeze %dma_start3A_364 : memref<1x128x128xf32, #tpu.memory_space<vmem>> -> memref<128x128xf32, #tpu.memory_space<vmem>>
      tpu.enqueue_dma source(%dma_start3A_365 : memref<128x128xf32, #tpu.memory_space<vmem>>) target(%dma_start3A_361 : memref<128x128xf32, #tpu.memory_space<hbm>>) target_semaphore(%run_scoped3A_345 : memref<!tpu.dma_semaphore, #tpu.memory_space<semaphore_mem>>)
      %dma_wait3A_366 = arith.constant 0 : i32
      %dma_wait3A_367 = arith.constant 0 : i32
      %dma_wait3A_368 = tpu.memref_slice %arg9[%run_scoped3A_344, %dma_wait3A_366, %dma_wait3A_367] : memref<2x128x128xf32, #tpu.memory_space<vmem>> -> memref<1x128x128xf32, #tpu.memory_space<vmem>>
      %dma_wait3A_369 = tpu.memref_squeeze %dma_wait3A_368 : memref<1x128x128xf32, #tpu.memory_space<vmem>> -> memref<128x128xf32, #tpu.memory_space<vmem>>
      %dma_wait3A_370 = arith.constant 0 : i32
      %dma_wait3A_371 = arith.constant 0 : i32
      %dma_wait3A_372 = tpu.memref_slice %arg5[%arg0, %dma_wait3A_370, %dma_wait3A_371] : memref<2x10240x128xf32, #tpu.memory_space<hbm>> -> memref<1x10240x128xf32, #tpu.memory_space<hbm>>
      %dma_wait3A_373 = tpu.memref_squeeze %dma_wait3A_372 : memref<1x10240x128xf32, #tpu.memory_space<hbm>> -> memref<10240x128xf32, #tpu.memory_space<hbm>>
      %dma_wait3A_374 = arith.constant 0 : i32
      %dma_wait3A_375 = tpu.memref_slice %dma_wait3A_373[%add3A_342, %dma_wait3A_374] : memref<10240x128xf32, #tpu.memory_space<hbm>> -> memref<128x128xf32, #tpu.memory_space<hbm>>
      %dma_wait3A_376 = arith.constant 0 : i32
      %dma_wait3A_377 = arith.constant 0 : i32
      %dma_wait3A_378 = tpu.memref_slice %arg5[%arg0, %dma_wait3A_376, %dma_wait3A_377] : memref<2x10240x128xf32, #tpu.memory_space<hbm>> -> memref<1x10240x128xf32, #tpu.memory_space<hbm>>
      %dma_wait3A_379 = tpu.memref_squeeze %dma_wait3A_378 : memref<1x10240x128xf32, #tpu.memory_space<hbm>> -> memref<10240x128xf32, #tpu.memory_space<hbm>>
      %dma_wait3A_380 = arith.constant 0 : i32
      %dma_wait3A_381 = tpu.memref_slice %dma_wait3A_379[%add3A_342, %dma_wait3A_380] : memref<10240x128xf32, #tpu.memory_space<hbm>> -> memref<128x128xf32, #tpu.memory_space<hbm>>
      %dma_wait3A_382 = arith.constant 0 : i32
      %dma_wait3A_383 = arith.constant 0 : i32
      %dma_wait3A_384 = tpu.memref_slice %arg9[%run_scoped3A_344, %dma_wait3A_382, %dma_wait3A_383] : memref<2x128x128xf32, #tpu.memory_space<vmem>> -> memref<1x128x128xf32, #tpu.memory_space<vmem>>
      %dma_wait3A_385 = tpu.memref_squeeze %dma_wait3A_384 : memref<1x128x128xf32, #tpu.memory_space<vmem>> -> memref<128x128xf32, #tpu.memory_space<vmem>>
      tpu.wait_dma2 semaphore(%run_scoped3A_345 : memref<!tpu.dma_semaphore, #tpu.memory_space<semaphore_mem>>) src(%dma_wait3A_385 : memref<128x128xf32, #tpu.memory_space<vmem>>) dst(%dma_wait3A_381 : memref<128x128xf32, #tpu.memory_space<hbm>>)
      tpu.yield
    }) : () -> ()
    return
  }
}

module attributes {stable_mosaic.version = 14 : i64} {
  func.func @_dis_body(%arg0: i32, %arg1: memref<2x10240xf32, #tpu.memory_space<vmem>>, %arg2: memref<10000x1xf32, #tpu.memory_space<vmem>>) attributes {dimension_semantics = [#tpu.dimension_semantics<arbitrary>], iteration_bounds = array<i64: 1>, scalar_prefetch = 0 : i64, scratch_operands = 0 : i64, tpu.core_type = #tpu.core_type<tc>, window_params = [{pipeline_mode = #tpu.pipeline_mode<synchronous>, transform_indices = @transform_0, window_bounds = array<i64: 2, 10240>}, {pipeline_mode = #tpu.pipeline_mode<synchronous>, transform_indices = @transform_1, window_bounds = array<i64: 10000, 1>}]} {
    %get3A = arith.constant 0 : index
    %get3A_0 = arith.constant 0 : index
    %get3A_1 = vector.load %arg1[%get3A, %get3A_0] : memref<2x10240xf32, #tpu.memory_space<vmem>>, vector<1x10240xf32>
    %get3A_2 = vector.shape_cast %get3A_1 : vector<1x10240xf32> to vector<10240xf32>
    %get3A_3 = arith.constant 1 : index
    %get3A_4 = arith.constant 0 : index
    %get3A_5 = vector.load %arg1[%get3A_3, %get3A_4] : memref<2x10240xf32, #tpu.memory_space<vmem>>, vector<1x10240xf32>
    %get3A_6 = vector.shape_cast %get3A_5 : vector<1x10240xf32> to vector<10240xf32>
    %add3A = arith.addf %get3A_2, %get3A_6 : vector<10240xf32>
    %add3A_7 = arith.constant 1.000000e+00 : f32
    %add3A_8 = vector.broadcast %add3A_7 : f32 to vector<10240xf32>
    %add3A_9 = arith.addf %add3A, %add3A_8 : vector<10240xf32>
    %rsqrt3A = math.rsqrt %add3A_9 : vector<10240xf32>
    %slice3A = vector.extract_strided_slice %rsqrt3A {offsets = [0], sizes = [10000], strides = [1]} : vector<10240xf32> to vector<10000xf32>
    %broadcast_in_dim3A = vector.shape_cast %slice3A : vector<10000xf32> to vector<10000x1xf32>
    %swap3A = arith.constant 0 : index
    %swap3A_10 = arith.constant 0 : index
    %swap3A_11 = vector.load %arg2[%swap3A, %swap3A_10] : memref<10000x1xf32, #tpu.memory_space<vmem>>, vector<10000x1xf32>
    tpu.vector_store %arg2[%swap3A, %swap3A_10], %broadcast_in_dim3A {strides = array<i32>} : memref<10000x1xf32, #tpu.memory_space<vmem>>, vector<10000x1xf32>,
    return
  }
  func.func @transform_0(%arg0: i32) -> (i32, i32) {
    %c0_i32 = arith.constant 0 : i32
    %c0_i32_0 = arith.constant 0 : i32
    %c0_i32_1 = arith.constant 0 : i32
    return %c0_i32, %c0_i32_0 : i32, i32
  }
  func.func @transform_1(%arg0: i32) -> (i32, i32) {
    %c0_i32 = arith.constant 0 : i32
    %c0_i32_0 = arith.constant 0 : i32
    %c0_i32_1 = arith.constant 0 : i32
    return %c0_i32, %c0_i32_0 : i32, i32
  }
}

module attributes {stable_mosaic.version = 14 : i64} {
  func.func @_mm_scale_body(%arg0: i32, %arg1: memref<1000x256xf32, #tpu.memory_space<vmem>>, %arg2: memref<256x256xf32, #tpu.memory_space<vmem>>, %arg3: memref<1000x1xf32, #tpu.memory_space<vmem>>, %arg4: memref<2x1000x128xf32, #tpu.memory_space<vmem>>) attributes {dimension_semantics = [#tpu.dimension_semantics<arbitrary>], iteration_bounds = array<i64: 10>, scalar_prefetch = 0 : i64, scratch_operands = 0 : i64, tpu.core_type = #tpu.core_type<tc>, window_params = [{transform_indices = @transform_0, window_bounds = array<i64: 1000, 256>}, {pipeline_mode = #tpu.pipeline_mode<synchronous>, transform_indices = @transform_1, window_bounds = array<i64: 256, 256>}, {transform_indices = @transform_2, window_bounds = array<i64: 1000, 1>}, {transform_indices = @transform_3, window_bounds = array<i64: 2, 1000, 128>}]} {
    %get3A = arith.constant 0 : index
    %get3A_0 = arith.constant 0 : index
    %get3A_1 = vector.load %arg1[%get3A, %get3A_0] : memref<1000x256xf32, #tpu.memory_space<vmem>>, vector<1000x256xf32>
    %get3A_2 = arith.constant 0 : index
    %get3A_3 = arith.constant 0 : index
    %get3A_4 = vector.load %arg2[%get3A_2, %get3A_3] : memref<256x256xf32, #tpu.memory_space<vmem>>, vector<256x256xf32>
    %dot_general3A = arith.constant dense<0.000000e+00> : vector<1000x256xf32>
    %dot_general3A_5 = tpu.matmul %get3A_1, %get3A_4, %dot_general3A {dimension_numbers = #tpu.dot_dimension_numbers<[1], [0], [0], [1], [0, 0, 1, 1], [], []>, transpose_lhs_hint = false} : vector<1000x256xf32>, vector<256x256xf32>, vector<1000x256xf32> -> vector<1000x256xf32>
    %get3A_6 = arith.constant 0 : index
    %get3A_7 = arith.constant 0 : index
    %get3A_8 = vector.load %arg3[%get3A_6, %get3A_7] : memref<1000x1xf32, #tpu.memory_space<vmem>>, vector<1000x1xf32>
    %mul3A = vector.broadcast %get3A_8 : vector<1000x1xf32> to vector<1000x256xf32>
    %mul3A_9 = arith.mulf %dot_general3A_5, %mul3A : vector<1000x256xf32>
    %slice3A = vector.extract_strided_slice %mul3A_9 {offsets = [0, 0], sizes = [1000, 128], strides = [1, 1]} : vector<1000x256xf32> to vector<1000x128xf32>
    %swap3A = arith.constant 0 : index
    %swap3A_10 = arith.constant 0 : index
    %swap3A_11 = arith.constant 0 : index
    %swap3A_12 = vector.load %arg4[%swap3A, %swap3A_10, %swap3A_11] : memref<2x1000x128xf32, #tpu.memory_space<vmem>>, vector<1x1000x128xf32>
    %swap3A_13 = vector.shape_cast %swap3A_12 : vector<1x1000x128xf32> to vector<1000x128xf32>
    %swap3A_14 = vector.shape_cast %slice3A : vector<1000x128xf32> to vector<1x1000x128xf32>
    tpu.vector_store %arg4[%swap3A, %swap3A_10, %swap3A_11], %swap3A_14 {strides = array<i32>} : memref<2x1000x128xf32, #tpu.memory_space<vmem>>, vector<1x1000x128xf32>,
    %slice3A_15 = vector.extract_strided_slice %mul3A_9 {offsets = [0, 128], sizes = [1000, 128], strides = [1, 1]} : vector<1000x256xf32> to vector<1000x128xf32>
    %swap3A_16 = arith.constant 1 : index
    %swap3A_17 = arith.constant 0 : index
    %swap3A_18 = arith.constant 0 : index
    %swap3A_19 = vector.load %arg4[%swap3A_16, %swap3A_17, %swap3A_18] : memref<2x1000x128xf32, #tpu.memory_space<vmem>>, vector<1x1000x128xf32>
    %swap3A_20 = vector.shape_cast %swap3A_19 : vector<1x1000x128xf32> to vector<1000x128xf32>
    %swap3A_21 = vector.shape_cast %slice3A_15 : vector<1000x128xf32> to vector<1x1000x128xf32>
    tpu.vector_store %arg4[%swap3A_16, %swap3A_17, %swap3A_18], %swap3A_21 {strides = array<i32>} : memref<2x1000x128xf32, #tpu.memory_space<vmem>>, vector<1x1000x128xf32>,
    return
  }
  func.func @transform_0(%arg0: i32) -> (i32, i32) {
    %c0_i32 = arith.constant 0 : i32
    %c0_i32_0 = arith.constant 0 : i32
    return %arg0, %c0_i32 : i32, i32
  }
  func.func @transform_1(%arg0: i32) -> (i32, i32) {
    %c0_i32 = arith.constant 0 : i32
    %c0_i32_0 = arith.constant 0 : i32
    %c0_i32_1 = arith.constant 0 : i32
    return %c0_i32, %c0_i32_0 : i32, i32
  }
  func.func @transform_2(%arg0: i32) -> (i32, i32) {
    %c0_i32 = arith.constant 0 : i32
    %c0_i32_0 = arith.constant 0 : i32
    return %arg0, %c0_i32 : i32, i32
  }
  func.func @transform_3(%arg0: i32) -> (i32, i32, i32) {
    %c0_i32 = arith.constant 0 : i32
    %c0_i32_0 = arith.constant 0 : i32
    %c0_i32_1 = arith.constant 0 : i32
    return %c0_i32, %arg0, %c0_i32_0 : i32, i32, i32
  }
}

module attributes {stable_mosaic.version = 14 : i64} {
  func.func @_bn_mm_body(%arg0: i32, %arg1: i32, %arg2: memref<2x1000x128xf32, #tpu.memory_space<vmem>>, %arg3: memref<1000x1xf32, #tpu.memory_space<vmem>>, %arg4: memref<256xf32, #tpu.memory_space<vmem>>, %arg5: memref<256xf32, #tpu.memory_space<vmem>>, %arg6: memref<256xf32, #tpu.memory_space<vmem>>, %arg7: memref<256x256xf32, #tpu.memory_space<vmem>>, %arg8: memref<2x1000x128xf32, #tpu.memory_space<vmem>>, %arg9: memref<2x256xf32, #tpu.memory_space<vmem>>) attributes {dimension_semantics = [#tpu.dimension_semantics<arbitrary>, #tpu.dimension_semantics<arbitrary>], iteration_bounds = array<i64: 2, 10>, scalar_prefetch = 0 : i64, scratch_operands = 1 : i64, tpu.core_type = #tpu.core_type<tc>, window_params = [{transform_indices = @transform_0, window_bounds = array<i64: 2, 1000, 128>}, {transform_indices = @transform_1, window_bounds = array<i64: 1000, 1>}, {pipeline_mode = #tpu.pipeline_mode<synchronous>, transform_indices = @transform_2, window_bounds = array<i64: 256>}, {pipeline_mode = #tpu.pipeline_mode<synchronous>, transform_indices = @transform_3, window_bounds = array<i64: 256>}, {pipeline_mode = #tpu.pipeline_mode<synchronous>, transform_indices = @transform_4, window_bounds = array<i64: 256>}, {pipeline_mode = #tpu.pipeline_mode<synchronous>, transform_indices = @transform_5, window_bounds = array<i64: 256, 256>}, {transform_indices = @transform_6, window_bounds = array<i64: 2, 1000, 128>}]} {
    %get3A = arith.constant 0 : index
    %get3A_0 = arith.constant 0 : index
    %get3A_1 = arith.constant 0 : index
    %get3A_2 = vector.load %arg2[%get3A, %get3A_0, %get3A_1] : memref<2x1000x128xf32, #tpu.memory_space<vmem>>, vector<1x1000x128xf32>
    %get3A_3 = vector.shape_cast %get3A_2 : vector<1x1000x128xf32> to vector<1000x128xf32>
    %get3A_4 = arith.constant 1 : index
    %get3A_5 = arith.constant 0 : index
    %get3A_6 = arith.constant 0 : index
    %get3A_7 = vector.load %arg2[%get3A_4, %get3A_5, %get3A_6] : memref<2x1000x128xf32, #tpu.memory_space<vmem>>, vector<1x1000x128xf32>
    %get3A_8 = vector.shape_cast %get3A_7 : vector<1x1000x128xf32> to vector<1000x128xf32>
    %concatenate3A = tpu.concatenate %get3A_3, %get3A_8 in 1 : vector<1000x128xf32>, vector<1000x128xf32> -> vector<1000x256xf32>
    %get3A_9 = arith.constant 0 : index
    %get3A_10 = arith.constant 0 : index
    %get3A_11 = vector.load %arg3[%get3A_9, %get3A_10] : memref<1000x1xf32, #tpu.memory_space<vmem>>, vector<1000x1xf32>
    %mul3A = vector.broadcast %get3A_11 : vector<1000x1xf32> to vector<1000x256xf32>
    %mul3A_12 = arith.mulf %concatenate3A, %mul3A : vector<1000x256xf32>
    %get3A_13 = arith.constant 0 : index
    %get3A_14 = vector.load %arg4[%get3A_13] : memref<256xf32, #tpu.memory_space<vmem>>, vector<256xf32>
    %broadcast_in_dim3A = vector.shape_cast %get3A_14 : vector<256xf32> to vector<1x256xf32>
    %add3A = vector.broadcast %broadcast_in_dim3A : vector<1x256xf32> to vector<1000x256xf32>
    %add3A_15 = arith.addf %mul3A_12, %add3A : vector<1000x256xf32>
    %eq3A = arith.constant 0 : i32
    %eq3A_16 = arith.cmpi eq, %arg0, %eq3A : i32
    %eq3A_17 = arith.constant 0 : i32
    %eq3A_18 = arith.cmpi eq, %arg1, %eq3A_17 : i32
    %and3A = arith.andi %eq3A_16, %eq3A_18 : i1
    %convert_element_type3A = arith.extui %and3A : i1 to i32
    %cond3A = arith.constant 0 : i32
    %cond3A_19 = arith.cmpi ne, %convert_element_type3A, %cond3A : i32
    scf.if %cond3A_19 {
      %broadcast_in_dim3A_30 = arith.constant 0.000000e+00 : f32
      %broadcast_in_dim3A_31 = vector.broadcast %broadcast_in_dim3A_30 : f32 to vector<2x256xf32>
      %swap3A = arith.constant 0 : index
      %swap3A_32 = arith.constant 0 : index
      %swap3A_33 = vector.load %arg9[%swap3A, %swap3A_32] : memref<2x256xf32, #tpu.memory_space<vmem>>, vector<2x256xf32>
      tpu.vector_store %arg9[%swap3A, %swap3A_32], %broadcast_in_dim3A_31 {strides = array<i32>} : memref<2x256xf32, #tpu.memory_space<vmem>>, vector<2x256xf32>,
    } else {
    }
    %eq3A_20 = arith.constant 0 : i32
    %eq3A_21 = arith.cmpi eq, %arg0, %eq3A_20 : i32
    %convert_element_type3A_22 = arith.extui %eq3A_21 : i1 to i32
    %cond3A_23 = arith.constant 0 : i32
    %cond3A_24 = arith.cmpi ne, %convert_element_type3A_22, %cond3A_23 : i32
    scf.if %cond3A_24 {
      %get3A_30 = arith.constant 0 : index
      %get3A_31 = arith.constant 0 : index
      %get3A_32 = vector.load %arg9[%get3A_30, %get3A_31] : memref<2x256xf32, #tpu.memory_space<vmem>>, vector<1x256xf32>
      %get3A_33 = vector.shape_cast %get3A_32 : vector<1x256xf32> to vector<256xf32>
      %reduce_sum3A = arith.constant dense<0.000000e+00> : vector<256xf32>
      %reduce_sum3A_34 = vector.multi_reduction <add>, %add3A_15, %reduce_sum3A [0] : vector<1000x256xf32> to vector<256xf32>
      %add3A_35 = arith.addf %get3A_33, %reduce_sum3A_34 : vector<256xf32>
      %swap3A = arith.constant 0 : index
      %swap3A_36 = arith.constant 0 : index
      %swap3A_37 = vector.load %arg9[%swap3A, %swap3A_36] : memref<2x256xf32, #tpu.memory_space<vmem>>, vector<1x256xf32>
      %swap3A_38 = vector.shape_cast %swap3A_37 : vector<1x256xf32> to vector<256xf32>
      %swap3A_39 = vector.shape_cast %add3A_35 : vector<256xf32> to vector<1x256xf32>
      tpu.vector_store %arg9[%swap3A, %swap3A_36], %swap3A_39 {strides = array<i32>} : memref<2x256xf32, #tpu.memory_space<vmem>>, vector<1x256xf32>,
      %get3A_40 = arith.constant 1 : index
      %get3A_41 = arith.constant 0 : index
      %get3A_42 = vector.load %arg9[%get3A_40, %get3A_41] : memref<2x256xf32, #tpu.memory_space<vmem>>, vector<1x256xf32>
      %get3A_43 = vector.shape_cast %get3A_42 : vector<1x256xf32> to vector<256xf32>
      %mul3A_44 = arith.mulf %add3A_15, %add3A_15 : vector<1000x256xf32>
      %reduce_sum3A_45 = arith.constant dense<0.000000e+00> : vector<256xf32>
      %reduce_sum3A_46 = vector.multi_reduction <add>, %mul3A_44, %reduce_sum3A_45 [0] : vector<1000x256xf32> to vector<256xf32>
      %add3A_47 = arith.addf %get3A_43, %reduce_sum3A_46 : vector<256xf32>
      %swap3A_48 = arith.constant 1 : index
      %swap3A_49 = arith.constant 0 : index
      %swap3A_50 = vector.load %arg9[%swap3A_48, %swap3A_49] : memref<2x256xf32, #tpu.memory_space<vmem>>, vector<1x256xf32>
      %swap3A_51 = vector.shape_cast %swap3A_50 : vector<1x256xf32> to vector<256xf32>
      %swap3A_52 = vector.shape_cast %add3A_47 : vector<256xf32> to vector<1x256xf32>
      tpu.vector_store %arg9[%swap3A_48, %swap3A_49], %swap3A_52 {strides = array<i32>} : memref<2x256xf32, #tpu.memory_space<vmem>>, vector<1x256xf32>,
    } else {
    }
    %eq3A_25 = arith.constant 1 : i32
    %eq3A_26 = arith.cmpi eq, %arg0, %eq3A_25 : i32
    %convert_element_type3A_27 = arith.extui %eq3A_26 : i1 to i32
    %cond3A_28 = arith.constant 0 : i32
    %cond3A_29 = arith.cmpi ne, %convert_element_type3A_27, %cond3A_28 : i32
    scf.if %cond3A_29 {
      %get3A_30 = arith.constant 0 : index
      %get3A_31 = arith.constant 0 : index
      %get3A_32 = vector.load %arg9[%get3A_30, %get3A_31] : memref<2x256xf32, #tpu.memory_space<vmem>>, vector<1x256xf32>
      %get3A_33 = vector.shape_cast %get3A_32 : vector<1x256xf32> to vector<256xf32>
      %div3A = arith.constant 1.000000e+04 : f32
      %div3A_34 = vector.broadcast %div3A : f32 to vector<256xf32>
      %div3A_35 = arith.divf %get3A_33, %div3A_34 : vector<256xf32>
      %get3A_36 = arith.constant 1 : index
      %get3A_37 = arith.constant 0 : index
      %get3A_38 = vector.load %arg9[%get3A_36, %get3A_37] : memref<2x256xf32, #tpu.memory_space<vmem>>, vector<1x256xf32>
      %get3A_39 = vector.shape_cast %get3A_38 : vector<1x256xf32> to vector<256xf32>
      %div3A_40 = arith.constant 1.000000e+04 : f32
      %div3A_41 = vector.broadcast %div3A_40 : f32 to vector<256xf32>
      %div3A_42 = arith.divf %get3A_39, %div3A_41 : vector<256xf32>
      %mul3A_43 = arith.mulf %div3A_35, %div3A_35 : vector<256xf32>
      %sub3A = arith.subf %div3A_42, %mul3A_43 : vector<256xf32>
      %add3A_44 = arith.constant 9.99999974E-6 : f32
      %add3A_45 = vector.broadcast %add3A_44 : f32 to vector<256xf32>
      %add3A_46 = arith.addf %sub3A, %add3A_45 : vector<256xf32>
      %rsqrt3A = math.rsqrt %add3A_46 : vector<256xf32>
      %get3A_47 = arith.constant 0 : index
      %get3A_48 = vector.load %arg5[%get3A_47] : memref<256xf32, #tpu.memory_space<vmem>>, vector<256xf32>
      %broadcast_in_dim3A_49 = vector.shape_cast %div3A_35 : vector<256xf32> to vector<1x256xf32>
      %sub3A_50 = vector.broadcast %broadcast_in_dim3A_49 : vector<1x256xf32> to vector<1000x256xf32>
      %sub3A_51 = arith.subf %add3A_15, %sub3A_50 : vector<1000x256xf32>
      %broadcast_in_dim3A_52 = vector.shape_cast %get3A_48 : vector<256xf32> to vector<1x256xf32>
      %mul3A_53 = vector.broadcast %broadcast_in_dim3A_52 : vector<1x256xf32> to vector<1000x256xf32>
      %mul3A_54 = arith.mulf %mul3A_53, %sub3A_51 : vector<1000x256xf32>
      %broadcast_in_dim3A_55 = vector.shape_cast %rsqrt3A : vector<256xf32> to vector<1x256xf32>
      %mul3A_56 = vector.broadcast %broadcast_in_dim3A_55 : vector<1x256xf32> to vector<1000x256xf32>
      %mul3A_57 = arith.mulf %mul3A_54, %mul3A_56 : vector<1000x256xf32>
      %get3A_58 = arith.constant 0 : index
      %get3A_59 = vector.load %arg6[%get3A_58] : memref<256xf32, #tpu.memory_space<vmem>>, vector<256xf32>
      %broadcast_in_dim3A_60 = vector.shape_cast %get3A_59 : vector<256xf32> to vector<1x256xf32>
      %add3A_61 = vector.broadcast %broadcast_in_dim3A_60 : vector<1x256xf32> to vector<1000x256xf32>
      %add3A_62 = arith.addf %mul3A_57, %add3A_61 : vector<1000x256xf32>
      %max3A = arith.constant 0.000000e+00 : f32
      %max3A_63 = vector.broadcast %max3A : f32 to vector<1000x256xf32>
      %max3A_64 = arith.maximumf %add3A_62, %max3A_63 : vector<1000x256xf32>
      %get3A_65 = arith.constant 0 : index
      %get3A_66 = arith.constant 0 : index
      %get3A_67 = vector.load %arg7[%get3A_65, %get3A_66] : memref<256x256xf32, #tpu.memory_space<vmem>>, vector<256x256xf32>
      %dot_general3A = arith.constant dense<0.000000e+00> : vector<1000x256xf32>
      %dot_general3A_68 = tpu.matmul %max3A_64, %get3A_67, %dot_general3A {dimension_numbers = #tpu.dot_dimension_numbers<[1], [0], [0], [1], [0, 0, 1, 1], [], []>, transpose_lhs_hint = false} : vector<1000x256xf32>, vector<256x256xf32>, vector<1000x256xf32> -> vector<1000x256xf32>
      %get3A_69 = arith.constant 0 : index
      %get3A_70 = arith.constant 0 : index
      %get3A_71 = vector.load %arg3[%get3A_69, %get3A_70] : memref<1000x1xf32, #tpu.memory_space<vmem>>, vector<1000x1xf32>
      %mul3A_72 = vector.broadcast %get3A_71 : vector<1000x1xf32> to vector<1000x256xf32>
      %mul3A_73 = arith.mulf %dot_general3A_68, %mul3A_72 : vector<1000x256xf32>
      %slice3A = vector.extract_strided_slice %mul3A_73 {offsets = [0, 0], sizes = [1000, 128], strides = [1, 1]} : vector<1000x256xf32> to vector<1000x128xf32>
      %swap3A = arith.constant 0 : index
      %swap3A_74 = arith.constant 0 : index
      %swap3A_75 = arith.constant 0 : index
      %swap3A_76 = vector.load %arg8[%swap3A, %swap3A_74, %swap3A_75] : memref<2x1000x128xf32, #tpu.memory_space<vmem>>, vector<1x1000x128xf32>
      %swap3A_77 = vector.shape_cast %swap3A_76 : vector<1x1000x128xf32> to vector<1000x128xf32>
      %swap3A_78 = vector.shape_cast %slice3A : vector<1000x128xf32> to vector<1x1000x128xf32>
      tpu.vector_store %arg8[%swap3A, %swap3A_74, %swap3A_75], %swap3A_78 {strides = array<i32>} : memref<2x1000x128xf32, #tpu.memory_space<vmem>>, vector<1x1000x128xf32>,
      %slice3A_79 = vector.extract_strided_slice %mul3A_73 {offsets = [0, 128], sizes = [1000, 128], strides = [1, 1]} : vector<1000x256xf32> to vector<1000x128xf32>
      %swap3A_80 = arith.constant 1 : index
      %swap3A_81 = arith.constant 0 : index
      %swap3A_82 = arith.constant 0 : index
      %swap3A_83 = vector.load %arg8[%swap3A_80, %swap3A_81, %swap3A_82] : memref<2x1000x128xf32, #tpu.memory_space<vmem>>, vector<1x1000x128xf32>
      %swap3A_84 = vector.shape_cast %swap3A_83 : vector<1x1000x128xf32> to vector<1000x128xf32>
      %swap3A_85 = vector.shape_cast %slice3A_79 : vector<1000x128xf32> to vector<1x1000x128xf32>
      tpu.vector_store %arg8[%swap3A_80, %swap3A_81, %swap3A_82], %swap3A_85 {strides = array<i32>} : memref<2x1000x128xf32, #tpu.memory_space<vmem>>, vector<1x1000x128xf32>,
    } else {
    }
    return
  }
  func.func @transform_0(%arg0: i32, %arg1: i32) -> (i32, i32, i32) {
    %c0_i32 = arith.constant 0 : i32
    %c0_i32_0 = arith.constant 0 : i32
    %c0_i32_1 = arith.constant 0 : i32
    return %c0_i32, %arg1, %c0_i32_0 : i32, i32, i32
  }
  func.func @transform_1(%arg0: i32, %arg1: i32) -> (i32, i32) {
    %c0_i32 = arith.constant 0 : i32
    %c0_i32_0 = arith.constant 0 : i32
    return %arg1, %c0_i32 : i32, i32
  }
  func.func @transform_2(%arg0: i32, %arg1: i32) -> i32 {
    %c0_i32 = arith.constant 0 : i32
    %c0_i32_0 = arith.constant 0 : i32
    return %c0_i32 : i32
  }
  func.func @transform_3(%arg0: i32, %arg1: i32) -> i32 {
    %c0_i32 = arith.constant 0 : i32
    %c0_i32_0 = arith.constant 0 : i32
    return %c0_i32 : i32
  }
  func.func @transform_4(%arg0: i32, %arg1: i32) -> i32 {
    %c0_i32 = arith.constant 0 : i32
    %c0_i32_0 = arith.constant 0 : i32
    return %c0_i32 : i32
  }
  func.func @transform_5(%arg0: i32, %arg1: i32) -> (i32, i32) {
    %c0_i32 = arith.constant 0 : i32
    %c0_i32_0 = arith.constant 0 : i32
    %c0_i32_1 = arith.constant 0 : i32
    return %c0_i32, %c0_i32_0 : i32, i32
  }
  func.func @transform_6(%arg0: i32, %arg1: i32) -> (i32, i32, i32) {
    %c0_i32 = arith.constant 0 : i32
    %c0_i32_0 = arith.constant 0 : i32
    %c0_i32_1 = arith.constant 0 : i32
    return %c0_i32, %arg1, %c0_i32_0 : i32, i32, i32
  }
}

module attributes {stable_mosaic.version = 14 : i64} {
  func.func @_final_body(%arg0: i32, %arg1: memref<2x1000x128xf32, #tpu.memory_space<vmem>>, %arg2: memref<1000x1xf32, #tpu.memory_space<vmem>>, %arg3: memref<256xf32, #tpu.memory_space<vmem>>, %arg4: memref<1000x256xf32, #tpu.memory_space<vmem>>, %arg5: memref<256x256xf32, #tpu.memory_space<vmem>>, %arg6: memref<256xf32, #tpu.memory_space<vmem>>, %arg7: memref<1000x256xf32, #tpu.memory_space<vmem>>) attributes {dimension_semantics = [#tpu.dimension_semantics<arbitrary>], iteration_bounds = array<i64: 10>, scalar_prefetch = 0 : i64, scratch_operands = 0 : i64, tpu.core_type = #tpu.core_type<tc>, window_params = [{transform_indices = @transform_0, window_bounds = array<i64: 2, 1000, 128>}, {transform_indices = @transform_1, window_bounds = array<i64: 1000, 1>}, {pipeline_mode = #tpu.pipeline_mode<synchronous>, transform_indices = @transform_2, window_bounds = array<i64: 256>}, {transform_indices = @transform_3, window_bounds = array<i64: 1000, 256>}, {pipeline_mode = #tpu.pipeline_mode<synchronous>, transform_indices = @transform_4, window_bounds = array<i64: 256, 256>}, {pipeline_mode = #tpu.pipeline_mode<synchronous>, transform_indices = @transform_5, window_bounds = array<i64: 256>}, {transform_indices = @transform_6, window_bounds = array<i64: 1000, 256>}]} {
    %get3A = arith.constant 0 : index
    %get3A_0 = arith.constant 0 : index
    %get3A_1 = arith.constant 0 : index
    %get3A_2 = vector.load %arg1[%get3A, %get3A_0, %get3A_1] : memref<2x1000x128xf32, #tpu.memory_space<vmem>>, vector<1x1000x128xf32>
    %get3A_3 = vector.shape_cast %get3A_2 : vector<1x1000x128xf32> to vector<1000x128xf32>
    %get3A_4 = arith.constant 1 : index
    %get3A_5 = arith.constant 0 : index
    %get3A_6 = arith.constant 0 : index
    %get3A_7 = vector.load %arg1[%get3A_4, %get3A_5, %get3A_6] : memref<2x1000x128xf32, #tpu.memory_space<vmem>>, vector<1x1000x128xf32>
    %get3A_8 = vector.shape_cast %get3A_7 : vector<1x1000x128xf32> to vector<1000x128xf32>
    %concatenate3A = tpu.concatenate %get3A_3, %get3A_8 in 1 : vector<1000x128xf32>, vector<1000x128xf32> -> vector<1000x256xf32>
    %get3A_9 = arith.constant 0 : index
    %get3A_10 = arith.constant 0 : index
    %get3A_11 = vector.load %arg2[%get3A_9, %get3A_10] : memref<1000x1xf32, #tpu.memory_space<vmem>>, vector<1000x1xf32>
    %mul3A = vector.broadcast %get3A_11 : vector<1000x1xf32> to vector<1000x256xf32>
    %mul3A_12 = arith.mulf %concatenate3A, %mul3A : vector<1000x256xf32>
    %get3A_13 = arith.constant 0 : index
    %get3A_14 = vector.load %arg3[%get3A_13] : memref<256xf32, #tpu.memory_space<vmem>>, vector<256xf32>
    %broadcast_in_dim3A = vector.shape_cast %get3A_14 : vector<256xf32> to vector<1x256xf32>
    %add3A = vector.broadcast %broadcast_in_dim3A : vector<1x256xf32> to vector<1000x256xf32>
    %add3A_15 = arith.addf %mul3A_12, %add3A : vector<1000x256xf32>
    %max3A = arith.constant 0.000000e+00 : f32
    %max3A_16 = vector.broadcast %max3A : f32 to vector<1000x256xf32>
    %max3A_17 = arith.maximumf %add3A_15, %max3A_16 : vector<1000x256xf32>
    %get3A_18 = arith.constant 0 : index
    %get3A_19 = arith.constant 0 : index
    %get3A_20 = vector.load %arg4[%get3A_18, %get3A_19] : memref<1000x256xf32, #tpu.memory_space<vmem>>, vector<1000x256xf32>
    %get3A_21 = arith.constant 0 : index
    %get3A_22 = arith.constant 0 : index
    %get3A_23 = vector.load %arg5[%get3A_21, %get3A_22] : memref<256x256xf32, #tpu.memory_space<vmem>>, vector<256x256xf32>
    %dot_general3A = arith.constant dense<0.000000e+00> : vector<1000x256xf32>
    %dot_general3A_24 = tpu.matmul %get3A_20, %get3A_23, %dot_general3A {dimension_numbers = #tpu.dot_dimension_numbers<[1], [0], [0], [1], [0, 0, 1, 1], [], []>, transpose_lhs_hint = false} : vector<1000x256xf32>, vector<256x256xf32>, vector<1000x256xf32> -> vector<1000x256xf32>
    %get3A_25 = arith.constant 0 : index
    %get3A_26 = vector.load %arg6[%get3A_25] : memref<256xf32, #tpu.memory_space<vmem>>, vector<256xf32>
    %broadcast_in_dim3A_27 = vector.shape_cast %get3A_26 : vector<256xf32> to vector<1x256xf32>
    %add3A_28 = vector.broadcast %broadcast_in_dim3A_27 : vector<1x256xf32> to vector<1000x256xf32>
    %add3A_29 = arith.addf %dot_general3A_24, %add3A_28 : vector<1000x256xf32>
    %add3A_30 = arith.addf %max3A_17, %add3A_29 : vector<1000x256xf32>
    %max3A_31 = arith.constant 0.000000e+00 : f32
    %max3A_32 = vector.broadcast %max3A_31 : f32 to vector<1000x256xf32>
    %max3A_33 = arith.maximumf %add3A_30, %max3A_32 : vector<1000x256xf32>
    %swap3A = arith.constant 0 : index
    %swap3A_34 = arith.constant 0 : index
    %swap3A_35 = vector.load %arg7[%swap3A, %swap3A_34] : memref<1000x256xf32, #tpu.memory_space<vmem>>, vector<1000x256xf32>
    tpu.vector_store %arg7[%swap3A, %swap3A_34], %max3A_33 {strides = array<i32>} : memref<1000x256xf32, #tpu.memory_space<vmem>>, vector<1000x256xf32>,
    return
  }
  func.func @transform_0(%arg0: i32) -> (i32, i32, i32) {
    %c0_i32 = arith.constant 0 : i32
    %c0_i32_0 = arith.constant 0 : i32
    %c0_i32_1 = arith.constant 0 : i32
    return %c0_i32, %arg0, %c0_i32_0 : i32, i32, i32
  }
  func.func @transform_1(%arg0: i32) -> (i32, i32) {
    %c0_i32 = arith.constant 0 : i32
    %c0_i32_0 = arith.constant 0 : i32
    return %arg0, %c0_i32 : i32, i32
  }
  func.func @transform_2(%arg0: i32) -> i32 {
    %c0_i32 = arith.constant 0 : i32
    %c0_i32_0 = arith.constant 0 : i32
    return %c0_i32 : i32
  }
  func.func @transform_3(%arg0: i32) -> (i32, i32) {
    %c0_i32 = arith.constant 0 : i32
    %c0_i32_0 = arith.constant 0 : i32
    return %arg0, %c0_i32 : i32, i32
  }
  func.func @transform_4(%arg0: i32) -> (i32, i32) {
    %c0_i32 = arith.constant 0 : i32
    %c0_i32_0 = arith.constant 0 : i32
    %c0_i32_1 = arith.constant 0 : i32
    return %c0_i32, %c0_i32_0 : i32, i32
  }
  func.func @transform_5(%arg0: i32) -> i32 {
    %c0_i32 = arith.constant 0 : i32
    %c0_i32_0 = arith.constant 0 : i32
    return %c0_i32 : i32
  }
  func.func @transform_6(%arg0: i32) -> (i32, i32) {
    %c0_i32 = arith.constant 0 : i32
    %c0_i32_0 = arith.constant 0 : i32
    return %arg0, %c0_i32 : i32, i32
  }
}

</mosaic_0001>

<sc_bundles>
// kernel: kernel.12.cloned.1.call-start
scs
__scs_entry_jumppad:
0x0: {  	(pc) =	sbr.rel $0x88, $3  }
0x1: {  	(tag) =	ssettag $0x0;
	lr =	simm.s32 $0x1  }
0x2: {  	[smem:$0x3F97] =	sst lr;
	_ =	strace $0xD0000000  }
0x3: {  	_ = 	snop  }
0x4: {  	_ = 	snop  }
0x5: {  	_ = 	snop  }
0x6: {  	_ = 	snop  }
0x7: {  	_ = 	snop  }
__scs_overlays_trampoline_lowered:
0x8: {  	[smem:$0x3FA6] =	sst s0  }
0x9: {  	[smem:$0x3FA7] =	sst s1  }
0xa: {  	[smem:$0x3FA8] =	sst s2  }
0xb: {  	[smem:$0x3FA9] =	sst s3  }
0xc: {  	[smem:$0x3FAA] =	sst s4  }
0xd: {  	[smem:$0x3FAB] =	sst s5  }
0xe: {  	[smem:$0x3FAC] =	sst s6  }
0xf: {  	[smem:$0x3FAD] =	sst s7  }
0x10: {  	[smem:$0x3FAE] =	sst s8  }
0x11: {  	[smem:$0x3FAF] =	sst s9;
	s0 =	simm.s32 @!p0 $0x0  }
0x12: {  	s1 =	sld [smem:$0x3F95];
	s0 =	simm.s32 @p0 $0x1  }
0x13: {  	[smem:$0x3FB0] =	sst s0;
	s0 =	simm.s32 @!p1 $0x0  }
0x14: {  	s2 =	sld [smem:$0x3F94];
	s0 =	simm.s32 @p1 $0x1  }
0x15: {  	[smem:$0x3FB1] =	sst s0;
	s0 =	simm.s32 @!p2 $0x0  }
0x16: {  	s3 =	sld [smem:$0x3FDB];
	s0 =	simm.s32 @p2 $0x1  }
0x17: {  	s4 =	simm.s32 $0x1BF5;
	[smem:$0x3FB3] =	sst s0  }
0x18: {  	s0 =	sld [smem:$0x3F96];
	_ =	swait.ge [sflag:s4], $0x0  }
0x19: {  	s7 =	sld [smem:$0x3F97]  }
0x1a: {  	s8 =	sadd.s32 $0xFFFFE003, lr  }
0x1b: {  	s9 =	sadd.s32 $0xFFFFFEF7, lr;
	s5 =	simm.s32 $0xFFFFFFFF;
	p2 =	slt.u32 s8, $0xFFFFF086  }
0x1c: {  	p1 =	slt.u32 s9, $0xF7A;
	s5 =	simm.s32 @!p2 $0x0  }
0x1d: {  	s5 =	simm.s32 @p1 $0x1;
	p0 =	seq.s32 s7, s2  }
0x1e: {  	s7 =	smul.u32 @!p0 $0xF7A, s2;
	p2 =	seq.s32 @!p0 s5, $0x0  }
0x1f: {  	s9 =	smul.u32 $0xF7A, s1;
	s8 =	simm.s32 @!p0 $0x1BF5;
	p2 =	por !p2, p0  }
0x20: {  	[sflag:s8] =	ssyncset.s32 @!p0 $0xFFFFF086;
	s6 =	sadd.s32 @!p0 s3, s7;
	s7 =	simm.s32 @!p0 $0x108  }
0x21: {  	s3 =	sadd.s32 s3, s9;
	s6 =	sadd.s32 @!p0 $0x88, s6;
	s7 =	simm.s32 @p2 $0x1082  }
0x22: {  	[simem:s7], [sflag:s8] =	dma.local @!p0 [hbm:s6], $0xF7A  }
0x23: {  	s9 =	sor.u32 $0xD0000000, s2;
	s6 =	simm.s32 $0x108;
	_ =	swait.ge @!p0 [sflag:s8], $0x0  }
0x24: {  	s3 =	sadd.s32 $0x88, s3;
	s6 =	simm.s32 @!p1 $0x1082;
	[sflag:s4] =	ssyncset.s32 $0xFFFFF086  }
0x25: {  	[simem:s6], [sflag:s4] =	dma.local [hbm:s3], $0xF7A  }
0x26: {  	[smem:$0x3F97] =	sst s1;
	(tag) =	ssettag s2;
	_ =	strace s9  }
0x27: {  	s1 =	sld [smem:$0x3FA7]  }
0x28: {  	s2 =	sld [smem:$0x3FA8]  }
0x29: {  	s4 =	sld [smem:$0x3FAA]  }
0x2a: {  	p0 =	seq.s32 s5, $0x0;
	s5 =	sld [smem:$0x3FAB]  }
0x2b: {  	s6 =	sld [smem:$0x3FAC]  }
0x2c: {  	s7 =	sld [smem:$0x3FAD]  }
0x2d: {  	s3 =	simm.s32 $0x108;
	s8 =	sld [smem:$0x3FAE]  }
0x2e: {  	s3 =	simm.s32 @!p0 $0x1082;
	s9 =	sld [smem:$0x3FAF]  }
0x2f: {  	lr =	sadd.s32 s0, s3;
	s0 =	sld [smem:$0x3FA6]  }
0x30: {  	s3 =	sld [smem:$0x3FA9]  }
0x31: {  	[smem:$0x3FB2] =	sst s10  }
0x32: {  	s10 =	sld [smem:$0x3FB0];
	_ =	sdelay $0x3  }
0x33: {  	p0 =	seq.s32 s10, $0x1;
	s10 =	sld [smem:$0x3FB2];
	_ =	sdelay $0x3  }
0x34: {  	[smem:$0x3FB2] =	sst s10  }
0x35: {  	s10 =	sld [smem:$0x3FB1];
	_ =	sdelay $0x3  }
0x36: {  	p1 =	seq.s32 s10, $0x1;
	s10 =	sld [smem:$0x3FB2];
	_ =	sdelay $0x3  }
0x37: {  	[smem:$0x3FB2] =	sst s10  }
0x38: {  	s10 =	sld [smem:$0x3FB3]  }
0x39: {  	_ = 	snop;
	(pc) =	sbr.ind lr, $3  }
0x3a: {  	_ = 	snop  }
0x3b: {  	_ = 	snop  }
0x3c: {  	p2 =	seq.s32 s10, $0x1;
	s10 =	sld [smem:$0x3FB2]  }
0x3d: {  	_ =	shalt  }
0x3e: {  	_ =	shalt  }
0x3f: {  	_ =	shalt  }
0x40: {  	_ =	shalt  }
0x41: {  	_ =	shalt  }
0x42: {  	_ =	shalt  }
0x43: {  	_ =	shalt  }
0x44: {  	_ =	shalt  }
0x45: {  	_ =	shalt  }
0x46: {  	_ =	shalt  }
0x47: {  	_ =	shalt  }
0x48: {  	_ =	shalt  }
0x49: {  	_ =	shalt  }
0x4a: {  	_ =	shalt  }
0x4b: {  	_ =	shalt  }
0x4c: {  	_ =	shalt  }
0x4d: {  	_ =	shalt  }
0x4e: {  	_ =	shalt  }
0x4f: {  	_ =	shalt  }
0x50: {  	_ =	shalt  }
0x51: {  	_ =	shalt  }
0x52: {  	_ =	shalt  }
0x53: {  	_ =	shalt  }
0x54: {  	_ =	shalt  }
0x55: {  	_ =	shalt  }
0x56: {  	_ =	shalt  }
0x57: {  	_ =	shalt  }
0x58: {  	_ =	shalt  }
0x59: {  	_ =	shalt  }
0x5a: {  	_ =	shalt  }
0x5b: {  	_ =	shalt  }
0x5c: {  	_ =	shalt  }
0x5d: {  	_ =	shalt  }
0x5e: {  	_ =	shalt  }
0x5f: {  	_ =	shalt  }
0x60: {  	_ =	shalt  }
0x61: {  	_ =	shalt  }
0x62: {  	_ =	shalt  }
0x63: {  	_ =	shalt  }
0x64: {  	_ =	shalt  }
0x65: {  	_ =	shalt  }
0x66: {  	_ =	shalt  }
0x67: {  	_ =	shalt  }
0x68: {  	_ =	shalt  }
0x69: {  	_ =	shalt  }
0x6a: {  	_ =	shalt  }
0x6b: {  	_ =	shalt  }
0x6c: {  	_ =	shalt  }
0x6d: {  	_ =	shalt  }
0x6e: {  	_ =	shalt  }
0x6f: {  	_ =	shalt  }
0x70: {  	_ =	shalt  }
0x71: {  	_ =	shalt  }
0x72: {  	_ =	shalt  }
0x73: {  	_ =	shalt  }
0x74: {  	_ =	shalt  }
0x75: {  	_ =	shalt  }
0x76: {  	_ =	shalt  }
0x77: {  	_ =	shalt  }
0x78: {  	_ =	shalt  }
0x79: {  	_ =	shalt  }
0x7a: {  	_ =	shalt  }
0x7b: {  	_ =	shalt  }
0x7c: {  	_ =	shalt  }
0x7d: {  	_ =	shalt  }
0x7e: {  	_ =	shalt  }
0x7f: {  	_ =	shalt  }
0x80: {  	_ =	shalt  }
0x81: {  	_ =	shalt  }
0x82: {  	_ =	shalt  }
0x83: {  	_ =	shalt  }
0x84: {  	_ =	shalt  }
0x85: {  	_ =	shalt  }
0x86: {  	_ =	shalt  }
0x87: {  	_ =	shalt  }
.Lfunc_end0:
.L_simem_size_0:
called_computation.1_lowered:
.L_overlay_start_0:
0x88: {  	s2 =	sld [smem:$0x3FD9]  }
0x89: {  	s3 =	sld [smem:$0x3FFE];
	_ =	sdelay $0x1  }
0x8a: {  	s1 =	srdreg.scid  }
0x8b: {  	s0 =	sand.u32 $0x1, s1  }
0x8c: {  	s17 =	sshll.u32 s0, $0xA;
	s2 =	sadd.s32 s3, s2  }
0x8d: {  	s2 =	sadd.s32 s2, s17  }
0x8e: {  	[smem:$0x3FBE] =	sst s2  }
0x8f: {  	_ = 	snop  }
0x90: {  	s2 =	sld [smem:$0x3FD0];
	(tm) =	ssettm $0x1  }
0x91: {  	s18 =	sld [smem:$0x3FFB];
	_ =	sdelay $0x3  }
0x92: {  	_ =	strace s18  }
0x93: {  	s3 =	sld [smem:$0x3FFC];
	_ =	sdelay $0x3  }
0x94: {  	_ =	strace s3  }
0x95: {  	s3 =	sld [smem:$0x3FFD];
	_ =	sdelay $0x3  }
0x96: {  	_ =	strace s3  }
0x97: {  	_ =	strace $0x8FFFFFFF  }
0x98: {  	s19 =	sld [smem:$0x3FDB];
	_ =	sdelay $0x1  }
0x99: {  	s4 =	simm.s32 $_scs_section_size  }
0x9a: {  	s5 =	simm.s32 $_size__tile_overlayer_lowered;
	s6 =	simm.s32 $_tile_overlayer_lowered  }
0x9b: {  	s22 =	simm.s32 $0x1BFF;
	s21 =	sshll.u32 s6, $0x1;
	s3 =	sadd.s32 s4, s19  }
0x9c: {  	s7 =	simm.s32 $0x0;
	s20 =	sshll.u32 s5, $0x1;
	s5 =	sadd.s32 s21, s3  }
0x9d: {  	[timem:s7], [sflag:s22] =	dma.local [hbm:s5], s20  }
0x9e: {  	_ =	swait.ge [sflag:s22], s20  }
0x9f: {  	s4 =	ssub.s32 $0x0, s20;
	[sflag:s22] =	ssyncset.done $0x0  }
0xa0: {  	[sflag:s22] =	ssyncadd.s32 s4;
	_ =	sdelay $0x1  }
0xa1: {  	s23 =	simm.s32 $0x1B8B  }
0xa2: {  	_ =	swait.ge [sflag:s23], $0x1  }
0xa3: {  	[sflag:s23] =	ssyncset.done $0x0  }
0xa4: {  	s25 =	simm.s32 $0x1B8E;
	s24 =	sld [smem:$0x3FFE];
	[sflag:s23] =	ssyncadd.s32 $0xFFFFFFFF  }
0xa5: {  	s26 =	simm.s32 $execute0_lowered;
	[smem:$0x3FD2] =	sst s25  }
0xa6: {  	s5 =	sshll.u32 s26, $0x1;
	_ =	strace $0x80000049;
	[dreg:$0x1] =	wrdreg $0xFFFFFFFF  }
0xa7: {  	s28 =	simm.s32 $_size_execute0_lowered;
	s3 =	sadd.s32 s3, s5;
	[dreg:$0x0] =	wrdreg $0x0  }
0xa8: {  	s5 =	sshll.u32 s28, $0x1;
	[dreg:$0x2] =	wrdreg s3  }
0xa9: {  	[dreg:$0x3] =	wrdreg s5  }
0xaa: {  	[dreg:$0x4] =	wrdreg $0xC0  }
0xab: {  	_ =	task [dreg:s7], $0x5FFFF  }
0xac: {  	[dreg:$0x1] =	wrdreg $0xFFFFFFFF  }
0xad: {  	[dreg:$0x0] =	wrdreg $0x60  }
0xae: {  	[dreg:$0x2] =	wrdreg s24  }
0xaf: {  	[dreg:$0x3] =	wrdreg s2  }
0xb0: {  	[dreg:$0x4] =	wrdreg $0x0  }
0xb1: {  	[dreg:$0x5] =	wrdreg $0x9  }
0xb2: {  	_ =	task.clear_ibuf [dreg:s7], $0x6FFFF;
	_ =	strace $0x90000049  }
0xb3: {  	s29 =	simm.s32 $0x9;
	_ =	strace $0x8000004B  }
0xb4: {  	_ =	swait.ge [sflag:s29], $0x1  }
0xb5: {  	[sflag:s29] =	ssyncadd.s32 $0xFFFFFFFF  }
0xb6: {  	_ =	strace $0x9000004B  }
0xb7: {  	_ =	sfence  }
0xb8: {  	s30 =	sld [smem:$0x0];
	_ =	sdelay $0x2  }
0xb9: {  	s31 =	sshll.u32 s1, $0xD;
	s1 =	sshrl.u32 s1, $0x2  }
0xba: {  	s3 =	sand.u32 $0x4000, s31;
	s1 =	sadd.s32 s1, s30  }
0xbb: {  	s0 =	sor.u32 s3, s0;
	s1 =	sshll.u32 s1, $0x11  }
0xbc: {  	s0 =	sor.u32 s1, s0  }
0xbd: {  	s0 =	sadd.s32 $0x8F2B, s0  }
0xbe: {  	[sflag:s0] =	ssyncadd.remote.s32 $0x1  }
0xbf: {  	_ =	sfence.sel $0xFFFF  }
0xc0: {  	[dreg:$0x0] =	wrdreg $0xFFFFFFFF;
	(pc) =	sbr.abs _section_cstart, $3  }
0xc1: {  	[dreg:$0x1] =	wrdreg $0xFFFFFFFF  }
0xc2: {  	_ =	task.clear_ibuf [dreg:s7], $0x2FFFF;
	_ =	strace $0x9FFFFFFF  }
0xc3: {  	(tm) =	ssettm $0x7FFFFFFF  }
tec
execute0_lowered:
.L_overlay_start_1:
0x0: {  	(tag) =	ssettag $0x1  }
0x1: {  	s0 =	rddreg [dreg:$0x0]  }
0x2: {  	s3 =	rddreg [dreg:$0x1]  }
0x3: {  	s1 =	rddreg [dreg:$0x2]  }
0x4: {  	s2 =	simm.s32 $0x0;
	s4 =	srdreg.scid;
	s12 =	stileid.u32  }
0x5: {  	s28 =	simm.s32 $0x5;
	s29 =	simm.s32 $0x14000;
	s6 =	smul.u32 $0x280, s12  }
0x6: {  	s30 =	simm.s32 $0x15400;
	s31 =	simm.s32 $0x80;
	s13 =	smul.u32 $0x2800, s12  }
0x7: {  	[smem:$0x7FF] =	sst s2;
	s4 =	sand.u32 $0x1, s4;
	s8 =	smul.u32 $0x50000, s12  }
0x8: {  	s7 =	sadd.s32 $0x7400, s0;
	s5 =	smul.u32 $0x28000, s4;
	s4 =	ssub.s32 $0x2, s4  }
0x9: {  	s25 =	smul.u32 $0x500, s12;
	_ =	strace $0x8000004A;
	s20 =	sshrl.u32 s4, $0x1  }
0xa: {  	s9 =	sadd.s32 $0x80, s6;
	s8 =	sshrl.u32 s8, $0x2;
	s22 =	sadd.s32 $0x100, s6  }
0xb: {  	s11 =	sadd.s32 $0x180, s6;
	s6 =	sadd.s32 $0x200, s6;
	[dreg:$0x4] =	wrdreg s13  }
0xc: {  	s26 =	sshrl.u32 s13, $0x3;
	s12 =	sadd.s32 s7, s25;
	s0 =	sadd.s32 s5, s0  }
0xd: {  	s4 =	ssub.s32 s4, s20;
	s21 =	sshll.u32 s9, $0x4;
	s8 =	sadd.s32 s8, s1  }
0xe: {  	s9 =	sshll.u32 s9, $0x7;
	s14 =	sshll.u32 s22, $0x4;
	[dreg:$0xc] =	wrdreg s12  }
0xf: {  	s15 =	sshll.u32 s11, $0x4;
	s24 =	sshll.u32 s11, $0x7;
	[dreg:$0x6] =	wrdreg s21  }
0x10: {  	s17 =	sshll.u32 s6, $0x4;
	s6 =	sshll.u32 s6, $0x7;
	[dreg:$0x8] =	wrdreg s14  }
0x11: {  	s11 =	sadd.s32 s3, s25;
	s5 =	sadd.s32 $0xC400, s0;
	[dreg:$0x9] =	wrdreg s15  }
0x12: {  	s16 =	sadd.s32 s24, s1;
	[dreg:$0xd] =	wrdreg s11;
	s24 =	sadd.s32 $0x5C400, s0  }
0x13: {  	s25 =	smax.u32 s4, $0x1;
	s0 =	simm.s32 $0x14080;
	s4 =	simm.s32 $0x16700  }
0x14: {  	s11 =	simm.s32 $0x0;
	s10 =	sadd.s32 s13, s5;
	s14 =	sadd.s32 s14, s5  }
0x15: {  	s23 =	sadd.s32 s15, s5;
	s13 =	simm.s32 $0x4;
	[dreg:$0x5] =	wrdreg s10  }
0x16: {  	s15 =	simm.s32 $0x16780;
	s10 =	sadd.s32 s21, s5;
	[dreg:$0xa] =	wrdreg s14  }
0x17: {  	[dreg:$0xb] =	wrdreg s23;
	s23 =	sadd.s32 s6, s1;
	s6 =	simm.s32 $0x1  }
0x18: {  	[dreg:$0x7] =	wrdreg s10;
	s10 =	sadd.s32 s9, s1;
	s9 =	sshll.u32 s22, $0x7  }
0x19: {  	s22 =	sadd.s32 s17, s5;
	s14 =	sadd.s32 s9, s1;
	s9 =	sadd.s32 $0x280, s26  }
0x1a: {  	s26 =	simm.s32 $0x16800;
	s20 =	sadd.s32 s7, s9;
	s21 =	sadd.s32 s3, s9  }
0x1b: {  	s3 =	simm.s32 $0x1A800;
	s9 =	simm.s32 $0x2;
	s7 =	simm.s32 $0x3  }
.LBB2_1:
0x1c: {  	s12 =	rddreg [dreg:$0x5]  }
0x1d: {  	[tilespmem:s26], [sflag:$0x5] =	stream.linear.gather [hbm4b:s12+s2], $0x4000, $0x38;
	[tilespmem:$0x1E800] =	vst v63  }
0x1e: {  	_ =	swait.ge [sflag:s28], $0x4000  }
0x1f: {  	[sflag:s28] =	ssyncset.done $0x0  }
0x20: {  	[sflag:s28] =	ssyncadd.s32 $0xFFFFC000  }
0x21: {  	[spmem:s8] =	stream.linear.scatter [tilespmem:s26], [sflag:$0x5], $0x4000, $0x38;
	[tilespmem:$0x1E800] =	vst v63  }
0x22: {  	_ =	swait.ge [sflag:s28], $0x4000  }
0x23: {  	[sflag:s28] =	ssyncset.done $0x0  }
0x24: {  	s18 =	rddreg [dreg:$0x7];
	[sflag:s28] =	ssyncadd.s32 $0xFFFFC000  }
0x25: {  	[tilespmem:s26], [sflag:$0x5] =	stream.linear.gather [hbm4b:s18+s2], $0x4000, $0x38;
	[tilespmem:$0x1E800] =	vst v63  }
0x26: {  	_ =	swait.ge [sflag:s28], $0x4000  }
0x27: {  	[sflag:s28] =	ssyncset.done $0x0  }
0x28: {  	[sflag:s28] =	ssyncadd.s32 $0xFFFFC000  }
0x29: {  	[spmem:s10] =	stream.linear.scatter [tilespmem:s26], [sflag:$0x5], $0x4000, $0x38;
	[tilespmem:$0x1E800] =	vst v63  }
0x2a: {  	_ =	swait.ge [sflag:s28], $0x4000  }
0x2b: {  	[sflag:s28] =	ssyncset.done $0x0  }
0x2c: {  	s19 =	rddreg [dreg:$0xa];
	[sflag:s28] =	ssyncadd.s32 $0xFFFFC000  }
0x2d: {  	[tilespmem:s26], [sflag:$0x5] =	stream.linear.gather [hbm4b:s19+s2], $0x4000, $0x38;
	[tilespmem:$0x1E800] =	vst v63  }
0x2e: {  	_ =	swait.ge [sflag:s28], $0x4000  }
0x2f: {  	[sflag:s28] =	ssyncset.done $0x0  }
0x30: {  	[sflag:s28] =	ssyncadd.s32 $0xFFFFC000  }
0x31: {  	[spmem:s14] =	stream.linear.scatter [tilespmem:s26], [sflag:$0x5], $0x4000, $0x38;
	[tilespmem:$0x1E800] =	vst v63  }
0x32: {  	_ =	swait.ge [sflag:s28], $0x4000  }
0x33: {  	[sflag:s28] =	ssyncset.done $0x0  }
0x34: {  	s18 =	rddreg [dreg:$0xb];
	[sflag:s28] =	ssyncadd.s32 $0xFFFFC000  }
0x35: {  	[tilespmem:s26], [sflag:$0x5] =	stream.linear.gather [hbm4b:s18+s2], $0x4000, $0x38;
	[tilespmem:$0x1E800] =	vst v63  }
0x36: {  	_ =	swait.ge [sflag:s28], $0x4000  }
0x37: {  	[sflag:s28] =	ssyncset.done $0x0  }
0x38: {  	[sflag:s28] =	ssyncadd.s32 $0xFFFFC000  }
0x39: {  	[spmem:s16] =	stream.linear.scatter [tilespmem:s26], [sflag:$0x5], $0x4000, $0x38;
	[tilespmem:$0x1E800] =	vst v63  }
0x3a: {  	_ =	swait.ge [sflag:s28], $0x4000  }
0x3b: {  	[sflag:s28] =	ssyncset.done $0x0  }
0x3c: {  	[sflag:s28] =	ssyncadd.s32 $0xFFFFC000  }
0x3d: {  	[tilespmem:s26], [sflag:$0x5] =	stream.linear.gather [hbm4b:s22+s2], $0x4000, $0x38;
	[tilespmem:$0x1E800] =	vst v63  }
0x3e: {  	_ =	swait.ge [sflag:s28], $0x4000  }
0x3f: {  	[sflag:s28] =	ssyncset.done $0x0  }
0x40: {  	[sflag:s28] =	ssyncadd.s32 $0xFFFFC000  }
0x41: {  	[spmem:s23] =	stream.linear.scatter [tilespmem:s26], [sflag:$0x5], $0x4000, $0x38;
	[tilespmem:$0x1E800] =	vst v63  }
0x42: {  	_ =	swait.ge [sflag:s28], $0x4000  }
0x43: {  	[sflag:s28] =	ssyncset.done $0x0  }
0x44: {  	[sflag:s28] =	ssyncadd.s32 $0xFFFFC000  }
0x45: {  	[bflag:$0x0] =	sbarrier.arrive $0xFFFF  }
0x46: {  	s19 =	rddreg [dreg:$0xc]  }
0x47: {  	[tilespmem:s29], [sflag:$0x5] =	stream.linear.gather [hbm4b:s19+s2], $0x1400, $0x38;
	[tilespmem:$0x1E800] =	vst v63  }
0x48: {  	_ =	swait.ge [sflag:s28], $0x1400  }
0x49: {  	[sflag:s28] =	ssyncset.done $0x0  }
0x4a: {  	s18 =	rddreg [dreg:$0xd];
	[sflag:s28] =	ssyncadd.s32 $0xFFFFEC00  }
0x4b: {  	[tilespmem:s30], [sflag:$0x5] =	stream.linear.gather [hbm4b:s18+s2], $0x1400, $0x38;
	[tilespmem:$0x1E800] =	vst v63  }
0x4c: {  	_ =	swait.ge [sflag:s28], $0x1400  }
0x4d: {  	[sflag:s28] =	ssyncset.done $0x0  }
0x4e: {  	[sflag:s28] =	ssyncadd.s32 $0xFFFFEC00  }
0x4f: {  	[tilespmem:s26], [sflag:$0x1] =	stream.indirect.gather [hbm4b:s5+s31], $0x80, s29, s31, $0xb8;
	[tilespmem:$0x1E800] =	vst v63  }
0x50: {  	_ = 	snop  }
0x51: {  	[tilespmem:s3], [sflag:$0x2] =	stream.indirect.gather [hbm4b:s5+s31], $0x80, s0, s31, $0xb8;
	[tilespmem:$0x1E800] =	vst v63  }
0x52: {  	_ =	swait.ge [sflag:s6], $0x4000  }
0x53: {  	[sflag:s6] =	ssyncset.done $0x0  }
0x54: {  	s19 =	simm.s32 $0x15400;
	[sflag:s6] =	ssyncadd.s32 $0xFFFFC000  }
0x55: {  	[spmem:s1] =	stream.indirect.scatter.add.f32 [tilespmem:s26], [sflag:$0x3], $0x80, s19, s31, $0xb8;
	[tilespmem:$0x1E800] =	vst v63  }
0x56: {  	_ =	swait.ge [sflag:s9], $0x4000  }
0x57: {  	[sflag:s9] =	ssyncset.done $0x0  }
0x58: {  	s18 =	simm.s32 $0x15480;
	[sflag:s9] =	ssyncadd.s32 $0xFFFFC000  }
0x59: {  	[spmem:s1] =	stream.indirect.scatter.add.f32 [tilespmem:s3], [sflag:$0x4], $0x80, s18, s31, $0xb8;
	[tilespmem:$0x1E800] =	vst v63  }
0x5a: {  	_ =	swait.ge [sflag:s7], $0x4000  }
0x5b: {  	[sflag:s7] =	ssyncset.done $0x0  }
0x5c: {  	s19 =	simm.s32 $0x14100;
	[sflag:s7] =	ssyncadd.s32 $0xFFFFC000  }
0x5d: {  	[tilespmem:s26], [sflag:$0x1] =	stream.indirect.gather [hbm4b:s5+s31], $0x80, s19, s31, $0xb8;
	[tilespmem:$0x1E800] =	vst v63  }
0x5e: {  	_ =	swait.ge [sflag:s13], $0x4000  }
0x5f: {  	[sflag:s13] =	ssyncset.done $0x0  }
0x60: {  	s12 =	simm.s32 $0x400;
	s18 =	simm.s32 $0x14180;
	[sflag:s13] =	ssyncadd.s32 $0xFFFFC000  }
.LBB2_2:
0x61: {  	[tilespmem:s3], [sflag:$0x2] =	stream.indirect.gather [hbm4b:s5+s31], $0x80, s18, s31, $0xb8;
	[tilespmem:$0x1E800] =	vst v63  }
0x62: {  	s18 =	smov.u32 s12  }
0x63: {  	p0 =	sne.s32 s12, $0x4800;
	s12 =	sadd.s32 $0x400, s12;
	_ =	swait.ge [sflag:s6], $0x4000  }
0x64: {  	s18 =	sshra.s32 s18, $0x2;
	[sflag:s6] =	ssyncset.done $0x0  }
0x65: {  	s19 =	sadd.s32 $0x15400, s18;
	[sflag:s6] =	ssyncadd.s32 $0xFFFFC000  }
0x66: {  	[spmem:s1] =	stream.indirect.scatter.add.f32 [tilespmem:s26], [sflag:$0x3], $0x80, s19, s31, $0xb8;
	[tilespmem:$0x1E800] =	vst v63  }
0x67: {  	_ =	swait.ge [sflag:s9], $0x4000  }
0x68: {  	[sflag:s9] =	ssyncset.done $0x0  }
0x69: {  	s19 =	sadd.s32 $0x15480, s18;
	[sflag:s9] =	ssyncadd.s32 $0xFFFFC000  }
0x6a: {  	[spmem:s1] =	stream.indirect.scatter.add.f32 [tilespmem:s3], [sflag:$0x4], $0x80, s19, s31, $0xb8;
	[tilespmem:$0x1E800] =	vst v63  }
0x6b: {  	_ =	swait.ge [sflag:s7], $0x4000  }
0x6c: {  	[sflag:s7] =	ssyncset.done $0x0  }
.Ltmp0:
0x6d: {  	s19 =	sadd.s32 $0x14100, s18;
	[sflag:s7] =	ssyncadd.s32 $0xFFFFC000;
	(pc) =	sbr.rel @p0 .LBB2_2-.Ltmp0, $4  }
0x6e: {  	[tilespmem:s26], [sflag:$0x1] =	stream.indirect.gather [hbm4b:s5+s31], $0x80, s19, s31, $0xb8;
	[tilespmem:$0x1E800] =	vst v63  }
0x6f: {  	_ =	swait.ge [sflag:s13], $0x4000  }
0x70: {  	[sflag:s13] =	ssyncset.done $0x0  }
0x71: {  	s18 =	sadd.s32 $0x14180, s18;
	[sflag:s13] =	ssyncadd.s32 $0xFFFFC000  }
0x72: {  	[tilespmem:s3], [sflag:$0x2] =	stream.indirect.gather [hbm4b:s5+s31], $0x80, s18, s31, $0xb8;
	[tilespmem:$0x1E800] =	vst v63  }
0x73: {  	_ =	swait.ge [sflag:s6], $0x4000  }
0x74: {  	[sflag:s6] =	ssyncset.done $0x0  }
0x75: {  	[sflag:s6] =	ssyncadd.s32 $0xFFFFC000  }
0x76: {  	[spmem:s1] =	stream.indirect.scatter.add.f32 [tilespmem:s26], [sflag:$0x3], $0x80, s4, s31, $0xb8;
	[tilespmem:$0x1E800] =	vst v63  }
0x77: {  	_ =	swait.ge [sflag:s9], $0x4000  }
0x78: {  	[sflag:s9] =	ssyncset.done $0x0  }
0x79: {  	[sflag:s9] =	ssyncadd.s32 $0xFFFFC000  }
0x7a: {  	[spmem:s1] =	stream.indirect.scatter.add.f32 [tilespmem:s3], [sflag:$0x4], $0x80, s15, s31, $0xb8;
	[tilespmem:$0x1E800] =	vst v63  }
0x7b: {  	_ =	swait.ge [sflag:s7], $0x4000  }
0x7c: {  	[sflag:s7] =	ssyncset.done $0x0  }
0x7d: {  	[sflag:s7] =	ssyncadd.s32 $0xFFFFC000  }
0x7e: {  	_ =	swait.ge [sflag:s13], $0x4000  }
0x7f: {  	[sflag:s13] =	ssyncset.done $0x0  }
0x80: {  	s12 =	simm.s32 $0x0;
	[sflag:s13] =	ssyncadd.s32 $0xFFFFC000  }
0x81: {  	[tilespmem:s29], [sflag:$0x5] =	stream.linear.gather [hbm4b:s20+s12], $0x1400, $0x38;
	[tilespmem:$0x1E800] =	vst v63  }
0x82: {  	_ =	swait.ge [sflag:s28], $0x1400  }
0x83: {  	[sflag:s28] =	ssyncset.done $0x0  }
0x84: {  	[sflag:s28] =	ssyncadd.s32 $0xFFFFEC00  }
0x85: {  	[tilespmem:s30], [sflag:$0x5] =	stream.linear.gather [hbm4b:s21+s12], $0x1400, $0x38;
	[tilespmem:$0x1E800] =	vst v63  }
0x86: {  	_ =	swait.ge [sflag:s28], $0x1400  }
0x87: {  	[sflag:s28] =	ssyncset.done $0x0  }
0x88: {  	[sflag:s28] =	ssyncadd.s32 $0xFFFFEC00  }
0x89: {  	[tilespmem:s26], [sflag:$0x1] =	stream.indirect.gather [hbm4b:s5+s31], $0x80, s29, s31, $0xb8;
	[tilespmem:$0x1E800] =	vst v63  }
0x8a: {  	_ = 	snop  }
0x8b: {  	[tilespmem:s3], [sflag:$0x2] =	stream.indirect.gather [hbm4b:s5+s31], $0x80, s0, s31, $0xb8;
	[tilespmem:$0x1E800] =	vst v63  }
0x8c: {  	_ =	swait.ge [sflag:s6], $0x4000  }
0x8d: {  	[sflag:s6] =	ssyncset.done $0x0  }
0x8e: {  	s19 =	simm.s32 $0x15400;
	[sflag:s6] =	ssyncadd.s32 $0xFFFFC000  }
0x8f: {  	[spmem:s1] =	stream.indirect.scatter.add.f32 [tilespmem:s26], [sflag:$0x3], $0x80, s19, s31, $0xb8;
	[tilespmem:$0x1E800] =	vst v63  }
0x90: {  	_ =	swait.ge [sflag:s9], $0x4000  }
0x91: {  	[sflag:s9] =	ssyncset.done $0x0  }
0x92: {  	s18 =	simm.s32 $0x15480;
	[sflag:s9] =	ssyncadd.s32 $0xFFFFC000  }
0x93: {  	[spmem:s1] =	stream.indirect.scatter.add.f32 [tilespmem:s3], [sflag:$0x4], $0x80, s18, s31, $0xb8;
	[tilespmem:$0x1E800] =	vst v63  }
0x94: {  	_ =	swait.ge [sflag:s7], $0x4000  }
0x95: {  	[sflag:s7] =	ssyncset.done $0x0  }
0x96: {  	s19 =	simm.s32 $0x14100;
	[sflag:s7] =	ssyncadd.s32 $0xFFFFC000  }
0x97: {  	[tilespmem:s26], [sflag:$0x1] =	stream.indirect.gather [hbm4b:s5+s31], $0x80, s19, s31, $0xb8;
	[tilespmem:$0x1E800] =	vst v63  }
0x98: {  	_ =	swait.ge [sflag:s13], $0x4000  }
0x99: {  	[sflag:s13] =	ssyncset.done $0x0  }
0x9a: {  	s12 =	simm.s32 $0x400;
	s18 =	simm.s32 $0x14180;
	[sflag:s13] =	ssyncadd.s32 $0xFFFFC000  }
.LBB2_4:
0x9b: {  	[tilespmem:s3], [sflag:$0x2] =	stream.indirect.gather [hbm4b:s5+s31], $0x80, s18, s31, $0xb8;
	[tilespmem:$0x1E800] =	vst v63  }
0x9c: {  	s18 =	smov.u32 s12  }
0x9d: {  	p0 =	sne.s32 s12, $0x4800;
	s12 =	sadd.s32 $0x400, s12;
	_ =	swait.ge [sflag:s6], $0x4000  }
0x9e: {  	s18 =	sshra.s32 s18, $0x2;
	[sflag:s6] =	ssyncset.done $0x0  }
0x9f: {  	s19 =	sadd.s32 $0x15400, s18;
	[sflag:s6] =	ssyncadd.s32 $0xFFFFC000  }
0xa0: {  	[spmem:s1] =	stream.indirect.scatter.add.f32 [tilespmem:s26], [sflag:$0x3], $0x80, s19, s31, $0xb8;
	[tilespmem:$0x1E800] =	vst v63  }
0xa1: {  	_ =	swait.ge [sflag:s9], $0x4000  }
0xa2: {  	[sflag:s9] =	ssyncset.done $0x0  }
0xa3: {  	s19 =	sadd.s32 $0x15480, s18;
	[sflag:s9] =	ssyncadd.s32 $0xFFFFC000  }
0xa4: {  	[spmem:s1] =	stream.indirect.scatter.add.f32 [tilespmem:s3], [sflag:$0x4], $0x80, s19, s31, $0xb8;
	[tilespmem:$0x1E800] =	vst v63  }
0xa5: {  	_ =	swait.ge [sflag:s7], $0x4000  }
0xa6: {  	[sflag:s7] =	ssyncset.done $0x0  }
.Ltmp1:
0xa7: {  	s19 =	sadd.s32 $0x14100, s18;
	[sflag:s7] =	ssyncadd.s32 $0xFFFFC000;
	(pc) =	sbr.rel @p0 .LBB2_4-.Ltmp1, $4  }
0xa8: {  	[tilespmem:s26], [sflag:$0x1] =	stream.indirect.gather [hbm4b:s5+s31], $0x80, s19, s31, $0xb8;
	[tilespmem:$0x1E800] =	vst v63  }
0xa9: {  	_ =	swait.ge [sflag:s13], $0x4000  }
0xaa: {  	[sflag:s13] =	ssyncset.done $0x0  }
0xab: {  	s18 =	sadd.s32 $0x14180, s18;
	[sflag:s13] =	ssyncadd.s32 $0xFFFFC000  }
0xac: {  	[tilespmem:s3], [sflag:$0x2] =	stream.indirect.gather [hbm4b:s5+s31], $0x80, s18, s31, $0xb8;
	[tilespmem:$0x1E800] =	vst v63  }
0xad: {  	_ =	swait.ge [sflag:s6], $0x4000  }
0xae: {  	[sflag:s6] =	ssyncset.done $0x0  }
0xaf: {  	[sflag:s6] =	ssyncadd.s32 $0xFFFFC000  }
0xb0: {  	[spmem:s1] =	stream.indirect.scatter.add.f32 [tilespmem:s26], [sflag:$0x3], $0x80, s4, s31, $0xb8;
	[tilespmem:$0x1E800] =	vst v63  }
0xb1: {  	_ =	swait.ge [sflag:s9], $0x4000  }
0xb2: {  	[sflag:s9] =	ssyncset.done $0x0  }
0xb3: {  	[sflag:s9] =	ssyncadd.s32 $0xFFFFC000  }
0xb4: {  	[spmem:s1] =	stream.indirect.scatter.add.f32 [tilespmem:s3], [sflag:$0x4], $0x80, s15, s31, $0xb8;
	[tilespmem:$0x1E800] =	vst v63  }
0xb5: {  	_ =	swait.ge [sflag:s7], $0x4000  }
0xb6: {  	[sflag:s7] =	ssyncset.done $0x0  }
0xb7: {  	[sflag:s7] =	ssyncadd.s32 $0xFFFFC000  }
0xb8: {  	_ =	swait.ge [sflag:s13], $0x4000  }
0xb9: {  	[sflag:s13] =	ssyncset.done $0x0  }
0xba: {  	[sflag:s13] =	ssyncadd.s32 $0xFFFFC000  }
0xbb: {  	[bflag:$0x0] =	sbarrier.arrive $0xFFFF  }
0xbc: {  	[tilespmem:s26], [sflag:$0x5] =	stream.linear.gather [spmem:s8], $0x4000, $0x38;
	[tilespmem:$0x1E800] =	vst v63  }
0xbd: {  	_ =	swait.ge [sflag:s28], $0x4000  }
0xbe: {  	[sflag:s28] =	ssyncset.done $0x0;
	s12 =	rddreg [dreg:$0x4]  }
0xbf: {  	[sflag:s28] =	ssyncadd.s32 $0xFFFFC000;
	s12 =	sadd.s32 s12, s24  }
0xc0: {  	[hbm4b:s12+s2] =	stream.linear.scatter [tilespmem:s26], [sflag:$0x5], $0x4000, $0x38;
	[tilespmem:$0x1E800] =	vst v63  }
0xc1: {  	_ =	swait.ge [sflag:s28], $0x4000  }
0xc2: {  	[sflag:s28] =	ssyncset.done $0x0  }
0xc3: {  	[sflag:s28] =	ssyncadd.s32 $0xFFFFC000  }
0xc4: {  	[tilespmem:s26], [sflag:$0x5] =	stream.linear.gather [spmem:s10], $0x4000, $0x38;
	[tilespmem:$0x1E800] =	vst v63  }
0xc5: {  	_ =	swait.ge [sflag:s28], $0x4000  }
0xc6: {  	[sflag:s28] =	ssyncset.done $0x0;
	s18 =	rddreg [dreg:$0x6]  }
0xc7: {  	[sflag:s28] =	ssyncadd.s32 $0xFFFFC000;
	s12 =	sadd.s32 s18, s24  }
0xc8: {  	[hbm4b:s12+s2] =	stream.linear.scatter [tilespmem:s26], [sflag:$0x5], $0x4000, $0x38;
	[tilespmem:$0x1E800] =	vst v63  }
0xc9: {  	_ =	swait.ge [sflag:s28], $0x4000  }
0xca: {  	[sflag:s28] =	ssyncset.done $0x0  }
0xcb: {  	[sflag:s28] =	ssyncadd.s32 $0xFFFFC000  }
0xcc: {  	[tilespmem:s26], [sflag:$0x5] =	stream.linear.gather [spmem:s14], $0x4000, $0x38;
	[tilespmem:$0x1E800] =	vst v63  }
0xcd: {  	_ =	swait.ge [sflag:s28], $0x4000  }
0xce: {  	[sflag:s28] =	ssyncset.done $0x0;
	s19 =	rddreg [dreg:$0x8]  }
0xcf: {  	[sflag:s28] =	ssyncadd.s32 $0xFFFFC000;
	s12 =	sadd.s32 s19, s24  }
0xd0: {  	[hbm4b:s12+s2] =	stream.linear.scatter [tilespmem:s26], [sflag:$0x5], $0x4000, $0x38;
	[tilespmem:$0x1E800] =	vst v63  }
0xd1: {  	_ =	swait.ge [sflag:s28], $0x4000  }
0xd2: {  	[sflag:s28] =	ssyncset.done $0x0  }
0xd3: {  	[sflag:s28] =	ssyncadd.s32 $0xFFFFC000  }
0xd4: {  	[tilespmem:s26], [sflag:$0x5] =	stream.linear.gather [spmem:s16], $0x4000, $0x38;
	[tilespmem:$0x1E800] =	vst v63  }
0xd5: {  	_ =	swait.ge [sflag:s28], $0x4000  }
0xd6: {  	[sflag:s28] =	ssyncset.done $0x0;
	s18 =	rddreg [dreg:$0x9]  }
0xd7: {  	[sflag:s28] =	ssyncadd.s32 $0xFFFFC000;
	s12 =	sadd.s32 s18, s24  }
0xd8: {  	[hbm4b:s12+s2] =	stream.linear.scatter [tilespmem:s26], [sflag:$0x5], $0x4000, $0x38;
	[tilespmem:$0x1E800] =	vst v63  }
0xd9: {  	_ =	swait.ge [sflag:s28], $0x4000  }
0xda: {  	[sflag:s28] =	ssyncset.done $0x0  }
0xdb: {  	[sflag:s28] =	ssyncadd.s32 $0xFFFFC000  }
0xdc: {  	[tilespmem:s26], [sflag:$0x5] =	stream.linear.gather [spmem:s23], $0x4000, $0x38;
	[tilespmem:$0x1E800] =	vst v63  }
0xdd: {  	s11 =	sadd.s32 $0x1, s11;
	_ =	swait.ge [sflag:s28], $0x4000  }
0xde: {  	p0 =	sne.s32 s11, s25;
	[sflag:s28] =	ssyncset.done $0x0  }
.Ltmp2:
0xdf: {  	s19 =	sadd.s32 s17, s24;
	[sflag:s28] =	ssyncadd.s32 $0xFFFFC000;
	(pc) =	sbr.rel @p0 .LBB2_1-.Ltmp2, $4  }
0xe0: {  	[hbm4b:s19+s2] =	stream.linear.scatter [tilespmem:s26], [sflag:$0x5], $0x4000, $0x38;
	[tilespmem:$0x1E800] =	vst v63  }
0xe1: {  	_ =	swait.ge [sflag:s28], $0x4000  }
0xe2: {  	[sflag:s28] =	ssyncset.done $0x0  }
0xe3: {  	[sflag:s28] =	ssyncadd.s32 $0xFFFFC000  }
0xe4: {  	_ =	sfence.sel $0x180000  }
0xe5: {  	[bflag:$0x0] =	sbarrier.arrive $0xFFFF  }
0xe6: {  	_ =	strace $0x9000004A  }
0xe7: {  	s0 =	stileid.u32;
	[bflag:$0x2] =	sbarrier.arrive $0xFFFF  }
0xe8: {  	p0 =	sne.s32 s0, $0x0;
	s0 =	rddreg [dreg:$0x3]  }
0xe9: {  	s0 =	sadd.s32 @!p0 $0x100000, s0  }
0xea: {  	[sflag:s0] =	ssyncadd.tile.s32 @!p0 $0x1;
	_ =	shalt  }
.Lfunc_end2:
_tile_overlayer_lowered:
.L_overlay_start_2:
0xeb: {  	(tag) =	ssettag $0x2  }
0xec: {  	s0 =	rddreg [dreg:$0x0];
	s2 =	stileid.u32  }
0xed: {  	s1 =	rddreg [dreg:$0x1];
	p0 =	sne.s32 s2, $0x0  }
0xee: {  	s3 =	rddreg [dreg:$0x2];
	[bflag:$0x3] =	sbarrier.arrive $0xFFFF;
	s2 =	simm.s32 @!p0 $0x1C05  }
0xef: {  	[timem:s3], [sflag:s2] =	dma.local @!p0 [hbm:s0], s1  }
0xf0: {  	s0 =	simm.s32 @!p0 $0x5  }
0xf1: {  	_ =	swait.ge @!p0 [sflag:s0], s1  }
0xf2: {  	s1 =	ssub.s32 @!p0 $0x0, s1;
	[sflag:s0] =	ssyncset.done @!p0 $0x0  }
0xf3: {  	[sflag:s0] =	ssyncadd.s32 @!p0 s1  }
0xf4: {  	[bflag:$0x3] =	sbarrier.arrive $0xFFFF  }
0xf5: {  	_ =	shalt  }

// kernel: kernel.15.cloned.1.call-start
scs
__scs_entry_jumppad:
0x0: {  	(pc) =	sbr.rel $0x88, $3  }
0x1: {  	(tag) =	ssettag $0x0;
	lr =	simm.s32 $0x1  }
0x2: {  	[smem:$0x3F97] =	sst lr;
	_ =	strace $0xD0000000  }
0x3: {  	_ = 	snop  }
0x4: {  	_ = 	snop  }
0x5: {  	_ = 	snop  }
0x6: {  	_ = 	snop  }
0x7: {  	_ = 	snop  }
__scs_overlays_trampoline_lowered:
0x8: {  	[smem:$0x3FA6] =	sst s0  }
0x9: {  	[smem:$0x3FA7] =	sst s1  }
0xa: {  	[smem:$0x3FA8] =	sst s2  }
0xb: {  	[smem:$0x3FA9] =	sst s3  }
0xc: {  	[smem:$0x3FAA] =	sst s4  }
0xd: {  	[smem:$0x3FAB] =	sst s5  }
0xe: {  	[smem:$0x3FAC] =	sst s6  }
0xf: {  	[smem:$0x3FAD] =	sst s7  }
0x10: {  	[smem:$0x3FAE] =	sst s8  }
0x11: {  	[smem:$0x3FAF] =	sst s9;
	s0 =	simm.s32 @!p0 $0x0  }
0x12: {  	s1 =	sld [smem:$0x3F95];
	s0 =	simm.s32 @p0 $0x1  }
0x13: {  	[smem:$0x3FB0] =	sst s0;
	s0 =	simm.s32 @!p1 $0x0  }
0x14: {  	s2 =	sld [smem:$0x3F94];
	s0 =	simm.s32 @p1 $0x1  }
0x15: {  	[smem:$0x3FB1] =	sst s0;
	s0 =	simm.s32 @!p2 $0x0  }
0x16: {  	s3 =	sld [smem:$0x3FDB];
	s0 =	simm.s32 @p2 $0x1  }
0x17: {  	s4 =	simm.s32 $0x1BF5;
	[smem:$0x3FB3] =	sst s0  }
0x18: {  	s0 =	sld [smem:$0x3F96];
	_ =	swait.ge [sflag:s4], $0x0  }
0x19: {  	s7 =	sld [smem:$0x3F97]  }
0x1a: {  	s8 =	sadd.s32 $0xFFFFE003, lr  }
0x1b: {  	s9 =	sadd.s32 $0xFFFFFEF7, lr;
	s5 =	simm.s32 $0xFFFFFFFF;
	p2 =	slt.u32 s8, $0xFFFFF086  }
0x1c: {  	p1 =	slt.u32 s9, $0xF7A;
	s5 =	simm.s32 @!p2 $0x0  }
0x1d: {  	s5 =	simm.s32 @p1 $0x1;
	p0 =	seq.s32 s7, s2  }
0x1e: {  	s7 =	smul.u32 @!p0 $0xF7A, s2;
	p2 =	seq.s32 @!p0 s5, $0x0  }
0x1f: {  	s9 =	smul.u32 $0xF7A, s1;
	s8 =	simm.s32 @!p0 $0x1BF5;
	p2 =	por !p2, p0  }
0x20: {  	[sflag:s8] =	ssyncset.s32 @!p0 $0xFFFFF086;
	s6 =	sadd.s32 @!p0 s3, s7;
	s7 =	simm.s32 @!p0 $0x108  }
0x21: {  	s3 =	sadd.s32 s3, s9;
	s6 =	sadd.s32 @!p0 $0x88, s6;
	s7 =	simm.s32 @p2 $0x1082  }
0x22: {  	[simem:s7], [sflag:s8] =	dma.local @!p0 [hbm:s6], $0xF7A  }
0x23: {  	s9 =	sor.u32 $0xD0000000, s2;
	s6 =	simm.s32 $0x108;
	_ =	swait.ge @!p0 [sflag:s8], $0x0  }
0x24: {  	s3 =	sadd.s32 $0x88, s3;
	s6 =	simm.s32 @!p1 $0x1082;
	[sflag:s4] =	ssyncset.s32 $0xFFFFF086  }
0x25: {  	[simem:s6], [sflag:s4] =	dma.local [hbm:s3], $0xF7A  }
0x26: {  	[smem:$0x3F97] =	sst s1;
	(tag) =	ssettag s2;
	_ =	strace s9  }
0x27: {  	s1 =	sld [smem:$0x3FA7]  }
0x28: {  	s2 =	sld [smem:$0x3FA8]  }
0x29: {  	s4 =	sld [smem:$0x3FAA]  }
0x2a: {  	p0 =	seq.s32 s5, $0x0;
	s5 =	sld [smem:$0x3FAB]  }
0x2b: {  	s6 =	sld [smem:$0x3FAC]  }
0x2c: {  	s7 =	sld [smem:$0x3FAD]  }
0x2d: {  	s3 =	simm.s32 $0x108;
	s8 =	sld [smem:$0x3FAE]  }
0x2e: {  	s3 =	simm.s32 @!p0 $0x1082;
	s9 =	sld [smem:$0x3FAF]  }
0x2f: {  	lr =	sadd.s32 s0, s3;
	s0 =	sld [smem:$0x3FA6]  }
0x30: {  	s3 =	sld [smem:$0x3FA9]  }
0x31: {  	[smem:$0x3FB2] =	sst s10  }
0x32: {  	s10 =	sld [smem:$0x3FB0];
	_ =	sdelay $0x3  }
0x33: {  	p0 =	seq.s32 s10, $0x1;
	s10 =	sld [smem:$0x3FB2];
	_ =	sdelay $0x3  }
0x34: {  	[smem:$0x3FB2] =	sst s10  }
0x35: {  	s10 =	sld [smem:$0x3FB1];
	_ =	sdelay $0x3  }
0x36: {  	p1 =	seq.s32 s10, $0x1;
	s10 =	sld [smem:$0x3FB2];
	_ =	sdelay $0x3  }
0x37: {  	[smem:$0x3FB2] =	sst s10  }
0x38: {  	s10 =	sld [smem:$0x3FB3]  }
0x39: {  	_ = 	snop;
	(pc) =	sbr.ind lr, $3  }
0x3a: {  	_ = 	snop  }
0x3b: {  	_ = 	snop  }
0x3c: {  	p2 =	seq.s32 s10, $0x1;
	s10 =	sld [smem:$0x3FB2]  }
0x3d: {  	_ =	shalt  }
0x3e: {  	_ =	shalt  }
0x3f: {  	_ =	shalt  }
0x40: {  	_ =	shalt  }
0x41: {  	_ =	shalt  }
0x42: {  	_ =	shalt  }
0x43: {  	_ =	shalt  }
0x44: {  	_ =	shalt  }
0x45: {  	_ =	shalt  }
0x46: {  	_ =	shalt  }
0x47: {  	_ =	shalt  }
0x48: {  	_ =	shalt  }
0x49: {  	_ =	shalt  }
0x4a: {  	_ =	shalt  }
0x4b: {  	_ =	shalt  }
0x4c: {  	_ =	shalt  }
0x4d: {  	_ =	shalt  }
0x4e: {  	_ =	shalt  }
0x4f: {  	_ =	shalt  }
0x50: {  	_ =	shalt  }
0x51: {  	_ =	shalt  }
0x52: {  	_ =	shalt  }
0x53: {  	_ =	shalt  }
0x54: {  	_ =	shalt  }
0x55: {  	_ =	shalt  }
0x56: {  	_ =	shalt  }
0x57: {  	_ =	shalt  }
0x58: {  	_ =	shalt  }
0x59: {  	_ =	shalt  }
0x5a: {  	_ =	shalt  }
0x5b: {  	_ =	shalt  }
0x5c: {  	_ =	shalt  }
0x5d: {  	_ =	shalt  }
0x5e: {  	_ =	shalt  }
0x5f: {  	_ =	shalt  }
0x60: {  	_ =	shalt  }
0x61: {  	_ =	shalt  }
0x62: {  	_ =	shalt  }
0x63: {  	_ =	shalt  }
0x64: {  	_ =	shalt  }
0x65: {  	_ =	shalt  }
0x66: {  	_ =	shalt  }
0x67: {  	_ =	shalt  }
0x68: {  	_ =	shalt  }
0x69: {  	_ =	shalt  }
0x6a: {  	_ =	shalt  }
0x6b: {  	_ =	shalt  }
0x6c: {  	_ =	shalt  }
0x6d: {  	_ =	shalt  }
0x6e: {  	_ =	shalt  }
0x6f: {  	_ =	shalt  }
0x70: {  	_ =	shalt  }
0x71: {  	_ =	shalt  }
0x72: {  	_ =	shalt  }
0x73: {  	_ =	shalt  }
0x74: {  	_ =	shalt  }
0x75: {  	_ =	shalt  }
0x76: {  	_ =	shalt  }
0x77: {  	_ =	shalt  }
0x78: {  	_ =	shalt  }
0x79: {  	_ =	shalt  }
0x7a: {  	_ =	shalt  }
0x7b: {  	_ =	shalt  }
0x7c: {  	_ =	shalt  }
0x7d: {  	_ =	shalt  }
0x7e: {  	_ =	shalt  }
0x7f: {  	_ =	shalt  }
0x80: {  	_ =	shalt  }
0x81: {  	_ =	shalt  }
0x82: {  	_ =	shalt  }
0x83: {  	_ =	shalt  }
0x84: {  	_ =	shalt  }
0x85: {  	_ =	shalt  }
0x86: {  	_ =	shalt  }
0x87: {  	_ =	shalt  }
.Lfunc_end0:
.L_simem_size_0:
called_computation.2_lowered:
.L_overlay_start_0:
0x88: {  	s2 =	sld [smem:$0x3FD9]  }
0x89: {  	s3 =	sld [smem:$0x3FFE];
	_ =	sdelay $0x1  }
0x8a: {  	s1 =	srdreg.scid  }
0x8b: {  	s0 =	sand.u32 $0x1, s1  }
0x8c: {  	s17 =	sshll.u32 s0, $0xA;
	s2 =	sadd.s32 s3, s2  }
0x8d: {  	s2 =	sadd.s32 s2, s17  }
0x8e: {  	[smem:$0x3FBE] =	sst s2  }
0x8f: {  	_ = 	snop  }
0x90: {  	s2 =	sld [smem:$0x3FD0];
	(tm) =	ssettm $0x1  }
0x91: {  	s18 =	sld [smem:$0x3FFB];
	_ =	sdelay $0x3  }
0x92: {  	_ =	strace s18  }
0x93: {  	s3 =	sld [smem:$0x3FFC];
	_ =	sdelay $0x3  }
0x94: {  	_ =	strace s3  }
0x95: {  	s3 =	sld [smem:$0x3FFD];
	_ =	sdelay $0x3  }
0x96: {  	_ =	strace s3  }
0x97: {  	_ =	strace $0x8FFFFFFF  }
0x98: {  	s19 =	sld [smem:$0x3FDB];
	_ =	sdelay $0x1  }
0x99: {  	s4 =	simm.s32 $_scs_section_size  }
0x9a: {  	s5 =	simm.s32 $_size__tile_overlayer_lowered;
	s6 =	simm.s32 $_tile_overlayer_lowered  }
0x9b: {  	s22 =	simm.s32 $0x1BFF;
	s21 =	sshll.u32 s6, $0x1;
	s3 =	sadd.s32 s4, s19  }
0x9c: {  	s7 =	simm.s32 $0x0;
	s20 =	sshll.u32 s5, $0x1;
	s5 =	sadd.s32 s21, s3  }
0x9d: {  	[timem:s7], [sflag:s22] =	dma.local [hbm:s5], s20  }
0x9e: {  	_ =	swait.ge [sflag:s22], s20  }
0x9f: {  	s4 =	ssub.s32 $0x0, s20;
	[sflag:s22] =	ssyncset.done $0x0  }
0xa0: {  	[sflag:s22] =	ssyncadd.s32 s4;
	_ =	sdelay $0x1  }
0xa1: {  	s23 =	simm.s32 $0x1B8B  }
0xa2: {  	_ =	swait.ge [sflag:s23], $0x1  }
0xa3: {  	[sflag:s23] =	ssyncset.done $0x0  }
0xa4: {  	s25 =	simm.s32 $0x1B8E;
	s24 =	sld [smem:$0x3FFE];
	[sflag:s23] =	ssyncadd.s32 $0xFFFFFFFF  }
0xa5: {  	s26 =	simm.s32 $execute0_lowered;
	[smem:$0x3FD2] =	sst s25  }
0xa6: {  	s5 =	sshll.u32 s26, $0x1;
	_ =	strace $0x8000004C;
	[dreg:$0x1] =	wrdreg $0xFFFFFFFF  }
0xa7: {  	s28 =	simm.s32 $_size_execute0_lowered;
	s3 =	sadd.s32 s3, s5;
	[dreg:$0x0] =	wrdreg $0x0  }
0xa8: {  	s5 =	sshll.u32 s28, $0x1;
	[dreg:$0x2] =	wrdreg s3  }
0xa9: {  	[dreg:$0x3] =	wrdreg s5  }
0xaa: {  	[dreg:$0x4] =	wrdreg $0xC0  }
0xab: {  	_ =	task [dreg:s7], $0x5FFFF  }
0xac: {  	[dreg:$0x1] =	wrdreg $0xFFFFFFFF  }
0xad: {  	[dreg:$0x0] =	wrdreg $0x60  }
0xae: {  	[dreg:$0x2] =	wrdreg s24  }
0xaf: {  	[dreg:$0x3] =	wrdreg s2  }
0xb0: {  	[dreg:$0x4] =	wrdreg $0x0  }
0xb1: {  	[dreg:$0x5] =	wrdreg $0x9  }
0xb2: {  	_ =	task.clear_ibuf [dreg:s7], $0x6FFFF;
	_ =	strace $0x9000004C  }
0xb3: {  	s29 =	simm.s32 $0x9;
	_ =	strace $0x8000004E  }
0xb4: {  	_ =	swait.ge [sflag:s29], $0x1  }
0xb5: {  	[sflag:s29] =	ssyncadd.s32 $0xFFFFFFFF  }
0xb6: {  	_ =	strace $0x9000004E  }
0xb7: {  	_ =	sfence  }
0xb8: {  	s30 =	sld [smem:$0x0];
	_ =	sdelay $0x2  }
0xb9: {  	s31 =	sshll.u32 s1, $0xD;
	s1 =	sshrl.u32 s1, $0x2  }
0xba: {  	s3 =	sand.u32 $0x4000, s31;
	s1 =	sadd.s32 s1, s30  }
0xbb: {  	s0 =	sor.u32 s3, s0;
	s1 =	sshll.u32 s1, $0x11  }
0xbc: {  	s0 =	sor.u32 s1, s0  }
0xbd: {  	s0 =	sadd.s32 $0x8F2B, s0  }
0xbe: {  	[sflag:s0] =	ssyncadd.remote.s32 $0x1  }
0xbf: {  	_ =	sfence.sel $0xFFFF  }
0xc0: {  	[dreg:$0x0] =	wrdreg $0xFFFFFFFF;
	(pc) =	sbr.abs _section_cstart, $3  }
0xc1: {  	[dreg:$0x1] =	wrdreg $0xFFFFFFFF  }
0xc2: {  	_ =	task.clear_ibuf [dreg:s7], $0x2FFFF;
	_ =	strace $0x9FFFFFFF  }
0xc3: {  	(tm) =	ssettm $0x7FFFFFFF  }
tec
execute0_lowered:
.L_overlay_start_1:
0x0: {  	(tag) =	ssettag $0x1  }
0x1: {  	s0 =	rddreg [dreg:$0x0]  }
0x2: {  	s3 =	rddreg [dreg:$0x1]  }
0x3: {  	s1 =	rddreg [dreg:$0x2]  }
0x4: {  	s2 =	simm.s32 $0x0;
	s4 =	srdreg.scid;
	s12 =	stileid.u32  }
0x5: {  	s28 =	simm.s32 $0x5;
	s29 =	simm.s32 $0x14000;
	s6 =	smul.u32 $0x280, s12  }
0x6: {  	s30 =	simm.s32 $0x15400;
	s31 =	simm.s32 $0x80;
	s13 =	smul.u32 $0x2800, s12  }
0x7: {  	[smem:$0x7FF] =	sst s2;
	s4 =	sand.u32 $0x1, s4;
	s8 =	smul.u32 $0x50000, s12  }
0x8: {  	s7 =	sadd.s32 $0x7400, s0;
	s5 =	smul.u32 $0x28000, s4;
	s4 =	ssub.s32 $0x2, s4  }
0x9: {  	s25 =	smul.u32 $0x500, s12;
	_ =	strace $0x8000004D;
	s20 =	sshrl.u32 s4, $0x1  }
0xa: {  	s9 =	sadd.s32 $0x80, s6;
	s8 =	sshrl.u32 s8, $0x2;
	s22 =	sadd.s32 $0x100, s6  }
0xb: {  	s11 =	sadd.s32 $0x180, s6;
	s6 =	sadd.s32 $0x200, s6;
	[dreg:$0x4] =	wrdreg s13  }
0xc: {  	s26 =	sshrl.u32 s13, $0x3;
	s12 =	sadd.s32 s7, s25;
	s0 =	sadd.s32 s5, s0  }
0xd: {  	s4 =	ssub.s32 s4, s20;
	s21 =	sshll.u32 s9, $0x4;
	s8 =	sadd.s32 s8, s1  }
0xe: {  	s9 =	sshll.u32 s9, $0x7;
	s14 =	sshll.u32 s22, $0x4;
	[dreg:$0xc] =	wrdreg s12  }
0xf: {  	s15 =	sshll.u32 s11, $0x4;
	s24 =	sshll.u32 s11, $0x7;
	[dreg:$0x6] =	wrdreg s21  }
0x10: {  	s17 =	sshll.u32 s6, $0x4;
	s6 =	sshll.u32 s6, $0x7;
	[dreg:$0x8] =	wrdreg s14  }
0x11: {  	s11 =	sadd.s32 s3, s25;
	s5 =	sadd.s32 $0xC400, s0;
	[dreg:$0x9] =	wrdreg s15  }
0x12: {  	s16 =	sadd.s32 s24, s1;
	[dreg:$0xd] =	wrdreg s11;
	s24 =	sadd.s32 $0x5C400, s0  }
0x13: {  	s25 =	smax.u32 s4, $0x1;
	s0 =	simm.s32 $0x14080;
	s4 =	simm.s32 $0x16700  }
0x14: {  	s11 =	simm.s32 $0x0;
	s10 =	sadd.s32 s13, s5;
	s14 =	sadd.s32 s14, s5  }
0x15: {  	s23 =	sadd.s32 s15, s5;
	s13 =	simm.s32 $0x4;
	[dreg:$0x5] =	wrdreg s10  }
0x16: {  	s15 =	simm.s32 $0x16780;
	s10 =	sadd.s32 s21, s5;
	[dreg:$0xa] =	wrdreg s14  }
0x17: {  	[dreg:$0xb] =	wrdreg s23;
	s23 =	sadd.s32 s6, s1;
	s6 =	simm.s32 $0x1  }
0x18: {  	[dreg:$0x7] =	wrdreg s10;
	s10 =	sadd.s32 s9, s1;
	s9 =	sshll.u32 s22, $0x7  }
0x19: {  	s22 =	sadd.s32 s17, s5;
	s14 =	sadd.s32 s9, s1;
	s9 =	sadd.s32 $0x280, s26  }
0x1a: {  	s26 =	simm.s32 $0x16800;
	s20 =	sadd.s32 s7, s9;
	s21 =	sadd.s32 s3, s9  }
0x1b: {  	s3 =	simm.s32 $0x1A800;
	s9 =	simm.s32 $0x2;
	s7 =	simm.s32 $0x3  }
.LBB2_1:
0x1c: {  	s12 =	rddreg [dreg:$0x5]  }
0x1d: {  	[tilespmem:s26], [sflag:$0x5] =	stream.linear.gather [hbm4b:s12+s2], $0x4000, $0x38;
	[tilespmem:$0x1E800] =	vst v63  }
0x1e: {  	_ =	swait.ge [sflag:s28], $0x4000  }
0x1f: {  	[sflag:s28] =	ssyncset.done $0x0  }
0x20: {  	[sflag:s28] =	ssyncadd.s32 $0xFFFFC000  }
0x21: {  	[spmem:s8] =	stream.linear.scatter [tilespmem:s26], [sflag:$0x5], $0x4000, $0x38;
	[tilespmem:$0x1E800] =	vst v63  }
0x22: {  	_ =	swait.ge [sflag:s28], $0x4000  }
0x23: {  	[sflag:s28] =	ssyncset.done $0x0  }
0x24: {  	s18 =	rddreg [dreg:$0x7];
	[sflag:s28] =	ssyncadd.s32 $0xFFFFC000  }
0x25: {  	[tilespmem:s26], [sflag:$0x5] =	stream.linear.gather [hbm4b:s18+s2], $0x4000, $0x38;
	[tilespmem:$0x1E800] =	vst v63  }
0x26: {  	_ =	swait.ge [sflag:s28], $0x4000  }
0x27: {  	[sflag:s28] =	ssyncset.done $0x0  }
0x28: {  	[sflag:s28] =	ssyncadd.s32 $0xFFFFC000  }
0x29: {  	[spmem:s10] =	stream.linear.scatter [tilespmem:s26], [sflag:$0x5], $0x4000, $0x38;
	[tilespmem:$0x1E800] =	vst v63  }
0x2a: {  	_ =	swait.ge [sflag:s28], $0x4000  }
0x2b: {  	[sflag:s28] =	ssyncset.done $0x0  }
0x2c: {  	s19 =	rddreg [dreg:$0xa];
	[sflag:s28] =	ssyncadd.s32 $0xFFFFC000  }
0x2d: {  	[tilespmem:s26], [sflag:$0x5] =	stream.linear.gather [hbm4b:s19+s2], $0x4000, $0x38;
	[tilespmem:$0x1E800] =	vst v63  }
0x2e: {  	_ =	swait.ge [sflag:s28], $0x4000  }
0x2f: {  	[sflag:s28] =	ssyncset.done $0x0  }
0x30: {  	[sflag:s28] =	ssyncadd.s32 $0xFFFFC000  }
0x31: {  	[spmem:s14] =	stream.linear.scatter [tilespmem:s26], [sflag:$0x5], $0x4000, $0x38;
	[tilespmem:$0x1E800] =	vst v63  }
0x32: {  	_ =	swait.ge [sflag:s28], $0x4000  }
0x33: {  	[sflag:s28] =	ssyncset.done $0x0  }
0x34: {  	s18 =	rddreg [dreg:$0xb];
	[sflag:s28] =	ssyncadd.s32 $0xFFFFC000  }
0x35: {  	[tilespmem:s26], [sflag:$0x5] =	stream.linear.gather [hbm4b:s18+s2], $0x4000, $0x38;
	[tilespmem:$0x1E800] =	vst v63  }
0x36: {  	_ =	swait.ge [sflag:s28], $0x4000  }
0x37: {  	[sflag:s28] =	ssyncset.done $0x0  }
0x38: {  	[sflag:s28] =	ssyncadd.s32 $0xFFFFC000  }
0x39: {  	[spmem:s16] =	stream.linear.scatter [tilespmem:s26], [sflag:$0x5], $0x4000, $0x38;
	[tilespmem:$0x1E800] =	vst v63  }
0x3a: {  	_ =	swait.ge [sflag:s28], $0x4000  }
0x3b: {  	[sflag:s28] =	ssyncset.done $0x0  }
0x3c: {  	[sflag:s28] =	ssyncadd.s32 $0xFFFFC000  }
0x3d: {  	[tilespmem:s26], [sflag:$0x5] =	stream.linear.gather [hbm4b:s22+s2], $0x4000, $0x38;
	[tilespmem:$0x1E800] =	vst v63  }
0x3e: {  	_ =	swait.ge [sflag:s28], $0x4000  }
0x3f: {  	[sflag:s28] =	ssyncset.done $0x0  }
0x40: {  	[sflag:s28] =	ssyncadd.s32 $0xFFFFC000  }
0x41: {  	[spmem:s23] =	stream.linear.scatter [tilespmem:s26], [sflag:$0x5], $0x4000, $0x38;
	[tilespmem:$0x1E800] =	vst v63  }
0x42: {  	_ =	swait.ge [sflag:s28], $0x4000  }
0x43: {  	[sflag:s28] =	ssyncset.done $0x0  }
0x44: {  	[sflag:s28] =	ssyncadd.s32 $0xFFFFC000  }
0x45: {  	[bflag:$0x0] =	sbarrier.arrive $0xFFFF  }
0x46: {  	s19 =	rddreg [dreg:$0xc]  }
0x47: {  	[tilespmem:s29], [sflag:$0x5] =	stream.linear.gather [hbm4b:s19+s2], $0x1400, $0x38;
	[tilespmem:$0x1E800] =	vst v63  }
0x48: {  	_ =	swait.ge [sflag:s28], $0x1400  }
0x49: {  	[sflag:s28] =	ssyncset.done $0x0  }
0x4a: {  	s18 =	rddreg [dreg:$0xd];
	[sflag:s28] =	ssyncadd.s32 $0xFFFFEC00  }
0x4b: {  	[tilespmem:s30], [sflag:$0x5] =	stream.linear.gather [hbm4b:s18+s2], $0x1400, $0x38;
	[tilespmem:$0x1E800] =	vst v63  }
0x4c: {  	_ =	swait.ge [sflag:s28], $0x1400  }
0x4d: {  	[sflag:s28] =	ssyncset.done $0x0  }
0x4e: {  	[sflag:s28] =	ssyncadd.s32 $0xFFFFEC00  }
0x4f: {  	[tilespmem:s26], [sflag:$0x1] =	stream.indirect.gather [hbm4b:s5+s31], $0x80, s29, s31, $0xb8;
	[tilespmem:$0x1E800] =	vst v63  }
0x50: {  	_ = 	snop  }
0x51: {  	[tilespmem:s3], [sflag:$0x2] =	stream.indirect.gather [hbm4b:s5+s31], $0x80, s0, s31, $0xb8;
	[tilespmem:$0x1E800] =	vst v63  }
0x52: {  	_ =	swait.ge [sflag:s6], $0x4000  }
0x53: {  	[sflag:s6] =	ssyncset.done $0x0  }
0x54: {  	s19 =	simm.s32 $0x15400;
	[sflag:s6] =	ssyncadd.s32 $0xFFFFC000  }
0x55: {  	[spmem:s1] =	stream.indirect.scatter.add.f32 [tilespmem:s26], [sflag:$0x3], $0x80, s19, s31, $0xb8;
	[tilespmem:$0x1E800] =	vst v63  }
0x56: {  	_ =	swait.ge [sflag:s9], $0x4000  }
0x57: {  	[sflag:s9] =	ssyncset.done $0x0  }
0x58: {  	s18 =	simm.s32 $0x15480;
	[sflag:s9] =	ssyncadd.s32 $0xFFFFC000  }
0x59: {  	[spmem:s1] =	stream.indirect.scatter.add.f32 [tilespmem:s3], [sflag:$0x4], $0x80, s18, s31, $0xb8;
	[tilespmem:$0x1E800] =	vst v63  }
0x5a: {  	_ =	swait.ge [sflag:s7], $0x4000  }
0x5b: {  	[sflag:s7] =	ssyncset.done $0x0  }
0x5c: {  	s19 =	simm.s32 $0x14100;
	[sflag:s7] =	ssyncadd.s32 $0xFFFFC000  }
0x5d: {  	[tilespmem:s26], [sflag:$0x1] =	stream.indirect.gather [hbm4b:s5+s31], $0x80, s19, s31, $0xb8;
	[tilespmem:$0x1E800] =	vst v63  }
0x5e: {  	_ =	swait.ge [sflag:s13], $0x4000  }
0x5f: {  	[sflag:s13] =	ssyncset.done $0x0  }
0x60: {  	s12 =	simm.s32 $0x400;
	s18 =	simm.s32 $0x14180;
	[sflag:s13] =	ssyncadd.s32 $0xFFFFC000  }
.LBB2_2:
0x61: {  	[tilespmem:s3], [sflag:$0x2] =	stream.indirect.gather [hbm4b:s5+s31], $0x80, s18, s31, $0xb8;
	[tilespmem:$0x1E800] =	vst v63  }
0x62: {  	s18 =	smov.u32 s12  }
0x63: {  	p0 =	sne.s32 s12, $0x4800;
	s12 =	sadd.s32 $0x400, s12;
	_ =	swait.ge [sflag:s6], $0x4000  }
0x64: {  	s18 =	sshra.s32 s18, $0x2;
	[sflag:s6] =	ssyncset.done $0x0  }
0x65: {  	s19 =	sadd.s32 $0x15400, s18;
	[sflag:s6] =	ssyncadd.s32 $0xFFFFC000  }
0x66: {  	[spmem:s1] =	stream.indirect.scatter.add.f32 [tilespmem:s26], [sflag:$0x3], $0x80, s19, s31, $0xb8;
	[tilespmem:$0x1E800] =	vst v63  }
0x67: {  	_ =	swait.ge [sflag:s9], $0x4000  }
0x68: {  	[sflag:s9] =	ssyncset.done $0x0  }
0x69: {  	s19 =	sadd.s32 $0x15480, s18;
	[sflag:s9] =	ssyncadd.s32 $0xFFFFC000  }
0x6a: {  	[spmem:s1] =	stream.indirect.scatter.add.f32 [tilespmem:s3], [sflag:$0x4], $0x80, s19, s31, $0xb8;
	[tilespmem:$0x1E800] =	vst v63  }
0x6b: {  	_ =	swait.ge [sflag:s7], $0x4000  }
0x6c: {  	[sflag:s7] =	ssyncset.done $0x0  }
.Ltmp0:
0x6d: {  	s19 =	sadd.s32 $0x14100, s18;
	[sflag:s7] =	ssyncadd.s32 $0xFFFFC000;
	(pc) =	sbr.rel @p0 .LBB2_2-.Ltmp0, $4  }
0x6e: {  	[tilespmem:s26], [sflag:$0x1] =	stream.indirect.gather [hbm4b:s5+s31], $0x80, s19, s31, $0xb8;
	[tilespmem:$0x1E800] =	vst v63  }
0x6f: {  	_ =	swait.ge [sflag:s13], $0x4000  }
0x70: {  	[sflag:s13] =	ssyncset.done $0x0  }
0x71: {  	s18 =	sadd.s32 $0x14180, s18;
	[sflag:s13] =	ssyncadd.s32 $0xFFFFC000  }
0x72: {  	[tilespmem:s3], [sflag:$0x2] =	stream.indirect.gather [hbm4b:s5+s31], $0x80, s18, s31, $0xb8;
	[tilespmem:$0x1E800] =	vst v63  }
0x73: {  	_ =	swait.ge [sflag:s6], $0x4000  }
0x74: {  	[sflag:s6] =	ssyncset.done $0x0  }
0x75: {  	[sflag:s6] =	ssyncadd.s32 $0xFFFFC000  }
0x76: {  	[spmem:s1] =	stream.indirect.scatter.add.f32 [tilespmem:s26], [sflag:$0x3], $0x80, s4, s31, $0xb8;
	[tilespmem:$0x1E800] =	vst v63  }
0x77: {  	_ =	swait.ge [sflag:s9], $0x4000  }
0x78: {  	[sflag:s9] =	ssyncset.done $0x0  }
0x79: {  	[sflag:s9] =	ssyncadd.s32 $0xFFFFC000  }
0x7a: {  	[spmem:s1] =	stream.indirect.scatter.add.f32 [tilespmem:s3], [sflag:$0x4], $0x80, s15, s31, $0xb8;
	[tilespmem:$0x1E800] =	vst v63  }
0x7b: {  	_ =	swait.ge [sflag:s7], $0x4000  }
0x7c: {  	[sflag:s7] =	ssyncset.done $0x0  }
0x7d: {  	[sflag:s7] =	ssyncadd.s32 $0xFFFFC000  }
0x7e: {  	_ =	swait.ge [sflag:s13], $0x4000  }
0x7f: {  	[sflag:s13] =	ssyncset.done $0x0  }
0x80: {  	s12 =	simm.s32 $0x0;
	[sflag:s13] =	ssyncadd.s32 $0xFFFFC000  }
0x81: {  	[tilespmem:s29], [sflag:$0x5] =	stream.linear.gather [hbm4b:s20+s12], $0x1400, $0x38;
	[tilespmem:$0x1E800] =	vst v63  }
0x82: {  	_ =	swait.ge [sflag:s28], $0x1400  }
0x83: {  	[sflag:s28] =	ssyncset.done $0x0  }
0x84: {  	[sflag:s28] =	ssyncadd.s32 $0xFFFFEC00  }
0x85: {  	[tilespmem:s30], [sflag:$0x5] =	stream.linear.gather [hbm4b:s21+s12], $0x1400, $0x38;
	[tilespmem:$0x1E800] =	vst v63  }
0x86: {  	_ =	swait.ge [sflag:s28], $0x1400  }
0x87: {  	[sflag:s28] =	ssyncset.done $0x0  }
0x88: {  	[sflag:s28] =	ssyncadd.s32 $0xFFFFEC00  }
0x89: {  	[tilespmem:s26], [sflag:$0x1] =	stream.indirect.gather [hbm4b:s5+s31], $0x80, s29, s31, $0xb8;
	[tilespmem:$0x1E800] =	vst v63  }
0x8a: {  	_ = 	snop  }
0x8b: {  	[tilespmem:s3], [sflag:$0x2] =	stream.indirect.gather [hbm4b:s5+s31], $0x80, s0, s31, $0xb8;
	[tilespmem:$0x1E800] =	vst v63  }
0x8c: {  	_ =	swait.ge [sflag:s6], $0x4000  }
0x8d: {  	[sflag:s6] =	ssyncset.done $0x0  }
0x8e: {  	s19 =	simm.s32 $0x15400;
	[sflag:s6] =	ssyncadd.s32 $0xFFFFC000  }
0x8f: {  	[spmem:s1] =	stream.indirect.scatter.add.f32 [tilespmem:s26], [sflag:$0x3], $0x80, s19, s31, $0xb8;
	[tilespmem:$0x1E800] =	vst v63  }
0x90: {  	_ =	swait.ge [sflag:s9], $0x4000  }
0x91: {  	[sflag:s9] =	ssyncset.done $0x0  }
0x92: {  	s18 =	simm.s32 $0x15480;
	[sflag:s9] =	ssyncadd.s32 $0xFFFFC000  }
0x93: {  	[spmem:s1] =	stream.indirect.scatter.add.f32 [tilespmem:s3], [sflag:$0x4], $0x80, s18, s31, $0xb8;
	[tilespmem:$0x1E800] =	vst v63  }
0x94: {  	_ =	swait.ge [sflag:s7], $0x4000  }
0x95: {  	[sflag:s7] =	ssyncset.done $0x0  }
0x96: {  	s19 =	simm.s32 $0x14100;
	[sflag:s7] =	ssyncadd.s32 $0xFFFFC000  }
0x97: {  	[tilespmem:s26], [sflag:$0x1] =	stream.indirect.gather [hbm4b:s5+s31], $0x80, s19, s31, $0xb8;
	[tilespmem:$0x1E800] =	vst v63  }
0x98: {  	_ =	swait.ge [sflag:s13], $0x4000  }
0x99: {  	[sflag:s13] =	ssyncset.done $0x0  }
0x9a: {  	s12 =	simm.s32 $0x400;
	s18 =	simm.s32 $0x14180;
	[sflag:s13] =	ssyncadd.s32 $0xFFFFC000  }
.LBB2_4:
0x9b: {  	[tilespmem:s3], [sflag:$0x2] =	stream.indirect.gather [hbm4b:s5+s31], $0x80, s18, s31, $0xb8;
	[tilespmem:$0x1E800] =	vst v63  }
0x9c: {  	s18 =	smov.u32 s12  }
0x9d: {  	p0 =	sne.s32 s12, $0x4800;
	s12 =	sadd.s32 $0x400, s12;
	_ =	swait.ge [sflag:s6], $0x4000  }
0x9e: {  	s18 =	sshra.s32 s18, $0x2;
	[sflag:s6] =	ssyncset.done $0x0  }
0x9f: {  	s19 =	sadd.s32 $0x15400, s18;
	[sflag:s6] =	ssyncadd.s32 $0xFFFFC000  }
0xa0: {  	[spmem:s1] =	stream.indirect.scatter.add.f32 [tilespmem:s26], [sflag:$0x3], $0x80, s19, s31, $0xb8;
	[tilespmem:$0x1E800] =	vst v63  }
0xa1: {  	_ =	swait.ge [sflag:s9], $0x4000  }
0xa2: {  	[sflag:s9] =	ssyncset.done $0x0  }
0xa3: {  	s19 =	sadd.s32 $0x15480, s18;
	[sflag:s9] =	ssyncadd.s32 $0xFFFFC000  }
0xa4: {  	[spmem:s1] =	stream.indirect.scatter.add.f32 [tilespmem:s3], [sflag:$0x4], $0x80, s19, s31, $0xb8;
	[tilespmem:$0x1E800] =	vst v63  }
0xa5: {  	_ =	swait.ge [sflag:s7], $0x4000  }
0xa6: {  	[sflag:s7] =	ssyncset.done $0x0  }
.Ltmp1:
0xa7: {  	s19 =	sadd.s32 $0x14100, s18;
	[sflag:s7] =	ssyncadd.s32 $0xFFFFC000;
	(pc) =	sbr.rel @p0 .LBB2_4-.Ltmp1, $4  }
0xa8: {  	[tilespmem:s26], [sflag:$0x1] =	stream.indirect.gather [hbm4b:s5+s31], $0x80, s19, s31, $0xb8;
	[tilespmem:$0x1E800] =	vst v63  }
0xa9: {  	_ =	swait.ge [sflag:s13], $0x4000  }
0xaa: {  	[sflag:s13] =	ssyncset.done $0x0  }
0xab: {  	s18 =	sadd.s32 $0x14180, s18;
	[sflag:s13] =	ssyncadd.s32 $0xFFFFC000  }
0xac: {  	[tilespmem:s3], [sflag:$0x2] =	stream.indirect.gather [hbm4b:s5+s31], $0x80, s18, s31, $0xb8;
	[tilespmem:$0x1E800] =	vst v63  }
0xad: {  	_ =	swait.ge [sflag:s6], $0x4000  }
0xae: {  	[sflag:s6] =	ssyncset.done $0x0  }
0xaf: {  	[sflag:s6] =	ssyncadd.s32 $0xFFFFC000  }
0xb0: {  	[spmem:s1] =	stream.indirect.scatter.add.f32 [tilespmem:s26], [sflag:$0x3], $0x80, s4, s31, $0xb8;
	[tilespmem:$0x1E800] =	vst v63  }
0xb1: {  	_ =	swait.ge [sflag:s9], $0x4000  }
0xb2: {  	[sflag:s9] =	ssyncset.done $0x0  }
0xb3: {  	[sflag:s9] =	ssyncadd.s32 $0xFFFFC000  }
0xb4: {  	[spmem:s1] =	stream.indirect.scatter.add.f32 [tilespmem:s3], [sflag:$0x4], $0x80, s15, s31, $0xb8;
	[tilespmem:$0x1E800] =	vst v63  }
0xb5: {  	_ =	swait.ge [sflag:s7], $0x4000  }
0xb6: {  	[sflag:s7] =	ssyncset.done $0x0  }
0xb7: {  	[sflag:s7] =	ssyncadd.s32 $0xFFFFC000  }
0xb8: {  	_ =	swait.ge [sflag:s13], $0x4000  }
0xb9: {  	[sflag:s13] =	ssyncset.done $0x0  }
0xba: {  	[sflag:s13] =	ssyncadd.s32 $0xFFFFC000  }
0xbb: {  	[bflag:$0x0] =	sbarrier.arrive $0xFFFF  }
0xbc: {  	[tilespmem:s26], [sflag:$0x5] =	stream.linear.gather [spmem:s8], $0x4000, $0x38;
	[tilespmem:$0x1E800] =	vst v63  }
0xbd: {  	_ =	swait.ge [sflag:s28], $0x4000  }
0xbe: {  	[sflag:s28] =	ssyncset.done $0x0;
	s12 =	rddreg [dreg:$0x4]  }
0xbf: {  	[sflag:s28] =	ssyncadd.s32 $0xFFFFC000;
	s12 =	sadd.s32 s12, s24  }
0xc0: {  	[hbm4b:s12+s2] =	stream.linear.scatter [tilespmem:s26], [sflag:$0x5], $0x4000, $0x38;
	[tilespmem:$0x1E800] =	vst v63  }
0xc1: {  	_ =	swait.ge [sflag:s28], $0x4000  }
0xc2: {  	[sflag:s28] =	ssyncset.done $0x0  }
0xc3: {  	[sflag:s28] =	ssyncadd.s32 $0xFFFFC000  }
0xc4: {  	[tilespmem:s26], [sflag:$0x5] =	stream.linear.gather [spmem:s10], $0x4000, $0x38;
	[tilespmem:$0x1E800] =	vst v63  }
0xc5: {  	_ =	swait.ge [sflag:s28], $0x4000  }
0xc6: {  	[sflag:s28] =	ssyncset.done $0x0;
	s18 =	rddreg [dreg:$0x6]  }
0xc7: {  	[sflag:s28] =	ssyncadd.s32 $0xFFFFC000;
	s12 =	sadd.s32 s18, s24  }
0xc8: {  	[hbm4b:s12+s2] =	stream.linear.scatter [tilespmem:s26], [sflag:$0x5], $0x4000, $0x38;
	[tilespmem:$0x1E800] =	vst v63  }
0xc9: {  	_ =	swait.ge [sflag:s28], $0x4000  }
0xca: {  	[sflag:s28] =	ssyncset.done $0x0  }
0xcb: {  	[sflag:s28] =	ssyncadd.s32 $0xFFFFC000  }
0xcc: {  	[tilespmem:s26], [sflag:$0x5] =	stream.linear.gather [spmem:s14], $0x4000, $0x38;
	[tilespmem:$0x1E800] =	vst v63  }
0xcd: {  	_ =	swait.ge [sflag:s28], $0x4000  }
0xce: {  	[sflag:s28] =	ssyncset.done $0x0;
	s19 =	rddreg [dreg:$0x8]  }
0xcf: {  	[sflag:s28] =	ssyncadd.s32 $0xFFFFC000;
	s12 =	sadd.s32 s19, s24  }
0xd0: {  	[hbm4b:s12+s2] =	stream.linear.scatter [tilespmem:s26], [sflag:$0x5], $0x4000, $0x38;
	[tilespmem:$0x1E800] =	vst v63  }
0xd1: {  	_ =	swait.ge [sflag:s28], $0x4000  }
0xd2: {  	[sflag:s28] =	ssyncset.done $0x0  }
0xd3: {  	[sflag:s28] =	ssyncadd.s32 $0xFFFFC000  }
0xd4: {  	[tilespmem:s26], [sflag:$0x5] =	stream.linear.gather [spmem:s16], $0x4000, $0x38;
	[tilespmem:$0x1E800] =	vst v63  }
0xd5: {  	_ =	swait.ge [sflag:s28], $0x4000  }
0xd6: {  	[sflag:s28] =	ssyncset.done $0x0;
	s18 =	rddreg [dreg:$0x9]  }
0xd7: {  	[sflag:s28] =	ssyncadd.s32 $0xFFFFC000;
	s12 =	sadd.s32 s18, s24  }
0xd8: {  	[hbm4b:s12+s2] =	stream.linear.scatter [tilespmem:s26], [sflag:$0x5], $0x4000, $0x38;
	[tilespmem:$0x1E800] =	vst v63  }
0xd9: {  	_ =	swait.ge [sflag:s28], $0x4000  }
0xda: {  	[sflag:s28] =	ssyncset.done $0x0  }
0xdb: {  	[sflag:s28] =	ssyncadd.s32 $0xFFFFC000  }
0xdc: {  	[tilespmem:s26], [sflag:$0x5] =	stream.linear.gather [spmem:s23], $0x4000, $0x38;
	[tilespmem:$0x1E800] =	vst v63  }
0xdd: {  	s11 =	sadd.s32 $0x1, s11;
	_ =	swait.ge [sflag:s28], $0x4000  }
0xde: {  	p0 =	sne.s32 s11, s25;
	[sflag:s28] =	ssyncset.done $0x0  }
.Ltmp2:
0xdf: {  	s19 =	sadd.s32 s17, s24;
	[sflag:s28] =	ssyncadd.s32 $0xFFFFC000;
	(pc) =	sbr.rel @p0 .LBB2_1-.Ltmp2, $4  }
0xe0: {  	[hbm4b:s19+s2] =	stream.linear.scatter [tilespmem:s26], [sflag:$0x5], $0x4000, $0x38;
	[tilespmem:$0x1E800] =	vst v63  }
0xe1: {  	_ =	swait.ge [sflag:s28], $0x4000  }
0xe2: {  	[sflag:s28] =	ssyncset.done $0x0  }
0xe3: {  	[sflag:s28] =	ssyncadd.s32 $0xFFFFC000  }
0xe4: {  	_ =	sfence.sel $0x180000  }
0xe5: {  	[bflag:$0x0] =	sbarrier.arrive $0xFFFF  }
0xe6: {  	_ =	strace $0x9000004D  }
0xe7: {  	s0 =	stileid.u32;
	[bflag:$0x2] =	sbarrier.arrive $0xFFFF  }
0xe8: {  	p0 =	sne.s32 s0, $0x0;
	s0 =	rddreg [dreg:$0x3]  }
0xe9: {  	s0 =	sadd.s32 @!p0 $0x100000, s0  }
0xea: {  	[sflag:s0] =	ssyncadd.tile.s32 @!p0 $0x1;
	_ =	shalt  }
.Lfunc_end2:
_tile_overlayer_lowered:
.L_overlay_start_2:
0xeb: {  	(tag) =	ssettag $0x2  }
0xec: {  	s0 =	rddreg [dreg:$0x0];
	s2 =	stileid.u32  }
0xed: {  	s1 =	rddreg [dreg:$0x1];
	p0 =	sne.s32 s2, $0x0  }
0xee: {  	s3 =	rddreg [dreg:$0x2];
	[bflag:$0x3] =	sbarrier.arrive $0xFFFF;
	s2 =	simm.s32 @!p0 $0x1C05  }
0xef: {  	[timem:s3], [sflag:s2] =	dma.local @!p0 [hbm:s0], s1  }
0xf0: {  	s0 =	simm.s32 @!p0 $0x5  }
0xf1: {  	_ =	swait.ge @!p0 [sflag:s0], s1  }
0xf2: {  	s1 =	ssub.s32 @!p0 $0x0, s1;
	[sflag:s0] =	ssyncset.done @!p0 $0x0  }
0xf3: {  	[sflag:s0] =	ssyncadd.s32 @!p0 s1  }
0xf4: {  	[bflag:$0x3] =	sbarrier.arrive $0xFFFF  }
0xf5: {  	_ =	shalt  }

// kernel: kernel.9.cloned.1.call-start
scs
__scs_entry_jumppad:
0x0: {  	(pc) =	sbr.rel $0x88, $3  }
0x1: {  	(tag) =	ssettag $0x0;
	lr =	simm.s32 $0x1  }
0x2: {  	[smem:$0x3F97] =	sst lr;
	_ =	strace $0xD0000000  }
0x3: {  	_ = 	snop  }
0x4: {  	_ = 	snop  }
0x5: {  	_ = 	snop  }
0x6: {  	_ = 	snop  }
0x7: {  	_ = 	snop  }
__scs_overlays_trampoline_lowered:
0x8: {  	[smem:$0x3FA6] =	sst s0  }
0x9: {  	[smem:$0x3FA7] =	sst s1  }
0xa: {  	[smem:$0x3FA8] =	sst s2  }
0xb: {  	[smem:$0x3FA9] =	sst s3  }
0xc: {  	[smem:$0x3FAA] =	sst s4  }
0xd: {  	[smem:$0x3FAB] =	sst s5  }
0xe: {  	[smem:$0x3FAC] =	sst s6  }
0xf: {  	[smem:$0x3FAD] =	sst s7  }
0x10: {  	[smem:$0x3FAE] =	sst s8  }
0x11: {  	[smem:$0x3FAF] =	sst s9;
	s0 =	simm.s32 @!p0 $0x0  }
0x12: {  	s1 =	sld [smem:$0x3F95];
	s0 =	simm.s32 @p0 $0x1  }
0x13: {  	[smem:$0x3FB0] =	sst s0;
	s0 =	simm.s32 @!p1 $0x0  }
0x14: {  	s2 =	sld [smem:$0x3F94];
	s0 =	simm.s32 @p1 $0x1  }
0x15: {  	[smem:$0x3FB1] =	sst s0;
	s0 =	simm.s32 @!p2 $0x0  }
0x16: {  	s3 =	sld [smem:$0x3FDB];
	s0 =	simm.s32 @p2 $0x1  }
0x17: {  	s4 =	simm.s32 $0x1BF5;
	[smem:$0x3FB3] =	sst s0  }
0x18: {  	s0 =	sld [smem:$0x3F96];
	_ =	swait.ge [sflag:s4], $0x0  }
0x19: {  	s7 =	sld [smem:$0x3F97]  }
0x1a: {  	s8 =	sadd.s32 $0xFFFFE003, lr  }
0x1b: {  	s9 =	sadd.s32 $0xFFFFFEF7, lr;
	s5 =	simm.s32 $0xFFFFFFFF;
	p2 =	slt.u32 s8, $0xFFFFF086  }
0x1c: {  	p1 =	slt.u32 s9, $0xF7A;
	s5 =	simm.s32 @!p2 $0x0  }
0x1d: {  	s5 =	simm.s32 @p1 $0x1;
	p0 =	seq.s32 s7, s2  }
0x1e: {  	s7 =	smul.u32 @!p0 $0xF7A, s2;
	p2 =	seq.s32 @!p0 s5, $0x0  }
0x1f: {  	s9 =	smul.u32 $0xF7A, s1;
	s8 =	simm.s32 @!p0 $0x1BF5;
	p2 =	por !p2, p0  }
0x20: {  	[sflag:s8] =	ssyncset.s32 @!p0 $0xFFFFF086;
	s6 =	sadd.s32 @!p0 s3, s7;
	s7 =	simm.s32 @!p0 $0x108  }
0x21: {  	s3 =	sadd.s32 s3, s9;
	s6 =	sadd.s32 @!p0 $0x88, s6;
	s7 =	simm.s32 @p2 $0x1082  }
0x22: {  	[simem:s7], [sflag:s8] =	dma.local @!p0 [hbm:s6], $0xF7A  }
0x23: {  	s9 =	sor.u32 $0xD0000000, s2;
	s6 =	simm.s32 $0x108;
	_ =	swait.ge @!p0 [sflag:s8], $0x0  }
0x24: {  	s3 =	sadd.s32 $0x88, s3;
	s6 =	simm.s32 @!p1 $0x1082;
	[sflag:s4] =	ssyncset.s32 $0xFFFFF086  }
0x25: {  	[simem:s6], [sflag:s4] =	dma.local [hbm:s3], $0xF7A  }
0x26: {  	[smem:$0x3F97] =	sst s1;
	(tag) =	ssettag s2;
	_ =	strace s9  }
0x27: {  	s1 =	sld [smem:$0x3FA7]  }
0x28: {  	s2 =	sld [smem:$0x3FA8]  }
0x29: {  	s4 =	sld [smem:$0x3FAA]  }
0x2a: {  	p0 =	seq.s32 s5, $0x0;
	s5 =	sld [smem:$0x3FAB]  }
0x2b: {  	s6 =	sld [smem:$0x3FAC]  }
0x2c: {  	s7 =	sld [smem:$0x3FAD]  }
0x2d: {  	s3 =	simm.s32 $0x108;
	s8 =	sld [smem:$0x3FAE]  }
0x2e: {  	s3 =	simm.s32 @!p0 $0x1082;
	s9 =	sld [smem:$0x3FAF]  }
0x2f: {  	lr =	sadd.s32 s0, s3;
	s0 =	sld [smem:$0x3FA6]  }
0x30: {  	s3 =	sld [smem:$0x3FA9]  }
0x31: {  	[smem:$0x3FB2] =	sst s10  }
0x32: {  	s10 =	sld [smem:$0x3FB0];
	_ =	sdelay $0x3  }
0x33: {  	p0 =	seq.s32 s10, $0x1;
	s10 =	sld [smem:$0x3FB2];
	_ =	sdelay $0x3  }
0x34: {  	[smem:$0x3FB2] =	sst s10  }
0x35: {  	s10 =	sld [smem:$0x3FB1];
	_ =	sdelay $0x3  }
0x36: {  	p1 =	seq.s32 s10, $0x1;
	s10 =	sld [smem:$0x3FB2];
	_ =	sdelay $0x3  }
0x37: {  	[smem:$0x3FB2] =	sst s10  }
0x38: {  	s10 =	sld [smem:$0x3FB3]  }
0x39: {  	_ = 	snop;
	(pc) =	sbr.ind lr, $3  }
0x3a: {  	_ = 	snop  }
0x3b: {  	_ = 	snop  }
0x3c: {  	p2 =	seq.s32 s10, $0x1;
	s10 =	sld [smem:$0x3FB2]  }
0x3d: {  	_ =	shalt  }
0x3e: {  	_ =	shalt  }
0x3f: {  	_ =	shalt  }
0x40: {  	_ =	shalt  }
0x41: {  	_ =	shalt  }
0x42: {  	_ =	shalt  }
0x43: {  	_ =	shalt  }
0x44: {  	_ =	shalt  }
0x45: {  	_ =	shalt  }
0x46: {  	_ =	shalt  }
0x47: {  	_ =	shalt  }
0x48: {  	_ =	shalt  }
0x49: {  	_ =	shalt  }
0x4a: {  	_ =	shalt  }
0x4b: {  	_ =	shalt  }
0x4c: {  	_ =	shalt  }
0x4d: {  	_ =	shalt  }
0x4e: {  	_ =	shalt  }
0x4f: {  	_ =	shalt  }
0x50: {  	_ =	shalt  }
0x51: {  	_ =	shalt  }
0x52: {  	_ =	shalt  }
0x53: {  	_ =	shalt  }
0x54: {  	_ =	shalt  }
0x55: {  	_ =	shalt  }
0x56: {  	_ =	shalt  }
0x57: {  	_ =	shalt  }
0x58: {  	_ =	shalt  }
0x59: {  	_ =	shalt  }
0x5a: {  	_ =	shalt  }
0x5b: {  	_ =	shalt  }
0x5c: {  	_ =	shalt  }
0x5d: {  	_ =	shalt  }
0x5e: {  	_ =	shalt  }
0x5f: {  	_ =	shalt  }
0x60: {  	_ =	shalt  }
0x61: {  	_ =	shalt  }
0x62: {  	_ =	shalt  }
0x63: {  	_ =	shalt  }
0x64: {  	_ =	shalt  }
0x65: {  	_ =	shalt  }
0x66: {  	_ =	shalt  }
0x67: {  	_ =	shalt  }
0x68: {  	_ =	shalt  }
0x69: {  	_ =	shalt  }
0x6a: {  	_ =	shalt  }
0x6b: {  	_ =	shalt  }
0x6c: {  	_ =	shalt  }
0x6d: {  	_ =	shalt  }
0x6e: {  	_ =	shalt  }
0x6f: {  	_ =	shalt  }
0x70: {  	_ =	shalt  }
0x71: {  	_ =	shalt  }
0x72: {  	_ =	shalt  }
0x73: {  	_ =	shalt  }
0x74: {  	_ =	shalt  }
0x75: {  	_ =	shalt  }
0x76: {  	_ =	shalt  }
0x77: {  	_ =	shalt  }
0x78: {  	_ =	shalt  }
0x79: {  	_ =	shalt  }
0x7a: {  	_ =	shalt  }
0x7b: {  	_ =	shalt  }
0x7c: {  	_ =	shalt  }
0x7d: {  	_ =	shalt  }
0x7e: {  	_ =	shalt  }
0x7f: {  	_ =	shalt  }
0x80: {  	_ =	shalt  }
0x81: {  	_ =	shalt  }
0x82: {  	_ =	shalt  }
0x83: {  	_ =	shalt  }
0x84: {  	_ =	shalt  }
0x85: {  	_ =	shalt  }
0x86: {  	_ =	shalt  }
0x87: {  	_ =	shalt  }
.Lfunc_end0:
.L_simem_size_0:
called_computation_lowered:
.L_overlay_start_0:
0x88: {  	s2 =	sld [smem:$0x3FD9]  }
0x89: {  	s3 =	sld [smem:$0x3FFE];
	_ =	sdelay $0x1  }
0x8a: {  	s1 =	srdreg.scid  }
0x8b: {  	s0 =	sand.u32 $0x1, s1  }
0x8c: {  	s16 =	sshll.u32 s0, $0xA;
	s2 =	sadd.s32 s3, s2  }
0x8d: {  	s2 =	sadd.s32 s2, s16  }
0x8e: {  	[smem:$0x3FBE] =	sst s2  }
0x8f: {  	_ = 	snop  }
0x90: {  	(tm) =	ssettm $0x1  }
0x91: {  	s17 =	sld [smem:$0x3FFB];
	_ =	sdelay $0x3  }
0x92: {  	_ =	strace s17  }
0x93: {  	s2 =	sld [smem:$0x3FFC];
	_ =	sdelay $0x3  }
0x94: {  	_ =	strace s2  }
0x95: {  	s2 =	sld [smem:$0x3FFD];
	_ =	sdelay $0x3  }
0x96: {  	_ =	strace s2  }
0x97: {  	_ =	strace $0x8FFFFFFF  }
0x98: {  	s18 =	sld [smem:$0x3FDB];
	_ =	sdelay $0x1  }
0x99: {  	s19 =	simm.s32 $_scs_section_size  }
0x9a: {  	s4 =	simm.s32 $_size__tile_overlayer_lowered;
	s5 =	simm.s32 $_tile_overlayer_lowered  }
0x9b: {  	s22 =	simm.s32 $0x1BFF;
	s21 =	sshll.u32 s5, $0x1;
	s2 =	sadd.s32 s19, s18  }
0x9c: {  	s6 =	simm.s32 $0x0;
	s20 =	sshll.u32 s4, $0x1;
	s4 =	sadd.s32 s21, s2  }
0x9d: {  	[timem:s6], [sflag:s22] =	dma.local [hbm:s4], s20  }
0x9e: {  	_ =	swait.ge [sflag:s22], s20  }
0x9f: {  	s3 =	ssub.s32 $0x0, s20;
	[sflag:s22] =	ssyncset.done $0x0  }
0xa0: {  	[sflag:s22] =	ssyncadd.s32 s3;
	_ =	sdelay $0x1  }
0xa1: {  	s23 =	simm.s32 $0x1B8B  }
0xa2: {  	_ =	swait.ge [sflag:s23], $0x1  }
0xa3: {  	[sflag:s23] =	ssyncset.done $0x0  }
0xa4: {  	s25 =	simm.s32 $0x1B8E;
	s24 =	sld [smem:$0x3FFE];
	[sflag:s23] =	ssyncadd.s32 $0xFFFFFFFF  }
0xa5: {  	s26 =	simm.s32 $execute0_lowered;
	[smem:$0x3FD2] =	sst s25  }
0xa6: {  	s4 =	sshll.u32 s26, $0x1;
	_ =	strace $0x80000046;
	[dreg:$0x1] =	wrdreg $0xFFFFFFFF  }
0xa7: {  	s28 =	simm.s32 $_size_execute0_lowered;
	s2 =	sadd.s32 s2, s4;
	[dreg:$0x0] =	wrdreg $0x0  }
0xa8: {  	s4 =	sshll.u32 s28, $0x1;
	[dreg:$0x2] =	wrdreg s2  }
0xa9: {  	[dreg:$0x3] =	wrdreg s4  }
0xaa: {  	[dreg:$0x4] =	wrdreg $0xC0  }
0xab: {  	_ =	task [dreg:s6], $0x5FFFF  }
0xac: {  	[dreg:$0x1] =	wrdreg $0xFFFFFFFF  }
0xad: {  	[dreg:$0x0] =	wrdreg $0x60  }
0xae: {  	[dreg:$0x2] =	wrdreg s24  }
0xaf: {  	[dreg:$0x3] =	wrdreg $0x3C000  }
0xb0: {  	[dreg:$0x4] =	wrdreg $0x9  }
0xb1: {  	_ =	task.clear_ibuf [dreg:s6], $0x5FFFF;
	_ =	strace $0x90000046  }
0xb2: {  	s29 =	simm.s32 $0x9;
	_ =	strace $0x80000048  }
0xb3: {  	_ =	swait.ge [sflag:s29], $0x1  }
0xb4: {  	[sflag:s29] =	ssyncadd.s32 $0xFFFFFFFF  }
0xb5: {  	_ =	strace $0x90000048  }
0xb6: {  	_ =	sfence  }
0xb7: {  	s30 =	sld [smem:$0x0];
	_ =	sdelay $0x2  }
0xb8: {  	s31 =	sshll.u32 s1, $0xD;
	s1 =	sshrl.u32 s1, $0x2  }
0xb9: {  	s3 =	sand.u32 $0x4000, s31;
	s1 =	sadd.s32 s1, s30  }
0xba: {  	s0 =	sor.u32 s3, s0;
	s1 =	sshll.u32 s1, $0x11  }
0xbb: {  	s0 =	sor.u32 s1, s0  }
0xbc: {  	s0 =	sadd.s32 $0x8F2B, s0  }
0xbd: {  	[sflag:s0] =	ssyncadd.remote.s32 $0x1  }
0xbe: {  	_ =	sfence.sel $0xFFFF  }
0xbf: {  	[dreg:$0x0] =	wrdreg $0xFFFFFFFF;
	(pc) =	sbr.abs _section_cstart, $3  }
0xc0: {  	[dreg:$0x1] =	wrdreg $0xFFFFFFFF  }
0xc1: {  	_ =	task.clear_ibuf [dreg:s6], $0x2FFFF;
	_ =	strace $0x9FFFFFFF  }
0xc2: {  	(tm) =	ssettm $0x7FFFFFFF  }
0xc3: {  	_ =	shalt  }
tec
execute0_lowered:
.L_overlay_start_1:
0x0: {  	(tag) =	ssettag $0x1  }
0x1: {  	s3 =	rddreg [dreg:$0x0]  }
0x2: {  	s5 =	rddreg [dreg:$0x1]  }
0x3: {  	s0 =	rddreg [dreg:$0x2];
	s4 =	srdreg.scid  }
0x4: {  	s1 =	stileid.u32;
	s2 =	simm.s32 $0x0;
	s12 =	simm.s32 $0x1400  }
0x5: {  	s13 =	simm.s32 $0x14000;
	s14 =	simm.s32 $0x6400;
	s15 =	simm.s32 $0x8C00  }
0x6: {  	s16 =	simm.s32 $0x0;
	s4 =	sand.u32 $0x1, s4;
	s6 =	smul.u32 $0x280, s1  }
0x7: {  	[smem:$0x7FF] =	sst s2;
	s28 =	sshrl.u32 s1, $0x3;
	s10 =	smul.u32 $0x5000, s1  }
0x8: {  	s9 =	sshll.u32 s1, $0x7;
	s7 =	sshll.u32 s4, $0x4;
	s8 =	smul.u32 $0x2800, s4  }
0x9: {  	_ =	strace $0x80000047;
	s4 =	ssub.s32 $0x2, s4;
	s7 =	sor.u32 s1, s7  }
0xa: {  	s30 =	sand.u32 $0x380, s9;
	s9 =	simm.s32 $0x1;
	s7 =	smul.u32 $0x280, s7  }
0xb: {  	s29 =	sshrl.u32 s4, $0x1;
	s6 =	sadd.s32 s6, s8;
	s8 =	smul.u32 $0x50000, s28  }
0xc: {  	s31 =	sshrl.u32 s10, $0x2;
	s10 =	simm.s32 $0x80;
	s11 =	ssub.s32 s4, s29  }
0xd: {  	s6 =	sshrl.u32 s6, $0x3;
	s7 =	sadd.s32 s7, s3;
	s8 =	sshrl.u32 s8, $0x2  }
0xe: {  	s6 =	sadd.s32 s6, s3;
	s8 =	sadd.s32 s8, s5;
	s3 =	sadd.s32 $0x1A00, s7  }
0xf: {  	s5 =	sadd.s32 s31, s5;
	s6 =	sadd.s32 $0x6A00, s6;
	s7 =	smax.u32 s11, $0x1  }
0x10: {  	v0 =	vimm.f32 $0.0e+00;
	v1 =	vimm.f32 $1.000000000e+00;
	s11 =	simm.s32 $0x400;
	s4 =	sadd.s32 s30, s8;
	s8 =	simm.s32 $0x2800  }
.LBB2_1:
0x11: {  	s17 =	simm.s32 $0x40;
	s18 =	simm.s32 $0x0  }
.LBB2_2:
0x12: {  	p0 =	sne.s32 s17, $0x9FC0;
	[tilespmem:s18+$0x0] =	vst v0;
	s18 =	smov.u32 s17;
	s17 =	sadd.s32 $0x40, s17  }
.Ltmp0:
0x13: {  	(pc) =	sbr.rel @p0 .LBB2_2-.Ltmp0, $2  }
0x14: {  	_ =	sdelay $0x2  }
0x15: {  	s18 =	sshra.s32 s18, $0x2  }
0x16: {  	[tilespmem:s18+$0x0] =	vst v0;
	s17 =	simm.s32 $0x0  }
0x17: {  	[tilespmem:s8], [sflag:$0x1] =	stream.linear.gather [hbm4b:s3+s17], $0x1400, $0x38;
	[tilespmem:$0x8E80] =	vst v63  }
0x18: {  	_ =	swait.ge [sflag:s9], $0x1400  }
0x19: {  	[sflag:s9] =	ssyncset.done $0x0  }
0x1a: {  	s18 =	simm.s32 $0x0;
	s17 =	simm.s32 $0x40;
	[sflag:s9] =	ssyncadd.s32 $0xFFFFEC00  }
.LBB2_4:
0x1b: {  	p0 =	sne.s32 s17, $0x4FC0;
	v2 =	vld [tilespmem:s18+$0x2800];
	_ =	sdelay $0x3  }
.Ltmp1:
0x1c: {  	(pc) =	sbr.rel @p0 .LBB2_4-.Ltmp1, $2  }
0x1d: {  	_ =	sdelay $0x2  }
0x1e: {  	s18 =	sshra.s32 s17, $0x2;
	s17 =	sadd.s32 $0x40, s17;
	[tilespmem:v2+s2+$0x0] =	vst.idx.add.f32.msk $0xffff, v1  }
0x1f: {  	v2 =	vld [tilespmem:s18+$0x2800];
	_ =	sdelay $0x7  }
0x20: {  	s17 =	simm.s32 $0x0;
	[tilespmem:v2+s2+$0x0] =	vst.idx.add.f32.msk $0xffff, v1  }
0x21: {  	[spmem:s4] =	stream.strided.scatter [tilespmem:s17], [sflag:$0x1], $0x2800, s11, s10, $0x38;
	[tilespmem:$0x8E80] =	vst v63  }
0x22: {  	_ =	swait.ge [sflag:s9], $0x2800  }
0x23: {  	[sflag:s9] =	ssyncset.done $0x0  }
0x24: {  	[sflag:s9] =	ssyncadd.s32 $0xFFFFD800  }
0x25: {  	[bflag:$0x0] =	sbarrier.arrive $0xFFFF  }
0x26: {  	[tilespmem:s14], [sflag:$0x1] =	stream.strided.gather [spmem:s5], $0x2800, s13, s12, $0x38;
	[tilespmem:$0x8E80] =	vst v63  }
0x27: {  	_ =	swait.ge [sflag:s9], $0x2800  }
0x28: {  	s30 =	sand.u32 $0x70, s17;
	s17 =	sand.u32 $0x1C00, s17;
	[sflag:s9] =	ssyncset.done $0x0  }
0x29: {  	s17 =	sor.u32 s30, s17;
	[sflag:s9] =	ssyncadd.s32 $0xFFFFD800  }
0x2a: {  	v2 =	vld [tilespmem:s17+$0x6480]  }
0x2b: {  	v3 =	vld [tilespmem:s17+$0x6400];
	_ =	sdelay $0x1  }
0x2c: {  	v4 =	vld [tilespmem:s17+$0x6500];
	_ =	sdelay $0x1  }
0x2d: {  	v5 =	vld [tilespmem:s17+$0x6580]  }
0x2e: {  	v2 =	vadd.f32 v2, v3  }
0x2f: {  	v3 =	vld [tilespmem:s17+$0x6600]  }
0x30: {  	v2 =	vadd.f32 v4, v2  }
0x31: {  	v56 =	vld [tilespmem:s17+$0x6680]  }
0x32: {  	v2 =	vadd.f32 v5, v2  }
0x33: {  	v57 =	vld [tilespmem:s17+$0x6700]  }
0x34: {  	v2 =	vadd.f32 v3, v2  }
0x35: {  	v3 =	vld [tilespmem:s17+$0x6780]  }
0x36: {  	v2 =	vadd.f32 v56, v2  }
0x37: {  	v58 =	vld [tilespmem:s17+$0x7800]  }
0x38: {  	v2 =	vadd.f32 v57, v2  }
0x39: {  	v59 =	vld [tilespmem:s17+$0x7880]  }
0x3a: {  	v2 =	vadd.f32 v3, v2  }
0x3b: {  	v3 =	vld [tilespmem:s17+$0x7900]  }
0x3c: {  	v2 =	vadd.f32 v58, v2  }
0x3d: {  	v60 =	vld [tilespmem:s17+$0x7980]  }
0x3e: {  	v2 =	vadd.f32 v59, v2  }
0x3f: {  	v61 =	vld [tilespmem:s17+$0x7A00]  }
0x40: {  	v2 =	vadd.f32 v3, v2  }
0x41: {  	v3 =	vld [tilespmem:s17+$0x7A80]  }
0x42: {  	v2 =	vadd.f32 v60, v2  }
0x43: {  	v62 =	vld [tilespmem:s17+$0x7B00]  }
0x44: {  	v2 =	vadd.f32 v61, v2  }
0x45: {  	v63 =	vld [tilespmem:s17+$0x7B80]  }
0x46: {  	v2 =	vadd.f32 v3, v2;
	_ =	sdelay $0x1  }
0x47: {  	v2 =	vadd.f32 v62, v2;
	_ =	sdelay $0x1  }
0x48: {  	s31 =	simm.s32 $0x10;
	s19 =	simm.s32 $0x80;
	v2 =	vadd.f32 v63, v2  }
0x49: {  	s18 =	sand.u32 $0x70, s31;
	s20 =	sand.u32 $0x1C00, s19;
	s17 =	simm.s32 $0x8C00  }
0x4a: {  	s18 =	sor.u32 s18, s20;
	s20 =	simm.s32 $0x20;
	[tilespmem:s17+$0x0] =	vst v2  }
.LBB2_6:
0x4b: {  	p0 =	sne.s32 s20, $0x270;
	v2 =	vld [tilespmem:s18+$0x6480]  }
0x4c: {  	v3 =	vld [tilespmem:s18+$0x6400];
	_ =	sdelay $0x1  }
0x4d: {  	v4 =	vld [tilespmem:s18+$0x6500];
	_ =	sdelay $0x1  }
0x4e: {  	v5 =	vld [tilespmem:s18+$0x6580]  }
0x4f: {  	v2 =	vadd.f32 v2, v3  }
0x50: {  	v3 =	vld [tilespmem:s18+$0x6600]  }
0x51: {  	v2 =	vadd.f32 v4, v2  }
0x52: {  	v4 =	vld [tilespmem:s18+$0x6680]  }
0x53: {  	v2 =	vadd.f32 v5, v2  }
0x54: {  	v5 =	vld [tilespmem:s18+$0x6700]  }
0x55: {  	v2 =	vadd.f32 v3, v2  }
0x56: {  	v3 =	vld [tilespmem:s18+$0x6780]  }
0x57: {  	v2 =	vadd.f32 v4, v2  }
0x58: {  	v4 =	vld [tilespmem:s18+$0x7800]  }
0x59: {  	v2 =	vadd.f32 v5, v2  }
0x5a: {  	v5 =	vld [tilespmem:s18+$0x7880]  }
0x5b: {  	v2 =	vadd.f32 v3, v2  }
0x5c: {  	v3 =	vld [tilespmem:s18+$0x7900]  }
0x5d: {  	v2 =	vadd.f32 v4, v2  }
0x5e: {  	v4 =	vld [tilespmem:s18+$0x7980]  }
0x5f: {  	v2 =	vadd.f32 v5, v2  }
0x60: {  	v5 =	vld [tilespmem:s18+$0x7A00]  }
0x61: {  	v2 =	vadd.f32 v3, v2  }
0x62: {  	v3 =	vld [tilespmem:s18+$0x7A80]  }
0x63: {  	v2 =	vadd.f32 v4, v2  }
0x64: {  	v4 =	vld [tilespmem:s18+$0x7B00]  }
0x65: {  	v2 =	vadd.f32 v5, v2  }
0x66: {  	v5 =	vld [tilespmem:s18+$0x7B80]  }
0x67: {  	v2 =	vadd.f32 v3, v2;
	_ =	sdelay $0x1  }
.Ltmp2:
0x68: {  	v2 =	vadd.f32 v4, v2;
	(pc) =	sbr.rel @p0 .LBB2_6-.Ltmp2, $4  }
0x69: {  	_ = 	snop  }
0x6a: {  	s19 =	sadd.s32 $0x80, s19;
	v2 =	vadd.f32 v5, v2  }
0x6b: {  	s17 =	sadd.s32 $0x10, s17;
	s21 =	sand.u32 $0x1C00, s19;
	s18 =	sand.u32 $0x70, s20  }
0x6c: {  	s20 =	sadd.s32 $0x10, s20;
	s18 =	sor.u32 s18, s21;
	[tilespmem:s17+$0x0] =	vst v2  }
0x6d: {  	v2 =	vld [tilespmem:s18+$0x6480]  }
0x6e: {  	v3 =	vld [tilespmem:s18+$0x6400];
	_ =	sdelay $0x1  }
0x6f: {  	v4 =	vld [tilespmem:s18+$0x6500];
	_ =	sdelay $0x1  }
0x70: {  	v5 =	vld [tilespmem:s18+$0x6580]  }
0x71: {  	v2 =	vadd.f32 v2, v3  }
0x72: {  	v3 =	vld [tilespmem:s18+$0x6600]  }
0x73: {  	v2 =	vadd.f32 v4, v2  }
0x74: {  	v56 =	vld [tilespmem:s18+$0x6680]  }
0x75: {  	v2 =	vadd.f32 v5, v2  }
0x76: {  	v57 =	vld [tilespmem:s18+$0x6700]  }
0x77: {  	v2 =	vadd.f32 v3, v2  }
0x78: {  	v3 =	vld [tilespmem:s18+$0x6780]  }
0x79: {  	v2 =	vadd.f32 v56, v2  }
0x7a: {  	v58 =	vld [tilespmem:s18+$0x7800]  }
0x7b: {  	v2 =	vadd.f32 v57, v2  }
0x7c: {  	v59 =	vld [tilespmem:s18+$0x7880]  }
0x7d: {  	v2 =	vadd.f32 v3, v2  }
0x7e: {  	v3 =	vld [tilespmem:s18+$0x7900]  }
0x7f: {  	v2 =	vadd.f32 v58, v2  }
0x80: {  	v60 =	vld [tilespmem:s18+$0x7980]  }
0x81: {  	v2 =	vadd.f32 v59, v2  }
0x82: {  	v61 =	vld [tilespmem:s18+$0x7A00]  }
0x83: {  	v2 =	vadd.f32 v3, v2  }
0x84: {  	v3 =	vld [tilespmem:s18+$0x7A80]  }
0x85: {  	v2 =	vadd.f32 v60, v2  }
0x86: {  	v62 =	vld [tilespmem:s18+$0x7B00]  }
0x87: {  	v2 =	vadd.f32 v61, v2  }
0x88: {  	v63 =	vld [tilespmem:s18+$0x7B80]  }
0x89: {  	v2 =	vadd.f32 v3, v2;
	_ =	sdelay $0x1  }
0x8a: {  	v2 =	vadd.f32 v62, v2;
	_ =	sdelay $0x1  }
0x8b: {  	s16 =	sadd.s32 $0x1, s16;
	v2 =	vadd.f32 v63, v2  }
0x8c: {  	s17 =	sadd.s32 $0x10, s17;
	p0 =	sne.s32 s16, s7  }
.Ltmp3:
0x8d: {  	[tilespmem:s17+$0x0] =	vst v2;
	(pc) =	sbr.rel @p0 .LBB2_1-.Ltmp3, $4  }
0x8e: {  	[hbm4b:s6+s2] =	stream.linear.scatter [tilespmem:s15], [sflag:$0x1], $0x280, $0x38;
	[tilespmem:$0x8E80] =	vst v63  }
0x8f: {  	_ =	swait.ge [sflag:s9], $0x280  }
0x90: {  	[sflag:s9] =	ssyncset.done $0x0  }
0x91: {  	[sflag:s9] =	ssyncadd.s32 $0xFFFFFD80  }
0x92: {  	_ =	sfence.sel $0x180000  }
0x93: {  	[bflag:$0x0] =	sbarrier.arrive $0xFFFF  }
0x94: {  	p0 =	sne.s32 s1, $0x0;
	_ =	strace $0x90000047  }
0x95: {  	s0 =	sadd.s32 @!p0 $0x100000, s0;
	[bflag:$0x2] =	sbarrier.arrive $0xFFFF  }
0x96: {  	[sflag:s0] =	ssyncadd.tile.s32 @!p0 $0x1;
	_ =	shalt  }
.Lfunc_end2:
_tile_overlayer_lowered:
.L_overlay_start_2:
0x97: {  	(tag) =	ssettag $0x2  }
0x98: {  	s0 =	rddreg [dreg:$0x0];
	s2 =	stileid.u32  }
0x99: {  	s1 =	rddreg [dreg:$0x1];
	p0 =	sne.s32 s2, $0x0  }
0x9a: {  	s3 =	rddreg [dreg:$0x2];
	[bflag:$0x3] =	sbarrier.arrive $0xFFFF;
	s2 =	simm.s32 @!p0 $0x1C01  }
0x9b: {  	[timem:s3], [sflag:s2] =	dma.local @!p0 [hbm:s0], s1  }
0x9c: {  	s0 =	simm.s32 @!p0 $0x1  }
0x9d: {  	_ =	swait.ge @!p0 [sflag:s0], s1  }
0x9e: {  	s1 =	ssub.s32 @!p0 $0x0, s1;
	[sflag:s0] =	ssyncset.done @!p0 $0x0  }
0x9f: {  	[sflag:s0] =	ssyncadd.s32 @!p0 s1  }
0xa0: {  	[bflag:$0x3] =	sbarrier.arrive $0xFFFF  }
0xa1: {  	_ =	shalt  }

</sc_bundles>
